<compile_context>
chip_gen: v7x
topology: tpu7x:2x2x1
jax: 0.10.2.dev20260603
libtpu: 0.0.44.dev20260713+nightly
codegen_flags: <defaults>
</compile_context>

<pallas_src>
import jax
import jax.numpy as jnp
from jax import lax
from jax.experimental import pallas as pl
from jax.experimental.pallas import tpu as pltpu
from jax.experimental.pallas import tpu_sc as plsc

N = 10000
E = 320000
D = 128
INTER = 256

NC = 2
NS = 16
NW = NC * NS
EPT = E // NW
CH = 80
NCHUNK = EPT // CH
RPT = 624
L = 16
DROWS = 1280
INV_SQRT_D = 0.08838834764831845

_ROFFS = [b * CH for b in range(RPT // CH)] + [RPT - CH]



def _qkv_body(h_ref, wq_ref, wk_ref, wv_ref, q_ref, k_ref, v_ref):
    h = h_ref[...]
    q_ref[...] = jnp.dot(h, wq_ref[...], preferred_element_type=jnp.float32)
    k_ref[...] = jnp.dot(h, wk_ref[...], preferred_element_type=jnp.float32)
    v_ref[...] = jnp.dot(h, wv_ref[...], preferred_element_type=jnp.float32)


_QKV_BLK = 1000


def _qkv(hidden, Wq, Wk, Wv):
    grid = (N // _QKV_BLK,)
    blk = lambda i: (i, 0)
    full = lambda i: (0, 0)
    return pl.pallas_call(
        _qkv_body,
        grid=grid,
        in_specs=[
            pl.BlockSpec((_QKV_BLK, D), blk),
            pl.BlockSpec((D, D), full),
            pl.BlockSpec((D, D), full),
            pl.BlockSpec((D, D), full),
        ],
        out_specs=[
            pl.BlockSpec((_QKV_BLK, D), blk),
            pl.BlockSpec((_QKV_BLK, D), blk),
            pl.BlockSpec((_QKV_BLK, D), blk),
        ],
        out_shape=[jax.ShapeDtypeStruct((N, D), jnp.float32)] * 3,
    )(hidden, Wq, Wk, Wv)



def _edge_body(q_hbm, k_hbm, v_hbm, src_hbm, dst_hbm, ee_hbm,
               agg_out, den_out,
               srcc, dstc, rix, wfl, qb, kb, wrow, agg_sh, den_sh,
               sa, sb, sc, sd, se):
    cid = lax.axis_index("c")
    sid = lax.axis_index("s")
    wid = cid * NS + sid
    tbase = wid * EPT
    lane = lax.iota(jnp.int32, L)

    def _fill_rix(base):
        def _g(g, c):
            rix[0, pl.ds(g * L, L)] = base + g * L + lane
            return c
        lax.fori_loop(0, CH // L, _g, 0)

    def _zrow(r, c):
        for j in range(D // L):
            qb[r, pl.ds(j * L, L)] = jnp.zeros((L,), jnp.float32)
        return c
    lax.fori_loop(0, CH, _zrow, 0)

    for off in _ROFFS:
        _fill_rix(sid * RPT + off)
        pltpu.sync_copy(qb, agg_sh.at[rix.at[0]])

    dbase = sid * CH
    _fill_rix(dbase)
    pltpu.sync_copy(qb, den_sh.at[rix.at[0]])

    @pl.when(sid == NS - 1)
    def _():
        _fill_rix(N - CH)
        pltpu.sync_copy(qb, agg_sh.at[rix.at[0]])

    plsc.subcore_barrier()

    def _chunk(i, c):
        base = tbase + i * CH
        h1 = pltpu.async_copy(src_hbm.at[pl.ds(base, CH)], srcc.at[0], sa)
        h2 = pltpu.async_copy(dst_hbm.at[pl.ds(base, CH)], dstc.at[0], sb)
        h3 = pltpu.async_copy(ee_hbm.at[pl.ds(base, CH)], kb, sc)

        @pl.when(i > 0)
        def _():
            pltpu.make_async_copy(qb, agg_sh.at[dstc.at[0]], sd).wait()
            pltpu.make_async_copy(wrow, den_sh.at[rix.at[0]], se).wait()

        h1.wait()
        h4 = pltpu.async_copy(k_hbm.at[srcc.at[0]], qb, sa)
        h3.wait()
        h4.wait()

        def _fold(e, cc):
            for j in range(D // L):
                sl = pl.ds(j * L, L)
                kb[e, sl] = kb[e, sl] + qb[e, sl]
            return cc

        lax.fori_loop(0, CH, _fold, 0)
        h2.wait()
        pltpu.sync_copy(q_hbm.at[dstc.at[0]], qb)

        def _grp(t, cc):
            rows = t * L + lane

            def _dstep(d, acc):
                cols = jnp.zeros((L,), jnp.int32) + d
                qc = plsc.load_gather(qb, [rows, cols])
                kc = plsc.load_gather(kb, [rows, cols])
                return acc + qc * kc

            acc = lax.fori_loop(0, D, _dstep, jnp.zeros((L,), jnp.float32),
                                unroll=16)
            s = acc * INV_SQRT_D
            s = jnp.maximum(s, 0.2 * s)
            w = jnp.exp(s)
            wfl[0, pl.ds(t * L, L)] = w
            dvec = dstc[0, pl.ds(t * L, L)]
            rix[0, pl.ds(t * L, L)] = lax.shift_right_logical(dvec, 3)
            for ei in range(L):
                e = t * L + ei
                for j in range(D // L):
                    wrow[e, pl.ds(j * L, L)] = jnp.zeros((L,), jnp.float32)
                col = (dvec[ei] & 7) * L
                wrow[e, pl.ds(col, L)] = jnp.zeros((L,), jnp.float32) + w[ei]
            return cc

        lax.fori_loop(0, CH // L, _grp, 0)

        pltpu.sync_copy(v_hbm.at[srcc.at[0]], qb)

        def _scaleg(t, cc):
            wsv = wfl[0, pl.ds(t * L, L)]
            for ei in range(L):
                e = t * L + ei
                wb = jnp.zeros((L,), jnp.float32) + wsv[ei]
                for j in range(D // L):
                    sl = pl.ds(j * L, L)
                    qb[e, sl] = qb[e, sl] * wb
            return cc

        lax.fori_loop(0, CH // L, _scaleg, 0)
        pltpu.async_copy(qb, agg_sh.at[dstc.at[0]], sd, add=True)
        pltpu.async_copy(wrow, den_sh.at[rix.at[0]], se, add=True)
        return c

    lax.fori_loop(0, NCHUNK, _chunk, 0)

    pltpu.make_async_copy(qb, agg_sh.at[dstc.at[0]], sd).wait()
    pltpu.make_async_copy(wrow, den_sh.at[rix.at[0]], se).wait()

    plsc.subcore_barrier()
    for off in _ROFFS:
        _fill_rix(sid * RPT + off)
        pltpu.sync_copy(agg_sh.at[rix.at[0]], qb)
        pltpu.sync_copy(qb, agg_out.at[cid, pl.ds(sid * RPT + off, CH)])

    _fill_rix(dbase)
    pltpu.sync_copy(den_sh.at[rix.at[0]], wrow)
    pltpu.sync_copy(wrow, den_out.at[cid, pl.ds(dbase, CH)])

    @pl.when(sid == NS - 1)
    def _():
        _fill_rix(N - CH)
        pltpu.sync_copy(agg_sh.at[rix.at[0]], qb)
        pltpu.sync_copy(qb, agg_out.at[cid, pl.ds(N - CH, CH)])


def _make_edge_kernel():
    return pl.kernel(
        _edge_body,
        out_type=(
            jax.ShapeDtypeStruct((NC, N, D), jnp.float32),
            jax.ShapeDtypeStruct((NC, DROWS, D), jnp.float32),
        ),
        mesh=plsc.VectorSubcoreMesh(
            core_axis_name="c", subcore_axis_name="s", num_cores=NC,
            num_subcores=NS),
        compiler_params=pltpu.CompilerParams(needs_layout_passes=False),
        scratch_types=[
            pltpu.VMEM((1, CH), jnp.int32),
            pltpu.VMEM((1, CH), jnp.int32),
            pltpu.VMEM((1, CH), jnp.int32),
            pltpu.VMEM((1, CH), jnp.float32),
            pltpu.VMEM((CH, D), jnp.float32),
            pltpu.VMEM((CH, D), jnp.float32),
            pltpu.VMEM((CH, D), jnp.float32),
            pltpu.VMEM_SHARED((N, D), jnp.float32),
            pltpu.VMEM_SHARED((DROWS, D), jnp.float32),
            pltpu.SemaphoreType.DMA,
            pltpu.SemaphoreType.DMA,
            pltpu.SemaphoreType.DMA,
            pltpu.SemaphoreType.DMA,
            pltpu.SemaphoreType.DMA,
        ],
    )



def _ln(x, g, b):
    mu = jnp.mean(x, axis=-1, keepdims=True)
    var = jnp.mean((x - mu) ** 2, axis=-1, keepdims=True)
    return g * (x - mu) / jnp.sqrt(var + 1e-5) + b


def _tail_body(agg_ref, den_ref, hid_ref, wo_ref, bo_ref,
               hgg_ref, hgb_ref, w1_ref, b1_ref, w2_ref, b2_ref,
               l1g_ref, l1b_ref, l2g_ref, l2b_ref, out_ref):
    a = agg_ref[0] + agg_ref[1]
    den = den_ref[0, :, 0:1] + den_ref[1, :, 0:1] + 1e-9
    agg = a / den
    agg = jnp.dot(agg, wo_ref[...], preferred_element_type=jnp.float32) + bo_ref[...]
    hg = _ln(agg, hgg_ref[...], hgb_ref[...])
    x = _ln(hg + hid_ref[...], l1g_ref[...], l1b_ref[...])
    t = jnp.dot(x, w1_ref[...], preferred_element_type=jnp.float32) + b1_ref[...]
    t = jnp.maximum(t, 0.2 * t)
    ff = jnp.dot(t, w2_ref[...], preferred_element_type=jnp.float32) + b2_ref[...]
    out_ref[...] = _ln(ff + x, l2g_ref[...], l2b_ref[...])


_TAIL_BLK = 1000


def _tail(agg2, den2, hidden, Wo, bo, hg_g, hg_b, W1, b1, W2, b2,
          ln1_g, ln1_b, ln2_g, ln2_b):
    grid = (N // _TAIL_BLK,)
    full2 = lambda i: (0, 0)
    return pl.pallas_call(
        _tail_body,
        grid=grid,
        in_specs=[
            pl.BlockSpec((NC, _TAIL_BLK, D), lambda i: (0, i, 0)),
            pl.BlockSpec((NC, _TAIL_BLK, L), lambda i: (0, i, 0)),
            pl.BlockSpec((_TAIL_BLK, D), lambda i: (i, 0)),
            pl.BlockSpec((D, D), full2),
            pl.BlockSpec((1, D), full2),
            pl.BlockSpec((1, D), full2),
            pl.BlockSpec((1, D), full2),
            pl.BlockSpec((D, INTER), full2),
            pl.BlockSpec((1, INTER), full2),
            pl.BlockSpec((INTER, D), full2),
            pl.BlockSpec((1, D), full2),
            pl.BlockSpec((1, D), full2),
            pl.BlockSpec((1, D), full2),
            pl.BlockSpec((1, D), full2),
            pl.BlockSpec((1, D), full2),
        ],
        out_specs=pl.BlockSpec((_TAIL_BLK, D), lambda i: (i, 0)),
        out_shape=jax.ShapeDtypeStruct((N, D), jnp.float32),
    )(agg2, den2, hidden, Wo, bo, hg_g, hg_b, W1, b1, W2, b2,
      ln1_g, ln1_b, ln2_g, ln2_b)



def kernel(hidden, HT, edge_emb, Wq, Wk, Wv, Wo, bo, hg_g, hg_b,
           W1, b1, W2, b2, ln1_g, ln1_b, ln2_g, ln2_b):
    q, k, v = _qkv(hidden, Wq, Wk, Wv)
    agg2, den2 = _make_edge_kernel()(q, k, v, HT[0], HT[1], edge_emb)
    den2 = den2[:, :N // 8].reshape(NC, N, L)
    return _tail(agg2, den2, hidden, Wo,
                 bo.reshape(1, D), hg_g.reshape(1, D), hg_b.reshape(1, D),
                 W1, b1.reshape(1, INTER), W2, b2.reshape(1, D),
                 ln1_g.reshape(1, D), ln1_b.reshape(1, D),
                 ln2_g.reshape(1, D), ln2_b.reshape(1, D))

# --- scband reference (transcript-rebuilt; emitter-appended) ---
"""Pipeline reference for scband-rhgat-58171037057641 (READ-ONLY COPY).

The authoritative reference and input builder live on the scoring server;
editing this copy changes nothing except your own understanding.
"""

import jax, jax.numpy as jnp
import numpy as np

N = 10000
E = 320000
D = 128
INTER = 256


def _layer_norm(x, g, b, eps=1e-5):
    mu = jnp.mean(x, axis=-1, keepdims=True)
    var = jnp.mean((x - mu) ** 2, axis=-1, keepdims=True)
    return g * (x - mu) / jnp.sqrt(var + eps) + b


def _leaky_relu(x, alpha=0.2):
    return jnp.where(x >= 0, x, alpha * x)


def setup_inputs(seed: int = 0):
    key = jax.random.key(seed)
    ks = jax.random.split(key, 16)
    s = 1.0 / np.sqrt(D)
    hidden = jax.random.normal(ks[0], (N, D), dtype=jnp.float32)
    HT = jax.random.randint(ks[1], (2, E), 0, N, dtype=jnp.int32)
    edge_emb = jax.random.normal(ks[2], (E, D), dtype=jnp.float32)
    Wq = jax.random.normal(ks[3], (D, D), dtype=jnp.float32) * s
    Wk = jax.random.normal(ks[4], (D, D), dtype=jnp.float32) * s
    Wv = jax.random.normal(ks[5], (D, D), dtype=jnp.float32) * s
    Wo = jax.random.normal(ks[6], (D, D), dtype=jnp.float32) * s
    bo = jnp.zeros((D,), dtype=jnp.float32)
    hg_g = jnp.ones((D,), dtype=jnp.float32)
    hg_b = jnp.zeros((D,), dtype=jnp.float32)
    W1 = jax.random.normal(ks[7], (D, INTER), dtype=jnp.float32) * s
    b1 = jnp.zeros((INTER,), dtype=jnp.float32)
    W2 = jax.random.normal(ks[8], (INTER, D), dtype=jnp.float32) * (1.0 / np.sqrt(INTER))
    b2 = jnp.zeros((D,), dtype=jnp.float32)
    ln1_g = jnp.ones((D,), dtype=jnp.float32)
    ln1_b = jnp.zeros((D,), dtype=jnp.float32)
    ln2_g = jnp.ones((D,), dtype=jnp.float32)
    ln2_b = jnp.zeros((D,), dtype=jnp.float32)
    return {"hidden": hidden, "HT": HT, "edge_emb": edge_emb, "Wq": Wq, "Wk": Wk,
            "Wv": Wv, "Wo": Wo, "bo": bo, "hg_g": hg_g, "hg_b": hg_b,
            "W1": W1, "b1": b1, "W2": W2, "b2": b2,
            "ln1_g": ln1_g, "ln1_b": ln1_b, "ln2_g": ln2_g, "ln2_b": ln2_b}


def reference(hidden, HT, edge_emb, Wq, Wk, Wv, Wo, bo, hg_g, hg_b,
              W1, b1, W2, b2, ln1_g, ln1_b, ln2_g, ln2_b):
    src = HT[0]
    dst = HT[1]
    # HGAL: edge-wise scaled dot-product attention with edge embeddings (do_scale=True)
    q = hidden @ Wq
    k = hidden @ Wk
    v = hidden @ Wv
    k_e = jnp.take(k, src, axis=0) + edge_emb
    scores = _leaky_relu(jnp.sum(jnp.take(q, dst, axis=0) * k_e, axis=-1) / jnp.sqrt(jnp.float32(D)))
    smax = jax.ops.segment_max(scores, dst, num_segments=N)
    smax = jnp.where(jnp.isfinite(smax), smax, 0.0)
    ex = jnp.exp(scores - jnp.take(smax, dst, axis=0))
    denom = jax.ops.segment_sum(ex, dst, num_segments=N)
    alpha = ex / (jnp.take(denom, dst, axis=0) + 1e-9)
    msg = alpha[:, None] * jnp.take(v, src, axis=0)
    agg = jax.ops.segment_sum(msg, dst, num_segments=N)
    agg = agg @ Wo + bo
    hgat_out = _layer_norm(agg, hg_g, hg_b)
    # RHGAT: residual + LN, then position-wise FFN with LeakyReLU, residual + LN
    inter = _layer_norm(hgat_out + hidden, ln1_g, ln1_b)
    ff = _leaky_relu(inter @ W1 + b1, 0.2) @ W2 + b2
    output = _layer_norm(ff + inter, ln2_g, ln2_b)
    return output

if __name__ == "__main__":
    import jax
    _d = setup_inputs()
    print(jax.jit(kernel)(*tuple(_d.values())))

</pallas_src>

<mosaic_0001>
#map = affine_map<(d0, d1) -> (0, 0)>
#map1 = affine_map<(d0, d1) -> (0)>
#map2 = affine_map<(d0, d1) -> (0, 0, 0)>
module attributes {stable_mosaic.version = 14 : i64} {
  func.func @_edge_body(%arg0: i32, %arg1: i32, %arg2: memref<10000x128xf32, #tpu.memory_space<hbm>>, %arg3: memref<10000x128xf32, #tpu.memory_space<hbm>>, %arg4: memref<10000x128xf32, #tpu.memory_space<hbm>>, %arg5: memref<320000xi32, #tpu.memory_space<hbm>>, %arg6: memref<320000xi32, #tpu.memory_space<hbm>>, %arg7: memref<320000x128xf32, #tpu.memory_space<hbm>>, %arg8: memref<2x10000x128xf32, #tpu.memory_space<hbm>>, %arg9: memref<2x1280x128xf32, #tpu.memory_space<hbm>>, %arg10: memref<1x80xi32, #tpu.memory_space<vmem>>, %arg11: memref<1x80xi32, #tpu.memory_space<vmem>>, %arg12: memref<1x80xi32, #tpu.memory_space<vmem>>, %arg13: memref<1x80xf32, #tpu.memory_space<vmem>>, %arg14: memref<80x128xf32, #tpu.memory_space<vmem>>, %arg15: memref<80x128xf32, #tpu.memory_space<vmem>>, %arg16: memref<80x128xf32, #tpu.memory_space<vmem>>, %arg17: memref<10000x128xf32, #tpu.memory_space<vmem_shared>>, %arg18: memref<1280x128xf32, #tpu.memory_space<vmem_shared>>, %arg19: memref<!tpu.dma_semaphore, #tpu.memory_space<semaphore_mem>>, %arg20: memref<!tpu.dma_semaphore, #tpu.memory_space<semaphore_mem>>, %arg21: memref<!tpu.dma_semaphore, #tpu.memory_space<semaphore_mem>>, %arg22: memref<!tpu.dma_semaphore, #tpu.memory_space<semaphore_mem>>, %arg23: memref<!tpu.dma_semaphore, #tpu.memory_space<semaphore_mem>>) attributes {dimension_semantics = [#tpu.dimension_semantics<core_parallel>, #tpu.dimension_semantics<subcore_parallel>], iteration_bounds = array<i64: 2, 16>, scalar_prefetch = 0 : i64, scratch_operands = 14 : i64, tpu.core_type = #tpu.core_type<sc_vector_subcore>, window_params = [{transform_indices = #map}, {transform_indices = #map}, {transform_indices = #map}, {transform_indices = #map1}, {transform_indices = #map1}, {transform_indices = #map}, {transform_indices = #map2}, {transform_indices = #map2}]} {
    %mul3A = arith.constant 16 : i32
    %mul3A_0 = arith.muli %arg0, %mul3A : i32
    %add3A = arith.addi %mul3A_0, %arg1 : i32
    %mul3A_1 = arith.constant 10000 : i32
    %mul3A_2 = arith.muli %add3A, %mul3A_1 : i32
    %iota3A = tpu.iota {dimensions = array<i32: 0>} : vector<16xi32>
    %scan3A = arith.constant 0 : i32
    %scan3A_3 = arith.constant 0 : i32
    %scan3A_4 = arith.constant 80 : i32
    %scan3A_5 = arith.addi %scan3A_3, %scan3A_4 : i32
    %scan3A_6 = arith.constant 1 : i32
    scf.for %scan3A_258 = %scan3A_3 to %scan3A_5 step %scan3A_6  : i32 {
      %broadcast_in_dim3A = arith.constant 0.000000e+00 : f32
      %broadcast_in_dim3A_259 = vector.broadcast %broadcast_in_dim3A : f32 to vector<16xf32>
      %swap3A = arith.index_cast %scan3A_258 : i32 to index
      %swap3A_260 = arith.constant 0 : index
      %swap3A_261 = tpu.vector_load %arg14[%swap3A, %swap3A_260] {strides = array<i32>} : memref<80x128xf32, #tpu.memory_space<vmem>>, vector<16xf32>,
      tpu.vector_store %arg14[%swap3A, %swap3A_260], %broadcast_in_dim3A_259 {strides = array<i32>} : memref<80x128xf32, #tpu.memory_space<vmem>>, vector<16xf32>,
      %broadcast_in_dim3A_262 = arith.constant 0.000000e+00 : f32
      %broadcast_in_dim3A_263 = vector.broadcast %broadcast_in_dim3A_262 : f32 to vector<16xf32>
      %swap3A_264 = arith.index_cast %scan3A_258 : i32 to index
      %swap3A_265 = arith.constant 16 : index
      %swap3A_266 = tpu.vector_load %arg14[%swap3A_264, %swap3A_265] {strides = array<i32>} : memref<80x128xf32, #tpu.memory_space<vmem>>, vector<16xf32>,
      tpu.vector_store %arg14[%swap3A_264, %swap3A_265], %broadcast_in_dim3A_263 {strides = array<i32>} : memref<80x128xf32, #tpu.memory_space<vmem>>, vector<16xf32>,
      %broadcast_in_dim3A_267 = arith.constant 0.000000e+00 : f32
      %broadcast_in_dim3A_268 = vector.broadcast %broadcast_in_dim3A_267 : f32 to vector<16xf32>
      %swap3A_269 = arith.index_cast %scan3A_258 : i32 to index
      %swap3A_270 = arith.constant 32 : index
      %swap3A_271 = tpu.vector_load %arg14[%swap3A_269, %swap3A_270] {strides = array<i32>} : memref<80x128xf32, #tpu.memory_space<vmem>>, vector<16xf32>,
      tpu.vector_store %arg14[%swap3A_269, %swap3A_270], %broadcast_in_dim3A_268 {strides = array<i32>} : memref<80x128xf32, #tpu.memory_space<vmem>>, vector<16xf32>,
      %broadcast_in_dim3A_272 = arith.constant 0.000000e+00 : f32
      %broadcast_in_dim3A_273 = vector.broadcast %broadcast_in_dim3A_272 : f32 to vector<16xf32>
      %swap3A_274 = arith.index_cast %scan3A_258 : i32 to index
      %swap3A_275 = arith.constant 48 : index
      %swap3A_276 = tpu.vector_load %arg14[%swap3A_274, %swap3A_275] {strides = array<i32>} : memref<80x128xf32, #tpu.memory_space<vmem>>, vector<16xf32>,
      tpu.vector_store %arg14[%swap3A_274, %swap3A_275], %broadcast_in_dim3A_273 {strides = array<i32>} : memref<80x128xf32, #tpu.memory_space<vmem>>, vector<16xf32>,
      %broadcast_in_dim3A_277 = arith.constant 0.000000e+00 : f32
      %broadcast_in_dim3A_278 = vector.broadcast %broadcast_in_dim3A_277 : f32 to vector<16xf32>
      %swap3A_279 = arith.index_cast %scan3A_258 : i32 to index
      %swap3A_280 = arith.constant 64 : index
      %swap3A_281 = tpu.vector_load %arg14[%swap3A_279, %swap3A_280] {strides = array<i32>} : memref<80x128xf32, #tpu.memory_space<vmem>>, vector<16xf32>,
      tpu.vector_store %arg14[%swap3A_279, %swap3A_280], %broadcast_in_dim3A_278 {strides = array<i32>} : memref<80x128xf32, #tpu.memory_space<vmem>>, vector<16xf32>,
      %broadcast_in_dim3A_282 = arith.constant 0.000000e+00 : f32
      %broadcast_in_dim3A_283 = vector.broadcast %broadcast_in_dim3A_282 : f32 to vector<16xf32>
      %swap3A_284 = arith.index_cast %scan3A_258 : i32 to index
      %swap3A_285 = arith.constant 80 : index
      %swap3A_286 = tpu.vector_load %arg14[%swap3A_284, %swap3A_285] {strides = array<i32>} : memref<80x128xf32, #tpu.memory_space<vmem>>, vector<16xf32>,
      tpu.vector_store %arg14[%swap3A_284, %swap3A_285], %broadcast_in_dim3A_283 {strides = array<i32>} : memref<80x128xf32, #tpu.memory_space<vmem>>, vector<16xf32>,
      %broadcast_in_dim3A_287 = arith.constant 0.000000e+00 : f32
      %broadcast_in_dim3A_288 = vector.broadcast %broadcast_in_dim3A_287 : f32 to vector<16xf32>
      %swap3A_289 = arith.index_cast %scan3A_258 : i32 to index
      %swap3A_290 = arith.constant 96 : index
      %swap3A_291 = tpu.vector_load %arg14[%swap3A_289, %swap3A_290] {strides = array<i32>} : memref<80x128xf32, #tpu.memory_space<vmem>>, vector<16xf32>,
      tpu.vector_store %arg14[%swap3A_289, %swap3A_290], %broadcast_in_dim3A_288 {strides = array<i32>} : memref<80x128xf32, #tpu.memory_space<vmem>>, vector<16xf32>,
      %broadcast_in_dim3A_292 = arith.constant 0.000000e+00 : f32
      %broadcast_in_dim3A_293 = vector.broadcast %broadcast_in_dim3A_292 : f32 to vector<16xf32>
      %swap3A_294 = arith.index_cast %scan3A_258 : i32 to index
      %swap3A_295 = arith.constant 112 : index
      %swap3A_296 = tpu.vector_load %arg14[%swap3A_294, %swap3A_295] {strides = array<i32>} : memref<80x128xf32, #tpu.memory_space<vmem>>, vector<16xf32>,
      tpu.vector_store %arg14[%swap3A_294, %swap3A_295], %broadcast_in_dim3A_293 {strides = array<i32>} : memref<80x128xf32, #tpu.memory_space<vmem>>, vector<16xf32>,
    }
    %scan3A_7 = arith.constant 80 : i32
    %mul3A_8 = arith.constant 624 : i32
    %mul3A_9 = arith.muli %arg1, %mul3A_8 : i32
    %add3A_10 = arith.constant 0 : i32
    %add3A_11 = arith.addi %mul3A_9, %add3A_10 : i32
    %scan3A_12 = arith.constant 0 : i32
    %scan3A_13 = arith.constant 0 : i32
    %scan3A_14 = arith.constant 5 : i32
    %scan3A_15 = arith.addi %scan3A_13, %scan3A_14 : i32
    %scan3A_16 = arith.constant 1 : i32
    scf.for %scan3A_258 = %scan3A_13 to %scan3A_15 step %scan3A_16  : i32 {
      %mul3A_259 = arith.constant 16 : i32
      %mul3A_260 = arith.muli %scan3A_258, %mul3A_259 : i32
      %add3A_261 = arith.addi %add3A_11, %mul3A_260 : i32
      %add3A_262 = vector.broadcast %add3A_261 : i32 to vector<16xi32>
      %add3A_263 = arith.addi %add3A_262, %iota3A : vector<16xi32>
      %mul3A_264 = arith.constant 16 : i32
      %mul3A_265 = arith.muli %scan3A_258, %mul3A_264 : i32
      %swap3A = arith.constant 0 : i32
      %swap3A_266 = arith.index_cast %swap3A : i32 to index
      %swap3A_267 = arith.index_cast %mul3A_265 : i32 to index
      %swap3A_268 = tpu.vector_load %arg12[%swap3A_266, %swap3A_267] {strides = array<i32>} : memref<1x80xi32, #tpu.memory_space<vmem>>, vector<16xi32>,
      tpu.vector_store %arg12[%swap3A_266, %swap3A_267], %add3A_263 {strides = array<i32>} : memref<1x80xi32, #tpu.memory_space<vmem>>, vector<16xi32>,
    }
    %scan3A_17 = arith.constant 5 : i32
    %run_scoped3A = arith.constant 0 : i32
    "tpu.region"() ({
      %run_scoped3A_258 = tpu.sem_alloc : memref<!tpu.dma_semaphore, #tpu.memory_space<semaphore_mem>>
      %dma_start3A = arith.constant 0 : i32
      %dma_start3A_259 = tpu.memref_slice %arg12[%run_scoped3A, %dma_start3A] : memref<1x80xi32, #tpu.memory_space<vmem>> -> memref<1x80xi32, #tpu.memory_space<vmem>>
      %dma_start3A_260 = tpu.memref_squeeze %dma_start3A_259 : memref<1x80xi32, #tpu.memory_space<vmem>> -> memref<80xi32, #tpu.memory_space<vmem>>
      %dma_start3A_261 = arith.constant 0 : i32
      %dma_start3A_262 = arith.constant 0 : i32
      %dma_start3A_263 = tpu.memref_slice %arg17[%dma_start3A_261, %dma_start3A_262] : memref<10000x128xf32, #tpu.memory_space<vmem_shared>> -> memref<10000x128xf32, #tpu.memory_space<vmem_shared>>
      tpu.enqueue_indirect_dma source(%arg14 : memref<80x128xf32, #tpu.memory_space<vmem>>) target(%dma_start3A_263 : memref<10000x128xf32, #tpu.memory_space<vmem_shared>>) offsets(%dma_start3A_260 : memref<80xi32, #tpu.memory_space<vmem>>) semaphore(%run_scoped3A_258 : memref<!tpu.dma_semaphore, #tpu.memory_space<semaphore_mem>>)
      %dma_wait3A_264 = arith.constant 0 : i32
      %dma_wait3A_265 = tpu.memref_slice %arg12[%run_scoped3A, %dma_wait3A_264] : memref<1x80xi32, #tpu.memory_space<vmem>> -> memref<1x80xi32, #tpu.memory_space<vmem>>
      %dma_wait3A_266 = tpu.memref_squeeze %dma_wait3A_265 : memref<1x80xi32, #tpu.memory_space<vmem>> -> memref<80xi32, #tpu.memory_space<vmem>>
      %dma_wait3A_267 = arith.constant 0 : i32
      %dma_wait3A_268 = arith.constant 0 : i32
      %dma_wait3A_269 = tpu.memref_slice %arg17[%dma_wait3A_267, %dma_wait3A_268] : memref<10000x128xf32, #tpu.memory_space<vmem_shared>> -> memref<10000x128xf32, #tpu.memory_space<vmem_shared>>
      tpu.wait_indirect_dma semaphore(%run_scoped3A_258 : memref<!tpu.dma_semaphore, #tpu.memory_space<semaphore_mem>>) src(%arg14 : memref<80x128xf32, #tpu.memory_space<vmem>>) dst(%dma_wait3A_269 : memref<10000x128xf32, #tpu.memory_space<vmem_shared>>)
      tpu.yield
    }) : () -> ()
    %mul3A_18 = arith.constant 624 : i32
    %mul3A_19 = arith.muli %arg1, %mul3A_18 : i32
    %add3A_20 = arith.constant 80 : i32
    %add3A_21 = arith.addi %mul3A_19, %add3A_20 : i32
    %scan3A_22 = arith.constant 0 : i32
    %scan3A_23 = arith.constant 0 : i32
    %scan3A_24 = arith.constant 5 : i32
    %scan3A_25 = arith.addi %scan3A_23, %scan3A_24 : i32
    %scan3A_26 = arith.constant 1 : i32
    scf.for %scan3A_258 = %scan3A_23 to %scan3A_25 step %scan3A_26  : i32 {
      %mul3A_259 = arith.constant 16 : i32
      %mul3A_260 = arith.muli %scan3A_258, %mul3A_259 : i32
      %add3A_261 = arith.addi %add3A_21, %mul3A_260 : i32
      %add3A_262 = vector.broadcast %add3A_261 : i32 to vector<16xi32>
      %add3A_263 = arith.addi %add3A_262, %iota3A : vector<16xi32>
      %mul3A_264 = arith.constant 16 : i32
      %mul3A_265 = arith.muli %scan3A_258, %mul3A_264 : i32
      %swap3A = arith.constant 0 : i32
      %swap3A_266 = arith.index_cast %swap3A : i32 to index
      %swap3A_267 = arith.index_cast %mul3A_265 : i32 to index
      %swap3A_268 = tpu.vector_load %arg12[%swap3A_266, %swap3A_267] {strides = array<i32>} : memref<1x80xi32, #tpu.memory_space<vmem>>, vector<16xi32>,
      tpu.vector_store %arg12[%swap3A_266, %swap3A_267], %add3A_263 {strides = array<i32>} : memref<1x80xi32, #tpu.memory_space<vmem>>, vector<16xi32>,
    }
    %scan3A_27 = arith.constant 5 : i32
    %run_scoped3A_28 = arith.constant 0 : i32
    "tpu.region"() ({
      %run_scoped3A_258 = tpu.sem_alloc : memref<!tpu.dma_semaphore, #tpu.memory_space<semaphore_mem>>
      %dma_start3A = arith.constant 0 : i32
      %dma_start3A_259 = tpu.memref_slice %arg12[%run_scoped3A_28, %dma_start3A] : memref<1x80xi32, #tpu.memory_space<vmem>> -> memref<1x80xi32, #tpu.memory_space<vmem>>
      %dma_start3A_260 = tpu.memref_squeeze %dma_start3A_259 : memref<1x80xi32, #tpu.memory_space<vmem>> -> memref<80xi32, #tpu.memory_space<vmem>>
      %dma_start3A_261 = arith.constant 0 : i32
      %dma_start3A_262 = arith.constant 0 : i32
      %dma_start3A_263 = tpu.memref_slice %arg17[%dma_start3A_261, %dma_start3A_262] : memref<10000x128xf32, #tpu.memory_space<vmem_shared>> -> memref<10000x128xf32, #tpu.memory_space<vmem_shared>>
      tpu.enqueue_indirect_dma source(%arg14 : memref<80x128xf32, #tpu.memory_space<vmem>>) target(%dma_start3A_263 : memref<10000x128xf32, #tpu.memory_space<vmem_shared>>) offsets(%dma_start3A_260 : memref<80xi32, #tpu.memory_space<vmem>>) semaphore(%run_scoped3A_258 : memref<!tpu.dma_semaphore, #tpu.memory_space<semaphore_mem>>)
      %dma_wait3A_264 = arith.constant 0 : i32
      %dma_wait3A_265 = tpu.memref_slice %arg12[%run_scoped3A_28, %dma_wait3A_264] : memref<1x80xi32, #tpu.memory_space<vmem>> -> memref<1x80xi32, #tpu.memory_space<vmem>>
      %dma_wait3A_266 = tpu.memref_squeeze %dma_wait3A_265 : memref<1x80xi32, #tpu.memory_space<vmem>> -> memref<80xi32, #tpu.memory_space<vmem>>
      %dma_wait3A_267 = arith.constant 0 : i32
      %dma_wait3A_268 = arith.constant 0 : i32
      %dma_wait3A_269 = tpu.memref_slice %arg17[%dma_wait3A_267, %dma_wait3A_268] : memref<10000x128xf32, #tpu.memory_space<vmem_shared>> -> memref<10000x128xf32, #tpu.memory_space<vmem_shared>>
      tpu.wait_indirect_dma semaphore(%run_scoped3A_258 : memref<!tpu.dma_semaphore, #tpu.memory_space<semaphore_mem>>) src(%arg14 : memref<80x128xf32, #tpu.memory_space<vmem>>) dst(%dma_wait3A_269 : memref<10000x128xf32, #tpu.memory_space<vmem_shared>>)
      tpu.yield
    }) : () -> ()
    %mul3A_29 = arith.constant 624 : i32
    %mul3A_30 = arith.muli %arg1, %mul3A_29 : i32
    %add3A_31 = arith.constant 160 : i32
    %add3A_32 = arith.addi %mul3A_30, %add3A_31 : i32
    %scan3A_33 = arith.constant 0 : i32
    %scan3A_34 = arith.constant 0 : i32
    %scan3A_35 = arith.constant 5 : i32
    %scan3A_36 = arith.addi %scan3A_34, %scan3A_35 : i32
    %scan3A_37 = arith.constant 1 : i32
    scf.for %scan3A_258 = %scan3A_34 to %scan3A_36 step %scan3A_37  : i32 {
      %mul3A_259 = arith.constant 16 : i32
      %mul3A_260 = arith.muli %scan3A_258, %mul3A_259 : i32
      %add3A_261 = arith.addi %add3A_32, %mul3A_260 : i32
      %add3A_262 = vector.broadcast %add3A_261 : i32 to vector<16xi32>
      %add3A_263 = arith.addi %add3A_262, %iota3A : vector<16xi32>
      %mul3A_264 = arith.constant 16 : i32
      %mul3A_265 = arith.muli %scan3A_258, %mul3A_264 : i32
      %swap3A = arith.constant 0 : i32
      %swap3A_266 = arith.index_cast %swap3A : i32 to index
      %swap3A_267 = arith.index_cast %mul3A_265 : i32 to index
      %swap3A_268 = tpu.vector_load %arg12[%swap3A_266, %swap3A_267] {strides = array<i32>} : memref<1x80xi32, #tpu.memory_space<vmem>>, vector<16xi32>,
      tpu.vector_store %arg12[%swap3A_266, %swap3A_267], %add3A_263 {strides = array<i32>} : memref<1x80xi32, #tpu.memory_space<vmem>>, vector<16xi32>,
    }
    %scan3A_38 = arith.constant 5 : i32
    %run_scoped3A_39 = arith.constant 0 : i32
    "tpu.region"() ({
      %run_scoped3A_258 = tpu.sem_alloc : memref<!tpu.dma_semaphore, #tpu.memory_space<semaphore_mem>>
      %dma_start3A = arith.constant 0 : i32
      %dma_start3A_259 = tpu.memref_slice %arg12[%run_scoped3A_39, %dma_start3A] : memref<1x80xi32, #tpu.memory_space<vmem>> -> memref<1x80xi32, #tpu.memory_space<vmem>>
      %dma_start3A_260 = tpu.memref_squeeze %dma_start3A_259 : memref<1x80xi32, #tpu.memory_space<vmem>> -> memref<80xi32, #tpu.memory_space<vmem>>
      %dma_start3A_261 = arith.constant 0 : i32
      %dma_start3A_262 = arith.constant 0 : i32
      %dma_start3A_263 = tpu.memref_slice %arg17[%dma_start3A_261, %dma_start3A_262] : memref<10000x128xf32, #tpu.memory_space<vmem_shared>> -> memref<10000x128xf32, #tpu.memory_space<vmem_shared>>
      tpu.enqueue_indirect_dma source(%arg14 : memref<80x128xf32, #tpu.memory_space<vmem>>) target(%dma_start3A_263 : memref<10000x128xf32, #tpu.memory_space<vmem_shared>>) offsets(%dma_start3A_260 : memref<80xi32, #tpu.memory_space<vmem>>) semaphore(%run_scoped3A_258 : memref<!tpu.dma_semaphore, #tpu.memory_space<semaphore_mem>>)
      %dma_wait3A_264 = arith.constant 0 : i32
      %dma_wait3A_265 = tpu.memref_slice %arg12[%run_scoped3A_39, %dma_wait3A_264] : memref<1x80xi32, #tpu.memory_space<vmem>> -> memref<1x80xi32, #tpu.memory_space<vmem>>
      %dma_wait3A_266 = tpu.memref_squeeze %dma_wait3A_265 : memref<1x80xi32, #tpu.memory_space<vmem>> -> memref<80xi32, #tpu.memory_space<vmem>>
      %dma_wait3A_267 = arith.constant 0 : i32
      %dma_wait3A_268 = arith.constant 0 : i32
      %dma_wait3A_269 = tpu.memref_slice %arg17[%dma_wait3A_267, %dma_wait3A_268] : memref<10000x128xf32, #tpu.memory_space<vmem_shared>> -> memref<10000x128xf32, #tpu.memory_space<vmem_shared>>
      tpu.wait_indirect_dma semaphore(%run_scoped3A_258 : memref<!tpu.dma_semaphore, #tpu.memory_space<semaphore_mem>>) src(%arg14 : memref<80x128xf32, #tpu.memory_space<vmem>>) dst(%dma_wait3A_269 : memref<10000x128xf32, #tpu.memory_space<vmem_shared>>)
      tpu.yield
    }) : () -> ()
    %mul3A_40 = arith.constant 624 : i32
    %mul3A_41 = arith.muli %arg1, %mul3A_40 : i32
    %add3A_42 = arith.constant 240 : i32
    %add3A_43 = arith.addi %mul3A_41, %add3A_42 : i32
    %scan3A_44 = arith.constant 0 : i32
    %scan3A_45 = arith.constant 0 : i32
    %scan3A_46 = arith.constant 5 : i32
    %scan3A_47 = arith.addi %scan3A_45, %scan3A_46 : i32
    %scan3A_48 = arith.constant 1 : i32
    scf.for %scan3A_258 = %scan3A_45 to %scan3A_47 step %scan3A_48  : i32 {
      %mul3A_259 = arith.constant 16 : i32
      %mul3A_260 = arith.muli %scan3A_258, %mul3A_259 : i32
      %add3A_261 = arith.addi %add3A_43, %mul3A_260 : i32
      %add3A_262 = vector.broadcast %add3A_261 : i32 to vector<16xi32>
      %add3A_263 = arith.addi %add3A_262, %iota3A : vector<16xi32>
      %mul3A_264 = arith.constant 16 : i32
      %mul3A_265 = arith.muli %scan3A_258, %mul3A_264 : i32
      %swap3A = arith.constant 0 : i32
      %swap3A_266 = arith.index_cast %swap3A : i32 to index
      %swap3A_267 = arith.index_cast %mul3A_265 : i32 to index
      %swap3A_268 = tpu.vector_load %arg12[%swap3A_266, %swap3A_267] {strides = array<i32>} : memref<1x80xi32, #tpu.memory_space<vmem>>, vector<16xi32>,
      tpu.vector_store %arg12[%swap3A_266, %swap3A_267], %add3A_263 {strides = array<i32>} : memref<1x80xi32, #tpu.memory_space<vmem>>, vector<16xi32>,
    }
    %scan3A_49 = arith.constant 5 : i32
    %run_scoped3A_50 = arith.constant 0 : i32
    "tpu.region"() ({
      %run_scoped3A_258 = tpu.sem_alloc : memref<!tpu.dma_semaphore, #tpu.memory_space<semaphore_mem>>
      %dma_start3A = arith.constant 0 : i32
      %dma_start3A_259 = tpu.memref_slice %arg12[%run_scoped3A_50, %dma_start3A] : memref<1x80xi32, #tpu.memory_space<vmem>> -> memref<1x80xi32, #tpu.memory_space<vmem>>
      %dma_start3A_260 = tpu.memref_squeeze %dma_start3A_259 : memref<1x80xi32, #tpu.memory_space<vmem>> -> memref<80xi32, #tpu.memory_space<vmem>>
      %dma_start3A_261 = arith.constant 0 : i32
      %dma_start3A_262 = arith.constant 0 : i32
      %dma_start3A_263 = tpu.memref_slice %arg17[%dma_start3A_261, %dma_start3A_262] : memref<10000x128xf32, #tpu.memory_space<vmem_shared>> -> memref<10000x128xf32, #tpu.memory_space<vmem_shared>>
      tpu.enqueue_indirect_dma source(%arg14 : memref<80x128xf32, #tpu.memory_space<vmem>>) target(%dma_start3A_263 : memref<10000x128xf32, #tpu.memory_space<vmem_shared>>) offsets(%dma_start3A_260 : memref<80xi32, #tpu.memory_space<vmem>>) semaphore(%run_scoped3A_258 : memref<!tpu.dma_semaphore, #tpu.memory_space<semaphore_mem>>)
      %dma_wait3A_264 = arith.constant 0 : i32
      %dma_wait3A_265 = tpu.memref_slice %arg12[%run_scoped3A_50, %dma_wait3A_264] : memref<1x80xi32, #tpu.memory_space<vmem>> -> memref<1x80xi32, #tpu.memory_space<vmem>>
      %dma_wait3A_266 = tpu.memref_squeeze %dma_wait3A_265 : memref<1x80xi32, #tpu.memory_space<vmem>> -> memref<80xi32, #tpu.memory_space<vmem>>
      %dma_wait3A_267 = arith.constant 0 : i32
      %dma_wait3A_268 = arith.constant 0 : i32
      %dma_wait3A_269 = tpu.memref_slice %arg17[%dma_wait3A_267, %dma_wait3A_268] : memref<10000x128xf32, #tpu.memory_space<vmem_shared>> -> memref<10000x128xf32, #tpu.memory_space<vmem_shared>>
      tpu.wait_indirect_dma semaphore(%run_scoped3A_258 : memref<!tpu.dma_semaphore, #tpu.memory_space<semaphore_mem>>) src(%arg14 : memref<80x128xf32, #tpu.memory_space<vmem>>) dst(%dma_wait3A_269 : memref<10000x128xf32, #tpu.memory_space<vmem_shared>>)
      tpu.yield
    }) : () -> ()
    %mul3A_51 = arith.constant 624 : i32
    %mul3A_52 = arith.muli %arg1, %mul3A_51 : i32
    %add3A_53 = arith.constant 320 : i32
    %add3A_54 = arith.addi %mul3A_52, %add3A_53 : i32
    %scan3A_55 = arith.constant 0 : i32
    %scan3A_56 = arith.constant 0 : i32
    %scan3A_57 = arith.constant 5 : i32
    %scan3A_58 = arith.addi %scan3A_56, %scan3A_57 : i32
    %scan3A_59 = arith.constant 1 : i32
    scf.for %scan3A_258 = %scan3A_56 to %scan3A_58 step %scan3A_59  : i32 {
      %mul3A_259 = arith.constant 16 : i32
      %mul3A_260 = arith.muli %scan3A_258, %mul3A_259 : i32
      %add3A_261 = arith.addi %add3A_54, %mul3A_260 : i32
      %add3A_262 = vector.broadcast %add3A_261 : i32 to vector<16xi32>
      %add3A_263 = arith.addi %add3A_262, %iota3A : vector<16xi32>
      %mul3A_264 = arith.constant 16 : i32
      %mul3A_265 = arith.muli %scan3A_258, %mul3A_264 : i32
      %swap3A = arith.constant 0 : i32
      %swap3A_266 = arith.index_cast %swap3A : i32 to index
      %swap3A_267 = arith.index_cast %mul3A_265 : i32 to index
      %swap3A_268 = tpu.vector_load %arg12[%swap3A_266, %swap3A_267] {strides = array<i32>} : memref<1x80xi32, #tpu.memory_space<vmem>>, vector<16xi32>,
      tpu.vector_store %arg12[%swap3A_266, %swap3A_267], %add3A_263 {strides = array<i32>} : memref<1x80xi32, #tpu.memory_space<vmem>>, vector<16xi32>,
    }
    %scan3A_60 = arith.constant 5 : i32
    %run_scoped3A_61 = arith.constant 0 : i32
    "tpu.region"() ({
      %run_scoped3A_258 = tpu.sem_alloc : memref<!tpu.dma_semaphore, #tpu.memory_space<semaphore_mem>>
      %dma_start3A = arith.constant 0 : i32
      %dma_start3A_259 = tpu.memref_slice %arg12[%run_scoped3A_61, %dma_start3A] : memref<1x80xi32, #tpu.memory_space<vmem>> -> memref<1x80xi32, #tpu.memory_space<vmem>>
      %dma_start3A_260 = tpu.memref_squeeze %dma_start3A_259 : memref<1x80xi32, #tpu.memory_space<vmem>> -> memref<80xi32, #tpu.memory_space<vmem>>
      %dma_start3A_261 = arith.constant 0 : i32
      %dma_start3A_262 = arith.constant 0 : i32
      %dma_start3A_263 = tpu.memref_slice %arg17[%dma_start3A_261, %dma_start3A_262] : memref<10000x128xf32, #tpu.memory_space<vmem_shared>> -> memref<10000x128xf32, #tpu.memory_space<vmem_shared>>
      tpu.enqueue_indirect_dma source(%arg14 : memref<80x128xf32, #tpu.memory_space<vmem>>) target(%dma_start3A_263 : memref<10000x128xf32, #tpu.memory_space<vmem_shared>>) offsets(%dma_start3A_260 : memref<80xi32, #tpu.memory_space<vmem>>) semaphore(%run_scoped3A_258 : memref<!tpu.dma_semaphore, #tpu.memory_space<semaphore_mem>>)
      %dma_wait3A_264 = arith.constant 0 : i32
      %dma_wait3A_265 = tpu.memref_slice %arg12[%run_scoped3A_61, %dma_wait3A_264] : memref<1x80xi32, #tpu.memory_space<vmem>> -> memref<1x80xi32, #tpu.memory_space<vmem>>
      %dma_wait3A_266 = tpu.memref_squeeze %dma_wait3A_265 : memref<1x80xi32, #tpu.memory_space<vmem>> -> memref<80xi32, #tpu.memory_space<vmem>>
      %dma_wait3A_267 = arith.constant 0 : i32
      %dma_wait3A_268 = arith.constant 0 : i32
      %dma_wait3A_269 = tpu.memref_slice %arg17[%dma_wait3A_267, %dma_wait3A_268] : memref<10000x128xf32, #tpu.memory_space<vmem_shared>> -> memref<10000x128xf32, #tpu.memory_space<vmem_shared>>
      tpu.wait_indirect_dma semaphore(%run_scoped3A_258 : memref<!tpu.dma_semaphore, #tpu.memory_space<semaphore_mem>>) src(%arg14 : memref<80x128xf32, #tpu.memory_space<vmem>>) dst(%dma_wait3A_269 : memref<10000x128xf32, #tpu.memory_space<vmem_shared>>)
      tpu.yield
    }) : () -> ()
    %mul3A_62 = arith.constant 624 : i32
    %mul3A_63 = arith.muli %arg1, %mul3A_62 : i32
    %add3A_64 = arith.constant 400 : i32
    %add3A_65 = arith.addi %mul3A_63, %add3A_64 : i32
    %scan3A_66 = arith.constant 0 : i32
    %scan3A_67 = arith.constant 0 : i32
    %scan3A_68 = arith.constant 5 : i32
    %scan3A_69 = arith.addi %scan3A_67, %scan3A_68 : i32
    %scan3A_70 = arith.constant 1 : i32
    scf.for %scan3A_258 = %scan3A_67 to %scan3A_69 step %scan3A_70  : i32 {
      %mul3A_259 = arith.constant 16 : i32
      %mul3A_260 = arith.muli %scan3A_258, %mul3A_259 : i32
      %add3A_261 = arith.addi %add3A_65, %mul3A_260 : i32
      %add3A_262 = vector.broadcast %add3A_261 : i32 to vector<16xi32>
      %add3A_263 = arith.addi %add3A_262, %iota3A : vector<16xi32>
      %mul3A_264 = arith.constant 16 : i32
      %mul3A_265 = arith.muli %scan3A_258, %mul3A_264 : i32
      %swap3A = arith.constant 0 : i32
      %swap3A_266 = arith.index_cast %swap3A : i32 to index
      %swap3A_267 = arith.index_cast %mul3A_265 : i32 to index
      %swap3A_268 = tpu.vector_load %arg12[%swap3A_266, %swap3A_267] {strides = array<i32>} : memref<1x80xi32, #tpu.memory_space<vmem>>, vector<16xi32>,
      tpu.vector_store %arg12[%swap3A_266, %swap3A_267], %add3A_263 {strides = array<i32>} : memref<1x80xi32, #tpu.memory_space<vmem>>, vector<16xi32>,
    }
    %scan3A_71 = arith.constant 5 : i32
    %run_scoped3A_72 = arith.constant 0 : i32
    "tpu.region"() ({
      %run_scoped3A_258 = tpu.sem_alloc : memref<!tpu.dma_semaphore, #tpu.memory_space<semaphore_mem>>
      %dma_start3A = arith.constant 0 : i32
      %dma_start3A_259 = tpu.memref_slice %arg12[%run_scoped3A_72, %dma_start3A] : memref<1x80xi32, #tpu.memory_space<vmem>> -> memref<1x80xi32, #tpu.memory_space<vmem>>
      %dma_start3A_260 = tpu.memref_squeeze %dma_start3A_259 : memref<1x80xi32, #tpu.memory_space<vmem>> -> memref<80xi32, #tpu.memory_space<vmem>>
      %dma_start3A_261 = arith.constant 0 : i32
      %dma_start3A_262 = arith.constant 0 : i32
      %dma_start3A_263 = tpu.memref_slice %arg17[%dma_start3A_261, %dma_start3A_262] : memref<10000x128xf32, #tpu.memory_space<vmem_shared>> -> memref<10000x128xf32, #tpu.memory_space<vmem_shared>>
      tpu.enqueue_indirect_dma source(%arg14 : memref<80x128xf32, #tpu.memory_space<vmem>>) target(%dma_start3A_263 : memref<10000x128xf32, #tpu.memory_space<vmem_shared>>) offsets(%dma_start3A_260 : memref<80xi32, #tpu.memory_space<vmem>>) semaphore(%run_scoped3A_258 : memref<!tpu.dma_semaphore, #tpu.memory_space<semaphore_mem>>)
      %dma_wait3A_264 = arith.constant 0 : i32
      %dma_wait3A_265 = tpu.memref_slice %arg12[%run_scoped3A_72, %dma_wait3A_264] : memref<1x80xi32, #tpu.memory_space<vmem>> -> memref<1x80xi32, #tpu.memory_space<vmem>>
      %dma_wait3A_266 = tpu.memref_squeeze %dma_wait3A_265 : memref<1x80xi32, #tpu.memory_space<vmem>> -> memref<80xi32, #tpu.memory_space<vmem>>
      %dma_wait3A_267 = arith.constant 0 : i32
      %dma_wait3A_268 = arith.constant 0 : i32
      %dma_wait3A_269 = tpu.memref_slice %arg17[%dma_wait3A_267, %dma_wait3A_268] : memref<10000x128xf32, #tpu.memory_space<vmem_shared>> -> memref<10000x128xf32, #tpu.memory_space<vmem_shared>>
      tpu.wait_indirect_dma semaphore(%run_scoped3A_258 : memref<!tpu.dma_semaphore, #tpu.memory_space<semaphore_mem>>) src(%arg14 : memref<80x128xf32, #tpu.memory_space<vmem>>) dst(%dma_wait3A_269 : memref<10000x128xf32, #tpu.memory_space<vmem_shared>>)
      tpu.yield
    }) : () -> ()
    %mul3A_73 = arith.constant 624 : i32
    %mul3A_74 = arith.muli %arg1, %mul3A_73 : i32
    %add3A_75 = arith.constant 480 : i32
    %add3A_76 = arith.addi %mul3A_74, %add3A_75 : i32
    %scan3A_77 = arith.constant 0 : i32
    %scan3A_78 = arith.constant 0 : i32
    %scan3A_79 = arith.constant 5 : i32
    %scan3A_80 = arith.addi %scan3A_78, %scan3A_79 : i32
    %scan3A_81 = arith.constant 1 : i32
    scf.for %scan3A_258 = %scan3A_78 to %scan3A_80 step %scan3A_81  : i32 {
      %mul3A_259 = arith.constant 16 : i32
      %mul3A_260 = arith.muli %scan3A_258, %mul3A_259 : i32
      %add3A_261 = arith.addi %add3A_76, %mul3A_260 : i32
      %add3A_262 = vector.broadcast %add3A_261 : i32 to vector<16xi32>
      %add3A_263 = arith.addi %add3A_262, %iota3A : vector<16xi32>
      %mul3A_264 = arith.constant 16 : i32
      %mul3A_265 = arith.muli %scan3A_258, %mul3A_264 : i32
      %swap3A = arith.constant 0 : i32
      %swap3A_266 = arith.index_cast %swap3A : i32 to index
      %swap3A_267 = arith.index_cast %mul3A_265 : i32 to index
      %swap3A_268 = tpu.vector_load %arg12[%swap3A_266, %swap3A_267] {strides = array<i32>} : memref<1x80xi32, #tpu.memory_space<vmem>>, vector<16xi32>,
      tpu.vector_store %arg12[%swap3A_266, %swap3A_267], %add3A_263 {strides = array<i32>} : memref<1x80xi32, #tpu.memory_space<vmem>>, vector<16xi32>,
    }
    %scan3A_82 = arith.constant 5 : i32
    %run_scoped3A_83 = arith.constant 0 : i32
    "tpu.region"() ({
      %run_scoped3A_258 = tpu.sem_alloc : memref<!tpu.dma_semaphore, #tpu.memory_space<semaphore_mem>>
      %dma_start3A = arith.constant 0 : i32
      %dma_start3A_259 = tpu.memref_slice %arg12[%run_scoped3A_83, %dma_start3A] : memref<1x80xi32, #tpu.memory_space<vmem>> -> memref<1x80xi32, #tpu.memory_space<vmem>>
      %dma_start3A_260 = tpu.memref_squeeze %dma_start3A_259 : memref<1x80xi32, #tpu.memory_space<vmem>> -> memref<80xi32, #tpu.memory_space<vmem>>
      %dma_start3A_261 = arith.constant 0 : i32
      %dma_start3A_262 = arith.constant 0 : i32
      %dma_start3A_263 = tpu.memref_slice %arg17[%dma_start3A_261, %dma_start3A_262] : memref<10000x128xf32, #tpu.memory_space<vmem_shared>> -> memref<10000x128xf32, #tpu.memory_space<vmem_shared>>
      tpu.enqueue_indirect_dma source(%arg14 : memref<80x128xf32, #tpu.memory_space<vmem>>) target(%dma_start3A_263 : memref<10000x128xf32, #tpu.memory_space<vmem_shared>>) offsets(%dma_start3A_260 : memref<80xi32, #tpu.memory_space<vmem>>) semaphore(%run_scoped3A_258 : memref<!tpu.dma_semaphore, #tpu.memory_space<semaphore_mem>>)
      %dma_wait3A_264 = arith.constant 0 : i32
      %dma_wait3A_265 = tpu.memref_slice %arg12[%run_scoped3A_83, %dma_wait3A_264] : memref<1x80xi32, #tpu.memory_space<vmem>> -> memref<1x80xi32, #tpu.memory_space<vmem>>
      %dma_wait3A_266 = tpu.memref_squeeze %dma_wait3A_265 : memref<1x80xi32, #tpu.memory_space<vmem>> -> memref<80xi32, #tpu.memory_space<vmem>>
      %dma_wait3A_267 = arith.constant 0 : i32
      %dma_wait3A_268 = arith.constant 0 : i32
      %dma_wait3A_269 = tpu.memref_slice %arg17[%dma_wait3A_267, %dma_wait3A_268] : memref<10000x128xf32, #tpu.memory_space<vmem_shared>> -> memref<10000x128xf32, #tpu.memory_space<vmem_shared>>
      tpu.wait_indirect_dma semaphore(%run_scoped3A_258 : memref<!tpu.dma_semaphore, #tpu.memory_space<semaphore_mem>>) src(%arg14 : memref<80x128xf32, #tpu.memory_space<vmem>>) dst(%dma_wait3A_269 : memref<10000x128xf32, #tpu.memory_space<vmem_shared>>)
      tpu.yield
    }) : () -> ()
    %mul3A_84 = arith.constant 624 : i32
    %mul3A_85 = arith.muli %arg1, %mul3A_84 : i32
    %add3A_86 = arith.constant 544 : i32
    %add3A_87 = arith.addi %mul3A_85, %add3A_86 : i32
    %scan3A_88 = arith.constant 0 : i32
    %scan3A_89 = arith.constant 0 : i32
    %scan3A_90 = arith.constant 5 : i32
    %scan3A_91 = arith.addi %scan3A_89, %scan3A_90 : i32
    %scan3A_92 = arith.constant 1 : i32
    scf.for %scan3A_258 = %scan3A_89 to %scan3A_91 step %scan3A_92  : i32 {
      %mul3A_259 = arith.constant 16 : i32
      %mul3A_260 = arith.muli %scan3A_258, %mul3A_259 : i32
      %add3A_261 = arith.addi %add3A_87, %mul3A_260 : i32
      %add3A_262 = vector.broadcast %add3A_261 : i32 to vector<16xi32>
      %add3A_263 = arith.addi %add3A_262, %iota3A : vector<16xi32>
      %mul3A_264 = arith.constant 16 : i32
      %mul3A_265 = arith.muli %scan3A_258, %mul3A_264 : i32
      %swap3A = arith.constant 0 : i32
      %swap3A_266 = arith.index_cast %swap3A : i32 to index
      %swap3A_267 = arith.index_cast %mul3A_265 : i32 to index
      %swap3A_268 = tpu.vector_load %arg12[%swap3A_266, %swap3A_267] {strides = array<i32>} : memref<1x80xi32, #tpu.memory_space<vmem>>, vector<16xi32>,
      tpu.vector_store %arg12[%swap3A_266, %swap3A_267], %add3A_263 {strides = array<i32>} : memref<1x80xi32, #tpu.memory_space<vmem>>, vector<16xi32>,
    }
    %scan3A_93 = arith.constant 5 : i32
    %run_scoped3A_94 = arith.constant 0 : i32
    "tpu.region"() ({
      %run_scoped3A_258 = tpu.sem_alloc : memref<!tpu.dma_semaphore, #tpu.memory_space<semaphore_mem>>
      %dma_start3A = arith.constant 0 : i32
      %dma_start3A_259 = tpu.memref_slice %arg12[%run_scoped3A_94, %dma_start3A] : memref<1x80xi32, #tpu.memory_space<vmem>> -> memref<1x80xi32, #tpu.memory_space<vmem>>
      %dma_start3A_260 = tpu.memref_squeeze %dma_start3A_259 : memref<1x80xi32, #tpu.memory_space<vmem>> -> memref<80xi32, #tpu.memory_space<vmem>>
      %dma_start3A_261 = arith.constant 0 : i32
      %dma_start3A_262 = arith.constant 0 : i32
      %dma_start3A_263 = tpu.memref_slice %arg17[%dma_start3A_261, %dma_start3A_262] : memref<10000x128xf32, #tpu.memory_space<vmem_shared>> -> memref<10000x128xf32, #tpu.memory_space<vmem_shared>>
      tpu.enqueue_indirect_dma source(%arg14 : memref<80x128xf32, #tpu.memory_space<vmem>>) target(%dma_start3A_263 : memref<10000x128xf32, #tpu.memory_space<vmem_shared>>) offsets(%dma_start3A_260 : memref<80xi32, #tpu.memory_space<vmem>>) semaphore(%run_scoped3A_258 : memref<!tpu.dma_semaphore, #tpu.memory_space<semaphore_mem>>)
      %dma_wait3A_264 = arith.constant 0 : i32
      %dma_wait3A_265 = tpu.memref_slice %arg12[%run_scoped3A_94, %dma_wait3A_264] : memref<1x80xi32, #tpu.memory_space<vmem>> -> memref<1x80xi32, #tpu.memory_space<vmem>>
      %dma_wait3A_266 = tpu.memref_squeeze %dma_wait3A_265 : memref<1x80xi32, #tpu.memory_space<vmem>> -> memref<80xi32, #tpu.memory_space<vmem>>
      %dma_wait3A_267 = arith.constant 0 : i32
      %dma_wait3A_268 = arith.constant 0 : i32
      %dma_wait3A_269 = tpu.memref_slice %arg17[%dma_wait3A_267, %dma_wait3A_268] : memref<10000x128xf32, #tpu.memory_space<vmem_shared>> -> memref<10000x128xf32, #tpu.memory_space<vmem_shared>>
      tpu.wait_indirect_dma semaphore(%run_scoped3A_258 : memref<!tpu.dma_semaphore, #tpu.memory_space<semaphore_mem>>) src(%arg14 : memref<80x128xf32, #tpu.memory_space<vmem>>) dst(%dma_wait3A_269 : memref<10000x128xf32, #tpu.memory_space<vmem_shared>>)
      tpu.yield
    }) : () -> ()
    %mul3A_95 = arith.constant 80 : i32
    %mul3A_96 = arith.muli %arg1, %mul3A_95 : i32
    %scan3A_97 = arith.constant 0 : i32
    %scan3A_98 = arith.constant 0 : i32
    %scan3A_99 = arith.constant 5 : i32
    %scan3A_100 = arith.addi %scan3A_98, %scan3A_99 : i32
    %scan3A_101 = arith.constant 1 : i32
    scf.for %scan3A_258 = %scan3A_98 to %scan3A_100 step %scan3A_101  : i32 {
      %mul3A_259 = arith.constant 16 : i32
      %mul3A_260 = arith.muli %scan3A_258, %mul3A_259 : i32
      %add3A_261 = arith.addi %mul3A_96, %mul3A_260 : i32
      %add3A_262 = vector.broadcast %add3A_261 : i32 to vector<16xi32>
      %add3A_263 = arith.addi %add3A_262, %iota3A : vector<16xi32>
      %mul3A_264 = arith.constant 16 : i32
      %mul3A_265 = arith.muli %scan3A_258, %mul3A_264 : i32
      %swap3A = arith.constant 0 : i32
      %swap3A_266 = arith.index_cast %swap3A : i32 to index
      %swap3A_267 = arith.index_cast %mul3A_265 : i32 to index
      %swap3A_268 = tpu.vector_load %arg12[%swap3A_266, %swap3A_267] {strides = array<i32>} : memref<1x80xi32, #tpu.memory_space<vmem>>, vector<16xi32>,
      tpu.vector_store %arg12[%swap3A_266, %swap3A_267], %add3A_263 {strides = array<i32>} : memref<1x80xi32, #tpu.memory_space<vmem>>, vector<16xi32>,
    }
    %scan3A_102 = arith.constant 5 : i32
    %run_scoped3A_103 = arith.constant 0 : i32
    "tpu.region"() ({
      %run_scoped3A_258 = tpu.sem_alloc : memref<!tpu.dma_semaphore, #tpu.memory_space<semaphore_mem>>
      %dma_start3A = arith.constant 0 : i32
      %dma_start3A_259 = tpu.memref_slice %arg12[%run_scoped3A_103, %dma_start3A] : memref<1x80xi32, #tpu.memory_space<vmem>> -> memref<1x80xi32, #tpu.memory_space<vmem>>
      %dma_start3A_260 = tpu.memref_squeeze %dma_start3A_259 : memref<1x80xi32, #tpu.memory_space<vmem>> -> memref<80xi32, #tpu.memory_space<vmem>>
      %dma_start3A_261 = arith.constant 0 : i32
      %dma_start3A_262 = arith.constant 0 : i32
      %dma_start3A_263 = tpu.memref_slice %arg18[%dma_start3A_261, %dma_start3A_262] : memref<1280x128xf32, #tpu.memory_space<vmem_shared>> -> memref<1280x128xf32, #tpu.memory_space<vmem_shared>>
      tpu.enqueue_indirect_dma source(%arg14 : memref<80x128xf32, #tpu.memory_space<vmem>>) target(%dma_start3A_263 : memref<1280x128xf32, #tpu.memory_space<vmem_shared>>) offsets(%dma_start3A_260 : memref<80xi32, #tpu.memory_space<vmem>>) semaphore(%run_scoped3A_258 : memref<!tpu.dma_semaphore, #tpu.memory_space<semaphore_mem>>)
      %dma_wait3A_264 = arith.constant 0 : i32
      %dma_wait3A_265 = tpu.memref_slice %arg12[%run_scoped3A_103, %dma_wait3A_264] : memref<1x80xi32, #tpu.memory_space<vmem>> -> memref<1x80xi32, #tpu.memory_space<vmem>>
      %dma_wait3A_266 = tpu.memref_squeeze %dma_wait3A_265 : memref<1x80xi32, #tpu.memory_space<vmem>> -> memref<80xi32, #tpu.memory_space<vmem>>
      %dma_wait3A_267 = arith.constant 0 : i32
      %dma_wait3A_268 = arith.constant 0 : i32
      %dma_wait3A_269 = tpu.memref_slice %arg18[%dma_wait3A_267, %dma_wait3A_268] : memref<1280x128xf32, #tpu.memory_space<vmem_shared>> -> memref<1280x128xf32, #tpu.memory_space<vmem_shared>>
      tpu.wait_indirect_dma semaphore(%run_scoped3A_258 : memref<!tpu.dma_semaphore, #tpu.memory_space<semaphore_mem>>) src(%arg14 : memref<80x128xf32, #tpu.memory_space<vmem>>) dst(%dma_wait3A_269 : memref<1280x128xf32, #tpu.memory_space<vmem_shared>>)
      tpu.yield
    }) : () -> ()
    %eq3A = arith.constant 15 : i32
    %eq3A_104 = arith.cmpi eq, %arg1, %eq3A : i32
    %convert_element_type3A = arith.extui %eq3A_104 : i1 to i32
    %cond3A = arith.constant 0 : i32
    %cond3A_105 = arith.cmpi ne, %convert_element_type3A, %cond3A : i32
    scf.if %cond3A_105 {
      %scan3A_258 = arith.constant 0 : i32
      %scan3A_259 = arith.constant 0 : i32
      %scan3A_260 = arith.constant 5 : i32
      %scan3A_261 = arith.addi %scan3A_259, %scan3A_260 : i32
      %scan3A_262 = arith.constant 1 : i32
      scf.for %scan3A_265 = %scan3A_259 to %scan3A_261 step %scan3A_262  : i32 {
        %mul3A_266 = arith.constant 16 : i32
        %mul3A_267 = arith.muli %scan3A_265, %mul3A_266 : i32
        %add3A_268 = arith.constant 9920 : i32
        %add3A_269 = arith.addi %add3A_268, %mul3A_267 : i32
        %add3A_270 = vector.broadcast %add3A_269 : i32 to vector<16xi32>
        %add3A_271 = arith.addi %add3A_270, %iota3A : vector<16xi32>
        %mul3A_272 = arith.constant 16 : i32
        %mul3A_273 = arith.muli %scan3A_265, %mul3A_272 : i32
        %swap3A = arith.constant 0 : i32
        %swap3A_274 = arith.index_cast %swap3A : i32 to index
        %swap3A_275 = arith.index_cast %mul3A_273 : i32 to index
        %swap3A_276 = tpu.vector_load %arg12[%swap3A_274, %swap3A_275] {strides = array<i32>} : memref<1x80xi32, #tpu.memory_space<vmem>>, vector<16xi32>,
        tpu.vector_store %arg12[%swap3A_274, %swap3A_275], %add3A_271 {strides = array<i32>} : memref<1x80xi32, #tpu.memory_space<vmem>>, vector<16xi32>,
      }
      %scan3A_263 = arith.constant 5 : i32
      %run_scoped3A_264 = arith.constant 0 : i32
      "tpu.region"() ({
        %run_scoped3A_265 = tpu.sem_alloc : memref<!tpu.dma_semaphore, #tpu.memory_space<semaphore_mem>>
        %dma_start3A = arith.constant 0 : i32
        %dma_start3A_266 = tpu.memref_slice %arg12[%run_scoped3A_264, %dma_start3A] : memref<1x80xi32, #tpu.memory_space<vmem>> -> memref<1x80xi32, #tpu.memory_space<vmem>>
        %dma_start3A_267 = tpu.memref_squeeze %dma_start3A_266 : memref<1x80xi32, #tpu.memory_space<vmem>> -> memref<80xi32, #tpu.memory_space<vmem>>
        %dma_start3A_268 = arith.constant 0 : i32
        %dma_start3A_269 = arith.constant 0 : i32
        %dma_start3A_270 = tpu.memref_slice %arg17[%dma_start3A_268, %dma_start3A_269] : memref<10000x128xf32, #tpu.memory_space<vmem_shared>> -> memref<10000x128xf32, #tpu.memory_space<vmem_shared>>
        tpu.enqueue_indirect_dma source(%arg14 : memref<80x128xf32, #tpu.memory_space<vmem>>) target(%dma_start3A_270 : memref<10000x128xf32, #tpu.memory_space<vmem_shared>>) offsets(%dma_start3A_267 : memref<80xi32, #tpu.memory_space<vmem>>) semaphore(%run_scoped3A_265 : memref<!tpu.dma_semaphore, #tpu.memory_space<semaphore_mem>>)
        %dma_wait3A_271 = arith.constant 0 : i32
        %dma_wait3A_272 = tpu.memref_slice %arg12[%run_scoped3A_264, %dma_wait3A_271] : memref<1x80xi32, #tpu.memory_space<vmem>> -> memref<1x80xi32, #tpu.memory_space<vmem>>
        %dma_wait3A_273 = tpu.memref_squeeze %dma_wait3A_272 : memref<1x80xi32, #tpu.memory_space<vmem>> -> memref<80xi32, #tpu.memory_space<vmem>>
        %dma_wait3A_274 = arith.constant 0 : i32
        %dma_wait3A_275 = arith.constant 0 : i32
        %dma_wait3A_276 = tpu.memref_slice %arg17[%dma_wait3A_274, %dma_wait3A_275] : memref<10000x128xf32, #tpu.memory_space<vmem_shared>> -> memref<10000x128xf32, #tpu.memory_space<vmem_shared>>
        tpu.wait_indirect_dma semaphore(%run_scoped3A_265 : memref<!tpu.dma_semaphore, #tpu.memory_space<semaphore_mem>>) src(%arg14 : memref<80x128xf32, #tpu.memory_space<vmem>>) dst(%dma_wait3A_276 : memref<10000x128xf32, #tpu.memory_space<vmem_shared>>)
        tpu.yield
      }) : () -> ()
    } else {
    }
    %barrier3A = arith.constant 0 : index
    tpu.barrier barrier_id(%barrier3A)
    %scan3A_106 = arith.constant 0 : i32
    %scan3A_107 = arith.constant 0 : i32
    %scan3A_108 = arith.constant 125 : i32
    %scan3A_109 = arith.addi %scan3A_107, %scan3A_108 : i32
    %scan3A_110 = arith.constant 1 : i32
    scf.for %scan3A_258 = %scan3A_107 to %scan3A_109 step %scan3A_110  : i32 {
      %mul3A_259 = arith.constant 80 : i32
      %mul3A_260 = arith.muli %scan3A_258, %mul3A_259 : i32
      %add3A_261 = arith.addi %mul3A_2, %mul3A_260 : i32
      %dma_start3A = arith.constant 0 : i32
      %dma_start3A_262 = arith.constant 0 : i32
      %dma_start3A_263 = tpu.memref_slice %arg10[%dma_start3A, %dma_start3A_262] : memref<1x80xi32, #tpu.memory_space<vmem>> -> memref<1x80xi32, #tpu.memory_space<vmem>>
      %dma_start3A_264 = tpu.memref_squeeze %dma_start3A_263 : memref<1x80xi32, #tpu.memory_space<vmem>> -> memref<80xi32, #tpu.memory_space<vmem>>
      %dma_start3A_265 = tpu.memref_slice %arg5[%add3A_261] : memref<320000xi32, #tpu.memory_space<hbm>> -> memref<80xi32, #tpu.memory_space<hbm>>
      %dma_start3A_266 = arith.constant 0 : i32
      %dma_start3A_267 = tpu.memref_slice %arg10[%dma_start3A, %dma_start3A_266] : memref<1x80xi32, #tpu.memory_space<vmem>> -> memref<1x80xi32, #tpu.memory_space<vmem>>
      %dma_start3A_268 = tpu.memref_squeeze %dma_start3A_267 : memref<1x80xi32, #tpu.memory_space<vmem>> -> memref<80xi32, #tpu.memory_space<vmem>>
      %dma_start3A_269 = tpu.memref_slice %arg5[%add3A_261] : memref<320000xi32, #tpu.memory_space<hbm>> -> memref<80xi32, #tpu.memory_space<hbm>>
      tpu.enqueue_dma source(%dma_start3A_269 : memref<80xi32, #tpu.memory_space<hbm>>) target(%dma_start3A_268 : memref<80xi32, #tpu.memory_space<vmem>>) target_semaphore(%arg19 : memref<!tpu.dma_semaphore, #tpu.memory_space<semaphore_mem>>)
      %dma_start3A_270 = arith.constant 0 : i32
      %dma_start3A_271 = arith.constant 0 : i32
      %dma_start3A_272 = tpu.memref_slice %arg11[%dma_start3A_270, %dma_start3A_271] : memref<1x80xi32, #tpu.memory_space<vmem>> -> memref<1x80xi32, #tpu.memory_space<vmem>>
      %dma_start3A_273 = tpu.memref_squeeze %dma_start3A_272 : memref<1x80xi32, #tpu.memory_space<vmem>> -> memref<80xi32, #tpu.memory_space<vmem>>
      %dma_start3A_274 = tpu.memref_slice %arg6[%add3A_261] : memref<320000xi32, #tpu.memory_space<hbm>> -> memref<80xi32, #tpu.memory_space<hbm>>
      %dma_start3A_275 = arith.constant 0 : i32
      %dma_start3A_276 = tpu.memref_slice %arg11[%dma_start3A_270, %dma_start3A_275] : memref<1x80xi32, #tpu.memory_space<vmem>> -> memref<1x80xi32, #tpu.memory_space<vmem>>
      %dma_start3A_277 = tpu.memref_squeeze %dma_start3A_276 : memref<1x80xi32, #tpu.memory_space<vmem>> -> memref<80xi32, #tpu.memory_space<vmem>>
      %dma_start3A_278 = tpu.memref_slice %arg6[%add3A_261] : memref<320000xi32, #tpu.memory_space<hbm>> -> memref<80xi32, #tpu.memory_space<hbm>>
      tpu.enqueue_dma source(%dma_start3A_278 : memref<80xi32, #tpu.memory_space<hbm>>) target(%dma_start3A_277 : memref<80xi32, #tpu.memory_space<vmem>>) target_semaphore(%arg20 : memref<!tpu.dma_semaphore, #tpu.memory_space<semaphore_mem>>)
      %dma_start3A_279 = arith.constant 0 : i32
      %dma_start3A_280 = tpu.memref_slice %arg7[%add3A_261, %dma_start3A_279] : memref<320000x128xf32, #tpu.memory_space<hbm>> -> memref<80x128xf32, #tpu.memory_space<hbm>>
      %dma_start3A_281 = arith.constant 0 : i32
      %dma_start3A_282 = tpu.memref_slice %arg7[%add3A_261, %dma_start3A_281] : memref<320000x128xf32, #tpu.memory_space<hbm>> -> memref<80x128xf32, #tpu.memory_space<hbm>>
      tpu.enqueue_dma source(%dma_start3A_282 : memref<80x128xf32, #tpu.memory_space<hbm>>) target(%arg15 : memref<80x128xf32, #tpu.memory_space<vmem>>) target_semaphore(%arg21 : memref<!tpu.dma_semaphore, #tpu.memory_space<semaphore_mem>>)
      %gt3A = arith.constant 0 : i32
      %gt3A_283 = arith.cmpi sgt, %scan3A_258, %gt3A : i32
      %convert_element_type3A_284 = arith.extui %gt3A_283 : i1 to i32
      %cond3A_285 = arith.constant 0 : i32
      %cond3A_286 = arith.cmpi ne, %convert_element_type3A_284, %cond3A_285 : i32
      scf.if %cond3A_286 {
        %dma_wait3A_357 = arith.constant 0 : i32
        %dma_wait3A_358 = arith.constant 0 : i32
        %dma_wait3A_359 = tpu.memref_slice %arg11[%dma_wait3A_357, %dma_wait3A_358] : memref<1x80xi32, #tpu.memory_space<vmem>> -> memref<1x80xi32, #tpu.memory_space<vmem>>
        %dma_wait3A_360 = tpu.memref_squeeze %dma_wait3A_359 : memref<1x80xi32, #tpu.memory_space<vmem>> -> memref<80xi32, #tpu.memory_space<vmem>>
        %dma_wait3A_361 = arith.constant 0 : i32
        %dma_wait3A_362 = arith.constant 0 : i32
        %dma_wait3A_363 = tpu.memref_slice %arg17[%dma_wait3A_361, %dma_wait3A_362] : memref<10000x128xf32, #tpu.memory_space<vmem_shared>> -> memref<10000x128xf32, #tpu.memory_space<vmem_shared>>
        tpu.wait_indirect_dma semaphore(%arg22 : memref<!tpu.dma_semaphore, #tpu.memory_space<semaphore_mem>>) src(%arg14 : memref<80x128xf32, #tpu.memory_space<vmem>>) dst(%dma_wait3A_363 : memref<10000x128xf32, #tpu.memory_space<vmem_shared>>)
        %dma_wait3A_364 = arith.constant 0 : i32
        %dma_wait3A_365 = arith.constant 0 : i32
        %dma_wait3A_366 = tpu.memref_slice %arg12[%dma_wait3A_364, %dma_wait3A_365] : memref<1x80xi32, #tpu.memory_space<vmem>> -> memref<1x80xi32, #tpu.memory_space<vmem>>
        %dma_wait3A_367 = tpu.memref_squeeze %dma_wait3A_366 : memref<1x80xi32, #tpu.memory_space<vmem>> -> memref<80xi32, #tpu.memory_space<vmem>>
        %dma_wait3A_368 = arith.constant 0 : i32
        %dma_wait3A_369 = arith.constant 0 : i32
        %dma_wait3A_370 = tpu.memref_slice %arg18[%dma_wait3A_368, %dma_wait3A_369] : memref<1280x128xf32, #tpu.memory_space<vmem_shared>> -> memref<1280x128xf32, #tpu.memory_space<vmem_shared>>
        tpu.wait_indirect_dma semaphore(%arg23 : memref<!tpu.dma_semaphore, #tpu.memory_space<semaphore_mem>>) src(%arg16 : memref<80x128xf32, #tpu.memory_space<vmem>>) dst(%dma_wait3A_370 : memref<1280x128xf32, #tpu.memory_space<vmem_shared>>)
      } else {
      }
      %dma_wait3A_287 = arith.constant 0 : i32
      %dma_wait3A_288 = arith.constant 0 : i32
      %dma_wait3A_289 = tpu.memref_slice %arg10[%dma_wait3A_287, %dma_wait3A_288] : memref<1x80xi32, #tpu.memory_space<vmem>> -> memref<1x80xi32, #tpu.memory_space<vmem>>
      %dma_wait3A_290 = tpu.memref_squeeze %dma_wait3A_289 : memref<1x80xi32, #tpu.memory_space<vmem>> -> memref<80xi32, #tpu.memory_space<vmem>>
      %dma_wait3A_291 = tpu.memref_slice %arg5[%add3A_261] : memref<320000xi32, #tpu.memory_space<hbm>> -> memref<80xi32, #tpu.memory_space<hbm>>
      %dma_wait3A_292 = arith.constant 0 : i32
      %dma_wait3A_293 = tpu.memref_slice %arg10[%dma_wait3A_287, %dma_wait3A_292] : memref<1x80xi32, #tpu.memory_space<vmem>> -> memref<1x80xi32, #tpu.memory_space<vmem>>
      %dma_wait3A_294 = tpu.memref_squeeze %dma_wait3A_293 : memref<1x80xi32, #tpu.memory_space<vmem>> -> memref<80xi32, #tpu.memory_space<vmem>>
      %dma_wait3A_295 = tpu.memref_slice %arg5[%add3A_261] : memref<320000xi32, #tpu.memory_space<hbm>> -> memref<80xi32, #tpu.memory_space<hbm>>
      tpu.wait_dma2 semaphore(%arg19 : memref<!tpu.dma_semaphore, #tpu.memory_space<semaphore_mem>>) src(%dma_wait3A_295 : memref<80xi32, #tpu.memory_space<hbm>>) dst(%dma_wait3A_294 : memref<80xi32, #tpu.memory_space<vmem>>)
      %dma_start3A_296 = arith.constant 0 : i32
      %dma_start3A_297 = arith.constant 0 : i32
      %dma_start3A_298 = tpu.memref_slice %arg10[%dma_start3A_296, %dma_start3A_297] : memref<1x80xi32, #tpu.memory_space<vmem>> -> memref<1x80xi32, #tpu.memory_space<vmem>>
      %dma_start3A_299 = tpu.memref_squeeze %dma_start3A_298 : memref<1x80xi32, #tpu.memory_space<vmem>> -> memref<80xi32, #tpu.memory_space<vmem>>
      %dma_start3A_300 = arith.constant 0 : i32
      %dma_start3A_301 = arith.constant 0 : i32
      %dma_start3A_302 = tpu.memref_slice %arg3[%dma_start3A_300, %dma_start3A_301] : memref<10000x128xf32, #tpu.memory_space<hbm>> -> memref<10000x128xf32, #tpu.memory_space<hbm>>
      tpu.enqueue_indirect_dma source(%dma_start3A_302 : memref<10000x128xf32, #tpu.memory_space<hbm>>) target(%arg14 : memref<80x128xf32, #tpu.memory_space<vmem>>) offsets(%dma_start3A_299 : memref<80xi32, #tpu.memory_space<vmem>>) semaphore(%arg19 : memref<!tpu.dma_semaphore, #tpu.memory_space<semaphore_mem>>)
      %dma_wait3A_303 = arith.constant 0 : i32
      %dma_wait3A_304 = tpu.memref_slice %arg7[%add3A_261, %dma_wait3A_303] : memref<320000x128xf32, #tpu.memory_space<hbm>> -> memref<80x128xf32, #tpu.memory_space<hbm>>
      %dma_wait3A_305 = arith.constant 0 : i32
      %dma_wait3A_306 = tpu.memref_slice %arg7[%add3A_261, %dma_wait3A_305] : memref<320000x128xf32, #tpu.memory_space<hbm>> -> memref<80x128xf32, #tpu.memory_space<hbm>>
      tpu.wait_dma2 semaphore(%arg21 : memref<!tpu.dma_semaphore, #tpu.memory_space<semaphore_mem>>) src(%dma_wait3A_306 : memref<80x128xf32, #tpu.memory_space<hbm>>) dst(%arg15 : memref<80x128xf32, #tpu.memory_space<vmem>>)
      %dma_wait3A_307 = arith.constant 0 : i32
      %dma_wait3A_308 = arith.constant 0 : i32
      %dma_wait3A_309 = tpu.memref_slice %arg10[%dma_wait3A_307, %dma_wait3A_308] : memref<1x80xi32, #tpu.memory_space<vmem>> -> memref<1x80xi32, #tpu.memory_space<vmem>>
      %dma_wait3A_310 = tpu.memref_squeeze %dma_wait3A_309 : memref<1x80xi32, #tpu.memory_space<vmem>> -> memref<80xi32, #tpu.memory_space<vmem>>
      %dma_wait3A_311 = arith.constant 0 : i32
      %dma_wait3A_312 = arith.constant 0 : i32
      %dma_wait3A_313 = tpu.memref_slice %arg3[%dma_wait3A_311, %dma_wait3A_312] : memref<10000x128xf32, #tpu.memory_space<hbm>> -> memref<10000x128xf32, #tpu.memory_space<hbm>>
      tpu.wait_indirect_dma semaphore(%arg19 : memref<!tpu.dma_semaphore, #tpu.memory_space<semaphore_mem>>) src(%dma_wait3A_313 : memref<10000x128xf32, #tpu.memory_space<hbm>>) dst(%arg14 : memref<80x128xf32, #tpu.memory_space<vmem>>)
      %scan3A_314 = arith.constant 0 : i32
      %scan3A_315 = arith.constant 0 : i32
      %scan3A_316 = arith.constant 80 : i32
      %scan3A_317 = arith.addi %scan3A_315, %scan3A_316 : i32
      %scan3A_318 = arith.constant 1 : i32
      scf.for %scan3A_357 = %scan3A_315 to %scan3A_317 step %scan3A_318  : i32 {
        %get3A = arith.index_cast %scan3A_357 : i32 to index
        %get3A_358 = arith.constant 0 : index
        %get3A_359 = tpu.vector_load %arg15[%get3A, %get3A_358] {strides = array<i32>} : memref<80x128xf32, #tpu.memory_space<vmem>>, vector<16xf32>,
        %get3A_360 = arith.index_cast %scan3A_357 : i32 to index
        %get3A_361 = arith.constant 0 : index
        %get3A_362 = tpu.vector_load %arg14[%get3A_360, %get3A_361] {strides = array<i32>} : memref<80x128xf32, #tpu.memory_space<vmem>>, vector<16xf32>,
        %add3A_363 = arith.addf %get3A_359, %get3A_362 : vector<16xf32>
        %swap3A = arith.index_cast %scan3A_357 : i32 to index
        %swap3A_364 = arith.constant 0 : index
        %swap3A_365 = tpu.vector_load %arg15[%swap3A, %swap3A_364] {strides = array<i32>} : memref<80x128xf32, #tpu.memory_space<vmem>>, vector<16xf32>,
        tpu.vector_store %arg15[%swap3A, %swap3A_364], %add3A_363 {strides = array<i32>} : memref<80x128xf32, #tpu.memory_space<vmem>>, vector<16xf32>,
        %get3A_366 = arith.index_cast %scan3A_357 : i32 to index
        %get3A_367 = arith.constant 16 : index
        %get3A_368 = tpu.vector_load %arg15[%get3A_366, %get3A_367] {strides = array<i32>} : memref<80x128xf32, #tpu.memory_space<vmem>>, vector<16xf32>,
        %get3A_369 = arith.index_cast %scan3A_357 : i32 to index
        %get3A_370 = arith.constant 16 : index
        %get3A_371 = tpu.vector_load %arg14[%get3A_369, %get3A_370] {strides = array<i32>} : memref<80x128xf32, #tpu.memory_space<vmem>>, vector<16xf32>,
        %add3A_372 = arith.addf %get3A_368, %get3A_371 : vector<16xf32>
        %swap3A_373 = arith.index_cast %scan3A_357 : i32 to index
        %swap3A_374 = arith.constant 16 : index
        %swap3A_375 = tpu.vector_load %arg15[%swap3A_373, %swap3A_374] {strides = array<i32>} : memref<80x128xf32, #tpu.memory_space<vmem>>, vector<16xf32>,
        tpu.vector_store %arg15[%swap3A_373, %swap3A_374], %add3A_372 {strides = array<i32>} : memref<80x128xf32, #tpu.memory_space<vmem>>, vector<16xf32>,
        %get3A_376 = arith.index_cast %scan3A_357 : i32 to index
        %get3A_377 = arith.constant 32 : index
        %get3A_378 = tpu.vector_load %arg15[%get3A_376, %get3A_377] {strides = array<i32>} : memref<80x128xf32, #tpu.memory_space<vmem>>, vector<16xf32>,
        %get3A_379 = arith.index_cast %scan3A_357 : i32 to index
        %get3A_380 = arith.constant 32 : index
        %get3A_381 = tpu.vector_load %arg14[%get3A_379, %get3A_380] {strides = array<i32>} : memref<80x128xf32, #tpu.memory_space<vmem>>, vector<16xf32>,
        %add3A_382 = arith.addf %get3A_378, %get3A_381 : vector<16xf32>
        %swap3A_383 = arith.index_cast %scan3A_357 : i32 to index
        %swap3A_384 = arith.constant 32 : index
        %swap3A_385 = tpu.vector_load %arg15[%swap3A_383, %swap3A_384] {strides = array<i32>} : memref<80x128xf32, #tpu.memory_space<vmem>>, vector<16xf32>,
        tpu.vector_store %arg15[%swap3A_383, %swap3A_384], %add3A_382 {strides = array<i32>} : memref<80x128xf32, #tpu.memory_space<vmem>>, vector<16xf32>,
        %get3A_386 = arith.index_cast %scan3A_357 : i32 to index
        %get3A_387 = arith.constant 48 : index
        %get3A_388 = tpu.vector_load %arg15[%get3A_386, %get3A_387] {strides = array<i32>} : memref<80x128xf32, #tpu.memory_space<vmem>>, vector<16xf32>,
        %get3A_389 = arith.index_cast %scan3A_357 : i32 to index
        %get3A_390 = arith.constant 48 : index
        %get3A_391 = tpu.vector_load %arg14[%get3A_389, %get3A_390] {strides = array<i32>} : memref<80x128xf32, #tpu.memory_space<vmem>>, vector<16xf32>,
        %add3A_392 = arith.addf %get3A_388, %get3A_391 : vector<16xf32>
        %swap3A_393 = arith.index_cast %scan3A_357 : i32 to index
        %swap3A_394 = arith.constant 48 : index
        %swap3A_395 = tpu.vector_load %arg15[%swap3A_393, %swap3A_394] {strides = array<i32>} : memref<80x128xf32, #tpu.memory_space<vmem>>, vector<16xf32>,
        tpu.vector_store %arg15[%swap3A_393, %swap3A_394], %add3A_392 {strides = array<i32>} : memref<80x128xf32, #tpu.memory_space<vmem>>, vector<16xf32>,
        %get3A_396 = arith.index_cast %scan3A_357 : i32 to index
        %get3A_397 = arith.constant 64 : index
        %get3A_398 = tpu.vector_load %arg15[%get3A_396, %get3A_397] {strides = array<i32>} : memref<80x128xf32, #tpu.memory_space<vmem>>, vector<16xf32>,
        %get3A_399 = arith.index_cast %scan3A_357 : i32 to index
        %get3A_400 = arith.constant 64 : index
        %get3A_401 = tpu.vector_load %arg14[%get3A_399, %get3A_400] {strides = array<i32>} : memref<80x128xf32, #tpu.memory_space<vmem>>, vector<16xf32>,
        %add3A_402 = arith.addf %get3A_398, %get3A_401 : vector<16xf32>
        %swap3A_403 = arith.index_cast %scan3A_357 : i32 to index
        %swap3A_404 = arith.constant 64 : index
        %swap3A_405 = tpu.vector_load %arg15[%swap3A_403, %swap3A_404] {strides = array<i32>} : memref<80x128xf32, #tpu.memory_space<vmem>>, vector<16xf32>,
        tpu.vector_store %arg15[%swap3A_403, %swap3A_404], %add3A_402 {strides = array<i32>} : memref<80x128xf32, #tpu.memory_space<vmem>>, vector<16xf32>,
        %get3A_406 = arith.index_cast %scan3A_357 : i32 to index
        %get3A_407 = arith.constant 80 : index
        %get3A_408 = tpu.vector_load %arg15[%get3A_406, %get3A_407] {strides = array<i32>} : memref<80x128xf32, #tpu.memory_space<vmem>>, vector<16xf32>,
        %get3A_409 = arith.index_cast %scan3A_357 : i32 to index
        %get3A_410 = arith.constant 80 : index
        %get3A_411 = tpu.vector_load %arg14[%get3A_409, %get3A_410] {strides = array<i32>} : memref<80x128xf32, #tpu.memory_space<vmem>>, vector<16xf32>,
        %add3A_412 = arith.addf %get3A_408, %get3A_411 : vector<16xf32>
        %swap3A_413 = arith.index_cast %scan3A_357 : i32 to index
        %swap3A_414 = arith.constant 80 : index
        %swap3A_415 = tpu.vector_load %arg15[%swap3A_413, %swap3A_414] {strides = array<i32>} : memref<80x128xf32, #tpu.memory_space<vmem>>, vector<16xf32>,
        tpu.vector_store %arg15[%swap3A_413, %swap3A_414], %add3A_412 {strides = array<i32>} : memref<80x128xf32, #tpu.memory_space<vmem>>, vector<16xf32>,
        %get3A_416 = arith.index_cast %scan3A_357 : i32 to index
        %get3A_417 = arith.constant 96 : index
        %get3A_418 = tpu.vector_load %arg15[%get3A_416, %get3A_417] {strides = array<i32>} : memref<80x128xf32, #tpu.memory_space<vmem>>, vector<16xf32>,
        %get3A_419 = arith.index_cast %scan3A_357 : i32 to index
        %get3A_420 = arith.constant 96 : index
        %get3A_421 = tpu.vector_load %arg14[%get3A_419, %get3A_420] {strides = array<i32>} : memref<80x128xf32, #tpu.memory_space<vmem>>, vector<16xf32>,
        %add3A_422 = arith.addf %get3A_418, %get3A_421 : vector<16xf32>
        %swap3A_423 = arith.index_cast %scan3A_357 : i32 to index
        %swap3A_424 = arith.constant 96 : index
        %swap3A_425 = tpu.vector_load %arg15[%swap3A_423, %swap3A_424] {strides = array<i32>} : memref<80x128xf32, #tpu.memory_space<vmem>>, vector<16xf32>,
        tpu.vector_store %arg15[%swap3A_423, %swap3A_424], %add3A_422 {strides = array<i32>} : memref<80x128xf32, #tpu.memory_space<vmem>>, vector<16xf32>,
        %get3A_426 = arith.index_cast %scan3A_357 : i32 to index
        %get3A_427 = arith.constant 112 : index
        %get3A_428 = tpu.vector_load %arg15[%get3A_426, %get3A_427] {strides = array<i32>} : memref<80x128xf32, #tpu.memory_space<vmem>>, vector<16xf32>,
        %get3A_429 = arith.index_cast %scan3A_357 : i32 to index
        %get3A_430 = arith.constant 112 : index
        %get3A_431 = tpu.vector_load %arg14[%get3A_429, %get3A_430] {strides = array<i32>} : memref<80x128xf32, #tpu.memory_space<vmem>>, vector<16xf32>,
        %add3A_432 = arith.addf %get3A_428, %get3A_431 : vector<16xf32>
        %swap3A_433 = arith.index_cast %scan3A_357 : i32 to index
        %swap3A_434 = arith.constant 112 : index
        %swap3A_435 = tpu.vector_load %arg15[%swap3A_433, %swap3A_434] {strides = array<i32>} : memref<80x128xf32, #tpu.memory_space<vmem>>, vector<16xf32>,
        tpu.vector_store %arg15[%swap3A_433, %swap3A_434], %add3A_432 {strides = array<i32>} : memref<80x128xf32, #tpu.memory_space<vmem>>, vector<16xf32>,
      }
      %scan3A_319 = arith.constant 80 : i32
      %dma_wait3A_320 = arith.constant 0 : i32
      %dma_wait3A_321 = arith.constant 0 : i32
      %dma_wait3A_322 = tpu.memref_slice %arg11[%dma_wait3A_320, %dma_wait3A_321] : memref<1x80xi32, #tpu.memory_space<vmem>> -> memref<1x80xi32, #tpu.memory_space<vmem>>
      %dma_wait3A_323 = tpu.memref_squeeze %dma_wait3A_322 : memref<1x80xi32, #tpu.memory_space<vmem>> -> memref<80xi32, #tpu.memory_space<vmem>>
      %dma_wait3A_324 = tpu.memref_slice %arg6[%add3A_261] : memref<320000xi32, #tpu.memory_space<hbm>> -> memref<80xi32, #tpu.memory_space<hbm>>
      %dma_wait3A_325 = arith.constant 0 : i32
      %dma_wait3A_326 = tpu.memref_slice %arg11[%dma_wait3A_320, %dma_wait3A_325] : memref<1x80xi32, #tpu.memory_space<vmem>> -> memref<1x80xi32, #tpu.memory_space<vmem>>
      %dma_wait3A_327 = tpu.memref_squeeze %dma_wait3A_326 : memref<1x80xi32, #tpu.memory_space<vmem>> -> memref<80xi32, #tpu.memory_space<vmem>>
      %dma_wait3A_328 = tpu.memref_slice %arg6[%add3A_261] : memref<320000xi32, #tpu.memory_space<hbm>> -> memref<80xi32, #tpu.memory_space<hbm>>
      tpu.wait_dma2 semaphore(%arg20 : memref<!tpu.dma_semaphore, #tpu.memory_space<semaphore_mem>>) src(%dma_wait3A_328 : memref<80xi32, #tpu.memory_space<hbm>>) dst(%dma_wait3A_327 : memref<80xi32, #tpu.memory_space<vmem>>)
      %run_scoped3A_329 = arith.constant 0 : i32
      "tpu.region"() ({
        %run_scoped3A_357 = tpu.sem_alloc : memref<!tpu.dma_semaphore, #tpu.memory_space<semaphore_mem>>
        %dma_start3A_358 = arith.constant 0 : i32
        %dma_start3A_359 = tpu.memref_slice %arg11[%run_scoped3A_329, %dma_start3A_358] : memref<1x80xi32, #tpu.memory_space<vmem>> -> memref<1x80xi32, #tpu.memory_space<vmem>>
        %dma_start3A_360 = tpu.memref_squeeze %dma_start3A_359 : memref<1x80xi32, #tpu.memory_space<vmem>> -> memref<80xi32, #tpu.memory_space<vmem>>
        %dma_start3A_361 = arith.constant 0 : i32
        %dma_start3A_362 = arith.constant 0 : i32
        %dma_start3A_363 = tpu.memref_slice %arg2[%dma_start3A_361, %dma_start3A_362] : memref<10000x128xf32, #tpu.memory_space<hbm>> -> memref<10000x128xf32, #tpu.memory_space<hbm>>
        tpu.enqueue_indirect_dma source(%dma_start3A_363 : memref<10000x128xf32, #tpu.memory_space<hbm>>) target(%arg14 : memref<80x128xf32, #tpu.memory_space<vmem>>) offsets(%dma_start3A_360 : memref<80xi32, #tpu.memory_space<vmem>>) semaphore(%run_scoped3A_357 : memref<!tpu.dma_semaphore, #tpu.memory_space<semaphore_mem>>)
        %dma_wait3A_364 = arith.constant 0 : i32
        %dma_wait3A_365 = tpu.memref_slice %arg11[%run_scoped3A_329, %dma_wait3A_364] : memref<1x80xi32, #tpu.memory_space<vmem>> -> memref<1x80xi32, #tpu.memory_space<vmem>>
        %dma_wait3A_366 = tpu.memref_squeeze %dma_wait3A_365 : memref<1x80xi32, #tpu.memory_space<vmem>> -> memref<80xi32, #tpu.memory_space<vmem>>
        %dma_wait3A_367 = arith.constant 0 : i32
        %dma_wait3A_368 = arith.constant 0 : i32
        %dma_wait3A_369 = tpu.memref_slice %arg2[%dma_wait3A_367, %dma_wait3A_368] : memref<10000x128xf32, #tpu.memory_space<hbm>> -> memref<10000x128xf32, #tpu.memory_space<hbm>>
        tpu.wait_indirect_dma semaphore(%run_scoped3A_357 : memref<!tpu.dma_semaphore, #tpu.memory_space<semaphore_mem>>) src(%dma_wait3A_369 : memref<10000x128xf32, #tpu.memory_space<hbm>>) dst(%arg14 : memref<80x128xf32, #tpu.memory_space<vmem>>)
        tpu.yield
      }) : () -> ()
      %scan3A_330 = arith.constant 0 : i32
      %scan3A_331 = arith.constant 0 : i32
      %scan3A_332 = arith.constant 5 : i32
      %scan3A_333 = arith.addi %scan3A_331, %scan3A_332 : i32
      %scan3A_334 = arith.constant 1 : i32
      scf.for %scan3A_357 = %scan3A_331 to %scan3A_333 step %scan3A_334  : i32 {
        %mul3A_358 = arith.constant 16 : i32
        %mul3A_359 = arith.muli %scan3A_357, %mul3A_358 : i32
        %add3A_360 = vector.broadcast %mul3A_359 : i32 to vector<16xi32>
        %add3A_361 = arith.addi %add3A_360, %iota3A : vector<16xi32>
        %broadcast_in_dim3A = arith.constant 0.000000e+00 : f32
        %broadcast_in_dim3A_362 = vector.broadcast %broadcast_in_dim3A : f32 to vector<16xf32>
        %scan3A_363 = arith.constant 0 : i32
        %scan3A_364 = arith.constant 128 : i32
        %scan3A_365 = arith.addi %scan3A_363, %scan3A_364 : i32
        %scan3A_366 = arith.constant 16 : i32
        %scan3A_367 = scf.for %scan3A_1334 = %scan3A_363 to %scan3A_365 step %scan3A_366 iter_args(%scan3A_1335 = %broadcast_in_dim3A_362) -> (vector<16xf32>)  : i32 {
          %broadcast_in_dim3A_1336 = arith.constant 0 : i32
          %broadcast_in_dim3A_1337 = vector.broadcast %broadcast_in_dim3A_1336 : i32 to vector<16xi32>
          %add3A_1338 = vector.broadcast %scan3A_1334 : i32 to vector<16xi32>
          %add3A_1339 = arith.addi %broadcast_in_dim3A_1337, %add3A_1338 : vector<16xi32>
          %gather3A = tpu.vector_load_idx %arg14[%add3A_361, %add3A_1339] : memref<80x128xf32, #tpu.memory_space<vmem>>[vector<16xi32>, vector<16xi32>], vector<16xf32>,
          %gather3A_1340 = tpu.vector_load_idx %arg15[%add3A_361, %add3A_1339] : memref<80x128xf32, #tpu.memory_space<vmem>>[vector<16xi32>, vector<16xi32>], vector<16xf32>,
          %mul3A_1341 = arith.mulf %gather3A, %gather3A_1340 : vector<16xf32>
          %add3A_1342 = arith.addf %scan3A_1335, %mul3A_1341 : vector<16xf32>
          %scan3A_1343 = arith.constant 1 : i32
          %scan3A_1344 = arith.addi %scan3A_1334, %scan3A_1343 : i32
          %broadcast_in_dim3A_1345 = arith.constant 0 : i32
          %broadcast_in_dim3A_1346 = vector.broadcast %broadcast_in_dim3A_1345 : i32 to vector<16xi32>
          %add3A_1347 = vector.broadcast %scan3A_1344 : i32 to vector<16xi32>
          %add3A_1348 = arith.addi %broadcast_in_dim3A_1346, %add3A_1347 : vector<16xi32>
          %gather3A_1349 = tpu.vector_load_idx %arg14[%add3A_361, %add3A_1348] : memref<80x128xf32, #tpu.memory_space<vmem>>[vector<16xi32>, vector<16xi32>], vector<16xf32>,
          %gather3A_1350 = tpu.vector_load_idx %arg15[%add3A_361, %add3A_1348] : memref<80x128xf32, #tpu.memory_space<vmem>>[vector<16xi32>, vector<16xi32>], vector<16xf32>,
          %mul3A_1351 = arith.mulf %gather3A_1349, %gather3A_1350 : vector<16xf32>
          %add3A_1352 = arith.addf %add3A_1342, %mul3A_1351 : vector<16xf32>
          %scan3A_1353 = arith.constant 2 : i32
          %scan3A_1354 = arith.addi %scan3A_1334, %scan3A_1353 : i32
          %broadcast_in_dim3A_1355 = arith.constant 0 : i32
          %broadcast_in_dim3A_1356 = vector.broadcast %broadcast_in_dim3A_1355 : i32 to vector<16xi32>
          %add3A_1357 = vector.broadcast %scan3A_1354 : i32 to vector<16xi32>
          %add3A_1358 = arith.addi %broadcast_in_dim3A_1356, %add3A_1357 : vector<16xi32>
          %gather3A_1359 = tpu.vector_load_idx %arg14[%add3A_361, %add3A_1358] : memref<80x128xf32, #tpu.memory_space<vmem>>[vector<16xi32>, vector<16xi32>], vector<16xf32>,
          %gather3A_1360 = tpu.vector_load_idx %arg15[%add3A_361, %add3A_1358] : memref<80x128xf32, #tpu.memory_space<vmem>>[vector<16xi32>, vector<16xi32>], vector<16xf32>,
          %mul3A_1361 = arith.mulf %gather3A_1359, %gather3A_1360 : vector<16xf32>
          %add3A_1362 = arith.addf %add3A_1352, %mul3A_1361 : vector<16xf32>
          %scan3A_1363 = arith.constant 3 : i32
          %scan3A_1364 = arith.addi %scan3A_1334, %scan3A_1363 : i32
          %broadcast_in_dim3A_1365 = arith.constant 0 : i32
          %broadcast_in_dim3A_1366 = vector.broadcast %broadcast_in_dim3A_1365 : i32 to vector<16xi32>
          %add3A_1367 = vector.broadcast %scan3A_1364 : i32 to vector<16xi32>
          %add3A_1368 = arith.addi %broadcast_in_dim3A_1366, %add3A_1367 : vector<16xi32>
          %gather3A_1369 = tpu.vector_load_idx %arg14[%add3A_361, %add3A_1368] : memref<80x128xf32, #tpu.memory_space<vmem>>[vector<16xi32>, vector<16xi32>], vector<16xf32>,
          %gather3A_1370 = tpu.vector_load_idx %arg15[%add3A_361, %add3A_1368] : memref<80x128xf32, #tpu.memory_space<vmem>>[vector<16xi32>, vector<16xi32>], vector<16xf32>,
          %mul3A_1371 = arith.mulf %gather3A_1369, %gather3A_1370 : vector<16xf32>
          %add3A_1372 = arith.addf %add3A_1362, %mul3A_1371 : vector<16xf32>
          %scan3A_1373 = arith.constant 4 : i32
          %scan3A_1374 = arith.addi %scan3A_1334, %scan3A_1373 : i32
          %broadcast_in_dim3A_1375 = arith.constant 0 : i32
          %broadcast_in_dim3A_1376 = vector.broadcast %broadcast_in_dim3A_1375 : i32 to vector<16xi32>
          %add3A_1377 = vector.broadcast %scan3A_1374 : i32 to vector<16xi32>
          %add3A_1378 = arith.addi %broadcast_in_dim3A_1376, %add3A_1377 : vector<16xi32>
          %gather3A_1379 = tpu.vector_load_idx %arg14[%add3A_361, %add3A_1378] : memref<80x128xf32, #tpu.memory_space<vmem>>[vector<16xi32>, vector<16xi32>], vector<16xf32>,
          %gather3A_1380 = tpu.vector_load_idx %arg15[%add3A_361, %add3A_1378] : memref<80x128xf32, #tpu.memory_space<vmem>>[vector<16xi32>, vector<16xi32>], vector<16xf32>,
          %mul3A_1381 = arith.mulf %gather3A_1379, %gather3A_1380 : vector<16xf32>
          %add3A_1382 = arith.addf %add3A_1372, %mul3A_1381 : vector<16xf32>
          %scan3A_1383 = arith.constant 5 : i32
          %scan3A_1384 = arith.addi %scan3A_1334, %scan3A_1383 : i32
          %broadcast_in_dim3A_1385 = arith.constant 0 : i32
          %broadcast_in_dim3A_1386 = vector.broadcast %broadcast_in_dim3A_1385 : i32 to vector<16xi32>
          %add3A_1387 = vector.broadcast %scan3A_1384 : i32 to vector<16xi32>
          %add3A_1388 = arith.addi %broadcast_in_dim3A_1386, %add3A_1387 : vector<16xi32>
          %gather3A_1389 = tpu.vector_load_idx %arg14[%add3A_361, %add3A_1388] : memref<80x128xf32, #tpu.memory_space<vmem>>[vector<16xi32>, vector<16xi32>], vector<16xf32>,
          %gather3A_1390 = tpu.vector_load_idx %arg15[%add3A_361, %add3A_1388] : memref<80x128xf32, #tpu.memory_space<vmem>>[vector<16xi32>, vector<16xi32>], vector<16xf32>,
          %mul3A_1391 = arith.mulf %gather3A_1389, %gather3A_1390 : vector<16xf32>
          %add3A_1392 = arith.addf %add3A_1382, %mul3A_1391 : vector<16xf32>
          %scan3A_1393 = arith.constant 6 : i32
          %scan3A_1394 = arith.addi %scan3A_1334, %scan3A_1393 : i32
          %broadcast_in_dim3A_1395 = arith.constant 0 : i32
          %broadcast_in_dim3A_1396 = vector.broadcast %broadcast_in_dim3A_1395 : i32 to vector<16xi32>
          %add3A_1397 = vector.broadcast %scan3A_1394 : i32 to vector<16xi32>
          %add3A_1398 = arith.addi %broadcast_in_dim3A_1396, %add3A_1397 : vector<16xi32>
          %gather3A_1399 = tpu.vector_load_idx %arg14[%add3A_361, %add3A_1398] : memref<80x128xf32, #tpu.memory_space<vmem>>[vector<16xi32>, vector<16xi32>], vector<16xf32>,
          %gather3A_1400 = tpu.vector_load_idx %arg15[%add3A_361, %add3A_1398] : memref<80x128xf32, #tpu.memory_space<vmem>>[vector<16xi32>, vector<16xi32>], vector<16xf32>,
          %mul3A_1401 = arith.mulf %gather3A_1399, %gather3A_1400 : vector<16xf32>
          %add3A_1402 = arith.addf %add3A_1392, %mul3A_1401 : vector<16xf32>
          %scan3A_1403 = arith.constant 7 : i32
          %scan3A_1404 = arith.addi %scan3A_1334, %scan3A_1403 : i32
          %broadcast_in_dim3A_1405 = arith.constant 0 : i32
          %broadcast_in_dim3A_1406 = vector.broadcast %broadcast_in_dim3A_1405 : i32 to vector<16xi32>
          %add3A_1407 = vector.broadcast %scan3A_1404 : i32 to vector<16xi32>
          %add3A_1408 = arith.addi %broadcast_in_dim3A_1406, %add3A_1407 : vector<16xi32>
          %gather3A_1409 = tpu.vector_load_idx %arg14[%add3A_361, %add3A_1408] : memref<80x128xf32, #tpu.memory_space<vmem>>[vector<16xi32>, vector<16xi32>], vector<16xf32>,
          %gather3A_1410 = tpu.vector_load_idx %arg15[%add3A_361, %add3A_1408] : memref<80x128xf32, #tpu.memory_space<vmem>>[vector<16xi32>, vector<16xi32>], vector<16xf32>,
          %mul3A_1411 = arith.mulf %gather3A_1409, %gather3A_1410 : vector<16xf32>
          %add3A_1412 = arith.addf %add3A_1402, %mul3A_1411 : vector<16xf32>
          %scan3A_1413 = arith.constant 8 : i32
          %scan3A_1414 = arith.addi %scan3A_1334, %scan3A_1413 : i32
          %broadcast_in_dim3A_1415 = arith.constant 0 : i32
          %broadcast_in_dim3A_1416 = vector.broadcast %broadcast_in_dim3A_1415 : i32 to vector<16xi32>
          %add3A_1417 = vector.broadcast %scan3A_1414 : i32 to vector<16xi32>
          %add3A_1418 = arith.addi %broadcast_in_dim3A_1416, %add3A_1417 : vector<16xi32>
          %gather3A_1419 = tpu.vector_load_idx %arg14[%add3A_361, %add3A_1418] : memref<80x128xf32, #tpu.memory_space<vmem>>[vector<16xi32>, vector<16xi32>], vector<16xf32>,
          %gather3A_1420 = tpu.vector_load_idx %arg15[%add3A_361, %add3A_1418] : memref<80x128xf32, #tpu.memory_space<vmem>>[vector<16xi32>, vector<16xi32>], vector<16xf32>,
          %mul3A_1421 = arith.mulf %gather3A_1419, %gather3A_1420 : vector<16xf32>
          %add3A_1422 = arith.addf %add3A_1412, %mul3A_1421 : vector<16xf32>
          %scan3A_1423 = arith.constant 9 : i32
          %scan3A_1424 = arith.addi %scan3A_1334, %scan3A_1423 : i32
          %broadcast_in_dim3A_1425 = arith.constant 0 : i32
          %broadcast_in_dim3A_1426 = vector.broadcast %broadcast_in_dim3A_1425 : i32 to vector<16xi32>
          %add3A_1427 = vector.broadcast %scan3A_1424 : i32 to vector<16xi32>
          %add3A_1428 = arith.addi %broadcast_in_dim3A_1426, %add3A_1427 : vector<16xi32>
          %gather3A_1429 = tpu.vector_load_idx %arg14[%add3A_361, %add3A_1428] : memref<80x128xf32, #tpu.memory_space<vmem>>[vector<16xi32>, vector<16xi32>], vector<16xf32>,
          %gather3A_1430 = tpu.vector_load_idx %arg15[%add3A_361, %add3A_1428] : memref<80x128xf32, #tpu.memory_space<vmem>>[vector<16xi32>, vector<16xi32>], vector<16xf32>,
          %mul3A_1431 = arith.mulf %gather3A_1429, %gather3A_1430 : vector<16xf32>
          %add3A_1432 = arith.addf %add3A_1422, %mul3A_1431 : vector<16xf32>
          %scan3A_1433 = arith.constant 10 : i32
          %scan3A_1434 = arith.addi %scan3A_1334, %scan3A_1433 : i32
          %broadcast_in_dim3A_1435 = arith.constant 0 : i32
          %broadcast_in_dim3A_1436 = vector.broadcast %broadcast_in_dim3A_1435 : i32 to vector<16xi32>
          %add3A_1437 = vector.broadcast %scan3A_1434 : i32 to vector<16xi32>
          %add3A_1438 = arith.addi %broadcast_in_dim3A_1436, %add3A_1437 : vector<16xi32>
          %gather3A_1439 = tpu.vector_load_idx %arg14[%add3A_361, %add3A_1438] : memref<80x128xf32, #tpu.memory_space<vmem>>[vector<16xi32>, vector<16xi32>], vector<16xf32>,
          %gather3A_1440 = tpu.vector_load_idx %arg15[%add3A_361, %add3A_1438] : memref<80x128xf32, #tpu.memory_space<vmem>>[vector<16xi32>, vector<16xi32>], vector<16xf32>,
          %mul3A_1441 = arith.mulf %gather3A_1439, %gather3A_1440 : vector<16xf32>
          %add3A_1442 = arith.addf %add3A_1432, %mul3A_1441 : vector<16xf32>
          %scan3A_1443 = arith.constant 11 : i32
          %scan3A_1444 = arith.addi %scan3A_1334, %scan3A_1443 : i32
          %broadcast_in_dim3A_1445 = arith.constant 0 : i32
          %broadcast_in_dim3A_1446 = vector.broadcast %broadcast_in_dim3A_1445 : i32 to vector<16xi32>
          %add3A_1447 = vector.broadcast %scan3A_1444 : i32 to vector<16xi32>
          %add3A_1448 = arith.addi %broadcast_in_dim3A_1446, %add3A_1447 : vector<16xi32>
          %gather3A_1449 = tpu.vector_load_idx %arg14[%add3A_361, %add3A_1448] : memref<80x128xf32, #tpu.memory_space<vmem>>[vector<16xi32>, vector<16xi32>], vector<16xf32>,
          %gather3A_1450 = tpu.vector_load_idx %arg15[%add3A_361, %add3A_1448] : memref<80x128xf32, #tpu.memory_space<vmem>>[vector<16xi32>, vector<16xi32>], vector<16xf32>,
          %mul3A_1451 = arith.mulf %gather3A_1449, %gather3A_1450 : vector<16xf32>
          %add3A_1452 = arith.addf %add3A_1442, %mul3A_1451 : vector<16xf32>
          %scan3A_1453 = arith.constant 12 : i32
          %scan3A_1454 = arith.addi %scan3A_1334, %scan3A_1453 : i32
          %broadcast_in_dim3A_1455 = arith.constant 0 : i32
          %broadcast_in_dim3A_1456 = vector.broadcast %broadcast_in_dim3A_1455 : i32 to vector<16xi32>
          %add3A_1457 = vector.broadcast %scan3A_1454 : i32 to vector<16xi32>
          %add3A_1458 = arith.addi %broadcast_in_dim3A_1456, %add3A_1457 : vector<16xi32>
          %gather3A_1459 = tpu.vector_load_idx %arg14[%add3A_361, %add3A_1458] : memref<80x128xf32, #tpu.memory_space<vmem>>[vector<16xi32>, vector<16xi32>], vector<16xf32>,
          %gather3A_1460 = tpu.vector_load_idx %arg15[%add3A_361, %add3A_1458] : memref<80x128xf32, #tpu.memory_space<vmem>>[vector<16xi32>, vector<16xi32>], vector<16xf32>,
          %mul3A_1461 = arith.mulf %gather3A_1459, %gather3A_1460 : vector<16xf32>
          %add3A_1462 = arith.addf %add3A_1452, %mul3A_1461 : vector<16xf32>
          %scan3A_1463 = arith.constant 13 : i32
          %scan3A_1464 = arith.addi %scan3A_1334, %scan3A_1463 : i32
          %broadcast_in_dim3A_1465 = arith.constant 0 : i32
          %broadcast_in_dim3A_1466 = vector.broadcast %broadcast_in_dim3A_1465 : i32 to vector<16xi32>
          %add3A_1467 = vector.broadcast %scan3A_1464 : i32 to vector<16xi32>
          %add3A_1468 = arith.addi %broadcast_in_dim3A_1466, %add3A_1467 : vector<16xi32>
          %gather3A_1469 = tpu.vector_load_idx %arg14[%add3A_361, %add3A_1468] : memref<80x128xf32, #tpu.memory_space<vmem>>[vector<16xi32>, vector<16xi32>], vector<16xf32>,
          %gather3A_1470 = tpu.vector_load_idx %arg15[%add3A_361, %add3A_1468] : memref<80x128xf32, #tpu.memory_space<vmem>>[vector<16xi32>, vector<16xi32>], vector<16xf32>,
          %mul3A_1471 = arith.mulf %gather3A_1469, %gather3A_1470 : vector<16xf32>
          %add3A_1472 = arith.addf %add3A_1462, %mul3A_1471 : vector<16xf32>
          %scan3A_1473 = arith.constant 14 : i32
          %scan3A_1474 = arith.addi %scan3A_1334, %scan3A_1473 : i32
          %broadcast_in_dim3A_1475 = arith.constant 0 : i32
          %broadcast_in_dim3A_1476 = vector.broadcast %broadcast_in_dim3A_1475 : i32 to vector<16xi32>
          %add3A_1477 = vector.broadcast %scan3A_1474 : i32 to vector<16xi32>
          %add3A_1478 = arith.addi %broadcast_in_dim3A_1476, %add3A_1477 : vector<16xi32>
          %gather3A_1479 = tpu.vector_load_idx %arg14[%add3A_361, %add3A_1478] : memref<80x128xf32, #tpu.memory_space<vmem>>[vector<16xi32>, vector<16xi32>], vector<16xf32>,
          %gather3A_1480 = tpu.vector_load_idx %arg15[%add3A_361, %add3A_1478] : memref<80x128xf32, #tpu.memory_space<vmem>>[vector<16xi32>, vector<16xi32>], vector<16xf32>,
          %mul3A_1481 = arith.mulf %gather3A_1479, %gather3A_1480 : vector<16xf32>
          %add3A_1482 = arith.addf %add3A_1472, %mul3A_1481 : vector<16xf32>
          %scan3A_1483 = arith.constant 15 : i32
          %scan3A_1484 = arith.addi %scan3A_1334, %scan3A_1483 : i32
          %broadcast_in_dim3A_1485 = arith.constant 0 : i32
          %broadcast_in_dim3A_1486 = vector.broadcast %broadcast_in_dim3A_1485 : i32 to vector<16xi32>
          %add3A_1487 = vector.broadcast %scan3A_1484 : i32 to vector<16xi32>
          %add3A_1488 = arith.addi %broadcast_in_dim3A_1486, %add3A_1487 : vector<16xi32>
          %gather3A_1489 = tpu.vector_load_idx %arg14[%add3A_361, %add3A_1488] : memref<80x128xf32, #tpu.memory_space<vmem>>[vector<16xi32>, vector<16xi32>], vector<16xf32>,
          %gather3A_1490 = tpu.vector_load_idx %arg15[%add3A_361, %add3A_1488] : memref<80x128xf32, #tpu.memory_space<vmem>>[vector<16xi32>, vector<16xi32>], vector<16xf32>,
          %mul3A_1491 = arith.mulf %gather3A_1489, %gather3A_1490 : vector<16xf32>
          %add3A_1492 = arith.addf %add3A_1482, %mul3A_1491 : vector<16xf32>
          scf.yield %add3A_1492 : vector<16xf32>
        }
        %scan3A_368 = arith.constant 128 : i32
        %mul3A_369 = arith.constant 0.0883883461 : f32
        %mul3A_370 = vector.broadcast %mul3A_369 : f32 to vector<16xf32>
        %mul3A_371 = arith.mulf %scan3A_367, %mul3A_370 : vector<16xf32>
        %mul3A_372 = arith.constant 2.000000e-01 : f32
        %mul3A_373 = vector.broadcast %mul3A_372 : f32 to vector<16xf32>
        %mul3A_374 = arith.mulf %mul3A_373, %mul3A_371 : vector<16xf32>
        %max3A = arith.maximumf %mul3A_371, %mul3A_374 : vector<16xf32>
        %exp3A = math.exp %max3A : vector<16xf32>
        %mul3A_375 = arith.constant 16 : i32
        %mul3A_376 = arith.muli %scan3A_357, %mul3A_375 : i32
        %swap3A = arith.constant 0 : i32
        %swap3A_377 = arith.index_cast %swap3A : i32 to index
        %swap3A_378 = arith.index_cast %mul3A_376 : i32 to index
        %swap3A_379 = tpu.vector_load %arg13[%swap3A_377, %swap3A_378] {strides = array<i32>} : memref<1x80xf32, #tpu.memory_space<vmem>>, vector<16xf32>,
        tpu.vector_store %arg13[%swap3A_377, %swap3A_378], %exp3A {strides = array<i32>} : memref<1x80xf32, #tpu.memory_space<vmem>>, vector<16xf32>,
        %mul3A_380 = arith.constant 16 : i32
        %mul3A_381 = arith.muli %scan3A_357, %mul3A_380 : i32
        %get3A = arith.constant 0 : i32
        %get3A_382 = arith.index_cast %get3A : i32 to index
        %get3A_383 = arith.index_cast %mul3A_381 : i32 to index
        %get3A_384 = tpu.vector_load %arg11[%get3A_382, %get3A_383] {strides = array<i32>} : memref<1x80xi32, #tpu.memory_space<vmem>>, vector<16xi32>,
        %shift_right_logical3A = arith.constant 3 : i32
        %shift_right_logical3A_385 = vector.broadcast %shift_right_logical3A : i32 to vector<16xi32>
        %shift_right_logical3A_386 = arith.shrui %get3A_384, %shift_right_logical3A_385 : vector<16xi32>
        %mul3A_387 = arith.constant 16 : i32
        %mul3A_388 = arith.muli %scan3A_357, %mul3A_387 : i32
        %swap3A_389 = arith.constant 0 : i32
        %swap3A_390 = arith.index_cast %swap3A_389 : i32 to index
        %swap3A_391 = arith.index_cast %mul3A_388 : i32 to index
        %swap3A_392 = tpu.vector_load %arg12[%swap3A_390, %swap3A_391] {strides = array<i32>} : memref<1x80xi32, #tpu.memory_space<vmem>>, vector<16xi32>,
        tpu.vector_store %arg12[%swap3A_390, %swap3A_391], %shift_right_logical3A_386 {strides = array<i32>} : memref<1x80xi32, #tpu.memory_space<vmem>>, vector<16xi32>,
        %mul3A_393 = arith.constant 16 : i32
        %mul3A_394 = arith.muli %scan3A_357, %mul3A_393 : i32
        %add3A_395 = arith.constant 0 : i32
        %add3A_396 = arith.addi %mul3A_394, %add3A_395 : i32
        %broadcast_in_dim3A_397 = arith.constant 0.000000e+00 : f32
        %broadcast_in_dim3A_398 = vector.broadcast %broadcast_in_dim3A_397 : f32 to vector<16xf32>
        %swap3A_399 = arith.index_cast %add3A_396 : i32 to index
        %swap3A_400 = arith.constant 0 : index
        %swap3A_401 = tpu.vector_load %arg16[%swap3A_399, %swap3A_400] {strides = array<i32>} : memref<80x128xf32, #tpu.memory_space<vmem>>, vector<16xf32>,
        tpu.vector_store %arg16[%swap3A_399, %swap3A_400], %broadcast_in_dim3A_398 {strides = array<i32>} : memref<80x128xf32, #tpu.memory_space<vmem>>, vector<16xf32>,
        %broadcast_in_dim3A_402 = arith.constant 0.000000e+00 : f32
        %broadcast_in_dim3A_403 = vector.broadcast %broadcast_in_dim3A_402 : f32 to vector<16xf32>
        %swap3A_404 = arith.index_cast %add3A_396 : i32 to index
        %swap3A_405 = arith.constant 16 : index
        %swap3A_406 = tpu.vector_load %arg16[%swap3A_404, %swap3A_405] {strides = array<i32>} : memref<80x128xf32, #tpu.memory_space<vmem>>, vector<16xf32>,
        tpu.vector_store %arg16[%swap3A_404, %swap3A_405], %broadcast_in_dim3A_403 {strides = array<i32>} : memref<80x128xf32, #tpu.memory_space<vmem>>, vector<16xf32>,
        %broadcast_in_dim3A_407 = arith.constant 0.000000e+00 : f32
        %broadcast_in_dim3A_408 = vector.broadcast %broadcast_in_dim3A_407 : f32 to vector<16xf32>
        %swap3A_409 = arith.index_cast %add3A_396 : i32 to index
        %swap3A_410 = arith.constant 32 : index
        %swap3A_411 = tpu.vector_load %arg16[%swap3A_409, %swap3A_410] {strides = array<i32>} : memref<80x128xf32, #tpu.memory_space<vmem>>, vector<16xf32>,
        tpu.vector_store %arg16[%swap3A_409, %swap3A_410], %broadcast_in_dim3A_408 {strides = array<i32>} : memref<80x128xf32, #tpu.memory_space<vmem>>, vector<16xf32>,
        %broadcast_in_dim3A_412 = arith.constant 0.000000e+00 : f32
        %broadcast_in_dim3A_413 = vector.broadcast %broadcast_in_dim3A_412 : f32 to vector<16xf32>
        %swap3A_414 = arith.index_cast %add3A_396 : i32 to index
        %swap3A_415 = arith.constant 48 : index
        %swap3A_416 = tpu.vector_load %arg16[%swap3A_414, %swap3A_415] {strides = array<i32>} : memref<80x128xf32, #tpu.memory_space<vmem>>, vector<16xf32>,
        tpu.vector_store %arg16[%swap3A_414, %swap3A_415], %broadcast_in_dim3A_413 {strides = array<i32>} : memref<80x128xf32, #tpu.memory_space<vmem>>, vector<16xf32>,
        %broadcast_in_dim3A_417 = arith.constant 0.000000e+00 : f32
        %broadcast_in_dim3A_418 = vector.broadcast %broadcast_in_dim3A_417 : f32 to vector<16xf32>
        %swap3A_419 = arith.index_cast %add3A_396 : i32 to index
        %swap3A_420 = arith.constant 64 : index
        %swap3A_421 = tpu.vector_load %arg16[%swap3A_419, %swap3A_420] {strides = array<i32>} : memref<80x128xf32, #tpu.memory_space<vmem>>, vector<16xf32>,
        tpu.vector_store %arg16[%swap3A_419, %swap3A_420], %broadcast_in_dim3A_418 {strides = array<i32>} : memref<80x128xf32, #tpu.memory_space<vmem>>, vector<16xf32>,
        %broadcast_in_dim3A_422 = arith.constant 0.000000e+00 : f32
        %broadcast_in_dim3A_423 = vector.broadcast %broadcast_in_dim3A_422 : f32 to vector<16xf32>
        %swap3A_424 = arith.index_cast %add3A_396 : i32 to index
        %swap3A_425 = arith.constant 80 : index
        %swap3A_426 = tpu.vector_load %arg16[%swap3A_424, %swap3A_425] {strides = array<i32>} : memref<80x128xf32, #tpu.memory_space<vmem>>, vector<16xf32>,
        tpu.vector_store %arg16[%swap3A_424, %swap3A_425], %broadcast_in_dim3A_423 {strides = array<i32>} : memref<80x128xf32, #tpu.memory_space<vmem>>, vector<16xf32>,
        %broadcast_in_dim3A_427 = arith.constant 0.000000e+00 : f32
        %broadcast_in_dim3A_428 = vector.broadcast %broadcast_in_dim3A_427 : f32 to vector<16xf32>
        %swap3A_429 = arith.index_cast %add3A_396 : i32 to index
        %swap3A_430 = arith.constant 96 : index
        %swap3A_431 = tpu.vector_load %arg16[%swap3A_429, %swap3A_430] {strides = array<i32>} : memref<80x128xf32, #tpu.memory_space<vmem>>, vector<16xf32>,
        tpu.vector_store %arg16[%swap3A_429, %swap3A_430], %broadcast_in_dim3A_428 {strides = array<i32>} : memref<80x128xf32, #tpu.memory_space<vmem>>, vector<16xf32>,
        %broadcast_in_dim3A_432 = arith.constant 0.000000e+00 : f32
        %broadcast_in_dim3A_433 = vector.broadcast %broadcast_in_dim3A_432 : f32 to vector<16xf32>
        %swap3A_434 = arith.index_cast %add3A_396 : i32 to index
        %swap3A_435 = arith.constant 112 : index
        %swap3A_436 = tpu.vector_load %arg16[%swap3A_434, %swap3A_435] {strides = array<i32>} : memref<80x128xf32, #tpu.memory_space<vmem>>, vector<16xf32>,
        tpu.vector_store %arg16[%swap3A_434, %swap3A_435], %broadcast_in_dim3A_433 {strides = array<i32>} : memref<80x128xf32, #tpu.memory_space<vmem>>, vector<16xf32>,
        %slice3A = vector.extract_strided_slice %get3A_384 {offsets = [0], sizes = [1], strides = [1]} : vector<16xi32> to vector<1xi32>
        %squeeze3A = vector.extract %slice3A[0] : i32 from vector<1xi32>
        %and3A = arith.constant 7 : i32
        %and3A_437 = arith.andi %squeeze3A, %and3A : i32
        %mul3A_438 = arith.constant 16 : i32
        %mul3A_439 = arith.muli %and3A_437, %mul3A_438 : i32
        %broadcast_in_dim3A_440 = arith.constant 0.000000e+00 : f32
        %broadcast_in_dim3A_441 = vector.broadcast %broadcast_in_dim3A_440 : f32 to vector<16xf32>
        %slice3A_442 = vector.extract_strided_slice %exp3A {offsets = [0], sizes = [1], strides = [1]} : vector<16xf32> to vector<1xf32>
        %squeeze3A_443 = vector.extract %slice3A_442[0] : f32 from vector<1xf32>
        %add3A_444 = vector.broadcast %squeeze3A_443 : f32 to vector<16xf32>
        %add3A_445 = arith.addf %broadcast_in_dim3A_441, %add3A_444 : vector<16xf32>
        %swap3A_446 = arith.index_cast %add3A_396 : i32 to index
        %swap3A_447 = arith.index_cast %mul3A_439 : i32 to index
        %swap3A_448 = tpu.vector_load %arg16[%swap3A_446, %swap3A_447] {strides = array<i32>} : memref<80x128xf32, #tpu.memory_space<vmem>>, vector<16xf32>,
        tpu.vector_store %arg16[%swap3A_446, %swap3A_447], %add3A_445 {strides = array<i32>} : memref<80x128xf32, #tpu.memory_space<vmem>>, vector<16xf32>,
        %mul3A_449 = arith.constant 16 : i32
        %mul3A_450 = arith.muli %scan3A_357, %mul3A_449 : i32
        %add3A_451 = arith.constant 1 : i32
        %add3A_452 = arith.addi %mul3A_450, %add3A_451 : i32
        %broadcast_in_dim3A_453 = arith.constant 0.000000e+00 : f32
        %broadcast_in_dim3A_454 = vector.broadcast %broadcast_in_dim3A_453 : f32 to vector<16xf32>
        %swap3A_455 = arith.index_cast %add3A_452 : i32 to index
        %swap3A_456 = arith.constant 0 : index
        %swap3A_457 = tpu.vector_load %arg16[%swap3A_455, %swap3A_456] {strides = array<i32>} : memref<80x128xf32, #tpu.memory_space<vmem>>, vector<16xf32>,
        tpu.vector_store %arg16[%swap3A_455, %swap3A_456], %broadcast_in_dim3A_454 {strides = array<i32>} : memref<80x128xf32, #tpu.memory_space<vmem>>, vector<16xf32>,
        %broadcast_in_dim3A_458 = arith.constant 0.000000e+00 : f32
        %broadcast_in_dim3A_459 = vector.broadcast %broadcast_in_dim3A_458 : f32 to vector<16xf32>
        %swap3A_460 = arith.index_cast %add3A_452 : i32 to index
        %swap3A_461 = arith.constant 16 : index
        %swap3A_462 = tpu.vector_load %arg16[%swap3A_460, %swap3A_461] {strides = array<i32>} : memref<80x128xf32, #tpu.memory_space<vmem>>, vector<16xf32>,
        tpu.vector_store %arg16[%swap3A_460, %swap3A_461], %broadcast_in_dim3A_459 {strides = array<i32>} : memref<80x128xf32, #tpu.memory_space<vmem>>, vector<16xf32>,
        %broadcast_in_dim3A_463 = arith.constant 0.000000e+00 : f32
        %broadcast_in_dim3A_464 = vector.broadcast %broadcast_in_dim3A_463 : f32 to vector<16xf32>
        %swap3A_465 = arith.index_cast %add3A_452 : i32 to index
        %swap3A_466 = arith.constant 32 : index
        %swap3A_467 = tpu.vector_load %arg16[%swap3A_465, %swap3A_466] {strides = array<i32>} : memref<80x128xf32, #tpu.memory_space<vmem>>, vector<16xf32>,
        tpu.vector_store %arg16[%swap3A_465, %swap3A_466], %broadcast_in_dim3A_464 {strides = array<i32>} : memref<80x128xf32, #tpu.memory_space<vmem>>, vector<16xf32>,
        %broadcast_in_dim3A_468 = arith.constant 0.000000e+00 : f32
        %broadcast_in_dim3A_469 = vector.broadcast %broadcast_in_dim3A_468 : f32 to vector<16xf32>
        %swap3A_470 = arith.index_cast %add3A_452 : i32 to index
        %swap3A_471 = arith.constant 48 : index
        %swap3A_472 = tpu.vector_load %arg16[%swap3A_470, %swap3A_471] {strides = array<i32>} : memref<80x128xf32, #tpu.memory_space<vmem>>, vector<16xf32>,
        tpu.vector_store %arg16[%swap3A_470, %swap3A_471], %broadcast_in_dim3A_469 {strides = array<i32>} : memref<80x128xf32, #tpu.memory_space<vmem>>, vector<16xf32>,
        %broadcast_in_dim3A_473 = arith.constant 0.000000e+00 : f32
        %broadcast_in_dim3A_474 = vector.broadcast %broadcast_in_dim3A_473 : f32 to vector<16xf32>
        %swap3A_475 = arith.index_cast %add3A_452 : i32 to index
        %swap3A_476 = arith.constant 64 : index
        %swap3A_477 = tpu.vector_load %arg16[%swap3A_475, %swap3A_476] {strides = array<i32>} : memref<80x128xf32, #tpu.memory_space<vmem>>, vector<16xf32>,
        tpu.vector_store %arg16[%swap3A_475, %swap3A_476], %broadcast_in_dim3A_474 {strides = array<i32>} : memref<80x128xf32, #tpu.memory_space<vmem>>, vector<16xf32>,
        %broadcast_in_dim3A_478 = arith.constant 0.000000e+00 : f32
        %broadcast_in_dim3A_479 = vector.broadcast %broadcast_in_dim3A_478 : f32 to vector<16xf32>
        %swap3A_480 = arith.index_cast %add3A_452 : i32 to index
        %swap3A_481 = arith.constant 80 : index
        %swap3A_482 = tpu.vector_load %arg16[%swap3A_480, %swap3A_481] {strides = array<i32>} : memref<80x128xf32, #tpu.memory_space<vmem>>, vector<16xf32>,
        tpu.vector_store %arg16[%swap3A_480, %swap3A_481], %broadcast_in_dim3A_479 {strides = array<i32>} : memref<80x128xf32, #tpu.memory_space<vmem>>, vector<16xf32>,
        %broadcast_in_dim3A_483 = arith.constant 0.000000e+00 : f32
        %broadcast_in_dim3A_484 = vector.broadcast %broadcast_in_dim3A_483 : f32 to vector<16xf32>
        %swap3A_485 = arith.index_cast %add3A_452 : i32 to index
        %swap3A_486 = arith.constant 96 : index
        %swap3A_487 = tpu.vector_load %arg16[%swap3A_485, %swap3A_486] {strides = array<i32>} : memref<80x128xf32, #tpu.memory_space<vmem>>, vector<16xf32>,
        tpu.vector_store %arg16[%swap3A_485, %swap3A_486], %broadcast_in_dim3A_484 {strides = array<i32>} : memref<80x128xf32, #tpu.memory_space<vmem>>, vector<16xf32>,
        %broadcast_in_dim3A_488 = arith.constant 0.000000e+00 : f32
        %broadcast_in_dim3A_489 = vector.broadcast %broadcast_in_dim3A_488 : f32 to vector<16xf32>
        %swap3A_490 = arith.index_cast %add3A_452 : i32 to index
        %swap3A_491 = arith.constant 112 : index
        %swap3A_492 = tpu.vector_load %arg16[%swap3A_490, %swap3A_491] {strides = array<i32>} : memref<80x128xf32, #tpu.memory_space<vmem>>, vector<16xf32>,
        tpu.vector_store %arg16[%swap3A_490, %swap3A_491], %broadcast_in_dim3A_489 {strides = array<i32>} : memref<80x128xf32, #tpu.memory_space<vmem>>, vector<16xf32>,
        %slice3A_493 = vector.extract_strided_slice %get3A_384 {offsets = [1], sizes = [1], strides = [1]} : vector<16xi32> to vector<1xi32>
        %squeeze3A_494 = vector.extract %slice3A_493[0] : i32 from vector<1xi32>
        %and3A_495 = arith.constant 7 : i32
        %and3A_496 = arith.andi %squeeze3A_494, %and3A_495 : i32
        %mul3A_497 = arith.constant 16 : i32
        %mul3A_498 = arith.muli %and3A_496, %mul3A_497 : i32
        %broadcast_in_dim3A_499 = arith.constant 0.000000e+00 : f32
        %broadcast_in_dim3A_500 = vector.broadcast %broadcast_in_dim3A_499 : f32 to vector<16xf32>
        %slice3A_501 = vector.extract_strided_slice %exp3A {offsets = [1], sizes = [1], strides = [1]} : vector<16xf32> to vector<1xf32>
        %squeeze3A_502 = vector.extract %slice3A_501[0] : f32 from vector<1xf32>
        %add3A_503 = vector.broadcast %squeeze3A_502 : f32 to vector<16xf32>
        %add3A_504 = arith.addf %broadcast_in_dim3A_500, %add3A_503 : vector<16xf32>
        %swap3A_505 = arith.index_cast %add3A_452 : i32 to index
        %swap3A_506 = arith.index_cast %mul3A_498 : i32 to index
        %swap3A_507 = tpu.vector_load %arg16[%swap3A_505, %swap3A_506] {strides = array<i32>} : memref<80x128xf32, #tpu.memory_space<vmem>>, vector<16xf32>,
        tpu.vector_store %arg16[%swap3A_505, %swap3A_506], %add3A_504 {strides = array<i32>} : memref<80x128xf32, #tpu.memory_space<vmem>>, vector<16xf32>,
        %mul3A_508 = arith.constant 16 : i32
        %mul3A_509 = arith.muli %scan3A_357, %mul3A_508 : i32
        %add3A_510 = arith.constant 2 : i32
        %add3A_511 = arith.addi %mul3A_509, %add3A_510 : i32
        %broadcast_in_dim3A_512 = arith.constant 0.000000e+00 : f32
        %broadcast_in_dim3A_513 = vector.broadcast %broadcast_in_dim3A_512 : f32 to vector<16xf32>
        %swap3A_514 = arith.index_cast %add3A_511 : i32 to index
        %swap3A_515 = arith.constant 0 : index
        %swap3A_516 = tpu.vector_load %arg16[%swap3A_514, %swap3A_515] {strides = array<i32>} : memref<80x128xf32, #tpu.memory_space<vmem>>, vector<16xf32>,
        tpu.vector_store %arg16[%swap3A_514, %swap3A_515], %broadcast_in_dim3A_513 {strides = array<i32>} : memref<80x128xf32, #tpu.memory_space<vmem>>, vector<16xf32>,
        %broadcast_in_dim3A_517 = arith.constant 0.000000e+00 : f32
        %broadcast_in_dim3A_518 = vector.broadcast %broadcast_in_dim3A_517 : f32 to vector<16xf32>
        %swap3A_519 = arith.index_cast %add3A_511 : i32 to index
        %swap3A_520 = arith.constant 16 : index
        %swap3A_521 = tpu.vector_load %arg16[%swap3A_519, %swap3A_520] {strides = array<i32>} : memref<80x128xf32, #tpu.memory_space<vmem>>, vector<16xf32>,
        tpu.vector_store %arg16[%swap3A_519, %swap3A_520], %broadcast_in_dim3A_518 {strides = array<i32>} : memref<80x128xf32, #tpu.memory_space<vmem>>, vector<16xf32>,
        %broadcast_in_dim3A_522 = arith.constant 0.000000e+00 : f32
        %broadcast_in_dim3A_523 = vector.broadcast %broadcast_in_dim3A_522 : f32 to vector<16xf32>
        %swap3A_524 = arith.index_cast %add3A_511 : i32 to index
        %swap3A_525 = arith.constant 32 : index
        %swap3A_526 = tpu.vector_load %arg16[%swap3A_524, %swap3A_525] {strides = array<i32>} : memref<80x128xf32, #tpu.memory_space<vmem>>, vector<16xf32>,
        tpu.vector_store %arg16[%swap3A_524, %swap3A_525], %broadcast_in_dim3A_523 {strides = array<i32>} : memref<80x128xf32, #tpu.memory_space<vmem>>, vector<16xf32>,
        %broadcast_in_dim3A_527 = arith.constant 0.000000e+00 : f32
        %broadcast_in_dim3A_528 = vector.broadcast %broadcast_in_dim3A_527 : f32 to vector<16xf32>
        %swap3A_529 = arith.index_cast %add3A_511 : i32 to index
        %swap3A_530 = arith.constant 48 : index
        %swap3A_531 = tpu.vector_load %arg16[%swap3A_529, %swap3A_530] {strides = array<i32>} : memref<80x128xf32, #tpu.memory_space<vmem>>, vector<16xf32>,
        tpu.vector_store %arg16[%swap3A_529, %swap3A_530], %broadcast_in_dim3A_528 {strides = array<i32>} : memref<80x128xf32, #tpu.memory_space<vmem>>, vector<16xf32>,
        %broadcast_in_dim3A_532 = arith.constant 0.000000e+00 : f32
        %broadcast_in_dim3A_533 = vector.broadcast %broadcast_in_dim3A_532 : f32 to vector<16xf32>
        %swap3A_534 = arith.index_cast %add3A_511 : i32 to index
        %swap3A_535 = arith.constant 64 : index
        %swap3A_536 = tpu.vector_load %arg16[%swap3A_534, %swap3A_535] {strides = array<i32>} : memref<80x128xf32, #tpu.memory_space<vmem>>, vector<16xf32>,
        tpu.vector_store %arg16[%swap3A_534, %swap3A_535], %broadcast_in_dim3A_533 {strides = array<i32>} : memref<80x128xf32, #tpu.memory_space<vmem>>, vector<16xf32>,
        %broadcast_in_dim3A_537 = arith.constant 0.000000e+00 : f32
        %broadcast_in_dim3A_538 = vector.broadcast %broadcast_in_dim3A_537 : f32 to vector<16xf32>
        %swap3A_539 = arith.index_cast %add3A_511 : i32 to index
        %swap3A_540 = arith.constant 80 : index
        %swap3A_541 = tpu.vector_load %arg16[%swap3A_539, %swap3A_540] {strides = array<i32>} : memref<80x128xf32, #tpu.memory_space<vmem>>, vector<16xf32>,
        tpu.vector_store %arg16[%swap3A_539, %swap3A_540], %broadcast_in_dim3A_538 {strides = array<i32>} : memref<80x128xf32, #tpu.memory_space<vmem>>, vector<16xf32>,
        %broadcast_in_dim3A_542 = arith.constant 0.000000e+00 : f32
        %broadcast_in_dim3A_543 = vector.broadcast %broadcast_in_dim3A_542 : f32 to vector<16xf32>
        %swap3A_544 = arith.index_cast %add3A_511 : i32 to index
        %swap3A_545 = arith.constant 96 : index
        %swap3A_546 = tpu.vector_load %arg16[%swap3A_544, %swap3A_545] {strides = array<i32>} : memref<80x128xf32, #tpu.memory_space<vmem>>, vector<16xf32>,
        tpu.vector_store %arg16[%swap3A_544, %swap3A_545], %broadcast_in_dim3A_543 {strides = array<i32>} : memref<80x128xf32, #tpu.memory_space<vmem>>, vector<16xf32>,
        %broadcast_in_dim3A_547 = arith.constant 0.000000e+00 : f32
        %broadcast_in_dim3A_548 = vector.broadcast %broadcast_in_dim3A_547 : f32 to vector<16xf32>
        %swap3A_549 = arith.index_cast %add3A_511 : i32 to index
        %swap3A_550 = arith.constant 112 : index
        %swap3A_551 = tpu.vector_load %arg16[%swap3A_549, %swap3A_550] {strides = array<i32>} : memref<80x128xf32, #tpu.memory_space<vmem>>, vector<16xf32>,
        tpu.vector_store %arg16[%swap3A_549, %swap3A_550], %broadcast_in_dim3A_548 {strides = array<i32>} : memref<80x128xf32, #tpu.memory_space<vmem>>, vector<16xf32>,
        %slice3A_552 = vector.extract_strided_slice %get3A_384 {offsets = [2], sizes = [1], strides = [1]} : vector<16xi32> to vector<1xi32>
        %squeeze3A_553 = vector.extract %slice3A_552[0] : i32 from vector<1xi32>
        %and3A_554 = arith.constant 7 : i32
        %and3A_555 = arith.andi %squeeze3A_553, %and3A_554 : i32
        %mul3A_556 = arith.constant 16 : i32
        %mul3A_557 = arith.muli %and3A_555, %mul3A_556 : i32
        %broadcast_in_dim3A_558 = arith.constant 0.000000e+00 : f32
        %broadcast_in_dim3A_559 = vector.broadcast %broadcast_in_dim3A_558 : f32 to vector<16xf32>
        %slice3A_560 = vector.extract_strided_slice %exp3A {offsets = [2], sizes = [1], strides = [1]} : vector<16xf32> to vector<1xf32>
        %squeeze3A_561 = vector.extract %slice3A_560[0] : f32 from vector<1xf32>
        %add3A_562 = vector.broadcast %squeeze3A_561 : f32 to vector<16xf32>
        %add3A_563 = arith.addf %broadcast_in_dim3A_559, %add3A_562 : vector<16xf32>
        %swap3A_564 = arith.index_cast %add3A_511 : i32 to index
        %swap3A_565 = arith.index_cast %mul3A_557 : i32 to index
        %swap3A_566 = tpu.vector_load %arg16[%swap3A_564, %swap3A_565] {strides = array<i32>} : memref<80x128xf32, #tpu.memory_space<vmem>>, vector<16xf32>,
        tpu.vector_store %arg16[%swap3A_564, %swap3A_565], %add3A_563 {strides = array<i32>} : memref<80x128xf32, #tpu.memory_space<vmem>>, vector<16xf32>,
        %mul3A_567 = arith.constant 16 : i32
        %mul3A_568 = arith.muli %scan3A_357, %mul3A_567 : i32
        %add3A_569 = arith.constant 3 : i32
        %add3A_570 = arith.addi %mul3A_568, %add3A_569 : i32
        %broadcast_in_dim3A_571 = arith.constant 0.000000e+00 : f32
        %broadcast_in_dim3A_572 = vector.broadcast %broadcast_in_dim3A_571 : f32 to vector<16xf32>
        %swap3A_573 = arith.index_cast %add3A_570 : i32 to index
        %swap3A_574 = arith.constant 0 : index
        %swap3A_575 = tpu.vector_load %arg16[%swap3A_573, %swap3A_574] {strides = array<i32>} : memref<80x128xf32, #tpu.memory_space<vmem>>, vector<16xf32>,
        tpu.vector_store %arg16[%swap3A_573, %swap3A_574], %broadcast_in_dim3A_572 {strides = array<i32>} : memref<80x128xf32, #tpu.memory_space<vmem>>, vector<16xf32>,
        %broadcast_in_dim3A_576 = arith.constant 0.000000e+00 : f32
        %broadcast_in_dim3A_577 = vector.broadcast %broadcast_in_dim3A_576 : f32 to vector<16xf32>
        %swap3A_578 = arith.index_cast %add3A_570 : i32 to index
        %swap3A_579 = arith.constant 16 : index
        %swap3A_580 = tpu.vector_load %arg16[%swap3A_578, %swap3A_579] {strides = array<i32>} : memref<80x128xf32, #tpu.memory_space<vmem>>, vector<16xf32>,
        tpu.vector_store %arg16[%swap3A_578, %swap3A_579], %broadcast_in_dim3A_577 {strides = array<i32>} : memref<80x128xf32, #tpu.memory_space<vmem>>, vector<16xf32>,
        %broadcast_in_dim3A_581 = arith.constant 0.000000e+00 : f32
        %broadcast_in_dim3A_582 = vector.broadcast %broadcast_in_dim3A_581 : f32 to vector<16xf32>
        %swap3A_583 = arith.index_cast %add3A_570 : i32 to index
        %swap3A_584 = arith.constant 32 : index
        %swap3A_585 = tpu.vector_load %arg16[%swap3A_583, %swap3A_584] {strides = array<i32>} : memref<80x128xf32, #tpu.memory_space<vmem>>, vector<16xf32>,
        tpu.vector_store %arg16[%swap3A_583, %swap3A_584], %broadcast_in_dim3A_582 {strides = array<i32>} : memref<80x128xf32, #tpu.memory_space<vmem>>, vector<16xf32>,
        %broadcast_in_dim3A_586 = arith.constant 0.000000e+00 : f32
        %broadcast_in_dim3A_587 = vector.broadcast %broadcast_in_dim3A_586 : f32 to vector<16xf32>
        %swap3A_588 = arith.index_cast %add3A_570 : i32 to index
        %swap3A_589 = arith.constant 48 : index
        %swap3A_590 = tpu.vector_load %arg16[%swap3A_588, %swap3A_589] {strides = array<i32>} : memref<80x128xf32, #tpu.memory_space<vmem>>, vector<16xf32>,
        tpu.vector_store %arg16[%swap3A_588, %swap3A_589], %broadcast_in_dim3A_587 {strides = array<i32>} : memref<80x128xf32, #tpu.memory_space<vmem>>, vector<16xf32>,
        %broadcast_in_dim3A_591 = arith.constant 0.000000e+00 : f32
        %broadcast_in_dim3A_592 = vector.broadcast %broadcast_in_dim3A_591 : f32 to vector<16xf32>
        %swap3A_593 = arith.index_cast %add3A_570 : i32 to index
        %swap3A_594 = arith.constant 64 : index
        %swap3A_595 = tpu.vector_load %arg16[%swap3A_593, %swap3A_594] {strides = array<i32>} : memref<80x128xf32, #tpu.memory_space<vmem>>, vector<16xf32>,
        tpu.vector_store %arg16[%swap3A_593, %swap3A_594], %broadcast_in_dim3A_592 {strides = array<i32>} : memref<80x128xf32, #tpu.memory_space<vmem>>, vector<16xf32>,
        %broadcast_in_dim3A_596 = arith.constant 0.000000e+00 : f32
        %broadcast_in_dim3A_597 = vector.broadcast %broadcast_in_dim3A_596 : f32 to vector<16xf32>
        %swap3A_598 = arith.index_cast %add3A_570 : i32 to index
        %swap3A_599 = arith.constant 80 : index
        %swap3A_600 = tpu.vector_load %arg16[%swap3A_598, %swap3A_599] {strides = array<i32>} : memref<80x128xf32, #tpu.memory_space<vmem>>, vector<16xf32>,
        tpu.vector_store %arg16[%swap3A_598, %swap3A_599], %broadcast_in_dim3A_597 {strides = array<i32>} : memref<80x128xf32, #tpu.memory_space<vmem>>, vector<16xf32>,
        %broadcast_in_dim3A_601 = arith.constant 0.000000e+00 : f32
        %broadcast_in_dim3A_602 = vector.broadcast %broadcast_in_dim3A_601 : f32 to vector<16xf32>
        %swap3A_603 = arith.index_cast %add3A_570 : i32 to index
        %swap3A_604 = arith.constant 96 : index
        %swap3A_605 = tpu.vector_load %arg16[%swap3A_603, %swap3A_604] {strides = array<i32>} : memref<80x128xf32, #tpu.memory_space<vmem>>, vector<16xf32>,
        tpu.vector_store %arg16[%swap3A_603, %swap3A_604], %broadcast_in_dim3A_602 {strides = array<i32>} : memref<80x128xf32, #tpu.memory_space<vmem>>, vector<16xf32>,
        %broadcast_in_dim3A_606 = arith.constant 0.000000e+00 : f32
        %broadcast_in_dim3A_607 = vector.broadcast %broadcast_in_dim3A_606 : f32 to vector<16xf32>
        %swap3A_608 = arith.index_cast %add3A_570 : i32 to index
        %swap3A_609 = arith.constant 112 : index
        %swap3A_610 = tpu.vector_load %arg16[%swap3A_608, %swap3A_609] {strides = array<i32>} : memref<80x128xf32, #tpu.memory_space<vmem>>, vector<16xf32>,
        tpu.vector_store %arg16[%swap3A_608, %swap3A_609], %broadcast_in_dim3A_607 {strides = array<i32>} : memref<80x128xf32, #tpu.memory_space<vmem>>, vector<16xf32>,
        %slice3A_611 = vector.extract_strided_slice %get3A_384 {offsets = [3], sizes = [1], strides = [1]} : vector<16xi32> to vector<1xi32>
        %squeeze3A_612 = vector.extract %slice3A_611[0] : i32 from vector<1xi32>
        %and3A_613 = arith.constant 7 : i32
        %and3A_614 = arith.andi %squeeze3A_612, %and3A_613 : i32
        %mul3A_615 = arith.constant 16 : i32
        %mul3A_616 = arith.muli %and3A_614, %mul3A_615 : i32
        %broadcast_in_dim3A_617 = arith.constant 0.000000e+00 : f32
        %broadcast_in_dim3A_618 = vector.broadcast %broadcast_in_dim3A_617 : f32 to vector<16xf32>
        %slice3A_619 = vector.extract_strided_slice %exp3A {offsets = [3], sizes = [1], strides = [1]} : vector<16xf32> to vector<1xf32>
        %squeeze3A_620 = vector.extract %slice3A_619[0] : f32 from vector<1xf32>
        %add3A_621 = vector.broadcast %squeeze3A_620 : f32 to vector<16xf32>
        %add3A_622 = arith.addf %broadcast_in_dim3A_618, %add3A_621 : vector<16xf32>
        %swap3A_623 = arith.index_cast %add3A_570 : i32 to index
        %swap3A_624 = arith.index_cast %mul3A_616 : i32 to index
        %swap3A_625 = tpu.vector_load %arg16[%swap3A_623, %swap3A_624] {strides = array<i32>} : memref<80x128xf32, #tpu.memory_space<vmem>>, vector<16xf32>,
        tpu.vector_store %arg16[%swap3A_623, %swap3A_624], %add3A_622 {strides = array<i32>} : memref<80x128xf32, #tpu.memory_space<vmem>>, vector<16xf32>,
        %mul3A_626 = arith.constant 16 : i32
        %mul3A_627 = arith.muli %scan3A_357, %mul3A_626 : i32
        %add3A_628 = arith.constant 4 : i32
        %add3A_629 = arith.addi %mul3A_627, %add3A_628 : i32
        %broadcast_in_dim3A_630 = arith.constant 0.000000e+00 : f32
        %broadcast_in_dim3A_631 = vector.broadcast %broadcast_in_dim3A_630 : f32 to vector<16xf32>
        %swap3A_632 = arith.index_cast %add3A_629 : i32 to index
        %swap3A_633 = arith.constant 0 : index
        %swap3A_634 = tpu.vector_load %arg16[%swap3A_632, %swap3A_633] {strides = array<i32>} : memref<80x128xf32, #tpu.memory_space<vmem>>, vector<16xf32>,
        tpu.vector_store %arg16[%swap3A_632, %swap3A_633], %broadcast_in_dim3A_631 {strides = array<i32>} : memref<80x128xf32, #tpu.memory_space<vmem>>, vector<16xf32>,
        %broadcast_in_dim3A_635 = arith.constant 0.000000e+00 : f32
        %broadcast_in_dim3A_636 = vector.broadcast %broadcast_in_dim3A_635 : f32 to vector<16xf32>
        %swap3A_637 = arith.index_cast %add3A_629 : i32 to index
        %swap3A_638 = arith.constant 16 : index
        %swap3A_639 = tpu.vector_load %arg16[%swap3A_637, %swap3A_638] {strides = array<i32>} : memref<80x128xf32, #tpu.memory_space<vmem>>, vector<16xf32>,
        tpu.vector_store %arg16[%swap3A_637, %swap3A_638], %broadcast_in_dim3A_636 {strides = array<i32>} : memref<80x128xf32, #tpu.memory_space<vmem>>, vector<16xf32>,
        %broadcast_in_dim3A_640 = arith.constant 0.000000e+00 : f32
        %broadcast_in_dim3A_641 = vector.broadcast %broadcast_in_dim3A_640 : f32 to vector<16xf32>
        %swap3A_642 = arith.index_cast %add3A_629 : i32 to index
        %swap3A_643 = arith.constant 32 : index
        %swap3A_644 = tpu.vector_load %arg16[%swap3A_642, %swap3A_643] {strides = array<i32>} : memref<80x128xf32, #tpu.memory_space<vmem>>, vector<16xf32>,
        tpu.vector_store %arg16[%swap3A_642, %swap3A_643], %broadcast_in_dim3A_641 {strides = array<i32>} : memref<80x128xf32, #tpu.memory_space<vmem>>, vector<16xf32>,
        %broadcast_in_dim3A_645 = arith.constant 0.000000e+00 : f32
        %broadcast_in_dim3A_646 = vector.broadcast %broadcast_in_dim3A_645 : f32 to vector<16xf32>
        %swap3A_647 = arith.index_cast %add3A_629 : i32 to index
        %swap3A_648 = arith.constant 48 : index
        %swap3A_649 = tpu.vector_load %arg16[%swap3A_647, %swap3A_648] {strides = array<i32>} : memref<80x128xf32, #tpu.memory_space<vmem>>, vector<16xf32>,
        tpu.vector_store %arg16[%swap3A_647, %swap3A_648], %broadcast_in_dim3A_646 {strides = array<i32>} : memref<80x128xf32, #tpu.memory_space<vmem>>, vector<16xf32>,
        %broadcast_in_dim3A_650 = arith.constant 0.000000e+00 : f32
        %broadcast_in_dim3A_651 = vector.broadcast %broadcast_in_dim3A_650 : f32 to vector<16xf32>
        %swap3A_652 = arith.index_cast %add3A_629 : i32 to index
        %swap3A_653 = arith.constant 64 : index
        %swap3A_654 = tpu.vector_load %arg16[%swap3A_652, %swap3A_653] {strides = array<i32>} : memref<80x128xf32, #tpu.memory_space<vmem>>, vector<16xf32>,
        tpu.vector_store %arg16[%swap3A_652, %swap3A_653], %broadcast_in_dim3A_651 {strides = array<i32>} : memref<80x128xf32, #tpu.memory_space<vmem>>, vector<16xf32>,
        %broadcast_in_dim3A_655 = arith.constant 0.000000e+00 : f32
        %broadcast_in_dim3A_656 = vector.broadcast %broadcast_in_dim3A_655 : f32 to vector<16xf32>
        %swap3A_657 = arith.index_cast %add3A_629 : i32 to index
        %swap3A_658 = arith.constant 80 : index
        %swap3A_659 = tpu.vector_load %arg16[%swap3A_657, %swap3A_658] {strides = array<i32>} : memref<80x128xf32, #tpu.memory_space<vmem>>, vector<16xf32>,
        tpu.vector_store %arg16[%swap3A_657, %swap3A_658], %broadcast_in_dim3A_656 {strides = array<i32>} : memref<80x128xf32, #tpu.memory_space<vmem>>, vector<16xf32>,
        %broadcast_in_dim3A_660 = arith.constant 0.000000e+00 : f32
        %broadcast_in_dim3A_661 = vector.broadcast %broadcast_in_dim3A_660 : f32 to vector<16xf32>
        %swap3A_662 = arith.index_cast %add3A_629 : i32 to index
        %swap3A_663 = arith.constant 96 : index
        %swap3A_664 = tpu.vector_load %arg16[%swap3A_662, %swap3A_663] {strides = array<i32>} : memref<80x128xf32, #tpu.memory_space<vmem>>, vector<16xf32>,
        tpu.vector_store %arg16[%swap3A_662, %swap3A_663], %broadcast_in_dim3A_661 {strides = array<i32>} : memref<80x128xf32, #tpu.memory_space<vmem>>, vector<16xf32>,
        %broadcast_in_dim3A_665 = arith.constant 0.000000e+00 : f32
        %broadcast_in_dim3A_666 = vector.broadcast %broadcast_in_dim3A_665 : f32 to vector<16xf32>
        %swap3A_667 = arith.index_cast %add3A_629 : i32 to index
        %swap3A_668 = arith.constant 112 : index
        %swap3A_669 = tpu.vector_load %arg16[%swap3A_667, %swap3A_668] {strides = array<i32>} : memref<80x128xf32, #tpu.memory_space<vmem>>, vector<16xf32>,
        tpu.vector_store %arg16[%swap3A_667, %swap3A_668], %broadcast_in_dim3A_666 {strides = array<i32>} : memref<80x128xf32, #tpu.memory_space<vmem>>, vector<16xf32>,
        %slice3A_670 = vector.extract_strided_slice %get3A_384 {offsets = [4], sizes = [1], strides = [1]} : vector<16xi32> to vector<1xi32>
        %squeeze3A_671 = vector.extract %slice3A_670[0] : i32 from vector<1xi32>
        %and3A_672 = arith.constant 7 : i32
        %and3A_673 = arith.andi %squeeze3A_671, %and3A_672 : i32
        %mul3A_674 = arith.constant 16 : i32
        %mul3A_675 = arith.muli %and3A_673, %mul3A_674 : i32
        %broadcast_in_dim3A_676 = arith.constant 0.000000e+00 : f32
        %broadcast_in_dim3A_677 = vector.broadcast %broadcast_in_dim3A_676 : f32 to vector<16xf32>
        %slice3A_678 = vector.extract_strided_slice %exp3A {offsets = [4], sizes = [1], strides = [1]} : vector<16xf32> to vector<1xf32>
        %squeeze3A_679 = vector.extract %slice3A_678[0] : f32 from vector<1xf32>
        %add3A_680 = vector.broadcast %squeeze3A_679 : f32 to vector<16xf32>
        %add3A_681 = arith.addf %broadcast_in_dim3A_677, %add3A_680 : vector<16xf32>
        %swap3A_682 = arith.index_cast %add3A_629 : i32 to index
        %swap3A_683 = arith.index_cast %mul3A_675 : i32 to index
        %swap3A_684 = tpu.vector_load %arg16[%swap3A_682, %swap3A_683] {strides = array<i32>} : memref<80x128xf32, #tpu.memory_space<vmem>>, vector<16xf32>,
        tpu.vector_store %arg16[%swap3A_682, %swap3A_683], %add3A_681 {strides = array<i32>} : memref<80x128xf32, #tpu.memory_space<vmem>>, vector<16xf32>,
        %mul3A_685 = arith.constant 16 : i32
        %mul3A_686 = arith.muli %scan3A_357, %mul3A_685 : i32
        %add3A_687 = arith.constant 5 : i32
        %add3A_688 = arith.addi %mul3A_686, %add3A_687 : i32
        %broadcast_in_dim3A_689 = arith.constant 0.000000e+00 : f32
        %broadcast_in_dim3A_690 = vector.broadcast %broadcast_in_dim3A_689 : f32 to vector<16xf32>
        %swap3A_691 = arith.index_cast %add3A_688 : i32 to index
        %swap3A_692 = arith.constant 0 : index
        %swap3A_693 = tpu.vector_load %arg16[%swap3A_691, %swap3A_692] {strides = array<i32>} : memref<80x128xf32, #tpu.memory_space<vmem>>, vector<16xf32>,
        tpu.vector_store %arg16[%swap3A_691, %swap3A_692], %broadcast_in_dim3A_690 {strides = array<i32>} : memref<80x128xf32, #tpu.memory_space<vmem>>, vector<16xf32>,
        %broadcast_in_dim3A_694 = arith.constant 0.000000e+00 : f32
        %broadcast_in_dim3A_695 = vector.broadcast %broadcast_in_dim3A_694 : f32 to vector<16xf32>
        %swap3A_696 = arith.index_cast %add3A_688 : i32 to index
        %swap3A_697 = arith.constant 16 : index
        %swap3A_698 = tpu.vector_load %arg16[%swap3A_696, %swap3A_697] {strides = array<i32>} : memref<80x128xf32, #tpu.memory_space<vmem>>, vector<16xf32>,
        tpu.vector_store %arg16[%swap3A_696, %swap3A_697], %broadcast_in_dim3A_695 {strides = array<i32>} : memref<80x128xf32, #tpu.memory_space<vmem>>, vector<16xf32>,
        %broadcast_in_dim3A_699 = arith.constant 0.000000e+00 : f32
        %broadcast_in_dim3A_700 = vector.broadcast %broadcast_in_dim3A_699 : f32 to vector<16xf32>
        %swap3A_701 = arith.index_cast %add3A_688 : i32 to index
        %swap3A_702 = arith.constant 32 : index
        %swap3A_703 = tpu.vector_load %arg16[%swap3A_701, %swap3A_702] {strides = array<i32>} : memref<80x128xf32, #tpu.memory_space<vmem>>, vector<16xf32>,
        tpu.vector_store %arg16[%swap3A_701, %swap3A_702], %broadcast_in_dim3A_700 {strides = array<i32>} : memref<80x128xf32, #tpu.memory_space<vmem>>, vector<16xf32>,
        %broadcast_in_dim3A_704 = arith.constant 0.000000e+00 : f32
        %broadcast_in_dim3A_705 = vector.broadcast %broadcast_in_dim3A_704 : f32 to vector<16xf32>
        %swap3A_706 = arith.index_cast %add3A_688 : i32 to index
        %swap3A_707 = arith.constant 48 : index
        %swap3A_708 = tpu.vector_load %arg16[%swap3A_706, %swap3A_707] {strides = array<i32>} : memref<80x128xf32, #tpu.memory_space<vmem>>, vector<16xf32>,
        tpu.vector_store %arg16[%swap3A_706, %swap3A_707], %broadcast_in_dim3A_705 {strides = array<i32>} : memref<80x128xf32, #tpu.memory_space<vmem>>, vector<16xf32>,
        %broadcast_in_dim3A_709 = arith.constant 0.000000e+00 : f32
        %broadcast_in_dim3A_710 = vector.broadcast %broadcast_in_dim3A_709 : f32 to vector<16xf32>
        %swap3A_711 = arith.index_cast %add3A_688 : i32 to index
        %swap3A_712 = arith.constant 64 : index
        %swap3A_713 = tpu.vector_load %arg16[%swap3A_711, %swap3A_712] {strides = array<i32>} : memref<80x128xf32, #tpu.memory_space<vmem>>, vector<16xf32>,
        tpu.vector_store %arg16[%swap3A_711, %swap3A_712], %broadcast_in_dim3A_710 {strides = array<i32>} : memref<80x128xf32, #tpu.memory_space<vmem>>, vector<16xf32>,
        %broadcast_in_dim3A_714 = arith.constant 0.000000e+00 : f32
        %broadcast_in_dim3A_715 = vector.broadcast %broadcast_in_dim3A_714 : f32 to vector<16xf32>
        %swap3A_716 = arith.index_cast %add3A_688 : i32 to index
        %swap3A_717 = arith.constant 80 : index
        %swap3A_718 = tpu.vector_load %arg16[%swap3A_716, %swap3A_717] {strides = array<i32>} : memref<80x128xf32, #tpu.memory_space<vmem>>, vector<16xf32>,
        tpu.vector_store %arg16[%swap3A_716, %swap3A_717], %broadcast_in_dim3A_715 {strides = array<i32>} : memref<80x128xf32, #tpu.memory_space<vmem>>, vector<16xf32>,
        %broadcast_in_dim3A_719 = arith.constant 0.000000e+00 : f32
        %broadcast_in_dim3A_720 = vector.broadcast %broadcast_in_dim3A_719 : f32 to vector<16xf32>
        %swap3A_721 = arith.index_cast %add3A_688 : i32 to index
        %swap3A_722 = arith.constant 96 : index
        %swap3A_723 = tpu.vector_load %arg16[%swap3A_721, %swap3A_722] {strides = array<i32>} : memref<80x128xf32, #tpu.memory_space<vmem>>, vector<16xf32>,
        tpu.vector_store %arg16[%swap3A_721, %swap3A_722], %broadcast_in_dim3A_720 {strides = array<i32>} : memref<80x128xf32, #tpu.memory_space<vmem>>, vector<16xf32>,
        %broadcast_in_dim3A_724 = arith.constant 0.000000e+00 : f32
        %broadcast_in_dim3A_725 = vector.broadcast %broadcast_in_dim3A_724 : f32 to vector<16xf32>
        %swap3A_726 = arith.index_cast %add3A_688 : i32 to index
        %swap3A_727 = arith.constant 112 : index
        %swap3A_728 = tpu.vector_load %arg16[%swap3A_726, %swap3A_727] {strides = array<i32>} : memref<80x128xf32, #tpu.memory_space<vmem>>, vector<16xf32>,
        tpu.vector_store %arg16[%swap3A_726, %swap3A_727], %broadcast_in_dim3A_725 {strides = array<i32>} : memref<80x128xf32, #tpu.memory_space<vmem>>, vector<16xf32>,
        %slice3A_729 = vector.extract_strided_slice %get3A_384 {offsets = [5], sizes = [1], strides = [1]} : vector<16xi32> to vector<1xi32>
        %squeeze3A_730 = vector.extract %slice3A_729[0] : i32 from vector<1xi32>
        %and3A_731 = arith.constant 7 : i32
        %and3A_732 = arith.andi %squeeze3A_730, %and3A_731 : i32
        %mul3A_733 = arith.constant 16 : i32
        %mul3A_734 = arith.muli %and3A_732, %mul3A_733 : i32
        %broadcast_in_dim3A_735 = arith.constant 0.000000e+00 : f32
        %broadcast_in_dim3A_736 = vector.broadcast %broadcast_in_dim3A_735 : f32 to vector<16xf32>
        %slice3A_737 = vector.extract_strided_slice %exp3A {offsets = [5], sizes = [1], strides = [1]} : vector<16xf32> to vector<1xf32>
        %squeeze3A_738 = vector.extract %slice3A_737[0] : f32 from vector<1xf32>
        %add3A_739 = vector.broadcast %squeeze3A_738 : f32 to vector<16xf32>
        %add3A_740 = arith.addf %broadcast_in_dim3A_736, %add3A_739 : vector<16xf32>
        %swap3A_741 = arith.index_cast %add3A_688 : i32 to index
        %swap3A_742 = arith.index_cast %mul3A_734 : i32 to index
        %swap3A_743 = tpu.vector_load %arg16[%swap3A_741, %swap3A_742] {strides = array<i32>} : memref<80x128xf32, #tpu.memory_space<vmem>>, vector<16xf32>,
        tpu.vector_store %arg16[%swap3A_741, %swap3A_742], %add3A_740 {strides = array<i32>} : memref<80x128xf32, #tpu.memory_space<vmem>>, vector<16xf32>,
        %mul3A_744 = arith.constant 16 : i32
        %mul3A_745 = arith.muli %scan3A_357, %mul3A_744 : i32
        %add3A_746 = arith.constant 6 : i32
        %add3A_747 = arith.addi %mul3A_745, %add3A_746 : i32
        %broadcast_in_dim3A_748 = arith.constant 0.000000e+00 : f32
        %broadcast_in_dim3A_749 = vector.broadcast %broadcast_in_dim3A_748 : f32 to vector<16xf32>
        %swap3A_750 = arith.index_cast %add3A_747 : i32 to index
        %swap3A_751 = arith.constant 0 : index
        %swap3A_752 = tpu.vector_load %arg16[%swap3A_750, %swap3A_751] {strides = array<i32>} : memref<80x128xf32, #tpu.memory_space<vmem>>, vector<16xf32>,
        tpu.vector_store %arg16[%swap3A_750, %swap3A_751], %broadcast_in_dim3A_749 {strides = array<i32>} : memref<80x128xf32, #tpu.memory_space<vmem>>, vector<16xf32>,
        %broadcast_in_dim3A_753 = arith.constant 0.000000e+00 : f32
        %broadcast_in_dim3A_754 = vector.broadcast %broadcast_in_dim3A_753 : f32 to vector<16xf32>
        %swap3A_755 = arith.index_cast %add3A_747 : i32 to index
        %swap3A_756 = arith.constant 16 : index
        %swap3A_757 = tpu.vector_load %arg16[%swap3A_755, %swap3A_756] {strides = array<i32>} : memref<80x128xf32, #tpu.memory_space<vmem>>, vector<16xf32>,
        tpu.vector_store %arg16[%swap3A_755, %swap3A_756], %broadcast_in_dim3A_754 {strides = array<i32>} : memref<80x128xf32, #tpu.memory_space<vmem>>, vector<16xf32>,
        %broadcast_in_dim3A_758 = arith.constant 0.000000e+00 : f32
        %broadcast_in_dim3A_759 = vector.broadcast %broadcast_in_dim3A_758 : f32 to vector<16xf32>
        %swap3A_760 = arith.index_cast %add3A_747 : i32 to index
        %swap3A_761 = arith.constant 32 : index
        %swap3A_762 = tpu.vector_load %arg16[%swap3A_760, %swap3A_761] {strides = array<i32>} : memref<80x128xf32, #tpu.memory_space<vmem>>, vector<16xf32>,
        tpu.vector_store %arg16[%swap3A_760, %swap3A_761], %broadcast_in_dim3A_759 {strides = array<i32>} : memref<80x128xf32, #tpu.memory_space<vmem>>, vector<16xf32>,
        %broadcast_in_dim3A_763 = arith.constant 0.000000e+00 : f32
        %broadcast_in_dim3A_764 = vector.broadcast %broadcast_in_dim3A_763 : f32 to vector<16xf32>
        %swap3A_765 = arith.index_cast %add3A_747 : i32 to index
        %swap3A_766 = arith.constant 48 : index
        %swap3A_767 = tpu.vector_load %arg16[%swap3A_765, %swap3A_766] {strides = array<i32>} : memref<80x128xf32, #tpu.memory_space<vmem>>, vector<16xf32>,
        tpu.vector_store %arg16[%swap3A_765, %swap3A_766], %broadcast_in_dim3A_764 {strides = array<i32>} : memref<80x128xf32, #tpu.memory_space<vmem>>, vector<16xf32>,
        %broadcast_in_dim3A_768 = arith.constant 0.000000e+00 : f32
        %broadcast_in_dim3A_769 = vector.broadcast %broadcast_in_dim3A_768 : f32 to vector<16xf32>
        %swap3A_770 = arith.index_cast %add3A_747 : i32 to index
        %swap3A_771 = arith.constant 64 : index
        %swap3A_772 = tpu.vector_load %arg16[%swap3A_770, %swap3A_771] {strides = array<i32>} : memref<80x128xf32, #tpu.memory_space<vmem>>, vector<16xf32>,
        tpu.vector_store %arg16[%swap3A_770, %swap3A_771], %broadcast_in_dim3A_769 {strides = array<i32>} : memref<80x128xf32, #tpu.memory_space<vmem>>, vector<16xf32>,
        %broadcast_in_dim3A_773 = arith.constant 0.000000e+00 : f32
        %broadcast_in_dim3A_774 = vector.broadcast %broadcast_in_dim3A_773 : f32 to vector<16xf32>
        %swap3A_775 = arith.index_cast %add3A_747 : i32 to index
        %swap3A_776 = arith.constant 80 : index
        %swap3A_777 = tpu.vector_load %arg16[%swap3A_775, %swap3A_776] {strides = array<i32>} : memref<80x128xf32, #tpu.memory_space<vmem>>, vector<16xf32>,
        tpu.vector_store %arg16[%swap3A_775, %swap3A_776], %broadcast_in_dim3A_774 {strides = array<i32>} : memref<80x128xf32, #tpu.memory_space<vmem>>, vector<16xf32>,
        %broadcast_in_dim3A_778 = arith.constant 0.000000e+00 : f32
        %broadcast_in_dim3A_779 = vector.broadcast %broadcast_in_dim3A_778 : f32 to vector<16xf32>
        %swap3A_780 = arith.index_cast %add3A_747 : i32 to index
        %swap3A_781 = arith.constant 96 : index
        %swap3A_782 = tpu.vector_load %arg16[%swap3A_780, %swap3A_781] {strides = array<i32>} : memref<80x128xf32, #tpu.memory_space<vmem>>, vector<16xf32>,
        tpu.vector_store %arg16[%swap3A_780, %swap3A_781], %broadcast_in_dim3A_779 {strides = array<i32>} : memref<80x128xf32, #tpu.memory_space<vmem>>, vector<16xf32>,
        %broadcast_in_dim3A_783 = arith.constant 0.000000e+00 : f32
        %broadcast_in_dim3A_784 = vector.broadcast %broadcast_in_dim3A_783 : f32 to vector<16xf32>
        %swap3A_785 = arith.index_cast %add3A_747 : i32 to index
        %swap3A_786 = arith.constant 112 : index
        %swap3A_787 = tpu.vector_load %arg16[%swap3A_785, %swap3A_786] {strides = array<i32>} : memref<80x128xf32, #tpu.memory_space<vmem>>, vector<16xf32>,
        tpu.vector_store %arg16[%swap3A_785, %swap3A_786], %broadcast_in_dim3A_784 {strides = array<i32>} : memref<80x128xf32, #tpu.memory_space<vmem>>, vector<16xf32>,
        %slice3A_788 = vector.extract_strided_slice %get3A_384 {offsets = [6], sizes = [1], strides = [1]} : vector<16xi32> to vector<1xi32>
        %squeeze3A_789 = vector.extract %slice3A_788[0] : i32 from vector<1xi32>
        %and3A_790 = arith.constant 7 : i32
        %and3A_791 = arith.andi %squeeze3A_789, %and3A_790 : i32
        %mul3A_792 = arith.constant 16 : i32
        %mul3A_793 = arith.muli %and3A_791, %mul3A_792 : i32
        %broadcast_in_dim3A_794 = arith.constant 0.000000e+00 : f32
        %broadcast_in_dim3A_795 = vector.broadcast %broadcast_in_dim3A_794 : f32 to vector<16xf32>
        %slice3A_796 = vector.extract_strided_slice %exp3A {offsets = [6], sizes = [1], strides = [1]} : vector<16xf32> to vector<1xf32>
        %squeeze3A_797 = vector.extract %slice3A_796[0] : f32 from vector<1xf32>
        %add3A_798 = vector.broadcast %squeeze3A_797 : f32 to vector<16xf32>
        %add3A_799 = arith.addf %broadcast_in_dim3A_795, %add3A_798 : vector<16xf32>
        %swap3A_800 = arith.index_cast %add3A_747 : i32 to index
        %swap3A_801 = arith.index_cast %mul3A_793 : i32 to index
        %swap3A_802 = tpu.vector_load %arg16[%swap3A_800, %swap3A_801] {strides = array<i32>} : memref<80x128xf32, #tpu.memory_space<vmem>>, vector<16xf32>,
        tpu.vector_store %arg16[%swap3A_800, %swap3A_801], %add3A_799 {strides = array<i32>} : memref<80x128xf32, #tpu.memory_space<vmem>>, vector<16xf32>,
        %mul3A_803 = arith.constant 16 : i32
        %mul3A_804 = arith.muli %scan3A_357, %mul3A_803 : i32
        %add3A_805 = arith.constant 7 : i32
        %add3A_806 = arith.addi %mul3A_804, %add3A_805 : i32
        %broadcast_in_dim3A_807 = arith.constant 0.000000e+00 : f32
        %broadcast_in_dim3A_808 = vector.broadcast %broadcast_in_dim3A_807 : f32 to vector<16xf32>
        %swap3A_809 = arith.index_cast %add3A_806 : i32 to index
        %swap3A_810 = arith.constant 0 : index
        %swap3A_811 = tpu.vector_load %arg16[%swap3A_809, %swap3A_810] {strides = array<i32>} : memref<80x128xf32, #tpu.memory_space<vmem>>, vector<16xf32>,
        tpu.vector_store %arg16[%swap3A_809, %swap3A_810], %broadcast_in_dim3A_808 {strides = array<i32>} : memref<80x128xf32, #tpu.memory_space<vmem>>, vector<16xf32>,
        %broadcast_in_dim3A_812 = arith.constant 0.000000e+00 : f32
        %broadcast_in_dim3A_813 = vector.broadcast %broadcast_in_dim3A_812 : f32 to vector<16xf32>
        %swap3A_814 = arith.index_cast %add3A_806 : i32 to index
        %swap3A_815 = arith.constant 16 : index
        %swap3A_816 = tpu.vector_load %arg16[%swap3A_814, %swap3A_815] {strides = array<i32>} : memref<80x128xf32, #tpu.memory_space<vmem>>, vector<16xf32>,
        tpu.vector_store %arg16[%swap3A_814, %swap3A_815], %broadcast_in_dim3A_813 {strides = array<i32>} : memref<80x128xf32, #tpu.memory_space<vmem>>, vector<16xf32>,
        %broadcast_in_dim3A_817 = arith.constant 0.000000e+00 : f32
        %broadcast_in_dim3A_818 = vector.broadcast %broadcast_in_dim3A_817 : f32 to vector<16xf32>
        %swap3A_819 = arith.index_cast %add3A_806 : i32 to index
        %swap3A_820 = arith.constant 32 : index
        %swap3A_821 = tpu.vector_load %arg16[%swap3A_819, %swap3A_820] {strides = array<i32>} : memref<80x128xf32, #tpu.memory_space<vmem>>, vector<16xf32>,
        tpu.vector_store %arg16[%swap3A_819, %swap3A_820], %broadcast_in_dim3A_818 {strides = array<i32>} : memref<80x128xf32, #tpu.memory_space<vmem>>, vector<16xf32>,
        %broadcast_in_dim3A_822 = arith.constant 0.000000e+00 : f32
        %broadcast_in_dim3A_823 = vector.broadcast %broadcast_in_dim3A_822 : f32 to vector<16xf32>
        %swap3A_824 = arith.index_cast %add3A_806 : i32 to index
        %swap3A_825 = arith.constant 48 : index
        %swap3A_826 = tpu.vector_load %arg16[%swap3A_824, %swap3A_825] {strides = array<i32>} : memref<80x128xf32, #tpu.memory_space<vmem>>, vector<16xf32>,
        tpu.vector_store %arg16[%swap3A_824, %swap3A_825], %broadcast_in_dim3A_823 {strides = array<i32>} : memref<80x128xf32, #tpu.memory_space<vmem>>, vector<16xf32>,
        %broadcast_in_dim3A_827 = arith.constant 0.000000e+00 : f32
        %broadcast_in_dim3A_828 = vector.broadcast %broadcast_in_dim3A_827 : f32 to vector<16xf32>
        %swap3A_829 = arith.index_cast %add3A_806 : i32 to index
        %swap3A_830 = arith.constant 64 : index
        %swap3A_831 = tpu.vector_load %arg16[%swap3A_829, %swap3A_830] {strides = array<i32>} : memref<80x128xf32, #tpu.memory_space<vmem>>, vector<16xf32>,
        tpu.vector_store %arg16[%swap3A_829, %swap3A_830], %broadcast_in_dim3A_828 {strides = array<i32>} : memref<80x128xf32, #tpu.memory_space<vmem>>, vector<16xf32>,
        %broadcast_in_dim3A_832 = arith.constant 0.000000e+00 : f32
        %broadcast_in_dim3A_833 = vector.broadcast %broadcast_in_dim3A_832 : f32 to vector<16xf32>
        %swap3A_834 = arith.index_cast %add3A_806 : i32 to index
        %swap3A_835 = arith.constant 80 : index
        %swap3A_836 = tpu.vector_load %arg16[%swap3A_834, %swap3A_835] {strides = array<i32>} : memref<80x128xf32, #tpu.memory_space<vmem>>, vector<16xf32>,
        tpu.vector_store %arg16[%swap3A_834, %swap3A_835], %broadcast_in_dim3A_833 {strides = array<i32>} : memref<80x128xf32, #tpu.memory_space<vmem>>, vector<16xf32>,
        %broadcast_in_dim3A_837 = arith.constant 0.000000e+00 : f32
        %broadcast_in_dim3A_838 = vector.broadcast %broadcast_in_dim3A_837 : f32 to vector<16xf32>
        %swap3A_839 = arith.index_cast %add3A_806 : i32 to index
        %swap3A_840 = arith.constant 96 : index
        %swap3A_841 = tpu.vector_load %arg16[%swap3A_839, %swap3A_840] {strides = array<i32>} : memref<80x128xf32, #tpu.memory_space<vmem>>, vector<16xf32>,
        tpu.vector_store %arg16[%swap3A_839, %swap3A_840], %broadcast_in_dim3A_838 {strides = array<i32>} : memref<80x128xf32, #tpu.memory_space<vmem>>, vector<16xf32>,
        %broadcast_in_dim3A_842 = arith.constant 0.000000e+00 : f32
        %broadcast_in_dim3A_843 = vector.broadcast %broadcast_in_dim3A_842 : f32 to vector<16xf32>
        %swap3A_844 = arith.index_cast %add3A_806 : i32 to index
        %swap3A_845 = arith.constant 112 : index
        %swap3A_846 = tpu.vector_load %arg16[%swap3A_844, %swap3A_845] {strides = array<i32>} : memref<80x128xf32, #tpu.memory_space<vmem>>, vector<16xf32>,
        tpu.vector_store %arg16[%swap3A_844, %swap3A_845], %broadcast_in_dim3A_843 {strides = array<i32>} : memref<80x128xf32, #tpu.memory_space<vmem>>, vector<16xf32>,
        %slice3A_847 = vector.extract_strided_slice %get3A_384 {offsets = [7], sizes = [1], strides = [1]} : vector<16xi32> to vector<1xi32>
        %squeeze3A_848 = vector.extract %slice3A_847[0] : i32 from vector<1xi32>
        %and3A_849 = arith.constant 7 : i32
        %and3A_850 = arith.andi %squeeze3A_848, %and3A_849 : i32
        %mul3A_851 = arith.constant 16 : i32
        %mul3A_852 = arith.muli %and3A_850, %mul3A_851 : i32
        %broadcast_in_dim3A_853 = arith.constant 0.000000e+00 : f32
        %broadcast_in_dim3A_854 = vector.broadcast %broadcast_in_dim3A_853 : f32 to vector<16xf32>
        %slice3A_855 = vector.extract_strided_slice %exp3A {offsets = [7], sizes = [1], strides = [1]} : vector<16xf32> to vector<1xf32>
        %squeeze3A_856 = vector.extract %slice3A_855[0] : f32 from vector<1xf32>
        %add3A_857 = vector.broadcast %squeeze3A_856 : f32 to vector<16xf32>
        %add3A_858 = arith.addf %broadcast_in_dim3A_854, %add3A_857 : vector<16xf32>
        %swap3A_859 = arith.index_cast %add3A_806 : i32 to index
        %swap3A_860 = arith.index_cast %mul3A_852 : i32 to index
        %swap3A_861 = tpu.vector_load %arg16[%swap3A_859, %swap3A_860] {strides = array<i32>} : memref<80x128xf32, #tpu.memory_space<vmem>>, vector<16xf32>,
        tpu.vector_store %arg16[%swap3A_859, %swap3A_860], %add3A_858 {strides = array<i32>} : memref<80x128xf32, #tpu.memory_space<vmem>>, vector<16xf32>,
        %mul3A_862 = arith.constant 16 : i32
        %mul3A_863 = arith.muli %scan3A_357, %mul3A_862 : i32
        %add3A_864 = arith.constant 8 : i32
        %add3A_865 = arith.addi %mul3A_863, %add3A_864 : i32
        %broadcast_in_dim3A_866 = arith.constant 0.000000e+00 : f32
        %broadcast_in_dim3A_867 = vector.broadcast %broadcast_in_dim3A_866 : f32 to vector<16xf32>
        %swap3A_868 = arith.index_cast %add3A_865 : i32 to index
        %swap3A_869 = arith.constant 0 : index
        %swap3A_870 = tpu.vector_load %arg16[%swap3A_868, %swap3A_869] {strides = array<i32>} : memref<80x128xf32, #tpu.memory_space<vmem>>, vector<16xf32>,
        tpu.vector_store %arg16[%swap3A_868, %swap3A_869], %broadcast_in_dim3A_867 {strides = array<i32>} : memref<80x128xf32, #tpu.memory_space<vmem>>, vector<16xf32>,
        %broadcast_in_dim3A_871 = arith.constant 0.000000e+00 : f32
        %broadcast_in_dim3A_872 = vector.broadcast %broadcast_in_dim3A_871 : f32 to vector<16xf32>
        %swap3A_873 = arith.index_cast %add3A_865 : i32 to index
        %swap3A_874 = arith.constant 16 : index
        %swap3A_875 = tpu.vector_load %arg16[%swap3A_873, %swap3A_874] {strides = array<i32>} : memref<80x128xf32, #tpu.memory_space<vmem>>, vector<16xf32>,
        tpu.vector_store %arg16[%swap3A_873, %swap3A_874], %broadcast_in_dim3A_872 {strides = array<i32>} : memref<80x128xf32, #tpu.memory_space<vmem>>, vector<16xf32>,
        %broadcast_in_dim3A_876 = arith.constant 0.000000e+00 : f32
        %broadcast_in_dim3A_877 = vector.broadcast %broadcast_in_dim3A_876 : f32 to vector<16xf32>
        %swap3A_878 = arith.index_cast %add3A_865 : i32 to index
        %swap3A_879 = arith.constant 32 : index
        %swap3A_880 = tpu.vector_load %arg16[%swap3A_878, %swap3A_879] {strides = array<i32>} : memref<80x128xf32, #tpu.memory_space<vmem>>, vector<16xf32>,
        tpu.vector_store %arg16[%swap3A_878, %swap3A_879], %broadcast_in_dim3A_877 {strides = array<i32>} : memref<80x128xf32, #tpu.memory_space<vmem>>, vector<16xf32>,
        %broadcast_in_dim3A_881 = arith.constant 0.000000e+00 : f32
        %broadcast_in_dim3A_882 = vector.broadcast %broadcast_in_dim3A_881 : f32 to vector<16xf32>
        %swap3A_883 = arith.index_cast %add3A_865 : i32 to index
        %swap3A_884 = arith.constant 48 : index
        %swap3A_885 = tpu.vector_load %arg16[%swap3A_883, %swap3A_884] {strides = array<i32>} : memref<80x128xf32, #tpu.memory_space<vmem>>, vector<16xf32>,
        tpu.vector_store %arg16[%swap3A_883, %swap3A_884], %broadcast_in_dim3A_882 {strides = array<i32>} : memref<80x128xf32, #tpu.memory_space<vmem>>, vector<16xf32>,
        %broadcast_in_dim3A_886 = arith.constant 0.000000e+00 : f32
        %broadcast_in_dim3A_887 = vector.broadcast %broadcast_in_dim3A_886 : f32 to vector<16xf32>
        %swap3A_888 = arith.index_cast %add3A_865 : i32 to index
        %swap3A_889 = arith.constant 64 : index
        %swap3A_890 = tpu.vector_load %arg16[%swap3A_888, %swap3A_889] {strides = array<i32>} : memref<80x128xf32, #tpu.memory_space<vmem>>, vector<16xf32>,
        tpu.vector_store %arg16[%swap3A_888, %swap3A_889], %broadcast_in_dim3A_887 {strides = array<i32>} : memref<80x128xf32, #tpu.memory_space<vmem>>, vector<16xf32>,
        %broadcast_in_dim3A_891 = arith.constant 0.000000e+00 : f32
        %broadcast_in_dim3A_892 = vector.broadcast %broadcast_in_dim3A_891 : f32 to vector<16xf32>
        %swap3A_893 = arith.index_cast %add3A_865 : i32 to index
        %swap3A_894 = arith.constant 80 : index
        %swap3A_895 = tpu.vector_load %arg16[%swap3A_893, %swap3A_894] {strides = array<i32>} : memref<80x128xf32, #tpu.memory_space<vmem>>, vector<16xf32>,
        tpu.vector_store %arg16[%swap3A_893, %swap3A_894], %broadcast_in_dim3A_892 {strides = array<i32>} : memref<80x128xf32, #tpu.memory_space<vmem>>, vector<16xf32>,
        %broadcast_in_dim3A_896 = arith.constant 0.000000e+00 : f32
        %broadcast_in_dim3A_897 = vector.broadcast %broadcast_in_dim3A_896 : f32 to vector<16xf32>
        %swap3A_898 = arith.index_cast %add3A_865 : i32 to index
        %swap3A_899 = arith.constant 96 : index
        %swap3A_900 = tpu.vector_load %arg16[%swap3A_898, %swap3A_899] {strides = array<i32>} : memref<80x128xf32, #tpu.memory_space<vmem>>, vector<16xf32>,
        tpu.vector_store %arg16[%swap3A_898, %swap3A_899], %broadcast_in_dim3A_897 {strides = array<i32>} : memref<80x128xf32, #tpu.memory_space<vmem>>, vector<16xf32>,
        %broadcast_in_dim3A_901 = arith.constant 0.000000e+00 : f32
        %broadcast_in_dim3A_902 = vector.broadcast %broadcast_in_dim3A_901 : f32 to vector<16xf32>
        %swap3A_903 = arith.index_cast %add3A_865 : i32 to index
        %swap3A_904 = arith.constant 112 : index
        %swap3A_905 = tpu.vector_load %arg16[%swap3A_903, %swap3A_904] {strides = array<i32>} : memref<80x128xf32, #tpu.memory_space<vmem>>, vector<16xf32>,
        tpu.vector_store %arg16[%swap3A_903, %swap3A_904], %broadcast_in_dim3A_902 {strides = array<i32>} : memref<80x128xf32, #tpu.memory_space<vmem>>, vector<16xf32>,
        %slice3A_906 = vector.extract_strided_slice %get3A_384 {offsets = [8], sizes = [1], strides = [1]} : vector<16xi32> to vector<1xi32>
        %squeeze3A_907 = vector.extract %slice3A_906[0] : i32 from vector<1xi32>
        %and3A_908 = arith.constant 7 : i32
        %and3A_909 = arith.andi %squeeze3A_907, %and3A_908 : i32
        %mul3A_910 = arith.constant 16 : i32
        %mul3A_911 = arith.muli %and3A_909, %mul3A_910 : i32
        %broadcast_in_dim3A_912 = arith.constant 0.000000e+00 : f32
        %broadcast_in_dim3A_913 = vector.broadcast %broadcast_in_dim3A_912 : f32 to vector<16xf32>
        %slice3A_914 = vector.extract_strided_slice %exp3A {offsets = [8], sizes = [1], strides = [1]} : vector<16xf32> to vector<1xf32>
        %squeeze3A_915 = vector.extract %slice3A_914[0] : f32 from vector<1xf32>
        %add3A_916 = vector.broadcast %squeeze3A_915 : f32 to vector<16xf32>
        %add3A_917 = arith.addf %broadcast_in_dim3A_913, %add3A_916 : vector<16xf32>
        %swap3A_918 = arith.index_cast %add3A_865 : i32 to index
        %swap3A_919 = arith.index_cast %mul3A_911 : i32 to index
        %swap3A_920 = tpu.vector_load %arg16[%swap3A_918, %swap3A_919] {strides = array<i32>} : memref<80x128xf32, #tpu.memory_space<vmem>>, vector<16xf32>,
        tpu.vector_store %arg16[%swap3A_918, %swap3A_919], %add3A_917 {strides = array<i32>} : memref<80x128xf32, #tpu.memory_space<vmem>>, vector<16xf32>,
        %mul3A_921 = arith.constant 16 : i32
        %mul3A_922 = arith.muli %scan3A_357, %mul3A_921 : i32
        %add3A_923 = arith.constant 9 : i32
        %add3A_924 = arith.addi %mul3A_922, %add3A_923 : i32
        %broadcast_in_dim3A_925 = arith.constant 0.000000e+00 : f32
        %broadcast_in_dim3A_926 = vector.broadcast %broadcast_in_dim3A_925 : f32 to vector<16xf32>
        %swap3A_927 = arith.index_cast %add3A_924 : i32 to index
        %swap3A_928 = arith.constant 0 : index
        %swap3A_929 = tpu.vector_load %arg16[%swap3A_927, %swap3A_928] {strides = array<i32>} : memref<80x128xf32, #tpu.memory_space<vmem>>, vector<16xf32>,
        tpu.vector_store %arg16[%swap3A_927, %swap3A_928], %broadcast_in_dim3A_926 {strides = array<i32>} : memref<80x128xf32, #tpu.memory_space<vmem>>, vector<16xf32>,
        %broadcast_in_dim3A_930 = arith.constant 0.000000e+00 : f32
        %broadcast_in_dim3A_931 = vector.broadcast %broadcast_in_dim3A_930 : f32 to vector<16xf32>
        %swap3A_932 = arith.index_cast %add3A_924 : i32 to index
        %swap3A_933 = arith.constant 16 : index
        %swap3A_934 = tpu.vector_load %arg16[%swap3A_932, %swap3A_933] {strides = array<i32>} : memref<80x128xf32, #tpu.memory_space<vmem>>, vector<16xf32>,
        tpu.vector_store %arg16[%swap3A_932, %swap3A_933], %broadcast_in_dim3A_931 {strides = array<i32>} : memref<80x128xf32, #tpu.memory_space<vmem>>, vector<16xf32>,
        %broadcast_in_dim3A_935 = arith.constant 0.000000e+00 : f32
        %broadcast_in_dim3A_936 = vector.broadcast %broadcast_in_dim3A_935 : f32 to vector<16xf32>
        %swap3A_937 = arith.index_cast %add3A_924 : i32 to index
        %swap3A_938 = arith.constant 32 : index
        %swap3A_939 = tpu.vector_load %arg16[%swap3A_937, %swap3A_938] {strides = array<i32>} : memref<80x128xf32, #tpu.memory_space<vmem>>, vector<16xf32>,
        tpu.vector_store %arg16[%swap3A_937, %swap3A_938], %broadcast_in_dim3A_936 {strides = array<i32>} : memref<80x128xf32, #tpu.memory_space<vmem>>, vector<16xf32>,
        %broadcast_in_dim3A_940 = arith.constant 0.000000e+00 : f32
        %broadcast_in_dim3A_941 = vector.broadcast %broadcast_in_dim3A_940 : f32 to vector<16xf32>
        %swap3A_942 = arith.index_cast %add3A_924 : i32 to index
        %swap3A_943 = arith.constant 48 : index
        %swap3A_944 = tpu.vector_load %arg16[%swap3A_942, %swap3A_943] {strides = array<i32>} : memref<80x128xf32, #tpu.memory_space<vmem>>, vector<16xf32>,
        tpu.vector_store %arg16[%swap3A_942, %swap3A_943], %broadcast_in_dim3A_941 {strides = array<i32>} : memref<80x128xf32, #tpu.memory_space<vmem>>, vector<16xf32>,
        %broadcast_in_dim3A_945 = arith.constant 0.000000e+00 : f32
        %broadcast_in_dim3A_946 = vector.broadcast %broadcast_in_dim3A_945 : f32 to vector<16xf32>
        %swap3A_947 = arith.index_cast %add3A_924 : i32 to index
        %swap3A_948 = arith.constant 64 : index
        %swap3A_949 = tpu.vector_load %arg16[%swap3A_947, %swap3A_948] {strides = array<i32>} : memref<80x128xf32, #tpu.memory_space<vmem>>, vector<16xf32>,
        tpu.vector_store %arg16[%swap3A_947, %swap3A_948], %broadcast_in_dim3A_946 {strides = array<i32>} : memref<80x128xf32, #tpu.memory_space<vmem>>, vector<16xf32>,
        %broadcast_in_dim3A_950 = arith.constant 0.000000e+00 : f32
        %broadcast_in_dim3A_951 = vector.broadcast %broadcast_in_dim3A_950 : f32 to vector<16xf32>
        %swap3A_952 = arith.index_cast %add3A_924 : i32 to index
        %swap3A_953 = arith.constant 80 : index
        %swap3A_954 = tpu.vector_load %arg16[%swap3A_952, %swap3A_953] {strides = array<i32>} : memref<80x128xf32, #tpu.memory_space<vmem>>, vector<16xf32>,
        tpu.vector_store %arg16[%swap3A_952, %swap3A_953], %broadcast_in_dim3A_951 {strides = array<i32>} : memref<80x128xf32, #tpu.memory_space<vmem>>, vector<16xf32>,
        %broadcast_in_dim3A_955 = arith.constant 0.000000e+00 : f32
        %broadcast_in_dim3A_956 = vector.broadcast %broadcast_in_dim3A_955 : f32 to vector<16xf32>
        %swap3A_957 = arith.index_cast %add3A_924 : i32 to index
        %swap3A_958 = arith.constant 96 : index
        %swap3A_959 = tpu.vector_load %arg16[%swap3A_957, %swap3A_958] {strides = array<i32>} : memref<80x128xf32, #tpu.memory_space<vmem>>, vector<16xf32>,
        tpu.vector_store %arg16[%swap3A_957, %swap3A_958], %broadcast_in_dim3A_956 {strides = array<i32>} : memref<80x128xf32, #tpu.memory_space<vmem>>, vector<16xf32>,
        %broadcast_in_dim3A_960 = arith.constant 0.000000e+00 : f32
        %broadcast_in_dim3A_961 = vector.broadcast %broadcast_in_dim3A_960 : f32 to vector<16xf32>
        %swap3A_962 = arith.index_cast %add3A_924 : i32 to index
        %swap3A_963 = arith.constant 112 : index
        %swap3A_964 = tpu.vector_load %arg16[%swap3A_962, %swap3A_963] {strides = array<i32>} : memref<80x128xf32, #tpu.memory_space<vmem>>, vector<16xf32>,
        tpu.vector_store %arg16[%swap3A_962, %swap3A_963], %broadcast_in_dim3A_961 {strides = array<i32>} : memref<80x128xf32, #tpu.memory_space<vmem>>, vector<16xf32>,
        %slice3A_965 = vector.extract_strided_slice %get3A_384 {offsets = [9], sizes = [1], strides = [1]} : vector<16xi32> to vector<1xi32>
        %squeeze3A_966 = vector.extract %slice3A_965[0] : i32 from vector<1xi32>
        %and3A_967 = arith.constant 7 : i32
        %and3A_968 = arith.andi %squeeze3A_966, %and3A_967 : i32
        %mul3A_969 = arith.constant 16 : i32
        %mul3A_970 = arith.muli %and3A_968, %mul3A_969 : i32
        %broadcast_in_dim3A_971 = arith.constant 0.000000e+00 : f32
        %broadcast_in_dim3A_972 = vector.broadcast %broadcast_in_dim3A_971 : f32 to vector<16xf32>
        %slice3A_973 = vector.extract_strided_slice %exp3A {offsets = [9], sizes = [1], strides = [1]} : vector<16xf32> to vector<1xf32>
        %squeeze3A_974 = vector.extract %slice3A_973[0] : f32 from vector<1xf32>
        %add3A_975 = vector.broadcast %squeeze3A_974 : f32 to vector<16xf32>
        %add3A_976 = arith.addf %broadcast_in_dim3A_972, %add3A_975 : vector<16xf32>
        %swap3A_977 = arith.index_cast %add3A_924 : i32 to index
        %swap3A_978 = arith.index_cast %mul3A_970 : i32 to index
        %swap3A_979 = tpu.vector_load %arg16[%swap3A_977, %swap3A_978] {strides = array<i32>} : memref<80x128xf32, #tpu.memory_space<vmem>>, vector<16xf32>,
        tpu.vector_store %arg16[%swap3A_977, %swap3A_978], %add3A_976 {strides = array<i32>} : memref<80x128xf32, #tpu.memory_space<vmem>>, vector<16xf32>,
        %mul3A_980 = arith.constant 16 : i32
        %mul3A_981 = arith.muli %scan3A_357, %mul3A_980 : i32
        %add3A_982 = arith.constant 10 : i32
        %add3A_983 = arith.addi %mul3A_981, %add3A_982 : i32
        %broadcast_in_dim3A_984 = arith.constant 0.000000e+00 : f32
        %broadcast_in_dim3A_985 = vector.broadcast %broadcast_in_dim3A_984 : f32 to vector<16xf32>
        %swap3A_986 = arith.index_cast %add3A_983 : i32 to index
        %swap3A_987 = arith.constant 0 : index
        %swap3A_988 = tpu.vector_load %arg16[%swap3A_986, %swap3A_987] {strides = array<i32>} : memref<80x128xf32, #tpu.memory_space<vmem>>, vector<16xf32>,
        tpu.vector_store %arg16[%swap3A_986, %swap3A_987], %broadcast_in_dim3A_985 {strides = array<i32>} : memref<80x128xf32, #tpu.memory_space<vmem>>, vector<16xf32>,
        %broadcast_in_dim3A_989 = arith.constant 0.000000e+00 : f32
        %broadcast_in_dim3A_990 = vector.broadcast %broadcast_in_dim3A_989 : f32 to vector<16xf32>
        %swap3A_991 = arith.index_cast %add3A_983 : i32 to index
        %swap3A_992 = arith.constant 16 : index
        %swap3A_993 = tpu.vector_load %arg16[%swap3A_991, %swap3A_992] {strides = array<i32>} : memref<80x128xf32, #tpu.memory_space<vmem>>, vector<16xf32>,
        tpu.vector_store %arg16[%swap3A_991, %swap3A_992], %broadcast_in_dim3A_990 {strides = array<i32>} : memref<80x128xf32, #tpu.memory_space<vmem>>, vector<16xf32>,
        %broadcast_in_dim3A_994 = arith.constant 0.000000e+00 : f32
        %broadcast_in_dim3A_995 = vector.broadcast %broadcast_in_dim3A_994 : f32 to vector<16xf32>
        %swap3A_996 = arith.index_cast %add3A_983 : i32 to index
        %swap3A_997 = arith.constant 32 : index
        %swap3A_998 = tpu.vector_load %arg16[%swap3A_996, %swap3A_997] {strides = array<i32>} : memref<80x128xf32, #tpu.memory_space<vmem>>, vector<16xf32>,
        tpu.vector_store %arg16[%swap3A_996, %swap3A_997], %broadcast_in_dim3A_995 {strides = array<i32>} : memref<80x128xf32, #tpu.memory_space<vmem>>, vector<16xf32>,
        %broadcast_in_dim3A_999 = arith.constant 0.000000e+00 : f32
        %broadcast_in_dim3A_1000 = vector.broadcast %broadcast_in_dim3A_999 : f32 to vector<16xf32>
        %swap3A_1001 = arith.index_cast %add3A_983 : i32 to index
        %swap3A_1002 = arith.constant 48 : index
        %swap3A_1003 = tpu.vector_load %arg16[%swap3A_1001, %swap3A_1002] {strides = array<i32>} : memref<80x128xf32, #tpu.memory_space<vmem>>, vector<16xf32>,
        tpu.vector_store %arg16[%swap3A_1001, %swap3A_1002], %broadcast_in_dim3A_1000 {strides = array<i32>} : memref<80x128xf32, #tpu.memory_space<vmem>>, vector<16xf32>,
        %broadcast_in_dim3A_1004 = arith.constant 0.000000e+00 : f32
        %broadcast_in_dim3A_1005 = vector.broadcast %broadcast_in_dim3A_1004 : f32 to vector<16xf32>
        %swap3A_1006 = arith.index_cast %add3A_983 : i32 to index
        %swap3A_1007 = arith.constant 64 : index
        %swap3A_1008 = tpu.vector_load %arg16[%swap3A_1006, %swap3A_1007] {strides = array<i32>} : memref<80x128xf32, #tpu.memory_space<vmem>>, vector<16xf32>,
        tpu.vector_store %arg16[%swap3A_1006, %swap3A_1007], %broadcast_in_dim3A_1005 {strides = array<i32>} : memref<80x128xf32, #tpu.memory_space<vmem>>, vector<16xf32>,
        %broadcast_in_dim3A_1009 = arith.constant 0.000000e+00 : f32
        %broadcast_in_dim3A_1010 = vector.broadcast %broadcast_in_dim3A_1009 : f32 to vector<16xf32>
        %swap3A_1011 = arith.index_cast %add3A_983 : i32 to index
        %swap3A_1012 = arith.constant 80 : index
        %swap3A_1013 = tpu.vector_load %arg16[%swap3A_1011, %swap3A_1012] {strides = array<i32>} : memref<80x128xf32, #tpu.memory_space<vmem>>, vector<16xf32>,
        tpu.vector_store %arg16[%swap3A_1011, %swap3A_1012], %broadcast_in_dim3A_1010 {strides = array<i32>} : memref<80x128xf32, #tpu.memory_space<vmem>>, vector<16xf32>,
        %broadcast_in_dim3A_1014 = arith.constant 0.000000e+00 : f32
        %broadcast_in_dim3A_1015 = vector.broadcast %broadcast_in_dim3A_1014 : f32 to vector<16xf32>
        %swap3A_1016 = arith.index_cast %add3A_983 : i32 to index
        %swap3A_1017 = arith.constant 96 : index
        %swap3A_1018 = tpu.vector_load %arg16[%swap3A_1016, %swap3A_1017] {strides = array<i32>} : memref<80x128xf32, #tpu.memory_space<vmem>>, vector<16xf32>,
        tpu.vector_store %arg16[%swap3A_1016, %swap3A_1017], %broadcast_in_dim3A_1015 {strides = array<i32>} : memref<80x128xf32, #tpu.memory_space<vmem>>, vector<16xf32>,
        %broadcast_in_dim3A_1019 = arith.constant 0.000000e+00 : f32
        %broadcast_in_dim3A_1020 = vector.broadcast %broadcast_in_dim3A_1019 : f32 to vector<16xf32>
        %swap3A_1021 = arith.index_cast %add3A_983 : i32 to index
        %swap3A_1022 = arith.constant 112 : index
        %swap3A_1023 = tpu.vector_load %arg16[%swap3A_1021, %swap3A_1022] {strides = array<i32>} : memref<80x128xf32, #tpu.memory_space<vmem>>, vector<16xf32>,
        tpu.vector_store %arg16[%swap3A_1021, %swap3A_1022], %broadcast_in_dim3A_1020 {strides = array<i32>} : memref<80x128xf32, #tpu.memory_space<vmem>>, vector<16xf32>,
        %slice3A_1024 = vector.extract_strided_slice %get3A_384 {offsets = [10], sizes = [1], strides = [1]} : vector<16xi32> to vector<1xi32>
        %squeeze3A_1025 = vector.extract %slice3A_1024[0] : i32 from vector<1xi32>
        %and3A_1026 = arith.constant 7 : i32
        %and3A_1027 = arith.andi %squeeze3A_1025, %and3A_1026 : i32
        %mul3A_1028 = arith.constant 16 : i32
        %mul3A_1029 = arith.muli %and3A_1027, %mul3A_1028 : i32
        %broadcast_in_dim3A_1030 = arith.constant 0.000000e+00 : f32
        %broadcast_in_dim3A_1031 = vector.broadcast %broadcast_in_dim3A_1030 : f32 to vector<16xf32>
        %slice3A_1032 = vector.extract_strided_slice %exp3A {offsets = [10], sizes = [1], strides = [1]} : vector<16xf32> to vector<1xf32>
        %squeeze3A_1033 = vector.extract %slice3A_1032[0] : f32 from vector<1xf32>
        %add3A_1034 = vector.broadcast %squeeze3A_1033 : f32 to vector<16xf32>
        %add3A_1035 = arith.addf %broadcast_in_dim3A_1031, %add3A_1034 : vector<16xf32>
        %swap3A_1036 = arith.index_cast %add3A_983 : i32 to index
        %swap3A_1037 = arith.index_cast %mul3A_1029 : i32 to index
        %swap3A_1038 = tpu.vector_load %arg16[%swap3A_1036, %swap3A_1037] {strides = array<i32>} : memref<80x128xf32, #tpu.memory_space<vmem>>, vector<16xf32>,
        tpu.vector_store %arg16[%swap3A_1036, %swap3A_1037], %add3A_1035 {strides = array<i32>} : memref<80x128xf32, #tpu.memory_space<vmem>>, vector<16xf32>,
        %mul3A_1039 = arith.constant 16 : i32
        %mul3A_1040 = arith.muli %scan3A_357, %mul3A_1039 : i32
        %add3A_1041 = arith.constant 11 : i32
        %add3A_1042 = arith.addi %mul3A_1040, %add3A_1041 : i32
        %broadcast_in_dim3A_1043 = arith.constant 0.000000e+00 : f32
        %broadcast_in_dim3A_1044 = vector.broadcast %broadcast_in_dim3A_1043 : f32 to vector<16xf32>
        %swap3A_1045 = arith.index_cast %add3A_1042 : i32 to index
        %swap3A_1046 = arith.constant 0 : index
        %swap3A_1047 = tpu.vector_load %arg16[%swap3A_1045, %swap3A_1046] {strides = array<i32>} : memref<80x128xf32, #tpu.memory_space<vmem>>, vector<16xf32>,
        tpu.vector_store %arg16[%swap3A_1045, %swap3A_1046], %broadcast_in_dim3A_1044 {strides = array<i32>} : memref<80x128xf32, #tpu.memory_space<vmem>>, vector<16xf32>,
        %broadcast_in_dim3A_1048 = arith.constant 0.000000e+00 : f32
        %broadcast_in_dim3A_1049 = vector.broadcast %broadcast_in_dim3A_1048 : f32 to vector<16xf32>
        %swap3A_1050 = arith.index_cast %add3A_1042 : i32 to index
        %swap3A_1051 = arith.constant 16 : index
        %swap3A_1052 = tpu.vector_load %arg16[%swap3A_1050, %swap3A_1051] {strides = array<i32>} : memref<80x128xf32, #tpu.memory_space<vmem>>, vector<16xf32>,
        tpu.vector_store %arg16[%swap3A_1050, %swap3A_1051], %broadcast_in_dim3A_1049 {strides = array<i32>} : memref<80x128xf32, #tpu.memory_space<vmem>>, vector<16xf32>,
        %broadcast_in_dim3A_1053 = arith.constant 0.000000e+00 : f32
        %broadcast_in_dim3A_1054 = vector.broadcast %broadcast_in_dim3A_1053 : f32 to vector<16xf32>
        %swap3A_1055 = arith.index_cast %add3A_1042 : i32 to index
        %swap3A_1056 = arith.constant 32 : index
        %swap3A_1057 = tpu.vector_load %arg16[%swap3A_1055, %swap3A_1056] {strides = array<i32>} : memref<80x128xf32, #tpu.memory_space<vmem>>, vector<16xf32>,
        tpu.vector_store %arg16[%swap3A_1055, %swap3A_1056], %broadcast_in_dim3A_1054 {strides = array<i32>} : memref<80x128xf32, #tpu.memory_space<vmem>>, vector<16xf32>,
        %broadcast_in_dim3A_1058 = arith.constant 0.000000e+00 : f32
        %broadcast_in_dim3A_1059 = vector.broadcast %broadcast_in_dim3A_1058 : f32 to vector<16xf32>
        %swap3A_1060 = arith.index_cast %add3A_1042 : i32 to index
        %swap3A_1061 = arith.constant 48 : index
        %swap3A_1062 = tpu.vector_load %arg16[%swap3A_1060, %swap3A_1061] {strides = array<i32>} : memref<80x128xf32, #tpu.memory_space<vmem>>, vector<16xf32>,
        tpu.vector_store %arg16[%swap3A_1060, %swap3A_1061], %broadcast_in_dim3A_1059 {strides = array<i32>} : memref<80x128xf32, #tpu.memory_space<vmem>>, vector<16xf32>,
        %broadcast_in_dim3A_1063 = arith.constant 0.000000e+00 : f32
        %broadcast_in_dim3A_1064 = vector.broadcast %broadcast_in_dim3A_1063 : f32 to vector<16xf32>
        %swap3A_1065 = arith.index_cast %add3A_1042 : i32 to index
        %swap3A_1066 = arith.constant 64 : index
        %swap3A_1067 = tpu.vector_load %arg16[%swap3A_1065, %swap3A_1066] {strides = array<i32>} : memref<80x128xf32, #tpu.memory_space<vmem>>, vector<16xf32>,
        tpu.vector_store %arg16[%swap3A_1065, %swap3A_1066], %broadcast_in_dim3A_1064 {strides = array<i32>} : memref<80x128xf32, #tpu.memory_space<vmem>>, vector<16xf32>,
        %broadcast_in_dim3A_1068 = arith.constant 0.000000e+00 : f32
        %broadcast_in_dim3A_1069 = vector.broadcast %broadcast_in_dim3A_1068 : f32 to vector<16xf32>
        %swap3A_1070 = arith.index_cast %add3A_1042 : i32 to index
        %swap3A_1071 = arith.constant 80 : index
        %swap3A_1072 = tpu.vector_load %arg16[%swap3A_1070, %swap3A_1071] {strides = array<i32>} : memref<80x128xf32, #tpu.memory_space<vmem>>, vector<16xf32>,
        tpu.vector_store %arg16[%swap3A_1070, %swap3A_1071], %broadcast_in_dim3A_1069 {strides = array<i32>} : memref<80x128xf32, #tpu.memory_space<vmem>>, vector<16xf32>,
        %broadcast_in_dim3A_1073 = arith.constant 0.000000e+00 : f32
        %broadcast_in_dim3A_1074 = vector.broadcast %broadcast_in_dim3A_1073 : f32 to vector<16xf32>
        %swap3A_1075 = arith.index_cast %add3A_1042 : i32 to index
        %swap3A_1076 = arith.constant 96 : index
        %swap3A_1077 = tpu.vector_load %arg16[%swap3A_1075, %swap3A_1076] {strides = array<i32>} : memref<80x128xf32, #tpu.memory_space<vmem>>, vector<16xf32>,
        tpu.vector_store %arg16[%swap3A_1075, %swap3A_1076], %broadcast_in_dim3A_1074 {strides = array<i32>} : memref<80x128xf32, #tpu.memory_space<vmem>>, vector<16xf32>,
        %broadcast_in_dim3A_1078 = arith.constant 0.000000e+00 : f32
        %broadcast_in_dim3A_1079 = vector.broadcast %broadcast_in_dim3A_1078 : f32 to vector<16xf32>
        %swap3A_1080 = arith.index_cast %add3A_1042 : i32 to index
        %swap3A_1081 = arith.constant 112 : index
        %swap3A_1082 = tpu.vector_load %arg16[%swap3A_1080, %swap3A_1081] {strides = array<i32>} : memref<80x128xf32, #tpu.memory_space<vmem>>, vector<16xf32>,
        tpu.vector_store %arg16[%swap3A_1080, %swap3A_1081], %broadcast_in_dim3A_1079 {strides = array<i32>} : memref<80x128xf32, #tpu.memory_space<vmem>>, vector<16xf32>,
        %slice3A_1083 = vector.extract_strided_slice %get3A_384 {offsets = [11], sizes = [1], strides = [1]} : vector<16xi32> to vector<1xi32>
        %squeeze3A_1084 = vector.extract %slice3A_1083[0] : i32 from vector<1xi32>
        %and3A_1085 = arith.constant 7 : i32
        %and3A_1086 = arith.andi %squeeze3A_1084, %and3A_1085 : i32
        %mul3A_1087 = arith.constant 16 : i32
        %mul3A_1088 = arith.muli %and3A_1086, %mul3A_1087 : i32
        %broadcast_in_dim3A_1089 = arith.constant 0.000000e+00 : f32
        %broadcast_in_dim3A_1090 = vector.broadcast %broadcast_in_dim3A_1089 : f32 to vector<16xf32>
        %slice3A_1091 = vector.extract_strided_slice %exp3A {offsets = [11], sizes = [1], strides = [1]} : vector<16xf32> to vector<1xf32>
        %squeeze3A_1092 = vector.extract %slice3A_1091[0] : f32 from vector<1xf32>
        %add3A_1093 = vector.broadcast %squeeze3A_1092 : f32 to vector<16xf32>
        %add3A_1094 = arith.addf %broadcast_in_dim3A_1090, %add3A_1093 : vector<16xf32>
        %swap3A_1095 = arith.index_cast %add3A_1042 : i32 to index
        %swap3A_1096 = arith.index_cast %mul3A_1088 : i32 to index
        %swap3A_1097 = tpu.vector_load %arg16[%swap3A_1095, %swap3A_1096] {strides = array<i32>} : memref<80x128xf32, #tpu.memory_space<vmem>>, vector<16xf32>,
        tpu.vector_store %arg16[%swap3A_1095, %swap3A_1096], %add3A_1094 {strides = array<i32>} : memref<80x128xf32, #tpu.memory_space<vmem>>, vector<16xf32>,
        %mul3A_1098 = arith.constant 16 : i32
        %mul3A_1099 = arith.muli %scan3A_357, %mul3A_1098 : i32
        %add3A_1100 = arith.constant 12 : i32
        %add3A_1101 = arith.addi %mul3A_1099, %add3A_1100 : i32
        %broadcast_in_dim3A_1102 = arith.constant 0.000000e+00 : f32
        %broadcast_in_dim3A_1103 = vector.broadcast %broadcast_in_dim3A_1102 : f32 to vector<16xf32>
        %swap3A_1104 = arith.index_cast %add3A_1101 : i32 to index
        %swap3A_1105 = arith.constant 0 : index
        %swap3A_1106 = tpu.vector_load %arg16[%swap3A_1104, %swap3A_1105] {strides = array<i32>} : memref<80x128xf32, #tpu.memory_space<vmem>>, vector<16xf32>,
        tpu.vector_store %arg16[%swap3A_1104, %swap3A_1105], %broadcast_in_dim3A_1103 {strides = array<i32>} : memref<80x128xf32, #tpu.memory_space<vmem>>, vector<16xf32>,
        %broadcast_in_dim3A_1107 = arith.constant 0.000000e+00 : f32
        %broadcast_in_dim3A_1108 = vector.broadcast %broadcast_in_dim3A_1107 : f32 to vector<16xf32>
        %swap3A_1109 = arith.index_cast %add3A_1101 : i32 to index
        %swap3A_1110 = arith.constant 16 : index
        %swap3A_1111 = tpu.vector_load %arg16[%swap3A_1109, %swap3A_1110] {strides = array<i32>} : memref<80x128xf32, #tpu.memory_space<vmem>>, vector<16xf32>,
        tpu.vector_store %arg16[%swap3A_1109, %swap3A_1110], %broadcast_in_dim3A_1108 {strides = array<i32>} : memref<80x128xf32, #tpu.memory_space<vmem>>, vector<16xf32>,
        %broadcast_in_dim3A_1112 = arith.constant 0.000000e+00 : f32
        %broadcast_in_dim3A_1113 = vector.broadcast %broadcast_in_dim3A_1112 : f32 to vector<16xf32>
        %swap3A_1114 = arith.index_cast %add3A_1101 : i32 to index
        %swap3A_1115 = arith.constant 32 : index
        %swap3A_1116 = tpu.vector_load %arg16[%swap3A_1114, %swap3A_1115] {strides = array<i32>} : memref<80x128xf32, #tpu.memory_space<vmem>>, vector<16xf32>,
        tpu.vector_store %arg16[%swap3A_1114, %swap3A_1115], %broadcast_in_dim3A_1113 {strides = array<i32>} : memref<80x128xf32, #tpu.memory_space<vmem>>, vector<16xf32>,
        %broadcast_in_dim3A_1117 = arith.constant 0.000000e+00 : f32
        %broadcast_in_dim3A_1118 = vector.broadcast %broadcast_in_dim3A_1117 : f32 to vector<16xf32>
        %swap3A_1119 = arith.index_cast %add3A_1101 : i32 to index
        %swap3A_1120 = arith.constant 48 : index
        %swap3A_1121 = tpu.vector_load %arg16[%swap3A_1119, %swap3A_1120] {strides = array<i32>} : memref<80x128xf32, #tpu.memory_space<vmem>>, vector<16xf32>,
        tpu.vector_store %arg16[%swap3A_1119, %swap3A_1120], %broadcast_in_dim3A_1118 {strides = array<i32>} : memref<80x128xf32, #tpu.memory_space<vmem>>, vector<16xf32>,
        %broadcast_in_dim3A_1122 = arith.constant 0.000000e+00 : f32
        %broadcast_in_dim3A_1123 = vector.broadcast %broadcast_in_dim3A_1122 : f32 to vector<16xf32>
        %swap3A_1124 = arith.index_cast %add3A_1101 : i32 to index
        %swap3A_1125 = arith.constant 64 : index
        %swap3A_1126 = tpu.vector_load %arg16[%swap3A_1124, %swap3A_1125] {strides = array<i32>} : memref<80x128xf32, #tpu.memory_space<vmem>>, vector<16xf32>,
        tpu.vector_store %arg16[%swap3A_1124, %swap3A_1125], %broadcast_in_dim3A_1123 {strides = array<i32>} : memref<80x128xf32, #tpu.memory_space<vmem>>, vector<16xf32>,
        %broadcast_in_dim3A_1127 = arith.constant 0.000000e+00 : f32
        %broadcast_in_dim3A_1128 = vector.broadcast %broadcast_in_dim3A_1127 : f32 to vector<16xf32>
        %swap3A_1129 = arith.index_cast %add3A_1101 : i32 to index
        %swap3A_1130 = arith.constant 80 : index
        %swap3A_1131 = tpu.vector_load %arg16[%swap3A_1129, %swap3A_1130] {strides = array<i32>} : memref<80x128xf32, #tpu.memory_space<vmem>>, vector<16xf32>,
        tpu.vector_store %arg16[%swap3A_1129, %swap3A_1130], %broadcast_in_dim3A_1128 {strides = array<i32>} : memref<80x128xf32, #tpu.memory_space<vmem>>, vector<16xf32>,
        %broadcast_in_dim3A_1132 = arith.constant 0.000000e+00 : f32
        %broadcast_in_dim3A_1133 = vector.broadcast %broadcast_in_dim3A_1132 : f32 to vector<16xf32>
        %swap3A_1134 = arith.index_cast %add3A_1101 : i32 to index
        %swap3A_1135 = arith.constant 96 : index
        %swap3A_1136 = tpu.vector_load %arg16[%swap3A_1134, %swap3A_1135] {strides = array<i32>} : memref<80x128xf32, #tpu.memory_space<vmem>>, vector<16xf32>,
        tpu.vector_store %arg16[%swap3A_1134, %swap3A_1135], %broadcast_in_dim3A_1133 {strides = array<i32>} : memref<80x128xf32, #tpu.memory_space<vmem>>, vector<16xf32>,
        %broadcast_in_dim3A_1137 = arith.constant 0.000000e+00 : f32
        %broadcast_in_dim3A_1138 = vector.broadcast %broadcast_in_dim3A_1137 : f32 to vector<16xf32>
        %swap3A_1139 = arith.index_cast %add3A_1101 : i32 to index
        %swap3A_1140 = arith.constant 112 : index
        %swap3A_1141 = tpu.vector_load %arg16[%swap3A_1139, %swap3A_1140] {strides = array<i32>} : memref<80x128xf32, #tpu.memory_space<vmem>>, vector<16xf32>,
        tpu.vector_store %arg16[%swap3A_1139, %swap3A_1140], %broadcast_in_dim3A_1138 {strides = array<i32>} : memref<80x128xf32, #tpu.memory_space<vmem>>, vector<16xf32>,
        %slice3A_1142 = vector.extract_strided_slice %get3A_384 {offsets = [12], sizes = [1], strides = [1]} : vector<16xi32> to vector<1xi32>
        %squeeze3A_1143 = vector.extract %slice3A_1142[0] : i32 from vector<1xi32>
        %and3A_1144 = arith.constant 7 : i32
        %and3A_1145 = arith.andi %squeeze3A_1143, %and3A_1144 : i32
        %mul3A_1146 = arith.constant 16 : i32
        %mul3A_1147 = arith.muli %and3A_1145, %mul3A_1146 : i32
        %broadcast_in_dim3A_1148 = arith.constant 0.000000e+00 : f32
        %broadcast_in_dim3A_1149 = vector.broadcast %broadcast_in_dim3A_1148 : f32 to vector<16xf32>
        %slice3A_1150 = vector.extract_strided_slice %exp3A {offsets = [12], sizes = [1], strides = [1]} : vector<16xf32> to vector<1xf32>
        %squeeze3A_1151 = vector.extract %slice3A_1150[0] : f32 from vector<1xf32>
        %add3A_1152 = vector.broadcast %squeeze3A_1151 : f32 to vector<16xf32>
        %add3A_1153 = arith.addf %broadcast_in_dim3A_1149, %add3A_1152 : vector<16xf32>
        %swap3A_1154 = arith.index_cast %add3A_1101 : i32 to index
        %swap3A_1155 = arith.index_cast %mul3A_1147 : i32 to index
        %swap3A_1156 = tpu.vector_load %arg16[%swap3A_1154, %swap3A_1155] {strides = array<i32>} : memref<80x128xf32, #tpu.memory_space<vmem>>, vector<16xf32>,
        tpu.vector_store %arg16[%swap3A_1154, %swap3A_1155], %add3A_1153 {strides = array<i32>} : memref<80x128xf32, #tpu.memory_space<vmem>>, vector<16xf32>,
        %mul3A_1157 = arith.constant 16 : i32
        %mul3A_1158 = arith.muli %scan3A_357, %mul3A_1157 : i32
        %add3A_1159 = arith.constant 13 : i32
        %add3A_1160 = arith.addi %mul3A_1158, %add3A_1159 : i32
        %broadcast_in_dim3A_1161 = arith.constant 0.000000e+00 : f32
        %broadcast_in_dim3A_1162 = vector.broadcast %broadcast_in_dim3A_1161 : f32 to vector<16xf32>
        %swap3A_1163 = arith.index_cast %add3A_1160 : i32 to index
        %swap3A_1164 = arith.constant 0 : index
        %swap3A_1165 = tpu.vector_load %arg16[%swap3A_1163, %swap3A_1164] {strides = array<i32>} : memref<80x128xf32, #tpu.memory_space<vmem>>, vector<16xf32>,
        tpu.vector_store %arg16[%swap3A_1163, %swap3A_1164], %broadcast_in_dim3A_1162 {strides = array<i32>} : memref<80x128xf32, #tpu.memory_space<vmem>>, vector<16xf32>,
        %broadcast_in_dim3A_1166 = arith.constant 0.000000e+00 : f32
        %broadcast_in_dim3A_1167 = vector.broadcast %broadcast_in_dim3A_1166 : f32 to vector<16xf32>
        %swap3A_1168 = arith.index_cast %add3A_1160 : i32 to index
        %swap3A_1169 = arith.constant 16 : index
        %swap3A_1170 = tpu.vector_load %arg16[%swap3A_1168, %swap3A_1169] {strides = array<i32>} : memref<80x128xf32, #tpu.memory_space<vmem>>, vector<16xf32>,
        tpu.vector_store %arg16[%swap3A_1168, %swap3A_1169], %broadcast_in_dim3A_1167 {strides = array<i32>} : memref<80x128xf32, #tpu.memory_space<vmem>>, vector<16xf32>,
        %broadcast_in_dim3A_1171 = arith.constant 0.000000e+00 : f32
        %broadcast_in_dim3A_1172 = vector.broadcast %broadcast_in_dim3A_1171 : f32 to vector<16xf32>
        %swap3A_1173 = arith.index_cast %add3A_1160 : i32 to index
        %swap3A_1174 = arith.constant 32 : index
        %swap3A_1175 = tpu.vector_load %arg16[%swap3A_1173, %swap3A_1174] {strides = array<i32>} : memref<80x128xf32, #tpu.memory_space<vmem>>, vector<16xf32>,
        tpu.vector_store %arg16[%swap3A_1173, %swap3A_1174], %broadcast_in_dim3A_1172 {strides = array<i32>} : memref<80x128xf32, #tpu.memory_space<vmem>>, vector<16xf32>,
        %broadcast_in_dim3A_1176 = arith.constant 0.000000e+00 : f32
        %broadcast_in_dim3A_1177 = vector.broadcast %broadcast_in_dim3A_1176 : f32 to vector<16xf32>
        %swap3A_1178 = arith.index_cast %add3A_1160 : i32 to index
        %swap3A_1179 = arith.constant 48 : index
        %swap3A_1180 = tpu.vector_load %arg16[%swap3A_1178, %swap3A_1179] {strides = array<i32>} : memref<80x128xf32, #tpu.memory_space<vmem>>, vector<16xf32>,
        tpu.vector_store %arg16[%swap3A_1178, %swap3A_1179], %broadcast_in_dim3A_1177 {strides = array<i32>} : memref<80x128xf32, #tpu.memory_space<vmem>>, vector<16xf32>,
        %broadcast_in_dim3A_1181 = arith.constant 0.000000e+00 : f32
        %broadcast_in_dim3A_1182 = vector.broadcast %broadcast_in_dim3A_1181 : f32 to vector<16xf32>
        %swap3A_1183 = arith.index_cast %add3A_1160 : i32 to index
        %swap3A_1184 = arith.constant 64 : index
        %swap3A_1185 = tpu.vector_load %arg16[%swap3A_1183, %swap3A_1184] {strides = array<i32>} : memref<80x128xf32, #tpu.memory_space<vmem>>, vector<16xf32>,
        tpu.vector_store %arg16[%swap3A_1183, %swap3A_1184], %broadcast_in_dim3A_1182 {strides = array<i32>} : memref<80x128xf32, #tpu.memory_space<vmem>>, vector<16xf32>,
        %broadcast_in_dim3A_1186 = arith.constant 0.000000e+00 : f32
        %broadcast_in_dim3A_1187 = vector.broadcast %broadcast_in_dim3A_1186 : f32 to vector<16xf32>
        %swap3A_1188 = arith.index_cast %add3A_1160 : i32 to index
        %swap3A_1189 = arith.constant 80 : index
        %swap3A_1190 = tpu.vector_load %arg16[%swap3A_1188, %swap3A_1189] {strides = array<i32>} : memref<80x128xf32, #tpu.memory_space<vmem>>, vector<16xf32>,
        tpu.vector_store %arg16[%swap3A_1188, %swap3A_1189], %broadcast_in_dim3A_1187 {strides = array<i32>} : memref<80x128xf32, #tpu.memory_space<vmem>>, vector<16xf32>,
        %broadcast_in_dim3A_1191 = arith.constant 0.000000e+00 : f32
        %broadcast_in_dim3A_1192 = vector.broadcast %broadcast_in_dim3A_1191 : f32 to vector<16xf32>
        %swap3A_1193 = arith.index_cast %add3A_1160 : i32 to index
        %swap3A_1194 = arith.constant 96 : index
        %swap3A_1195 = tpu.vector_load %arg16[%swap3A_1193, %swap3A_1194] {strides = array<i32>} : memref<80x128xf32, #tpu.memory_space<vmem>>, vector<16xf32>,
        tpu.vector_store %arg16[%swap3A_1193, %swap3A_1194], %broadcast_in_dim3A_1192 {strides = array<i32>} : memref<80x128xf32, #tpu.memory_space<vmem>>, vector<16xf32>,
        %broadcast_in_dim3A_1196 = arith.constant 0.000000e+00 : f32
        %broadcast_in_dim3A_1197 = vector.broadcast %broadcast_in_dim3A_1196 : f32 to vector<16xf32>
        %swap3A_1198 = arith.index_cast %add3A_1160 : i32 to index
        %swap3A_1199 = arith.constant 112 : index
        %swap3A_1200 = tpu.vector_load %arg16[%swap3A_1198, %swap3A_1199] {strides = array<i32>} : memref<80x128xf32, #tpu.memory_space<vmem>>, vector<16xf32>,
        tpu.vector_store %arg16[%swap3A_1198, %swap3A_1199], %broadcast_in_dim3A_1197 {strides = array<i32>} : memref<80x128xf32, #tpu.memory_space<vmem>>, vector<16xf32>,
        %slice3A_1201 = vector.extract_strided_slice %get3A_384 {offsets = [13], sizes = [1], strides = [1]} : vector<16xi32> to vector<1xi32>
        %squeeze3A_1202 = vector.extract %slice3A_1201[0] : i32 from vector<1xi32>
        %and3A_1203 = arith.constant 7 : i32
        %and3A_1204 = arith.andi %squeeze3A_1202, %and3A_1203 : i32
        %mul3A_1205 = arith.constant 16 : i32
        %mul3A_1206 = arith.muli %and3A_1204, %mul3A_1205 : i32
        %broadcast_in_dim3A_1207 = arith.constant 0.000000e+00 : f32
        %broadcast_in_dim3A_1208 = vector.broadcast %broadcast_in_dim3A_1207 : f32 to vector<16xf32>
        %slice3A_1209 = vector.extract_strided_slice %exp3A {offsets = [13], sizes = [1], strides = [1]} : vector<16xf32> to vector<1xf32>
        %squeeze3A_1210 = vector.extract %slice3A_1209[0] : f32 from vector<1xf32>
        %add3A_1211 = vector.broadcast %squeeze3A_1210 : f32 to vector<16xf32>
        %add3A_1212 = arith.addf %broadcast_in_dim3A_1208, %add3A_1211 : vector<16xf32>
        %swap3A_1213 = arith.index_cast %add3A_1160 : i32 to index
        %swap3A_1214 = arith.index_cast %mul3A_1206 : i32 to index
        %swap3A_1215 = tpu.vector_load %arg16[%swap3A_1213, %swap3A_1214] {strides = array<i32>} : memref<80x128xf32, #tpu.memory_space<vmem>>, vector<16xf32>,
        tpu.vector_store %arg16[%swap3A_1213, %swap3A_1214], %add3A_1212 {strides = array<i32>} : memref<80x128xf32, #tpu.memory_space<vmem>>, vector<16xf32>,
        %mul3A_1216 = arith.constant 16 : i32
        %mul3A_1217 = arith.muli %scan3A_357, %mul3A_1216 : i32
        %add3A_1218 = arith.constant 14 : i32
        %add3A_1219 = arith.addi %mul3A_1217, %add3A_1218 : i32
        %broadcast_in_dim3A_1220 = arith.constant 0.000000e+00 : f32
        %broadcast_in_dim3A_1221 = vector.broadcast %broadcast_in_dim3A_1220 : f32 to vector<16xf32>
        %swap3A_1222 = arith.index_cast %add3A_1219 : i32 to index
        %swap3A_1223 = arith.constant 0 : index
        %swap3A_1224 = tpu.vector_load %arg16[%swap3A_1222, %swap3A_1223] {strides = array<i32>} : memref<80x128xf32, #tpu.memory_space<vmem>>, vector<16xf32>,
        tpu.vector_store %arg16[%swap3A_1222, %swap3A_1223], %broadcast_in_dim3A_1221 {strides = array<i32>} : memref<80x128xf32, #tpu.memory_space<vmem>>, vector<16xf32>,
        %broadcast_in_dim3A_1225 = arith.constant 0.000000e+00 : f32
        %broadcast_in_dim3A_1226 = vector.broadcast %broadcast_in_dim3A_1225 : f32 to vector<16xf32>
        %swap3A_1227 = arith.index_cast %add3A_1219 : i32 to index
        %swap3A_1228 = arith.constant 16 : index
        %swap3A_1229 = tpu.vector_load %arg16[%swap3A_1227, %swap3A_1228] {strides = array<i32>} : memref<80x128xf32, #tpu.memory_space<vmem>>, vector<16xf32>,
        tpu.vector_store %arg16[%swap3A_1227, %swap3A_1228], %broadcast_in_dim3A_1226 {strides = array<i32>} : memref<80x128xf32, #tpu.memory_space<vmem>>, vector<16xf32>,
        %broadcast_in_dim3A_1230 = arith.constant 0.000000e+00 : f32
        %broadcast_in_dim3A_1231 = vector.broadcast %broadcast_in_dim3A_1230 : f32 to vector<16xf32>
        %swap3A_1232 = arith.index_cast %add3A_1219 : i32 to index
        %swap3A_1233 = arith.constant 32 : index
        %swap3A_1234 = tpu.vector_load %arg16[%swap3A_1232, %swap3A_1233] {strides = array<i32>} : memref<80x128xf32, #tpu.memory_space<vmem>>, vector<16xf32>,
        tpu.vector_store %arg16[%swap3A_1232, %swap3A_1233], %broadcast_in_dim3A_1231 {strides = array<i32>} : memref<80x128xf32, #tpu.memory_space<vmem>>, vector<16xf32>,
        %broadcast_in_dim3A_1235 = arith.constant 0.000000e+00 : f32
        %broadcast_in_dim3A_1236 = vector.broadcast %broadcast_in_dim3A_1235 : f32 to vector<16xf32>
        %swap3A_1237 = arith.index_cast %add3A_1219 : i32 to index
        %swap3A_1238 = arith.constant 48 : index
        %swap3A_1239 = tpu.vector_load %arg16[%swap3A_1237, %swap3A_1238] {strides = array<i32>} : memref<80x128xf32, #tpu.memory_space<vmem>>, vector<16xf32>,
        tpu.vector_store %arg16[%swap3A_1237, %swap3A_1238], %broadcast_in_dim3A_1236 {strides = array<i32>} : memref<80x128xf32, #tpu.memory_space<vmem>>, vector<16xf32>,
        %broadcast_in_dim3A_1240 = arith.constant 0.000000e+00 : f32
        %broadcast_in_dim3A_1241 = vector.broadcast %broadcast_in_dim3A_1240 : f32 to vector<16xf32>
        %swap3A_1242 = arith.index_cast %add3A_1219 : i32 to index
        %swap3A_1243 = arith.constant 64 : index
        %swap3A_1244 = tpu.vector_load %arg16[%swap3A_1242, %swap3A_1243] {strides = array<i32>} : memref<80x128xf32, #tpu.memory_space<vmem>>, vector<16xf32>,
        tpu.vector_store %arg16[%swap3A_1242, %swap3A_1243], %broadcast_in_dim3A_1241 {strides = array<i32>} : memref<80x128xf32, #tpu.memory_space<vmem>>, vector<16xf32>,
        %broadcast_in_dim3A_1245 = arith.constant 0.000000e+00 : f32
        %broadcast_in_dim3A_1246 = vector.broadcast %broadcast_in_dim3A_1245 : f32 to vector<16xf32>
        %swap3A_1247 = arith.index_cast %add3A_1219 : i32 to index
        %swap3A_1248 = arith.constant 80 : index
        %swap3A_1249 = tpu.vector_load %arg16[%swap3A_1247, %swap3A_1248] {strides = array<i32>} : memref<80x128xf32, #tpu.memory_space<vmem>>, vector<16xf32>,
        tpu.vector_store %arg16[%swap3A_1247, %swap3A_1248], %broadcast_in_dim3A_1246 {strides = array<i32>} : memref<80x128xf32, #tpu.memory_space<vmem>>, vector<16xf32>,
        %broadcast_in_dim3A_1250 = arith.constant 0.000000e+00 : f32
        %broadcast_in_dim3A_1251 = vector.broadcast %broadcast_in_dim3A_1250 : f32 to vector<16xf32>
        %swap3A_1252 = arith.index_cast %add3A_1219 : i32 to index
        %swap3A_1253 = arith.constant 96 : index
        %swap3A_1254 = tpu.vector_load %arg16[%swap3A_1252, %swap3A_1253] {strides = array<i32>} : memref<80x128xf32, #tpu.memory_space<vmem>>, vector<16xf32>,
        tpu.vector_store %arg16[%swap3A_1252, %swap3A_1253], %broadcast_in_dim3A_1251 {strides = array<i32>} : memref<80x128xf32, #tpu.memory_space<vmem>>, vector<16xf32>,
        %broadcast_in_dim3A_1255 = arith.constant 0.000000e+00 : f32
        %broadcast_in_dim3A_1256 = vector.broadcast %broadcast_in_dim3A_1255 : f32 to vector<16xf32>
        %swap3A_1257 = arith.index_cast %add3A_1219 : i32 to index
        %swap3A_1258 = arith.constant 112 : index
        %swap3A_1259 = tpu.vector_load %arg16[%swap3A_1257, %swap3A_1258] {strides = array<i32>} : memref<80x128xf32, #tpu.memory_space<vmem>>, vector<16xf32>,
        tpu.vector_store %arg16[%swap3A_1257, %swap3A_1258], %broadcast_in_dim3A_1256 {strides = array<i32>} : memref<80x128xf32, #tpu.memory_space<vmem>>, vector<16xf32>,
        %slice3A_1260 = vector.extract_strided_slice %get3A_384 {offsets = [14], sizes = [1], strides = [1]} : vector<16xi32> to vector<1xi32>
        %squeeze3A_1261 = vector.extract %slice3A_1260[0] : i32 from vector<1xi32>
        %and3A_1262 = arith.constant 7 : i32
        %and3A_1263 = arith.andi %squeeze3A_1261, %and3A_1262 : i32
        %mul3A_1264 = arith.constant 16 : i32
        %mul3A_1265 = arith.muli %and3A_1263, %mul3A_1264 : i32
        %broadcast_in_dim3A_1266 = arith.constant 0.000000e+00 : f32
        %broadcast_in_dim3A_1267 = vector.broadcast %broadcast_in_dim3A_1266 : f32 to vector<16xf32>
        %slice3A_1268 = vector.extract_strided_slice %exp3A {offsets = [14], sizes = [1], strides = [1]} : vector<16xf32> to vector<1xf32>
        %squeeze3A_1269 = vector.extract %slice3A_1268[0] : f32 from vector<1xf32>
        %add3A_1270 = vector.broadcast %squeeze3A_1269 : f32 to vector<16xf32>
        %add3A_1271 = arith.addf %broadcast_in_dim3A_1267, %add3A_1270 : vector<16xf32>
        %swap3A_1272 = arith.index_cast %add3A_1219 : i32 to index
        %swap3A_1273 = arith.index_cast %mul3A_1265 : i32 to index
        %swap3A_1274 = tpu.vector_load %arg16[%swap3A_1272, %swap3A_1273] {strides = array<i32>} : memref<80x128xf32, #tpu.memory_space<vmem>>, vector<16xf32>,
        tpu.vector_store %arg16[%swap3A_1272, %swap3A_1273], %add3A_1271 {strides = array<i32>} : memref<80x128xf32, #tpu.memory_space<vmem>>, vector<16xf32>,
        %mul3A_1275 = arith.constant 16 : i32
        %mul3A_1276 = arith.muli %scan3A_357, %mul3A_1275 : i32
        %add3A_1277 = arith.constant 15 : i32
        %add3A_1278 = arith.addi %mul3A_1276, %add3A_1277 : i32
        %broadcast_in_dim3A_1279 = arith.constant 0.000000e+00 : f32
        %broadcast_in_dim3A_1280 = vector.broadcast %broadcast_in_dim3A_1279 : f32 to vector<16xf32>
        %swap3A_1281 = arith.index_cast %add3A_1278 : i32 to index
        %swap3A_1282 = arith.constant 0 : index
        %swap3A_1283 = tpu.vector_load %arg16[%swap3A_1281, %swap3A_1282] {strides = array<i32>} : memref<80x128xf32, #tpu.memory_space<vmem>>, vector<16xf32>,
        tpu.vector_store %arg16[%swap3A_1281, %swap3A_1282], %broadcast_in_dim3A_1280 {strides = array<i32>} : memref<80x128xf32, #tpu.memory_space<vmem>>, vector<16xf32>,
        %broadcast_in_dim3A_1284 = arith.constant 0.000000e+00 : f32
        %broadcast_in_dim3A_1285 = vector.broadcast %broadcast_in_dim3A_1284 : f32 to vector<16xf32>
        %swap3A_1286 = arith.index_cast %add3A_1278 : i32 to index
        %swap3A_1287 = arith.constant 16 : index
        %swap3A_1288 = tpu.vector_load %arg16[%swap3A_1286, %swap3A_1287] {strides = array<i32>} : memref<80x128xf32, #tpu.memory_space<vmem>>, vector<16xf32>,
        tpu.vector_store %arg16[%swap3A_1286, %swap3A_1287], %broadcast_in_dim3A_1285 {strides = array<i32>} : memref<80x128xf32, #tpu.memory_space<vmem>>, vector<16xf32>,
        %broadcast_in_dim3A_1289 = arith.constant 0.000000e+00 : f32
        %broadcast_in_dim3A_1290 = vector.broadcast %broadcast_in_dim3A_1289 : f32 to vector<16xf32>
        %swap3A_1291 = arith.index_cast %add3A_1278 : i32 to index
        %swap3A_1292 = arith.constant 32 : index
        %swap3A_1293 = tpu.vector_load %arg16[%swap3A_1291, %swap3A_1292] {strides = array<i32>} : memref<80x128xf32, #tpu.memory_space<vmem>>, vector<16xf32>,
        tpu.vector_store %arg16[%swap3A_1291, %swap3A_1292], %broadcast_in_dim3A_1290 {strides = array<i32>} : memref<80x128xf32, #tpu.memory_space<vmem>>, vector<16xf32>,
        %broadcast_in_dim3A_1294 = arith.constant 0.000000e+00 : f32
        %broadcast_in_dim3A_1295 = vector.broadcast %broadcast_in_dim3A_1294 : f32 to vector<16xf32>
        %swap3A_1296 = arith.index_cast %add3A_1278 : i32 to index
        %swap3A_1297 = arith.constant 48 : index
        %swap3A_1298 = tpu.vector_load %arg16[%swap3A_1296, %swap3A_1297] {strides = array<i32>} : memref<80x128xf32, #tpu.memory_space<vmem>>, vector<16xf32>,
        tpu.vector_store %arg16[%swap3A_1296, %swap3A_1297], %broadcast_in_dim3A_1295 {strides = array<i32>} : memref<80x128xf32, #tpu.memory_space<vmem>>, vector<16xf32>,
        %broadcast_in_dim3A_1299 = arith.constant 0.000000e+00 : f32
        %broadcast_in_dim3A_1300 = vector.broadcast %broadcast_in_dim3A_1299 : f32 to vector<16xf32>
        %swap3A_1301 = arith.index_cast %add3A_1278 : i32 to index
        %swap3A_1302 = arith.constant 64 : index
        %swap3A_1303 = tpu.vector_load %arg16[%swap3A_1301, %swap3A_1302] {strides = array<i32>} : memref<80x128xf32, #tpu.memory_space<vmem>>, vector<16xf32>,
        tpu.vector_store %arg16[%swap3A_1301, %swap3A_1302], %broadcast_in_dim3A_1300 {strides = array<i32>} : memref<80x128xf32, #tpu.memory_space<vmem>>, vector<16xf32>,
        %broadcast_in_dim3A_1304 = arith.constant 0.000000e+00 : f32
        %broadcast_in_dim3A_1305 = vector.broadcast %broadcast_in_dim3A_1304 : f32 to vector<16xf32>
        %swap3A_1306 = arith.index_cast %add3A_1278 : i32 to index
        %swap3A_1307 = arith.constant 80 : index
        %swap3A_1308 = tpu.vector_load %arg16[%swap3A_1306, %swap3A_1307] {strides = array<i32>} : memref<80x128xf32, #tpu.memory_space<vmem>>, vector<16xf32>,
        tpu.vector_store %arg16[%swap3A_1306, %swap3A_1307], %broadcast_in_dim3A_1305 {strides = array<i32>} : memref<80x128xf32, #tpu.memory_space<vmem>>, vector<16xf32>,
        %broadcast_in_dim3A_1309 = arith.constant 0.000000e+00 : f32
        %broadcast_in_dim3A_1310 = vector.broadcast %broadcast_in_dim3A_1309 : f32 to vector<16xf32>
        %swap3A_1311 = arith.index_cast %add3A_1278 : i32 to index
        %swap3A_1312 = arith.constant 96 : index
        %swap3A_1313 = tpu.vector_load %arg16[%swap3A_1311, %swap3A_1312] {strides = array<i32>} : memref<80x128xf32, #tpu.memory_space<vmem>>, vector<16xf32>,
        tpu.vector_store %arg16[%swap3A_1311, %swap3A_1312], %broadcast_in_dim3A_1310 {strides = array<i32>} : memref<80x128xf32, #tpu.memory_space<vmem>>, vector<16xf32>,
        %broadcast_in_dim3A_1314 = arith.constant 0.000000e+00 : f32
        %broadcast_in_dim3A_1315 = vector.broadcast %broadcast_in_dim3A_1314 : f32 to vector<16xf32>
        %swap3A_1316 = arith.index_cast %add3A_1278 : i32 to index
        %swap3A_1317 = arith.constant 112 : index
        %swap3A_1318 = tpu.vector_load %arg16[%swap3A_1316, %swap3A_1317] {strides = array<i32>} : memref<80x128xf32, #tpu.memory_space<vmem>>, vector<16xf32>,
        tpu.vector_store %arg16[%swap3A_1316, %swap3A_1317], %broadcast_in_dim3A_1315 {strides = array<i32>} : memref<80x128xf32, #tpu.memory_space<vmem>>, vector<16xf32>,
        %slice3A_1319 = vector.extract_strided_slice %get3A_384 {offsets = [15], sizes = [1], strides = [1]} : vector<16xi32> to vector<1xi32>
        %squeeze3A_1320 = vector.extract %slice3A_1319[0] : i32 from vector<1xi32>
        %and3A_1321 = arith.constant 7 : i32
        %and3A_1322 = arith.andi %squeeze3A_1320, %and3A_1321 : i32
        %mul3A_1323 = arith.constant 16 : i32
        %mul3A_1324 = arith.muli %and3A_1322, %mul3A_1323 : i32
        %broadcast_in_dim3A_1325 = arith.constant 0.000000e+00 : f32
        %broadcast_in_dim3A_1326 = vector.broadcast %broadcast_in_dim3A_1325 : f32 to vector<16xf32>
        %slice3A_1327 = vector.extract_strided_slice %exp3A {offsets = [15], sizes = [1], strides = [1]} : vector<16xf32> to vector<1xf32>
        %squeeze3A_1328 = vector.extract %slice3A_1327[0] : f32 from vector<1xf32>
        %add3A_1329 = vector.broadcast %squeeze3A_1328 : f32 to vector<16xf32>
        %add3A_1330 = arith.addf %broadcast_in_dim3A_1326, %add3A_1329 : vector<16xf32>
        %swap3A_1331 = arith.index_cast %add3A_1278 : i32 to index
        %swap3A_1332 = arith.index_cast %mul3A_1324 : i32 to index
        %swap3A_1333 = tpu.vector_load %arg16[%swap3A_1331, %swap3A_1332] {strides = array<i32>} : memref<80x128xf32, #tpu.memory_space<vmem>>, vector<16xf32>,
        tpu.vector_store %arg16[%swap3A_1331, %swap3A_1332], %add3A_1330 {strides = array<i32>} : memref<80x128xf32, #tpu.memory_space<vmem>>, vector<16xf32>,
      }
      %scan3A_335 = arith.constant 5 : i32
      %run_scoped3A_336 = arith.constant 0 : i32
      "tpu.region"() ({
        %run_scoped3A_357 = tpu.sem_alloc : memref<!tpu.dma_semaphore, #tpu.memory_space<semaphore_mem>>
        %dma_start3A_358 = arith.constant 0 : i32
        %dma_start3A_359 = tpu.memref_slice %arg10[%run_scoped3A_336, %dma_start3A_358] : memref<1x80xi32, #tpu.memory_space<vmem>> -> memref<1x80xi32, #tpu.memory_space<vmem>>
        %dma_start3A_360 = tpu.memref_squeeze %dma_start3A_359 : memref<1x80xi32, #tpu.memory_space<vmem>> -> memref<80xi32, #tpu.memory_space<vmem>>
        %dma_start3A_361 = arith.constant 0 : i32
        %dma_start3A_362 = arith.constant 0 : i32
        %dma_start3A_363 = tpu.memref_slice %arg4[%dma_start3A_361, %dma_start3A_362] : memref<10000x128xf32, #tpu.memory_space<hbm>> -> memref<10000x128xf32, #tpu.memory_space<hbm>>
        tpu.enqueue_indirect_dma source(%dma_start3A_363 : memref<10000x128xf32, #tpu.memory_space<hbm>>) target(%arg14 : memref<80x128xf32, #tpu.memory_space<vmem>>) offsets(%dma_start3A_360 : memref<80xi32, #tpu.memory_space<vmem>>) semaphore(%run_scoped3A_357 : memref<!tpu.dma_semaphore, #tpu.memory_space<semaphore_mem>>)
        %dma_wait3A_364 = arith.constant 0 : i32
        %dma_wait3A_365 = tpu.memref_slice %arg10[%run_scoped3A_336, %dma_wait3A_364] : memref<1x80xi32, #tpu.memory_space<vmem>> -> memref<1x80xi32, #tpu.memory_space<vmem>>
        %dma_wait3A_366 = tpu.memref_squeeze %dma_wait3A_365 : memref<1x80xi32, #tpu.memory_space<vmem>> -> memref<80xi32, #tpu.memory_space<vmem>>
        %dma_wait3A_367 = arith.constant 0 : i32
        %dma_wait3A_368 = arith.constant 0 : i32
        %dma_wait3A_369 = tpu.memref_slice %arg4[%dma_wait3A_367, %dma_wait3A_368] : memref<10000x128xf32, #tpu.memory_space<hbm>> -> memref<10000x128xf32, #tpu.memory_space<hbm>>
        tpu.wait_indirect_dma semaphore(%run_scoped3A_357 : memref<!tpu.dma_semaphore, #tpu.memory_space<semaphore_mem>>) src(%dma_wait3A_369 : memref<10000x128xf32, #tpu.memory_space<hbm>>) dst(%arg14 : memref<80x128xf32, #tpu.memory_space<vmem>>)
        tpu.yield
      }) : () -> ()
      %scan3A_337 = arith.constant 0 : i32
      %scan3A_338 = arith.constant 0 : i32
      %scan3A_339 = arith.constant 5 : i32
      %scan3A_340 = arith.addi %scan3A_338, %scan3A_339 : i32
      %scan3A_341 = arith.constant 1 : i32
      scf.for %scan3A_357 = %scan3A_338 to %scan3A_340 step %scan3A_341  : i32 {
        %mul3A_358 = arith.constant 16 : i32
        %mul3A_359 = arith.muli %scan3A_357, %mul3A_358 : i32
        %get3A = arith.constant 0 : i32
        %get3A_360 = arith.index_cast %get3A : i32 to index
        %get3A_361 = arith.index_cast %mul3A_359 : i32 to index
        %get3A_362 = tpu.vector_load %arg13[%get3A_360, %get3A_361] {strides = array<i32>} : memref<1x80xf32, #tpu.memory_space<vmem>>, vector<16xf32>,
        %mul3A_363 = arith.constant 16 : i32
        %mul3A_364 = arith.muli %scan3A_357, %mul3A_363 : i32
        %add3A_365 = arith.constant 0 : i32
        %add3A_366 = arith.addi %mul3A_364, %add3A_365 : i32
        %broadcast_in_dim3A = arith.constant 0.000000e+00 : f32
        %broadcast_in_dim3A_367 = vector.broadcast %broadcast_in_dim3A : f32 to vector<16xf32>
        %slice3A = vector.extract_strided_slice %get3A_362 {offsets = [0], sizes = [1], strides = [1]} : vector<16xf32> to vector<1xf32>
        %squeeze3A = vector.extract %slice3A[0] : f32 from vector<1xf32>
        %add3A_368 = vector.broadcast %squeeze3A : f32 to vector<16xf32>
        %add3A_369 = arith.addf %broadcast_in_dim3A_367, %add3A_368 : vector<16xf32>
        %get3A_370 = arith.index_cast %add3A_366 : i32 to index
        %get3A_371 = arith.constant 0 : index
        %get3A_372 = tpu.vector_load %arg14[%get3A_370, %get3A_371] {strides = array<i32>} : memref<80x128xf32, #tpu.memory_space<vmem>>, vector<16xf32>,
        %mul3A_373 = arith.mulf %get3A_372, %add3A_369 : vector<16xf32>
        %swap3A = arith.index_cast %add3A_366 : i32 to index
        %swap3A_374 = arith.constant 0 : index
        %swap3A_375 = tpu.vector_load %arg14[%swap3A, %swap3A_374] {strides = array<i32>} : memref<80x128xf32, #tpu.memory_space<vmem>>, vector<16xf32>,
        tpu.vector_store %arg14[%swap3A, %swap3A_374], %mul3A_373 {strides = array<i32>} : memref<80x128xf32, #tpu.memory_space<vmem>>, vector<16xf32>,
        %get3A_376 = arith.index_cast %add3A_366 : i32 to index
        %get3A_377 = arith.constant 16 : index
        %get3A_378 = tpu.vector_load %arg14[%get3A_376, %get3A_377] {strides = array<i32>} : memref<80x128xf32, #tpu.memory_space<vmem>>, vector<16xf32>,
        %mul3A_379 = arith.mulf %get3A_378, %add3A_369 : vector<16xf32>
        %swap3A_380 = arith.index_cast %add3A_366 : i32 to index
        %swap3A_381 = arith.constant 16 : index
        %swap3A_382 = tpu.vector_load %arg14[%swap3A_380, %swap3A_381] {strides = array<i32>} : memref<80x128xf32, #tpu.memory_space<vmem>>, vector<16xf32>,
        tpu.vector_store %arg14[%swap3A_380, %swap3A_381], %mul3A_379 {strides = array<i32>} : memref<80x128xf32, #tpu.memory_space<vmem>>, vector<16xf32>,
        %get3A_383 = arith.index_cast %add3A_366 : i32 to index
        %get3A_384 = arith.constant 32 : index
        %get3A_385 = tpu.vector_load %arg14[%get3A_383, %get3A_384] {strides = array<i32>} : memref<80x128xf32, #tpu.memory_space<vmem>>, vector<16xf32>,
        %mul3A_386 = arith.mulf %get3A_385, %add3A_369 : vector<16xf32>
        %swap3A_387 = arith.index_cast %add3A_366 : i32 to index
        %swap3A_388 = arith.constant 32 : index
        %swap3A_389 = tpu.vector_load %arg14[%swap3A_387, %swap3A_388] {strides = array<i32>} : memref<80x128xf32, #tpu.memory_space<vmem>>, vector<16xf32>,
        tpu.vector_store %arg14[%swap3A_387, %swap3A_388], %mul3A_386 {strides = array<i32>} : memref<80x128xf32, #tpu.memory_space<vmem>>, vector<16xf32>,
        %get3A_390 = arith.index_cast %add3A_366 : i32 to index
        %get3A_391 = arith.constant 48 : index
        %get3A_392 = tpu.vector_load %arg14[%get3A_390, %get3A_391] {strides = array<i32>} : memref<80x128xf32, #tpu.memory_space<vmem>>, vector<16xf32>,
        %mul3A_393 = arith.mulf %get3A_392, %add3A_369 : vector<16xf32>
        %swap3A_394 = arith.index_cast %add3A_366 : i32 to index
        %swap3A_395 = arith.constant 48 : index
        %swap3A_396 = tpu.vector_load %arg14[%swap3A_394, %swap3A_395] {strides = array<i32>} : memref<80x128xf32, #tpu.memory_space<vmem>>, vector<16xf32>,
        tpu.vector_store %arg14[%swap3A_394, %swap3A_395], %mul3A_393 {strides = array<i32>} : memref<80x128xf32, #tpu.memory_space<vmem>>, vector<16xf32>,
        %get3A_397 = arith.index_cast %add3A_366 : i32 to index
        %get3A_398 = arith.constant 64 : index
        %get3A_399 = tpu.vector_load %arg14[%get3A_397, %get3A_398] {strides = array<i32>} : memref<80x128xf32, #tpu.memory_space<vmem>>, vector<16xf32>,
        %mul3A_400 = arith.mulf %get3A_399, %add3A_369 : vector<16xf32>
        %swap3A_401 = arith.index_cast %add3A_366 : i32 to index
        %swap3A_402 = arith.constant 64 : index
        %swap3A_403 = tpu.vector_load %arg14[%swap3A_401, %swap3A_402] {strides = array<i32>} : memref<80x128xf32, #tpu.memory_space<vmem>>, vector<16xf32>,
        tpu.vector_store %arg14[%swap3A_401, %swap3A_402], %mul3A_400 {strides = array<i32>} : memref<80x128xf32, #tpu.memory_space<vmem>>, vector<16xf32>,
        %get3A_404 = arith.index_cast %add3A_366 : i32 to index
        %get3A_405 = arith.constant 80 : index
        %get3A_406 = tpu.vector_load %arg14[%get3A_404, %get3A_405] {strides = array<i32>} : memref<80x128xf32, #tpu.memory_space<vmem>>, vector<16xf32>,
        %mul3A_407 = arith.mulf %get3A_406, %add3A_369 : vector<16xf32>
        %swap3A_408 = arith.index_cast %add3A_366 : i32 to index
        %swap3A_409 = arith.constant 80 : index
        %swap3A_410 = tpu.vector_load %arg14[%swap3A_408, %swap3A_409] {strides = array<i32>} : memref<80x128xf32, #tpu.memory_space<vmem>>, vector<16xf32>,
        tpu.vector_store %arg14[%swap3A_408, %swap3A_409], %mul3A_407 {strides = array<i32>} : memref<80x128xf32, #tpu.memory_space<vmem>>, vector<16xf32>,
        %get3A_411 = arith.index_cast %add3A_366 : i32 to index
        %get3A_412 = arith.constant 96 : index
        %get3A_413 = tpu.vector_load %arg14[%get3A_411, %get3A_412] {strides = array<i32>} : memref<80x128xf32, #tpu.memory_space<vmem>>, vector<16xf32>,
        %mul3A_414 = arith.mulf %get3A_413, %add3A_369 : vector<16xf32>
        %swap3A_415 = arith.index_cast %add3A_366 : i32 to index
        %swap3A_416 = arith.constant 96 : index
        %swap3A_417 = tpu.vector_load %arg14[%swap3A_415, %swap3A_416] {strides = array<i32>} : memref<80x128xf32, #tpu.memory_space<vmem>>, vector<16xf32>,
        tpu.vector_store %arg14[%swap3A_415, %swap3A_416], %mul3A_414 {strides = array<i32>} : memref<80x128xf32, #tpu.memory_space<vmem>>, vector<16xf32>,
        %get3A_418 = arith.index_cast %add3A_366 : i32 to index
        %get3A_419 = arith.constant 112 : index
        %get3A_420 = tpu.vector_load %arg14[%get3A_418, %get3A_419] {strides = array<i32>} : memref<80x128xf32, #tpu.memory_space<vmem>>, vector<16xf32>,
        %mul3A_421 = arith.mulf %get3A_420, %add3A_369 : vector<16xf32>
        %swap3A_422 = arith.index_cast %add3A_366 : i32 to index
        %swap3A_423 = arith.constant 112 : index
        %swap3A_424 = tpu.vector_load %arg14[%swap3A_422, %swap3A_423] {strides = array<i32>} : memref<80x128xf32, #tpu.memory_space<vmem>>, vector<16xf32>,
        tpu.vector_store %arg14[%swap3A_422, %swap3A_423], %mul3A_421 {strides = array<i32>} : memref<80x128xf32, #tpu.memory_space<vmem>>, vector<16xf32>,
        %mul3A_425 = arith.constant 16 : i32
        %mul3A_426 = arith.muli %scan3A_357, %mul3A_425 : i32
        %add3A_427 = arith.constant 1 : i32
        %add3A_428 = arith.addi %mul3A_426, %add3A_427 : i32
        %broadcast_in_dim3A_429 = arith.constant 0.000000e+00 : f32
        %broadcast_in_dim3A_430 = vector.broadcast %broadcast_in_dim3A_429 : f32 to vector<16xf32>
        %slice3A_431 = vector.extract_strided_slice %get3A_362 {offsets = [1], sizes = [1], strides = [1]} : vector<16xf32> to vector<1xf32>
        %squeeze3A_432 = vector.extract %slice3A_431[0] : f32 from vector<1xf32>
        %add3A_433 = vector.broadcast %squeeze3A_432 : f32 to vector<16xf32>
        %add3A_434 = arith.addf %broadcast_in_dim3A_430, %add3A_433 : vector<16xf32>
        %get3A_435 = arith.index_cast %add3A_428 : i32 to index
        %get3A_436 = arith.constant 0 : index
        %get3A_437 = tpu.vector_load %arg14[%get3A_435, %get3A_436] {strides = array<i32>} : memref<80x128xf32, #tpu.memory_space<vmem>>, vector<16xf32>,
        %mul3A_438 = arith.mulf %get3A_437, %add3A_434 : vector<16xf32>
        %swap3A_439 = arith.index_cast %add3A_428 : i32 to index
        %swap3A_440 = arith.constant 0 : index
        %swap3A_441 = tpu.vector_load %arg14[%swap3A_439, %swap3A_440] {strides = array<i32>} : memref<80x128xf32, #tpu.memory_space<vmem>>, vector<16xf32>,
        tpu.vector_store %arg14[%swap3A_439, %swap3A_440], %mul3A_438 {strides = array<i32>} : memref<80x128xf32, #tpu.memory_space<vmem>>, vector<16xf32>,
        %get3A_442 = arith.index_cast %add3A_428 : i32 to index
        %get3A_443 = arith.constant 16 : index
        %get3A_444 = tpu.vector_load %arg14[%get3A_442, %get3A_443] {strides = array<i32>} : memref<80x128xf32, #tpu.memory_space<vmem>>, vector<16xf32>,
        %mul3A_445 = arith.mulf %get3A_444, %add3A_434 : vector<16xf32>
        %swap3A_446 = arith.index_cast %add3A_428 : i32 to index
        %swap3A_447 = arith.constant 16 : index
        %swap3A_448 = tpu.vector_load %arg14[%swap3A_446, %swap3A_447] {strides = array<i32>} : memref<80x128xf32, #tpu.memory_space<vmem>>, vector<16xf32>,
        tpu.vector_store %arg14[%swap3A_446, %swap3A_447], %mul3A_445 {strides = array<i32>} : memref<80x128xf32, #tpu.memory_space<vmem>>, vector<16xf32>,
        %get3A_449 = arith.index_cast %add3A_428 : i32 to index
        %get3A_450 = arith.constant 32 : index
        %get3A_451 = tpu.vector_load %arg14[%get3A_449, %get3A_450] {strides = array<i32>} : memref<80x128xf32, #tpu.memory_space<vmem>>, vector<16xf32>,
        %mul3A_452 = arith.mulf %get3A_451, %add3A_434 : vector<16xf32>
        %swap3A_453 = arith.index_cast %add3A_428 : i32 to index
        %swap3A_454 = arith.constant 32 : index
        %swap3A_455 = tpu.vector_load %arg14[%swap3A_453, %swap3A_454] {strides = array<i32>} : memref<80x128xf32, #tpu.memory_space<vmem>>, vector<16xf32>,
        tpu.vector_store %arg14[%swap3A_453, %swap3A_454], %mul3A_452 {strides = array<i32>} : memref<80x128xf32, #tpu.memory_space<vmem>>, vector<16xf32>,
        %get3A_456 = arith.index_cast %add3A_428 : i32 to index
        %get3A_457 = arith.constant 48 : index
        %get3A_458 = tpu.vector_load %arg14[%get3A_456, %get3A_457] {strides = array<i32>} : memref<80x128xf32, #tpu.memory_space<vmem>>, vector<16xf32>,
        %mul3A_459 = arith.mulf %get3A_458, %add3A_434 : vector<16xf32>
        %swap3A_460 = arith.index_cast %add3A_428 : i32 to index
        %swap3A_461 = arith.constant 48 : index
        %swap3A_462 = tpu.vector_load %arg14[%swap3A_460, %swap3A_461] {strides = array<i32>} : memref<80x128xf32, #tpu.memory_space<vmem>>, vector<16xf32>,
        tpu.vector_store %arg14[%swap3A_460, %swap3A_461], %mul3A_459 {strides = array<i32>} : memref<80x128xf32, #tpu.memory_space<vmem>>, vector<16xf32>,
        %get3A_463 = arith.index_cast %add3A_428 : i32 to index
        %get3A_464 = arith.constant 64 : index
        %get3A_465 = tpu.vector_load %arg14[%get3A_463, %get3A_464] {strides = array<i32>} : memref<80x128xf32, #tpu.memory_space<vmem>>, vector<16xf32>,
        %mul3A_466 = arith.mulf %get3A_465, %add3A_434 : vector<16xf32>
        %swap3A_467 = arith.index_cast %add3A_428 : i32 to index
        %swap3A_468 = arith.constant 64 : index
        %swap3A_469 = tpu.vector_load %arg14[%swap3A_467, %swap3A_468] {strides = array<i32>} : memref<80x128xf32, #tpu.memory_space<vmem>>, vector<16xf32>,
        tpu.vector_store %arg14[%swap3A_467, %swap3A_468], %mul3A_466 {strides = array<i32>} : memref<80x128xf32, #tpu.memory_space<vmem>>, vector<16xf32>,
        %get3A_470 = arith.index_cast %add3A_428 : i32 to index
        %get3A_471 = arith.constant 80 : index
        %get3A_472 = tpu.vector_load %arg14[%get3A_470, %get3A_471] {strides = array<i32>} : memref<80x128xf32, #tpu.memory_space<vmem>>, vector<16xf32>,
        %mul3A_473 = arith.mulf %get3A_472, %add3A_434 : vector<16xf32>
        %swap3A_474 = arith.index_cast %add3A_428 : i32 to index
        %swap3A_475 = arith.constant 80 : index
        %swap3A_476 = tpu.vector_load %arg14[%swap3A_474, %swap3A_475] {strides = array<i32>} : memref<80x128xf32, #tpu.memory_space<vmem>>, vector<16xf32>,
        tpu.vector_store %arg14[%swap3A_474, %swap3A_475], %mul3A_473 {strides = array<i32>} : memref<80x128xf32, #tpu.memory_space<vmem>>, vector<16xf32>,
        %get3A_477 = arith.index_cast %add3A_428 : i32 to index
        %get3A_478 = arith.constant 96 : index
        %get3A_479 = tpu.vector_load %arg14[%get3A_477, %get3A_478] {strides = array<i32>} : memref<80x128xf32, #tpu.memory_space<vmem>>, vector<16xf32>,
        %mul3A_480 = arith.mulf %get3A_479, %add3A_434 : vector<16xf32>
        %swap3A_481 = arith.index_cast %add3A_428 : i32 to index
        %swap3A_482 = arith.constant 96 : index
        %swap3A_483 = tpu.vector_load %arg14[%swap3A_481, %swap3A_482] {strides = array<i32>} : memref<80x128xf32, #tpu.memory_space<vmem>>, vector<16xf32>,
        tpu.vector_store %arg14[%swap3A_481, %swap3A_482], %mul3A_480 {strides = array<i32>} : memref<80x128xf32, #tpu.memory_space<vmem>>, vector<16xf32>,
        %get3A_484 = arith.index_cast %add3A_428 : i32 to index
        %get3A_485 = arith.constant 112 : index
        %get3A_486 = tpu.vector_load %arg14[%get3A_484, %get3A_485] {strides = array<i32>} : memref<80x128xf32, #tpu.memory_space<vmem>>, vector<16xf32>,
        %mul3A_487 = arith.mulf %get3A_486, %add3A_434 : vector<16xf32>
        %swap3A_488 = arith.index_cast %add3A_428 : i32 to index
        %swap3A_489 = arith.constant 112 : index
        %swap3A_490 = tpu.vector_load %arg14[%swap3A_488, %swap3A_489] {strides = array<i32>} : memref<80x128xf32, #tpu.memory_space<vmem>>, vector<16xf32>,
        tpu.vector_store %arg14[%swap3A_488, %swap3A_489], %mul3A_487 {strides = array<i32>} : memref<80x128xf32, #tpu.memory_space<vmem>>, vector<16xf32>,
        %mul3A_491 = arith.constant 16 : i32
        %mul3A_492 = arith.muli %scan3A_357, %mul3A_491 : i32
        %add3A_493 = arith.constant 2 : i32
        %add3A_494 = arith.addi %mul3A_492, %add3A_493 : i32
        %broadcast_in_dim3A_495 = arith.constant 0.000000e+00 : f32
        %broadcast_in_dim3A_496 = vector.broadcast %broadcast_in_dim3A_495 : f32 to vector<16xf32>
        %slice3A_497 = vector.extract_strided_slice %get3A_362 {offsets = [2], sizes = [1], strides = [1]} : vector<16xf32> to vector<1xf32>
        %squeeze3A_498 = vector.extract %slice3A_497[0] : f32 from vector<1xf32>
        %add3A_499 = vector.broadcast %squeeze3A_498 : f32 to vector<16xf32>
        %add3A_500 = arith.addf %broadcast_in_dim3A_496, %add3A_499 : vector<16xf32>
        %get3A_501 = arith.index_cast %add3A_494 : i32 to index
        %get3A_502 = arith.constant 0 : index
        %get3A_503 = tpu.vector_load %arg14[%get3A_501, %get3A_502] {strides = array<i32>} : memref<80x128xf32, #tpu.memory_space<vmem>>, vector<16xf32>,
        %mul3A_504 = arith.mulf %get3A_503, %add3A_500 : vector<16xf32>
        %swap3A_505 = arith.index_cast %add3A_494 : i32 to index
        %swap3A_506 = arith.constant 0 : index
        %swap3A_507 = tpu.vector_load %arg14[%swap3A_505, %swap3A_506] {strides = array<i32>} : memref<80x128xf32, #tpu.memory_space<vmem>>, vector<16xf32>,
        tpu.vector_store %arg14[%swap3A_505, %swap3A_506], %mul3A_504 {strides = array<i32>} : memref<80x128xf32, #tpu.memory_space<vmem>>, vector<16xf32>,
        %get3A_508 = arith.index_cast %add3A_494 : i32 to index
        %get3A_509 = arith.constant 16 : index
        %get3A_510 = tpu.vector_load %arg14[%get3A_508, %get3A_509] {strides = array<i32>} : memref<80x128xf32, #tpu.memory_space<vmem>>, vector<16xf32>,
        %mul3A_511 = arith.mulf %get3A_510, %add3A_500 : vector<16xf32>
        %swap3A_512 = arith.index_cast %add3A_494 : i32 to index
        %swap3A_513 = arith.constant 16 : index
        %swap3A_514 = tpu.vector_load %arg14[%swap3A_512, %swap3A_513] {strides = array<i32>} : memref<80x128xf32, #tpu.memory_space<vmem>>, vector<16xf32>,
        tpu.vector_store %arg14[%swap3A_512, %swap3A_513], %mul3A_511 {strides = array<i32>} : memref<80x128xf32, #tpu.memory_space<vmem>>, vector<16xf32>,
        %get3A_515 = arith.index_cast %add3A_494 : i32 to index
        %get3A_516 = arith.constant 32 : index
        %get3A_517 = tpu.vector_load %arg14[%get3A_515, %get3A_516] {strides = array<i32>} : memref<80x128xf32, #tpu.memory_space<vmem>>, vector<16xf32>,
        %mul3A_518 = arith.mulf %get3A_517, %add3A_500 : vector<16xf32>
        %swap3A_519 = arith.index_cast %add3A_494 : i32 to index
        %swap3A_520 = arith.constant 32 : index
        %swap3A_521 = tpu.vector_load %arg14[%swap3A_519, %swap3A_520] {strides = array<i32>} : memref<80x128xf32, #tpu.memory_space<vmem>>, vector<16xf32>,
        tpu.vector_store %arg14[%swap3A_519, %swap3A_520], %mul3A_518 {strides = array<i32>} : memref<80x128xf32, #tpu.memory_space<vmem>>, vector<16xf32>,
        %get3A_522 = arith.index_cast %add3A_494 : i32 to index
        %get3A_523 = arith.constant 48 : index
        %get3A_524 = tpu.vector_load %arg14[%get3A_522, %get3A_523] {strides = array<i32>} : memref<80x128xf32, #tpu.memory_space<vmem>>, vector<16xf32>,
        %mul3A_525 = arith.mulf %get3A_524, %add3A_500 : vector<16xf32>
        %swap3A_526 = arith.index_cast %add3A_494 : i32 to index
        %swap3A_527 = arith.constant 48 : index
        %swap3A_528 = tpu.vector_load %arg14[%swap3A_526, %swap3A_527] {strides = array<i32>} : memref<80x128xf32, #tpu.memory_space<vmem>>, vector<16xf32>,
        tpu.vector_store %arg14[%swap3A_526, %swap3A_527], %mul3A_525 {strides = array<i32>} : memref<80x128xf32, #tpu.memory_space<vmem>>, vector<16xf32>,
        %get3A_529 = arith.index_cast %add3A_494 : i32 to index
        %get3A_530 = arith.constant 64 : index
        %get3A_531 = tpu.vector_load %arg14[%get3A_529, %get3A_530] {strides = array<i32>} : memref<80x128xf32, #tpu.memory_space<vmem>>, vector<16xf32>,
        %mul3A_532 = arith.mulf %get3A_531, %add3A_500 : vector<16xf32>
        %swap3A_533 = arith.index_cast %add3A_494 : i32 to index
        %swap3A_534 = arith.constant 64 : index
        %swap3A_535 = tpu.vector_load %arg14[%swap3A_533, %swap3A_534] {strides = array<i32>} : memref<80x128xf32, #tpu.memory_space<vmem>>, vector<16xf32>,
        tpu.vector_store %arg14[%swap3A_533, %swap3A_534], %mul3A_532 {strides = array<i32>} : memref<80x128xf32, #tpu.memory_space<vmem>>, vector<16xf32>,
        %get3A_536 = arith.index_cast %add3A_494 : i32 to index
        %get3A_537 = arith.constant 80 : index
        %get3A_538 = tpu.vector_load %arg14[%get3A_536, %get3A_537] {strides = array<i32>} : memref<80x128xf32, #tpu.memory_space<vmem>>, vector<16xf32>,
        %mul3A_539 = arith.mulf %get3A_538, %add3A_500 : vector<16xf32>
        %swap3A_540 = arith.index_cast %add3A_494 : i32 to index
        %swap3A_541 = arith.constant 80 : index
        %swap3A_542 = tpu.vector_load %arg14[%swap3A_540, %swap3A_541] {strides = array<i32>} : memref<80x128xf32, #tpu.memory_space<vmem>>, vector<16xf32>,
        tpu.vector_store %arg14[%swap3A_540, %swap3A_541], %mul3A_539 {strides = array<i32>} : memref<80x128xf32, #tpu.memory_space<vmem>>, vector<16xf32>,
        %get3A_543 = arith.index_cast %add3A_494 : i32 to index
        %get3A_544 = arith.constant 96 : index
        %get3A_545 = tpu.vector_load %arg14[%get3A_543, %get3A_544] {strides = array<i32>} : memref<80x128xf32, #tpu.memory_space<vmem>>, vector<16xf32>,
        %mul3A_546 = arith.mulf %get3A_545, %add3A_500 : vector<16xf32>
        %swap3A_547 = arith.index_cast %add3A_494 : i32 to index
        %swap3A_548 = arith.constant 96 : index
        %swap3A_549 = tpu.vector_load %arg14[%swap3A_547, %swap3A_548] {strides = array<i32>} : memref<80x128xf32, #tpu.memory_space<vmem>>, vector<16xf32>,
        tpu.vector_store %arg14[%swap3A_547, %swap3A_548], %mul3A_546 {strides = array<i32>} : memref<80x128xf32, #tpu.memory_space<vmem>>, vector<16xf32>,
        %get3A_550 = arith.index_cast %add3A_494 : i32 to index
        %get3A_551 = arith.constant 112 : index
        %get3A_552 = tpu.vector_load %arg14[%get3A_550, %get3A_551] {strides = array<i32>} : memref<80x128xf32, #tpu.memory_space<vmem>>, vector<16xf32>,
        %mul3A_553 = arith.mulf %get3A_552, %add3A_500 : vector<16xf32>
        %swap3A_554 = arith.index_cast %add3A_494 : i32 to index
        %swap3A_555 = arith.constant 112 : index
        %swap3A_556 = tpu.vector_load %arg14[%swap3A_554, %swap3A_555] {strides = array<i32>} : memref<80x128xf32, #tpu.memory_space<vmem>>, vector<16xf32>,
        tpu.vector_store %arg14[%swap3A_554, %swap3A_555], %mul3A_553 {strides = array<i32>} : memref<80x128xf32, #tpu.memory_space<vmem>>, vector<16xf32>,
        %mul3A_557 = arith.constant 16 : i32
        %mul3A_558 = arith.muli %scan3A_357, %mul3A_557 : i32
        %add3A_559 = arith.constant 3 : i32
        %add3A_560 = arith.addi %mul3A_558, %add3A_559 : i32
        %broadcast_in_dim3A_561 = arith.constant 0.000000e+00 : f32
        %broadcast_in_dim3A_562 = vector.broadcast %broadcast_in_dim3A_561 : f32 to vector<16xf32>
        %slice3A_563 = vector.extract_strided_slice %get3A_362 {offsets = [3], sizes = [1], strides = [1]} : vector<16xf32> to vector<1xf32>
        %squeeze3A_564 = vector.extract %slice3A_563[0] : f32 from vector<1xf32>
        %add3A_565 = vector.broadcast %squeeze3A_564 : f32 to vector<16xf32>
        %add3A_566 = arith.addf %broadcast_in_dim3A_562, %add3A_565 : vector<16xf32>
        %get3A_567 = arith.index_cast %add3A_560 : i32 to index
        %get3A_568 = arith.constant 0 : index
        %get3A_569 = tpu.vector_load %arg14[%get3A_567, %get3A_568] {strides = array<i32>} : memref<80x128xf32, #tpu.memory_space<vmem>>, vector<16xf32>,
        %mul3A_570 = arith.mulf %get3A_569, %add3A_566 : vector<16xf32>
        %swap3A_571 = arith.index_cast %add3A_560 : i32 to index
        %swap3A_572 = arith.constant 0 : index
        %swap3A_573 = tpu.vector_load %arg14[%swap3A_571, %swap3A_572] {strides = array<i32>} : memref<80x128xf32, #tpu.memory_space<vmem>>, vector<16xf32>,
        tpu.vector_store %arg14[%swap3A_571, %swap3A_572], %mul3A_570 {strides = array<i32>} : memref<80x128xf32, #tpu.memory_space<vmem>>, vector<16xf32>,
        %get3A_574 = arith.index_cast %add3A_560 : i32 to index
        %get3A_575 = arith.constant 16 : index
        %get3A_576 = tpu.vector_load %arg14[%get3A_574, %get3A_575] {strides = array<i32>} : memref<80x128xf32, #tpu.memory_space<vmem>>, vector<16xf32>,
        %mul3A_577 = arith.mulf %get3A_576, %add3A_566 : vector<16xf32>
        %swap3A_578 = arith.index_cast %add3A_560 : i32 to index
        %swap3A_579 = arith.constant 16 : index
        %swap3A_580 = tpu.vector_load %arg14[%swap3A_578, %swap3A_579] {strides = array<i32>} : memref<80x128xf32, #tpu.memory_space<vmem>>, vector<16xf32>,
        tpu.vector_store %arg14[%swap3A_578, %swap3A_579], %mul3A_577 {strides = array<i32>} : memref<80x128xf32, #tpu.memory_space<vmem>>, vector<16xf32>,
        %get3A_581 = arith.index_cast %add3A_560 : i32 to index
        %get3A_582 = arith.constant 32 : index
        %get3A_583 = tpu.vector_load %arg14[%get3A_581, %get3A_582] {strides = array<i32>} : memref<80x128xf32, #tpu.memory_space<vmem>>, vector<16xf32>,
        %mul3A_584 = arith.mulf %get3A_583, %add3A_566 : vector<16xf32>
        %swap3A_585 = arith.index_cast %add3A_560 : i32 to index
        %swap3A_586 = arith.constant 32 : index
        %swap3A_587 = tpu.vector_load %arg14[%swap3A_585, %swap3A_586] {strides = array<i32>} : memref<80x128xf32, #tpu.memory_space<vmem>>, vector<16xf32>,
        tpu.vector_store %arg14[%swap3A_585, %swap3A_586], %mul3A_584 {strides = array<i32>} : memref<80x128xf32, #tpu.memory_space<vmem>>, vector<16xf32>,
        %get3A_588 = arith.index_cast %add3A_560 : i32 to index
        %get3A_589 = arith.constant 48 : index
        %get3A_590 = tpu.vector_load %arg14[%get3A_588, %get3A_589] {strides = array<i32>} : memref<80x128xf32, #tpu.memory_space<vmem>>, vector<16xf32>,
        %mul3A_591 = arith.mulf %get3A_590, %add3A_566 : vector<16xf32>
        %swap3A_592 = arith.index_cast %add3A_560 : i32 to index
        %swap3A_593 = arith.constant 48 : index
        %swap3A_594 = tpu.vector_load %arg14[%swap3A_592, %swap3A_593] {strides = array<i32>} : memref<80x128xf32, #tpu.memory_space<vmem>>, vector<16xf32>,
        tpu.vector_store %arg14[%swap3A_592, %swap3A_593], %mul3A_591 {strides = array<i32>} : memref<80x128xf32, #tpu.memory_space<vmem>>, vector<16xf32>,
        %get3A_595 = arith.index_cast %add3A_560 : i32 to index
        %get3A_596 = arith.constant 64 : index
        %get3A_597 = tpu.vector_load %arg14[%get3A_595, %get3A_596] {strides = array<i32>} : memref<80x128xf32, #tpu.memory_space<vmem>>, vector<16xf32>,
        %mul3A_598 = arith.mulf %get3A_597, %add3A_566 : vector<16xf32>
        %swap3A_599 = arith.index_cast %add3A_560 : i32 to index
        %swap3A_600 = arith.constant 64 : index
        %swap3A_601 = tpu.vector_load %arg14[%swap3A_599, %swap3A_600] {strides = array<i32>} : memref<80x128xf32, #tpu.memory_space<vmem>>, vector<16xf32>,
        tpu.vector_store %arg14[%swap3A_599, %swap3A_600], %mul3A_598 {strides = array<i32>} : memref<80x128xf32, #tpu.memory_space<vmem>>, vector<16xf32>,
        %get3A_602 = arith.index_cast %add3A_560 : i32 to index
        %get3A_603 = arith.constant 80 : index
        %get3A_604 = tpu.vector_load %arg14[%get3A_602, %get3A_603] {strides = array<i32>} : memref<80x128xf32, #tpu.memory_space<vmem>>, vector<16xf32>,
        %mul3A_605 = arith.mulf %get3A_604, %add3A_566 : vector<16xf32>
        %swap3A_606 = arith.index_cast %add3A_560 : i32 to index
        %swap3A_607 = arith.constant 80 : index
        %swap3A_608 = tpu.vector_load %arg14[%swap3A_606, %swap3A_607] {strides = array<i32>} : memref<80x128xf32, #tpu.memory_space<vmem>>, vector<16xf32>,
        tpu.vector_store %arg14[%swap3A_606, %swap3A_607], %mul3A_605 {strides = array<i32>} : memref<80x128xf32, #tpu.memory_space<vmem>>, vector<16xf32>,
        %get3A_609 = arith.index_cast %add3A_560 : i32 to index
        %get3A_610 = arith.constant 96 : index
        %get3A_611 = tpu.vector_load %arg14[%get3A_609, %get3A_610] {strides = array<i32>} : memref<80x128xf32, #tpu.memory_space<vmem>>, vector<16xf32>,
        %mul3A_612 = arith.mulf %get3A_611, %add3A_566 : vector<16xf32>
        %swap3A_613 = arith.index_cast %add3A_560 : i32 to index
        %swap3A_614 = arith.constant 96 : index
        %swap3A_615 = tpu.vector_load %arg14[%swap3A_613, %swap3A_614] {strides = array<i32>} : memref<80x128xf32, #tpu.memory_space<vmem>>, vector<16xf32>,
        tpu.vector_store %arg14[%swap3A_613, %swap3A_614], %mul3A_612 {strides = array<i32>} : memref<80x128xf32, #tpu.memory_space<vmem>>, vector<16xf32>,
        %get3A_616 = arith.index_cast %add3A_560 : i32 to index
        %get3A_617 = arith.constant 112 : index
        %get3A_618 = tpu.vector_load %arg14[%get3A_616, %get3A_617] {strides = array<i32>} : memref<80x128xf32, #tpu.memory_space<vmem>>, vector<16xf32>,
        %mul3A_619 = arith.mulf %get3A_618, %add3A_566 : vector<16xf32>
        %swap3A_620 = arith.index_cast %add3A_560 : i32 to index
        %swap3A_621 = arith.constant 112 : index
        %swap3A_622 = tpu.vector_load %arg14[%swap3A_620, %swap3A_621] {strides = array<i32>} : memref<80x128xf32, #tpu.memory_space<vmem>>, vector<16xf32>,
        tpu.vector_store %arg14[%swap3A_620, %swap3A_621], %mul3A_619 {strides = array<i32>} : memref<80x128xf32, #tpu.memory_space<vmem>>, vector<16xf32>,
        %mul3A_623 = arith.constant 16 : i32
        %mul3A_624 = arith.muli %scan3A_357, %mul3A_623 : i32
        %add3A_625 = arith.constant 4 : i32
        %add3A_626 = arith.addi %mul3A_624, %add3A_625 : i32
        %broadcast_in_dim3A_627 = arith.constant 0.000000e+00 : f32
        %broadcast_in_dim3A_628 = vector.broadcast %broadcast_in_dim3A_627 : f32 to vector<16xf32>
        %slice3A_629 = vector.extract_strided_slice %get3A_362 {offsets = [4], sizes = [1], strides = [1]} : vector<16xf32> to vector<1xf32>
        %squeeze3A_630 = vector.extract %slice3A_629[0] : f32 from vector<1xf32>
        %add3A_631 = vector.broadcast %squeeze3A_630 : f32 to vector<16xf32>
        %add3A_632 = arith.addf %broadcast_in_dim3A_628, %add3A_631 : vector<16xf32>
        %get3A_633 = arith.index_cast %add3A_626 : i32 to index
        %get3A_634 = arith.constant 0 : index
        %get3A_635 = tpu.vector_load %arg14[%get3A_633, %get3A_634] {strides = array<i32>} : memref<80x128xf32, #tpu.memory_space<vmem>>, vector<16xf32>,
        %mul3A_636 = arith.mulf %get3A_635, %add3A_632 : vector<16xf32>
        %swap3A_637 = arith.index_cast %add3A_626 : i32 to index
        %swap3A_638 = arith.constant 0 : index
        %swap3A_639 = tpu.vector_load %arg14[%swap3A_637, %swap3A_638] {strides = array<i32>} : memref<80x128xf32, #tpu.memory_space<vmem>>, vector<16xf32>,
        tpu.vector_store %arg14[%swap3A_637, %swap3A_638], %mul3A_636 {strides = array<i32>} : memref<80x128xf32, #tpu.memory_space<vmem>>, vector<16xf32>,
        %get3A_640 = arith.index_cast %add3A_626 : i32 to index
        %get3A_641 = arith.constant 16 : index
        %get3A_642 = tpu.vector_load %arg14[%get3A_640, %get3A_641] {strides = array<i32>} : memref<80x128xf32, #tpu.memory_space<vmem>>, vector<16xf32>,
        %mul3A_643 = arith.mulf %get3A_642, %add3A_632 : vector<16xf32>
        %swap3A_644 = arith.index_cast %add3A_626 : i32 to index
        %swap3A_645 = arith.constant 16 : index
        %swap3A_646 = tpu.vector_load %arg14[%swap3A_644, %swap3A_645] {strides = array<i32>} : memref<80x128xf32, #tpu.memory_space<vmem>>, vector<16xf32>,
        tpu.vector_store %arg14[%swap3A_644, %swap3A_645], %mul3A_643 {strides = array<i32>} : memref<80x128xf32, #tpu.memory_space<vmem>>, vector<16xf32>,
        %get3A_647 = arith.index_cast %add3A_626 : i32 to index
        %get3A_648 = arith.constant 32 : index
        %get3A_649 = tpu.vector_load %arg14[%get3A_647, %get3A_648] {strides = array<i32>} : memref<80x128xf32, #tpu.memory_space<vmem>>, vector<16xf32>,
        %mul3A_650 = arith.mulf %get3A_649, %add3A_632 : vector<16xf32>
        %swap3A_651 = arith.index_cast %add3A_626 : i32 to index
        %swap3A_652 = arith.constant 32 : index
        %swap3A_653 = tpu.vector_load %arg14[%swap3A_651, %swap3A_652] {strides = array<i32>} : memref<80x128xf32, #tpu.memory_space<vmem>>, vector<16xf32>,
        tpu.vector_store %arg14[%swap3A_651, %swap3A_652], %mul3A_650 {strides = array<i32>} : memref<80x128xf32, #tpu.memory_space<vmem>>, vector<16xf32>,
        %get3A_654 = arith.index_cast %add3A_626 : i32 to index
        %get3A_655 = arith.constant 48 : index
        %get3A_656 = tpu.vector_load %arg14[%get3A_654, %get3A_655] {strides = array<i32>} : memref<80x128xf32, #tpu.memory_space<vmem>>, vector<16xf32>,
        %mul3A_657 = arith.mulf %get3A_656, %add3A_632 : vector<16xf32>
        %swap3A_658 = arith.index_cast %add3A_626 : i32 to index
        %swap3A_659 = arith.constant 48 : index
        %swap3A_660 = tpu.vector_load %arg14[%swap3A_658, %swap3A_659] {strides = array<i32>} : memref<80x128xf32, #tpu.memory_space<vmem>>, vector<16xf32>,
        tpu.vector_store %arg14[%swap3A_658, %swap3A_659], %mul3A_657 {strides = array<i32>} : memref<80x128xf32, #tpu.memory_space<vmem>>, vector<16xf32>,
        %get3A_661 = arith.index_cast %add3A_626 : i32 to index
        %get3A_662 = arith.constant 64 : index
        %get3A_663 = tpu.vector_load %arg14[%get3A_661, %get3A_662] {strides = array<i32>} : memref<80x128xf32, #tpu.memory_space<vmem>>, vector<16xf32>,
        %mul3A_664 = arith.mulf %get3A_663, %add3A_632 : vector<16xf32>
        %swap3A_665 = arith.index_cast %add3A_626 : i32 to index
        %swap3A_666 = arith.constant 64 : index
        %swap3A_667 = tpu.vector_load %arg14[%swap3A_665, %swap3A_666] {strides = array<i32>} : memref<80x128xf32, #tpu.memory_space<vmem>>, vector<16xf32>,
        tpu.vector_store %arg14[%swap3A_665, %swap3A_666], %mul3A_664 {strides = array<i32>} : memref<80x128xf32, #tpu.memory_space<vmem>>, vector<16xf32>,
        %get3A_668 = arith.index_cast %add3A_626 : i32 to index
        %get3A_669 = arith.constant 80 : index
        %get3A_670 = tpu.vector_load %arg14[%get3A_668, %get3A_669] {strides = array<i32>} : memref<80x128xf32, #tpu.memory_space<vmem>>, vector<16xf32>,
        %mul3A_671 = arith.mulf %get3A_670, %add3A_632 : vector<16xf32>
        %swap3A_672 = arith.index_cast %add3A_626 : i32 to index
        %swap3A_673 = arith.constant 80 : index
        %swap3A_674 = tpu.vector_load %arg14[%swap3A_672, %swap3A_673] {strides = array<i32>} : memref<80x128xf32, #tpu.memory_space<vmem>>, vector<16xf32>,
        tpu.vector_store %arg14[%swap3A_672, %swap3A_673], %mul3A_671 {strides = array<i32>} : memref<80x128xf32, #tpu.memory_space<vmem>>, vector<16xf32>,
        %get3A_675 = arith.index_cast %add3A_626 : i32 to index
        %get3A_676 = arith.constant 96 : index
        %get3A_677 = tpu.vector_load %arg14[%get3A_675, %get3A_676] {strides = array<i32>} : memref<80x128xf32, #tpu.memory_space<vmem>>, vector<16xf32>,
        %mul3A_678 = arith.mulf %get3A_677, %add3A_632 : vector<16xf32>
        %swap3A_679 = arith.index_cast %add3A_626 : i32 to index
        %swap3A_680 = arith.constant 96 : index
        %swap3A_681 = tpu.vector_load %arg14[%swap3A_679, %swap3A_680] {strides = array<i32>} : memref<80x128xf32, #tpu.memory_space<vmem>>, vector<16xf32>,
        tpu.vector_store %arg14[%swap3A_679, %swap3A_680], %mul3A_678 {strides = array<i32>} : memref<80x128xf32, #tpu.memory_space<vmem>>, vector<16xf32>,
        %get3A_682 = arith.index_cast %add3A_626 : i32 to index
        %get3A_683 = arith.constant 112 : index
        %get3A_684 = tpu.vector_load %arg14[%get3A_682, %get3A_683] {strides = array<i32>} : memref<80x128xf32, #tpu.memory_space<vmem>>, vector<16xf32>,
        %mul3A_685 = arith.mulf %get3A_684, %add3A_632 : vector<16xf32>
        %swap3A_686 = arith.index_cast %add3A_626 : i32 to index
        %swap3A_687 = arith.constant 112 : index
        %swap3A_688 = tpu.vector_load %arg14[%swap3A_686, %swap3A_687] {strides = array<i32>} : memref<80x128xf32, #tpu.memory_space<vmem>>, vector<16xf32>,
        tpu.vector_store %arg14[%swap3A_686, %swap3A_687], %mul3A_685 {strides = array<i32>} : memref<80x128xf32, #tpu.memory_space<vmem>>, vector<16xf32>,
        %mul3A_689 = arith.constant 16 : i32
        %mul3A_690 = arith.muli %scan3A_357, %mul3A_689 : i32
        %add3A_691 = arith.constant 5 : i32
        %add3A_692 = arith.addi %mul3A_690, %add3A_691 : i32
        %broadcast_in_dim3A_693 = arith.constant 0.000000e+00 : f32
        %broadcast_in_dim3A_694 = vector.broadcast %broadcast_in_dim3A_693 : f32 to vector<16xf32>
        %slice3A_695 = vector.extract_strided_slice %get3A_362 {offsets = [5], sizes = [1], strides = [1]} : vector<16xf32> to vector<1xf32>
        %squeeze3A_696 = vector.extract %slice3A_695[0] : f32 from vector<1xf32>
        %add3A_697 = vector.broadcast %squeeze3A_696 : f32 to vector<16xf32>
        %add3A_698 = arith.addf %broadcast_in_dim3A_694, %add3A_697 : vector<16xf32>
        %get3A_699 = arith.index_cast %add3A_692 : i32 to index
        %get3A_700 = arith.constant 0 : index
        %get3A_701 = tpu.vector_load %arg14[%get3A_699, %get3A_700] {strides = array<i32>} : memref<80x128xf32, #tpu.memory_space<vmem>>, vector<16xf32>,
        %mul3A_702 = arith.mulf %get3A_701, %add3A_698 : vector<16xf32>
        %swap3A_703 = arith.index_cast %add3A_692 : i32 to index
        %swap3A_704 = arith.constant 0 : index
        %swap3A_705 = tpu.vector_load %arg14[%swap3A_703, %swap3A_704] {strides = array<i32>} : memref<80x128xf32, #tpu.memory_space<vmem>>, vector<16xf32>,
        tpu.vector_store %arg14[%swap3A_703, %swap3A_704], %mul3A_702 {strides = array<i32>} : memref<80x128xf32, #tpu.memory_space<vmem>>, vector<16xf32>,
        %get3A_706 = arith.index_cast %add3A_692 : i32 to index
        %get3A_707 = arith.constant 16 : index
        %get3A_708 = tpu.vector_load %arg14[%get3A_706, %get3A_707] {strides = array<i32>} : memref<80x128xf32, #tpu.memory_space<vmem>>, vector<16xf32>,
        %mul3A_709 = arith.mulf %get3A_708, %add3A_698 : vector<16xf32>
        %swap3A_710 = arith.index_cast %add3A_692 : i32 to index
        %swap3A_711 = arith.constant 16 : index
        %swap3A_712 = tpu.vector_load %arg14[%swap3A_710, %swap3A_711] {strides = array<i32>} : memref<80x128xf32, #tpu.memory_space<vmem>>, vector<16xf32>,
        tpu.vector_store %arg14[%swap3A_710, %swap3A_711], %mul3A_709 {strides = array<i32>} : memref<80x128xf32, #tpu.memory_space<vmem>>, vector<16xf32>,
        %get3A_713 = arith.index_cast %add3A_692 : i32 to index
        %get3A_714 = arith.constant 32 : index
        %get3A_715 = tpu.vector_load %arg14[%get3A_713, %get3A_714] {strides = array<i32>} : memref<80x128xf32, #tpu.memory_space<vmem>>, vector<16xf32>,
        %mul3A_716 = arith.mulf %get3A_715, %add3A_698 : vector<16xf32>
        %swap3A_717 = arith.index_cast %add3A_692 : i32 to index
        %swap3A_718 = arith.constant 32 : index
        %swap3A_719 = tpu.vector_load %arg14[%swap3A_717, %swap3A_718] {strides = array<i32>} : memref<80x128xf32, #tpu.memory_space<vmem>>, vector<16xf32>,
        tpu.vector_store %arg14[%swap3A_717, %swap3A_718], %mul3A_716 {strides = array<i32>} : memref<80x128xf32, #tpu.memory_space<vmem>>, vector<16xf32>,
        %get3A_720 = arith.index_cast %add3A_692 : i32 to index
        %get3A_721 = arith.constant 48 : index
        %get3A_722 = tpu.vector_load %arg14[%get3A_720, %get3A_721] {strides = array<i32>} : memref<80x128xf32, #tpu.memory_space<vmem>>, vector<16xf32>,
        %mul3A_723 = arith.mulf %get3A_722, %add3A_698 : vector<16xf32>
        %swap3A_724 = arith.index_cast %add3A_692 : i32 to index
        %swap3A_725 = arith.constant 48 : index
        %swap3A_726 = tpu.vector_load %arg14[%swap3A_724, %swap3A_725] {strides = array<i32>} : memref<80x128xf32, #tpu.memory_space<vmem>>, vector<16xf32>,
        tpu.vector_store %arg14[%swap3A_724, %swap3A_725], %mul3A_723 {strides = array<i32>} : memref<80x128xf32, #tpu.memory_space<vmem>>, vector<16xf32>,
        %get3A_727 = arith.index_cast %add3A_692 : i32 to index
        %get3A_728 = arith.constant 64 : index
        %get3A_729 = tpu.vector_load %arg14[%get3A_727, %get3A_728] {strides = array<i32>} : memref<80x128xf32, #tpu.memory_space<vmem>>, vector<16xf32>,
        %mul3A_730 = arith.mulf %get3A_729, %add3A_698 : vector<16xf32>
        %swap3A_731 = arith.index_cast %add3A_692 : i32 to index
        %swap3A_732 = arith.constant 64 : index
        %swap3A_733 = tpu.vector_load %arg14[%swap3A_731, %swap3A_732] {strides = array<i32>} : memref<80x128xf32, #tpu.memory_space<vmem>>, vector<16xf32>,
        tpu.vector_store %arg14[%swap3A_731, %swap3A_732], %mul3A_730 {strides = array<i32>} : memref<80x128xf32, #tpu.memory_space<vmem>>, vector<16xf32>,
        %get3A_734 = arith.index_cast %add3A_692 : i32 to index
        %get3A_735 = arith.constant 80 : index
        %get3A_736 = tpu.vector_load %arg14[%get3A_734, %get3A_735] {strides = array<i32>} : memref<80x128xf32, #tpu.memory_space<vmem>>, vector<16xf32>,
        %mul3A_737 = arith.mulf %get3A_736, %add3A_698 : vector<16xf32>
        %swap3A_738 = arith.index_cast %add3A_692 : i32 to index
        %swap3A_739 = arith.constant 80 : index
        %swap3A_740 = tpu.vector_load %arg14[%swap3A_738, %swap3A_739] {strides = array<i32>} : memref<80x128xf32, #tpu.memory_space<vmem>>, vector<16xf32>,
        tpu.vector_store %arg14[%swap3A_738, %swap3A_739], %mul3A_737 {strides = array<i32>} : memref<80x128xf32, #tpu.memory_space<vmem>>, vector<16xf32>,
        %get3A_741 = arith.index_cast %add3A_692 : i32 to index
        %get3A_742 = arith.constant 96 : index
        %get3A_743 = tpu.vector_load %arg14[%get3A_741, %get3A_742] {strides = array<i32>} : memref<80x128xf32, #tpu.memory_space<vmem>>, vector<16xf32>,
        %mul3A_744 = arith.mulf %get3A_743, %add3A_698 : vector<16xf32>
        %swap3A_745 = arith.index_cast %add3A_692 : i32 to index
        %swap3A_746 = arith.constant 96 : index
        %swap3A_747 = tpu.vector_load %arg14[%swap3A_745, %swap3A_746] {strides = array<i32>} : memref<80x128xf32, #tpu.memory_space<vmem>>, vector<16xf32>,
        tpu.vector_store %arg14[%swap3A_745, %swap3A_746], %mul3A_744 {strides = array<i32>} : memref<80x128xf32, #tpu.memory_space<vmem>>, vector<16xf32>,
        %get3A_748 = arith.index_cast %add3A_692 : i32 to index
        %get3A_749 = arith.constant 112 : index
        %get3A_750 = tpu.vector_load %arg14[%get3A_748, %get3A_749] {strides = array<i32>} : memref<80x128xf32, #tpu.memory_space<vmem>>, vector<16xf32>,
        %mul3A_751 = arith.mulf %get3A_750, %add3A_698 : vector<16xf32>
        %swap3A_752 = arith.index_cast %add3A_692 : i32 to index
        %swap3A_753 = arith.constant 112 : index
        %swap3A_754 = tpu.vector_load %arg14[%swap3A_752, %swap3A_753] {strides = array<i32>} : memref<80x128xf32, #tpu.memory_space<vmem>>, vector<16xf32>,
        tpu.vector_store %arg14[%swap3A_752, %swap3A_753], %mul3A_751 {strides = array<i32>} : memref<80x128xf32, #tpu.memory_space<vmem>>, vector<16xf32>,
        %mul3A_755 = arith.constant 16 : i32
        %mul3A_756 = arith.muli %scan3A_357, %mul3A_755 : i32
        %add3A_757 = arith.constant 6 : i32
        %add3A_758 = arith.addi %mul3A_756, %add3A_757 : i32
        %broadcast_in_dim3A_759 = arith.constant 0.000000e+00 : f32
        %broadcast_in_dim3A_760 = vector.broadcast %broadcast_in_dim3A_759 : f32 to vector<16xf32>
        %slice3A_761 = vector.extract_strided_slice %get3A_362 {offsets = [6], sizes = [1], strides = [1]} : vector<16xf32> to vector<1xf32>
        %squeeze3A_762 = vector.extract %slice3A_761[0] : f32 from vector<1xf32>
        %add3A_763 = vector.broadcast %squeeze3A_762 : f32 to vector<16xf32>
        %add3A_764 = arith.addf %broadcast_in_dim3A_760, %add3A_763 : vector<16xf32>
        %get3A_765 = arith.index_cast %add3A_758 : i32 to index
        %get3A_766 = arith.constant 0 : index
        %get3A_767 = tpu.vector_load %arg14[%get3A_765, %get3A_766] {strides = array<i32>} : memref<80x128xf32, #tpu.memory_space<vmem>>, vector<16xf32>,
        %mul3A_768 = arith.mulf %get3A_767, %add3A_764 : vector<16xf32>
        %swap3A_769 = arith.index_cast %add3A_758 : i32 to index
        %swap3A_770 = arith.constant 0 : index
        %swap3A_771 = tpu.vector_load %arg14[%swap3A_769, %swap3A_770] {strides = array<i32>} : memref<80x128xf32, #tpu.memory_space<vmem>>, vector<16xf32>,
        tpu.vector_store %arg14[%swap3A_769, %swap3A_770], %mul3A_768 {strides = array<i32>} : memref<80x128xf32, #tpu.memory_space<vmem>>, vector<16xf32>,
        %get3A_772 = arith.index_cast %add3A_758 : i32 to index
        %get3A_773 = arith.constant 16 : index
        %get3A_774 = tpu.vector_load %arg14[%get3A_772, %get3A_773] {strides = array<i32>} : memref<80x128xf32, #tpu.memory_space<vmem>>, vector<16xf32>,
        %mul3A_775 = arith.mulf %get3A_774, %add3A_764 : vector<16xf32>
        %swap3A_776 = arith.index_cast %add3A_758 : i32 to index
        %swap3A_777 = arith.constant 16 : index
        %swap3A_778 = tpu.vector_load %arg14[%swap3A_776, %swap3A_777] {strides = array<i32>} : memref<80x128xf32, #tpu.memory_space<vmem>>, vector<16xf32>,
        tpu.vector_store %arg14[%swap3A_776, %swap3A_777], %mul3A_775 {strides = array<i32>} : memref<80x128xf32, #tpu.memory_space<vmem>>, vector<16xf32>,
        %get3A_779 = arith.index_cast %add3A_758 : i32 to index
        %get3A_780 = arith.constant 32 : index
        %get3A_781 = tpu.vector_load %arg14[%get3A_779, %get3A_780] {strides = array<i32>} : memref<80x128xf32, #tpu.memory_space<vmem>>, vector<16xf32>,
        %mul3A_782 = arith.mulf %get3A_781, %add3A_764 : vector<16xf32>
        %swap3A_783 = arith.index_cast %add3A_758 : i32 to index
        %swap3A_784 = arith.constant 32 : index
        %swap3A_785 = tpu.vector_load %arg14[%swap3A_783, %swap3A_784] {strides = array<i32>} : memref<80x128xf32, #tpu.memory_space<vmem>>, vector<16xf32>,
        tpu.vector_store %arg14[%swap3A_783, %swap3A_784], %mul3A_782 {strides = array<i32>} : memref<80x128xf32, #tpu.memory_space<vmem>>, vector<16xf32>,
        %get3A_786 = arith.index_cast %add3A_758 : i32 to index
        %get3A_787 = arith.constant 48 : index
        %get3A_788 = tpu.vector_load %arg14[%get3A_786, %get3A_787] {strides = array<i32>} : memref<80x128xf32, #tpu.memory_space<vmem>>, vector<16xf32>,
        %mul3A_789 = arith.mulf %get3A_788, %add3A_764 : vector<16xf32>
        %swap3A_790 = arith.index_cast %add3A_758 : i32 to index
        %swap3A_791 = arith.constant 48 : index
        %swap3A_792 = tpu.vector_load %arg14[%swap3A_790, %swap3A_791] {strides = array<i32>} : memref<80x128xf32, #tpu.memory_space<vmem>>, vector<16xf32>,
        tpu.vector_store %arg14[%swap3A_790, %swap3A_791], %mul3A_789 {strides = array<i32>} : memref<80x128xf32, #tpu.memory_space<vmem>>, vector<16xf32>,
        %get3A_793 = arith.index_cast %add3A_758 : i32 to index
        %get3A_794 = arith.constant 64 : index
        %get3A_795 = tpu.vector_load %arg14[%get3A_793, %get3A_794] {strides = array<i32>} : memref<80x128xf32, #tpu.memory_space<vmem>>, vector<16xf32>,
        %mul3A_796 = arith.mulf %get3A_795, %add3A_764 : vector<16xf32>
        %swap3A_797 = arith.index_cast %add3A_758 : i32 to index
        %swap3A_798 = arith.constant 64 : index
        %swap3A_799 = tpu.vector_load %arg14[%swap3A_797, %swap3A_798] {strides = array<i32>} : memref<80x128xf32, #tpu.memory_space<vmem>>, vector<16xf32>,
        tpu.vector_store %arg14[%swap3A_797, %swap3A_798], %mul3A_796 {strides = array<i32>} : memref<80x128xf32, #tpu.memory_space<vmem>>, vector<16xf32>,
        %get3A_800 = arith.index_cast %add3A_758 : i32 to index
        %get3A_801 = arith.constant 80 : index
        %get3A_802 = tpu.vector_load %arg14[%get3A_800, %get3A_801] {strides = array<i32>} : memref<80x128xf32, #tpu.memory_space<vmem>>, vector<16xf32>,
        %mul3A_803 = arith.mulf %get3A_802, %add3A_764 : vector<16xf32>
        %swap3A_804 = arith.index_cast %add3A_758 : i32 to index
        %swap3A_805 = arith.constant 80 : index
        %swap3A_806 = tpu.vector_load %arg14[%swap3A_804, %swap3A_805] {strides = array<i32>} : memref<80x128xf32, #tpu.memory_space<vmem>>, vector<16xf32>,
        tpu.vector_store %arg14[%swap3A_804, %swap3A_805], %mul3A_803 {strides = array<i32>} : memref<80x128xf32, #tpu.memory_space<vmem>>, vector<16xf32>,
        %get3A_807 = arith.index_cast %add3A_758 : i32 to index
        %get3A_808 = arith.constant 96 : index
        %get3A_809 = tpu.vector_load %arg14[%get3A_807, %get3A_808] {strides = array<i32>} : memref<80x128xf32, #tpu.memory_space<vmem>>, vector<16xf32>,
        %mul3A_810 = arith.mulf %get3A_809, %add3A_764 : vector<16xf32>
        %swap3A_811 = arith.index_cast %add3A_758 : i32 to index
        %swap3A_812 = arith.constant 96 : index
        %swap3A_813 = tpu.vector_load %arg14[%swap3A_811, %swap3A_812] {strides = array<i32>} : memref<80x128xf32, #tpu.memory_space<vmem>>, vector<16xf32>,
        tpu.vector_store %arg14[%swap3A_811, %swap3A_812], %mul3A_810 {strides = array<i32>} : memref<80x128xf32, #tpu.memory_space<vmem>>, vector<16xf32>,
        %get3A_814 = arith.index_cast %add3A_758 : i32 to index
        %get3A_815 = arith.constant 112 : index
        %get3A_816 = tpu.vector_load %arg14[%get3A_814, %get3A_815] {strides = array<i32>} : memref<80x128xf32, #tpu.memory_space<vmem>>, vector<16xf32>,
        %mul3A_817 = arith.mulf %get3A_816, %add3A_764 : vector<16xf32>
        %swap3A_818 = arith.index_cast %add3A_758 : i32 to index
        %swap3A_819 = arith.constant 112 : index
        %swap3A_820 = tpu.vector_load %arg14[%swap3A_818, %swap3A_819] {strides = array<i32>} : memref<80x128xf32, #tpu.memory_space<vmem>>, vector<16xf32>,
        tpu.vector_store %arg14[%swap3A_818, %swap3A_819], %mul3A_817 {strides = array<i32>} : memref<80x128xf32, #tpu.memory_space<vmem>>, vector<16xf32>,
        %mul3A_821 = arith.constant 16 : i32
        %mul3A_822 = arith.muli %scan3A_357, %mul3A_821 : i32
        %add3A_823 = arith.constant 7 : i32
        %add3A_824 = arith.addi %mul3A_822, %add3A_823 : i32
        %broadcast_in_dim3A_825 = arith.constant 0.000000e+00 : f32
        %broadcast_in_dim3A_826 = vector.broadcast %broadcast_in_dim3A_825 : f32 to vector<16xf32>
        %slice3A_827 = vector.extract_strided_slice %get3A_362 {offsets = [7], sizes = [1], strides = [1]} : vector<16xf32> to vector<1xf32>
        %squeeze3A_828 = vector.extract %slice3A_827[0] : f32 from vector<1xf32>
        %add3A_829 = vector.broadcast %squeeze3A_828 : f32 to vector<16xf32>
        %add3A_830 = arith.addf %broadcast_in_dim3A_826, %add3A_829 : vector<16xf32>
        %get3A_831 = arith.index_cast %add3A_824 : i32 to index
        %get3A_832 = arith.constant 0 : index
        %get3A_833 = tpu.vector_load %arg14[%get3A_831, %get3A_832] {strides = array<i32>} : memref<80x128xf32, #tpu.memory_space<vmem>>, vector<16xf32>,
        %mul3A_834 = arith.mulf %get3A_833, %add3A_830 : vector<16xf32>
        %swap3A_835 = arith.index_cast %add3A_824 : i32 to index
        %swap3A_836 = arith.constant 0 : index
        %swap3A_837 = tpu.vector_load %arg14[%swap3A_835, %swap3A_836] {strides = array<i32>} : memref<80x128xf32, #tpu.memory_space<vmem>>, vector<16xf32>,
        tpu.vector_store %arg14[%swap3A_835, %swap3A_836], %mul3A_834 {strides = array<i32>} : memref<80x128xf32, #tpu.memory_space<vmem>>, vector<16xf32>,
        %get3A_838 = arith.index_cast %add3A_824 : i32 to index
        %get3A_839 = arith.constant 16 : index
        %get3A_840 = tpu.vector_load %arg14[%get3A_838, %get3A_839] {strides = array<i32>} : memref<80x128xf32, #tpu.memory_space<vmem>>, vector<16xf32>,
        %mul3A_841 = arith.mulf %get3A_840, %add3A_830 : vector<16xf32>
        %swap3A_842 = arith.index_cast %add3A_824 : i32 to index
        %swap3A_843 = arith.constant 16 : index
        %swap3A_844 = tpu.vector_load %arg14[%swap3A_842, %swap3A_843] {strides = array<i32>} : memref<80x128xf32, #tpu.memory_space<vmem>>, vector<16xf32>,
        tpu.vector_store %arg14[%swap3A_842, %swap3A_843], %mul3A_841 {strides = array<i32>} : memref<80x128xf32, #tpu.memory_space<vmem>>, vector<16xf32>,
        %get3A_845 = arith.index_cast %add3A_824 : i32 to index
        %get3A_846 = arith.constant 32 : index
        %get3A_847 = tpu.vector_load %arg14[%get3A_845, %get3A_846] {strides = array<i32>} : memref<80x128xf32, #tpu.memory_space<vmem>>, vector<16xf32>,
        %mul3A_848 = arith.mulf %get3A_847, %add3A_830 : vector<16xf32>
        %swap3A_849 = arith.index_cast %add3A_824 : i32 to index
        %swap3A_850 = arith.constant 32 : index
        %swap3A_851 = tpu.vector_load %arg14[%swap3A_849, %swap3A_850] {strides = array<i32>} : memref<80x128xf32, #tpu.memory_space<vmem>>, vector<16xf32>,
        tpu.vector_store %arg14[%swap3A_849, %swap3A_850], %mul3A_848 {strides = array<i32>} : memref<80x128xf32, #tpu.memory_space<vmem>>, vector<16xf32>,
        %get3A_852 = arith.index_cast %add3A_824 : i32 to index
        %get3A_853 = arith.constant 48 : index
        %get3A_854 = tpu.vector_load %arg14[%get3A_852, %get3A_853] {strides = array<i32>} : memref<80x128xf32, #tpu.memory_space<vmem>>, vector<16xf32>,
        %mul3A_855 = arith.mulf %get3A_854, %add3A_830 : vector<16xf32>
        %swap3A_856 = arith.index_cast %add3A_824 : i32 to index
        %swap3A_857 = arith.constant 48 : index
        %swap3A_858 = tpu.vector_load %arg14[%swap3A_856, %swap3A_857] {strides = array<i32>} : memref<80x128xf32, #tpu.memory_space<vmem>>, vector<16xf32>,
        tpu.vector_store %arg14[%swap3A_856, %swap3A_857], %mul3A_855 {strides = array<i32>} : memref<80x128xf32, #tpu.memory_space<vmem>>, vector<16xf32>,
        %get3A_859 = arith.index_cast %add3A_824 : i32 to index
        %get3A_860 = arith.constant 64 : index
        %get3A_861 = tpu.vector_load %arg14[%get3A_859, %get3A_860] {strides = array<i32>} : memref<80x128xf32, #tpu.memory_space<vmem>>, vector<16xf32>,
        %mul3A_862 = arith.mulf %get3A_861, %add3A_830 : vector<16xf32>
        %swap3A_863 = arith.index_cast %add3A_824 : i32 to index
        %swap3A_864 = arith.constant 64 : index
        %swap3A_865 = tpu.vector_load %arg14[%swap3A_863, %swap3A_864] {strides = array<i32>} : memref<80x128xf32, #tpu.memory_space<vmem>>, vector<16xf32>,
        tpu.vector_store %arg14[%swap3A_863, %swap3A_864], %mul3A_862 {strides = array<i32>} : memref<80x128xf32, #tpu.memory_space<vmem>>, vector<16xf32>,
        %get3A_866 = arith.index_cast %add3A_824 : i32 to index
        %get3A_867 = arith.constant 80 : index
        %get3A_868 = tpu.vector_load %arg14[%get3A_866, %get3A_867] {strides = array<i32>} : memref<80x128xf32, #tpu.memory_space<vmem>>, vector<16xf32>,
        %mul3A_869 = arith.mulf %get3A_868, %add3A_830 : vector<16xf32>
        %swap3A_870 = arith.index_cast %add3A_824 : i32 to index
        %swap3A_871 = arith.constant 80 : index
        %swap3A_872 = tpu.vector_load %arg14[%swap3A_870, %swap3A_871] {strides = array<i32>} : memref<80x128xf32, #tpu.memory_space<vmem>>, vector<16xf32>,
        tpu.vector_store %arg14[%swap3A_870, %swap3A_871], %mul3A_869 {strides = array<i32>} : memref<80x128xf32, #tpu.memory_space<vmem>>, vector<16xf32>,
        %get3A_873 = arith.index_cast %add3A_824 : i32 to index
        %get3A_874 = arith.constant 96 : index
        %get3A_875 = tpu.vector_load %arg14[%get3A_873, %get3A_874] {strides = array<i32>} : memref<80x128xf32, #tpu.memory_space<vmem>>, vector<16xf32>,
        %mul3A_876 = arith.mulf %get3A_875, %add3A_830 : vector<16xf32>
        %swap3A_877 = arith.index_cast %add3A_824 : i32 to index
        %swap3A_878 = arith.constant 96 : index
        %swap3A_879 = tpu.vector_load %arg14[%swap3A_877, %swap3A_878] {strides = array<i32>} : memref<80x128xf32, #tpu.memory_space<vmem>>, vector<16xf32>,
        tpu.vector_store %arg14[%swap3A_877, %swap3A_878], %mul3A_876 {strides = array<i32>} : memref<80x128xf32, #tpu.memory_space<vmem>>, vector<16xf32>,
        %get3A_880 = arith.index_cast %add3A_824 : i32 to index
        %get3A_881 = arith.constant 112 : index
        %get3A_882 = tpu.vector_load %arg14[%get3A_880, %get3A_881] {strides = array<i32>} : memref<80x128xf32, #tpu.memory_space<vmem>>, vector<16xf32>,
        %mul3A_883 = arith.mulf %get3A_882, %add3A_830 : vector<16xf32>
        %swap3A_884 = arith.index_cast %add3A_824 : i32 to index
        %swap3A_885 = arith.constant 112 : index
        %swap3A_886 = tpu.vector_load %arg14[%swap3A_884, %swap3A_885] {strides = array<i32>} : memref<80x128xf32, #tpu.memory_space<vmem>>, vector<16xf32>,
        tpu.vector_store %arg14[%swap3A_884, %swap3A_885], %mul3A_883 {strides = array<i32>} : memref<80x128xf32, #tpu.memory_space<vmem>>, vector<16xf32>,
        %mul3A_887 = arith.constant 16 : i32
        %mul3A_888 = arith.muli %scan3A_357, %mul3A_887 : i32
        %add3A_889 = arith.constant 8 : i32
        %add3A_890 = arith.addi %mul3A_888, %add3A_889 : i32
        %broadcast_in_dim3A_891 = arith.constant 0.000000e+00 : f32
        %broadcast_in_dim3A_892 = vector.broadcast %broadcast_in_dim3A_891 : f32 to vector<16xf32>
        %slice3A_893 = vector.extract_strided_slice %get3A_362 {offsets = [8], sizes = [1], strides = [1]} : vector<16xf32> to vector<1xf32>
        %squeeze3A_894 = vector.extract %slice3A_893[0] : f32 from vector<1xf32>
        %add3A_895 = vector.broadcast %squeeze3A_894 : f32 to vector<16xf32>
        %add3A_896 = arith.addf %broadcast_in_dim3A_892, %add3A_895 : vector<16xf32>
        %get3A_897 = arith.index_cast %add3A_890 : i32 to index
        %get3A_898 = arith.constant 0 : index
        %get3A_899 = tpu.vector_load %arg14[%get3A_897, %get3A_898] {strides = array<i32>} : memref<80x128xf32, #tpu.memory_space<vmem>>, vector<16xf32>,
        %mul3A_900 = arith.mulf %get3A_899, %add3A_896 : vector<16xf32>
        %swap3A_901 = arith.index_cast %add3A_890 : i32 to index
        %swap3A_902 = arith.constant 0 : index
        %swap3A_903 = tpu.vector_load %arg14[%swap3A_901, %swap3A_902] {strides = array<i32>} : memref<80x128xf32, #tpu.memory_space<vmem>>, vector<16xf32>,
        tpu.vector_store %arg14[%swap3A_901, %swap3A_902], %mul3A_900 {strides = array<i32>} : memref<80x128xf32, #tpu.memory_space<vmem>>, vector<16xf32>,
        %get3A_904 = arith.index_cast %add3A_890 : i32 to index
        %get3A_905 = arith.constant 16 : index
        %get3A_906 = tpu.vector_load %arg14[%get3A_904, %get3A_905] {strides = array<i32>} : memref<80x128xf32, #tpu.memory_space<vmem>>, vector<16xf32>,
        %mul3A_907 = arith.mulf %get3A_906, %add3A_896 : vector<16xf32>
        %swap3A_908 = arith.index_cast %add3A_890 : i32 to index
        %swap3A_909 = arith.constant 16 : index
        %swap3A_910 = tpu.vector_load %arg14[%swap3A_908, %swap3A_909] {strides = array<i32>} : memref<80x128xf32, #tpu.memory_space<vmem>>, vector<16xf32>,
        tpu.vector_store %arg14[%swap3A_908, %swap3A_909], %mul3A_907 {strides = array<i32>} : memref<80x128xf32, #tpu.memory_space<vmem>>, vector<16xf32>,
        %get3A_911 = arith.index_cast %add3A_890 : i32 to index
        %get3A_912 = arith.constant 32 : index
        %get3A_913 = tpu.vector_load %arg14[%get3A_911, %get3A_912] {strides = array<i32>} : memref<80x128xf32, #tpu.memory_space<vmem>>, vector<16xf32>,
        %mul3A_914 = arith.mulf %get3A_913, %add3A_896 : vector<16xf32>
        %swap3A_915 = arith.index_cast %add3A_890 : i32 to index
        %swap3A_916 = arith.constant 32 : index
        %swap3A_917 = tpu.vector_load %arg14[%swap3A_915, %swap3A_916] {strides = array<i32>} : memref<80x128xf32, #tpu.memory_space<vmem>>, vector<16xf32>,
        tpu.vector_store %arg14[%swap3A_915, %swap3A_916], %mul3A_914 {strides = array<i32>} : memref<80x128xf32, #tpu.memory_space<vmem>>, vector<16xf32>,
        %get3A_918 = arith.index_cast %add3A_890 : i32 to index
        %get3A_919 = arith.constant 48 : index
        %get3A_920 = tpu.vector_load %arg14[%get3A_918, %get3A_919] {strides = array<i32>} : memref<80x128xf32, #tpu.memory_space<vmem>>, vector<16xf32>,
        %mul3A_921 = arith.mulf %get3A_920, %add3A_896 : vector<16xf32>
        %swap3A_922 = arith.index_cast %add3A_890 : i32 to index
        %swap3A_923 = arith.constant 48 : index
        %swap3A_924 = tpu.vector_load %arg14[%swap3A_922, %swap3A_923] {strides = array<i32>} : memref<80x128xf32, #tpu.memory_space<vmem>>, vector<16xf32>,
        tpu.vector_store %arg14[%swap3A_922, %swap3A_923], %mul3A_921 {strides = array<i32>} : memref<80x128xf32, #tpu.memory_space<vmem>>, vector<16xf32>,
        %get3A_925 = arith.index_cast %add3A_890 : i32 to index
        %get3A_926 = arith.constant 64 : index
        %get3A_927 = tpu.vector_load %arg14[%get3A_925, %get3A_926] {strides = array<i32>} : memref<80x128xf32, #tpu.memory_space<vmem>>, vector<16xf32>,
        %mul3A_928 = arith.mulf %get3A_927, %add3A_896 : vector<16xf32>
        %swap3A_929 = arith.index_cast %add3A_890 : i32 to index
        %swap3A_930 = arith.constant 64 : index
        %swap3A_931 = tpu.vector_load %arg14[%swap3A_929, %swap3A_930] {strides = array<i32>} : memref<80x128xf32, #tpu.memory_space<vmem>>, vector<16xf32>,
        tpu.vector_store %arg14[%swap3A_929, %swap3A_930], %mul3A_928 {strides = array<i32>} : memref<80x128xf32, #tpu.memory_space<vmem>>, vector<16xf32>,
        %get3A_932 = arith.index_cast %add3A_890 : i32 to index
        %get3A_933 = arith.constant 80 : index
        %get3A_934 = tpu.vector_load %arg14[%get3A_932, %get3A_933] {strides = array<i32>} : memref<80x128xf32, #tpu.memory_space<vmem>>, vector<16xf32>,
        %mul3A_935 = arith.mulf %get3A_934, %add3A_896 : vector<16xf32>
        %swap3A_936 = arith.index_cast %add3A_890 : i32 to index
        %swap3A_937 = arith.constant 80 : index
        %swap3A_938 = tpu.vector_load %arg14[%swap3A_936, %swap3A_937] {strides = array<i32>} : memref<80x128xf32, #tpu.memory_space<vmem>>, vector<16xf32>,
        tpu.vector_store %arg14[%swap3A_936, %swap3A_937], %mul3A_935 {strides = array<i32>} : memref<80x128xf32, #tpu.memory_space<vmem>>, vector<16xf32>,
        %get3A_939 = arith.index_cast %add3A_890 : i32 to index
        %get3A_940 = arith.constant 96 : index
        %get3A_941 = tpu.vector_load %arg14[%get3A_939, %get3A_940] {strides = array<i32>} : memref<80x128xf32, #tpu.memory_space<vmem>>, vector<16xf32>,
        %mul3A_942 = arith.mulf %get3A_941, %add3A_896 : vector<16xf32>
        %swap3A_943 = arith.index_cast %add3A_890 : i32 to index
        %swap3A_944 = arith.constant 96 : index
        %swap3A_945 = tpu.vector_load %arg14[%swap3A_943, %swap3A_944] {strides = array<i32>} : memref<80x128xf32, #tpu.memory_space<vmem>>, vector<16xf32>,
        tpu.vector_store %arg14[%swap3A_943, %swap3A_944], %mul3A_942 {strides = array<i32>} : memref<80x128xf32, #tpu.memory_space<vmem>>, vector<16xf32>,
        %get3A_946 = arith.index_cast %add3A_890 : i32 to index
        %get3A_947 = arith.constant 112 : index
        %get3A_948 = tpu.vector_load %arg14[%get3A_946, %get3A_947] {strides = array<i32>} : memref<80x128xf32, #tpu.memory_space<vmem>>, vector<16xf32>,
        %mul3A_949 = arith.mulf %get3A_948, %add3A_896 : vector<16xf32>
        %swap3A_950 = arith.index_cast %add3A_890 : i32 to index
        %swap3A_951 = arith.constant 112 : index
        %swap3A_952 = tpu.vector_load %arg14[%swap3A_950, %swap3A_951] {strides = array<i32>} : memref<80x128xf32, #tpu.memory_space<vmem>>, vector<16xf32>,
        tpu.vector_store %arg14[%swap3A_950, %swap3A_951], %mul3A_949 {strides = array<i32>} : memref<80x128xf32, #tpu.memory_space<vmem>>, vector<16xf32>,
        %mul3A_953 = arith.constant 16 : i32
        %mul3A_954 = arith.muli %scan3A_357, %mul3A_953 : i32
        %add3A_955 = arith.constant 9 : i32
        %add3A_956 = arith.addi %mul3A_954, %add3A_955 : i32
        %broadcast_in_dim3A_957 = arith.constant 0.000000e+00 : f32
        %broadcast_in_dim3A_958 = vector.broadcast %broadcast_in_dim3A_957 : f32 to vector<16xf32>
        %slice3A_959 = vector.extract_strided_slice %get3A_362 {offsets = [9], sizes = [1], strides = [1]} : vector<16xf32> to vector<1xf32>
        %squeeze3A_960 = vector.extract %slice3A_959[0] : f32 from vector<1xf32>
        %add3A_961 = vector.broadcast %squeeze3A_960 : f32 to vector<16xf32>
        %add3A_962 = arith.addf %broadcast_in_dim3A_958, %add3A_961 : vector<16xf32>
        %get3A_963 = arith.index_cast %add3A_956 : i32 to index
        %get3A_964 = arith.constant 0 : index
        %get3A_965 = tpu.vector_load %arg14[%get3A_963, %get3A_964] {strides = array<i32>} : memref<80x128xf32, #tpu.memory_space<vmem>>, vector<16xf32>,
        %mul3A_966 = arith.mulf %get3A_965, %add3A_962 : vector<16xf32>
        %swap3A_967 = arith.index_cast %add3A_956 : i32 to index
        %swap3A_968 = arith.constant 0 : index
        %swap3A_969 = tpu.vector_load %arg14[%swap3A_967, %swap3A_968] {strides = array<i32>} : memref<80x128xf32, #tpu.memory_space<vmem>>, vector<16xf32>,
        tpu.vector_store %arg14[%swap3A_967, %swap3A_968], %mul3A_966 {strides = array<i32>} : memref<80x128xf32, #tpu.memory_space<vmem>>, vector<16xf32>,
        %get3A_970 = arith.index_cast %add3A_956 : i32 to index
        %get3A_971 = arith.constant 16 : index
        %get3A_972 = tpu.vector_load %arg14[%get3A_970, %get3A_971] {strides = array<i32>} : memref<80x128xf32, #tpu.memory_space<vmem>>, vector<16xf32>,
        %mul3A_973 = arith.mulf %get3A_972, %add3A_962 : vector<16xf32>
        %swap3A_974 = arith.index_cast %add3A_956 : i32 to index
        %swap3A_975 = arith.constant 16 : index
        %swap3A_976 = tpu.vector_load %arg14[%swap3A_974, %swap3A_975] {strides = array<i32>} : memref<80x128xf32, #tpu.memory_space<vmem>>, vector<16xf32>,
        tpu.vector_store %arg14[%swap3A_974, %swap3A_975], %mul3A_973 {strides = array<i32>} : memref<80x128xf32, #tpu.memory_space<vmem>>, vector<16xf32>,
        %get3A_977 = arith.index_cast %add3A_956 : i32 to index
        %get3A_978 = arith.constant 32 : index
        %get3A_979 = tpu.vector_load %arg14[%get3A_977, %get3A_978] {strides = array<i32>} : memref<80x128xf32, #tpu.memory_space<vmem>>, vector<16xf32>,
        %mul3A_980 = arith.mulf %get3A_979, %add3A_962 : vector<16xf32>
        %swap3A_981 = arith.index_cast %add3A_956 : i32 to index
        %swap3A_982 = arith.constant 32 : index
        %swap3A_983 = tpu.vector_load %arg14[%swap3A_981, %swap3A_982] {strides = array<i32>} : memref<80x128xf32, #tpu.memory_space<vmem>>, vector<16xf32>,
        tpu.vector_store %arg14[%swap3A_981, %swap3A_982], %mul3A_980 {strides = array<i32>} : memref<80x128xf32, #tpu.memory_space<vmem>>, vector<16xf32>,
        %get3A_984 = arith.index_cast %add3A_956 : i32 to index
        %get3A_985 = arith.constant 48 : index
        %get3A_986 = tpu.vector_load %arg14[%get3A_984, %get3A_985] {strides = array<i32>} : memref<80x128xf32, #tpu.memory_space<vmem>>, vector<16xf32>,
        %mul3A_987 = arith.mulf %get3A_986, %add3A_962 : vector<16xf32>
        %swap3A_988 = arith.index_cast %add3A_956 : i32 to index
        %swap3A_989 = arith.constant 48 : index
        %swap3A_990 = tpu.vector_load %arg14[%swap3A_988, %swap3A_989] {strides = array<i32>} : memref<80x128xf32, #tpu.memory_space<vmem>>, vector<16xf32>,
        tpu.vector_store %arg14[%swap3A_988, %swap3A_989], %mul3A_987 {strides = array<i32>} : memref<80x128xf32, #tpu.memory_space<vmem>>, vector<16xf32>,
        %get3A_991 = arith.index_cast %add3A_956 : i32 to index
        %get3A_992 = arith.constant 64 : index
        %get3A_993 = tpu.vector_load %arg14[%get3A_991, %get3A_992] {strides = array<i32>} : memref<80x128xf32, #tpu.memory_space<vmem>>, vector<16xf32>,
        %mul3A_994 = arith.mulf %get3A_993, %add3A_962 : vector<16xf32>
        %swap3A_995 = arith.index_cast %add3A_956 : i32 to index
        %swap3A_996 = arith.constant 64 : index
        %swap3A_997 = tpu.vector_load %arg14[%swap3A_995, %swap3A_996] {strides = array<i32>} : memref<80x128xf32, #tpu.memory_space<vmem>>, vector<16xf32>,
        tpu.vector_store %arg14[%swap3A_995, %swap3A_996], %mul3A_994 {strides = array<i32>} : memref<80x128xf32, #tpu.memory_space<vmem>>, vector<16xf32>,
        %get3A_998 = arith.index_cast %add3A_956 : i32 to index
        %get3A_999 = arith.constant 80 : index
        %get3A_1000 = tpu.vector_load %arg14[%get3A_998, %get3A_999] {strides = array<i32>} : memref<80x128xf32, #tpu.memory_space<vmem>>, vector<16xf32>,
        %mul3A_1001 = arith.mulf %get3A_1000, %add3A_962 : vector<16xf32>
        %swap3A_1002 = arith.index_cast %add3A_956 : i32 to index
        %swap3A_1003 = arith.constant 80 : index
        %swap3A_1004 = tpu.vector_load %arg14[%swap3A_1002, %swap3A_1003] {strides = array<i32>} : memref<80x128xf32, #tpu.memory_space<vmem>>, vector<16xf32>,
        tpu.vector_store %arg14[%swap3A_1002, %swap3A_1003], %mul3A_1001 {strides = array<i32>} : memref<80x128xf32, #tpu.memory_space<vmem>>, vector<16xf32>,
        %get3A_1005 = arith.index_cast %add3A_956 : i32 to index
        %get3A_1006 = arith.constant 96 : index
        %get3A_1007 = tpu.vector_load %arg14[%get3A_1005, %get3A_1006] {strides = array<i32>} : memref<80x128xf32, #tpu.memory_space<vmem>>, vector<16xf32>,
        %mul3A_1008 = arith.mulf %get3A_1007, %add3A_962 : vector<16xf32>
        %swap3A_1009 = arith.index_cast %add3A_956 : i32 to index
        %swap3A_1010 = arith.constant 96 : index
        %swap3A_1011 = tpu.vector_load %arg14[%swap3A_1009, %swap3A_1010] {strides = array<i32>} : memref<80x128xf32, #tpu.memory_space<vmem>>, vector<16xf32>,
        tpu.vector_store %arg14[%swap3A_1009, %swap3A_1010], %mul3A_1008 {strides = array<i32>} : memref<80x128xf32, #tpu.memory_space<vmem>>, vector<16xf32>,
        %get3A_1012 = arith.index_cast %add3A_956 : i32 to index
        %get3A_1013 = arith.constant 112 : index
        %get3A_1014 = tpu.vector_load %arg14[%get3A_1012, %get3A_1013] {strides = array<i32>} : memref<80x128xf32, #tpu.memory_space<vmem>>, vector<16xf32>,
        %mul3A_1015 = arith.mulf %get3A_1014, %add3A_962 : vector<16xf32>
        %swap3A_1016 = arith.index_cast %add3A_956 : i32 to index
        %swap3A_1017 = arith.constant 112 : index
        %swap3A_1018 = tpu.vector_load %arg14[%swap3A_1016, %swap3A_1017] {strides = array<i32>} : memref<80x128xf32, #tpu.memory_space<vmem>>, vector<16xf32>,
        tpu.vector_store %arg14[%swap3A_1016, %swap3A_1017], %mul3A_1015 {strides = array<i32>} : memref<80x128xf32, #tpu.memory_space<vmem>>, vector<16xf32>,
        %mul3A_1019 = arith.constant 16 : i32
        %mul3A_1020 = arith.muli %scan3A_357, %mul3A_1019 : i32
        %add3A_1021 = arith.constant 10 : i32
        %add3A_1022 = arith.addi %mul3A_1020, %add3A_1021 : i32
        %broadcast_in_dim3A_1023 = arith.constant 0.000000e+00 : f32
        %broadcast_in_dim3A_1024 = vector.broadcast %broadcast_in_dim3A_1023 : f32 to vector<16xf32>
        %slice3A_1025 = vector.extract_strided_slice %get3A_362 {offsets = [10], sizes = [1], strides = [1]} : vector<16xf32> to vector<1xf32>
        %squeeze3A_1026 = vector.extract %slice3A_1025[0] : f32 from vector<1xf32>
        %add3A_1027 = vector.broadcast %squeeze3A_1026 : f32 to vector<16xf32>
        %add3A_1028 = arith.addf %broadcast_in_dim3A_1024, %add3A_1027 : vector<16xf32>
        %get3A_1029 = arith.index_cast %add3A_1022 : i32 to index
        %get3A_1030 = arith.constant 0 : index
        %get3A_1031 = tpu.vector_load %arg14[%get3A_1029, %get3A_1030] {strides = array<i32>} : memref<80x128xf32, #tpu.memory_space<vmem>>, vector<16xf32>,
        %mul3A_1032 = arith.mulf %get3A_1031, %add3A_1028 : vector<16xf32>
        %swap3A_1033 = arith.index_cast %add3A_1022 : i32 to index
        %swap3A_1034 = arith.constant 0 : index
        %swap3A_1035 = tpu.vector_load %arg14[%swap3A_1033, %swap3A_1034] {strides = array<i32>} : memref<80x128xf32, #tpu.memory_space<vmem>>, vector<16xf32>,
        tpu.vector_store %arg14[%swap3A_1033, %swap3A_1034], %mul3A_1032 {strides = array<i32>} : memref<80x128xf32, #tpu.memory_space<vmem>>, vector<16xf32>,
        %get3A_1036 = arith.index_cast %add3A_1022 : i32 to index
        %get3A_1037 = arith.constant 16 : index
        %get3A_1038 = tpu.vector_load %arg14[%get3A_1036, %get3A_1037] {strides = array<i32>} : memref<80x128xf32, #tpu.memory_space<vmem>>, vector<16xf32>,
        %mul3A_1039 = arith.mulf %get3A_1038, %add3A_1028 : vector<16xf32>
        %swap3A_1040 = arith.index_cast %add3A_1022 : i32 to index
        %swap3A_1041 = arith.constant 16 : index
        %swap3A_1042 = tpu.vector_load %arg14[%swap3A_1040, %swap3A_1041] {strides = array<i32>} : memref<80x128xf32, #tpu.memory_space<vmem>>, vector<16xf32>,
        tpu.vector_store %arg14[%swap3A_1040, %swap3A_1041], %mul3A_1039 {strides = array<i32>} : memref<80x128xf32, #tpu.memory_space<vmem>>, vector<16xf32>,
        %get3A_1043 = arith.index_cast %add3A_1022 : i32 to index
        %get3A_1044 = arith.constant 32 : index
        %get3A_1045 = tpu.vector_load %arg14[%get3A_1043, %get3A_1044] {strides = array<i32>} : memref<80x128xf32, #tpu.memory_space<vmem>>, vector<16xf32>,
        %mul3A_1046 = arith.mulf %get3A_1045, %add3A_1028 : vector<16xf32>
        %swap3A_1047 = arith.index_cast %add3A_1022 : i32 to index
        %swap3A_1048 = arith.constant 32 : index
        %swap3A_1049 = tpu.vector_load %arg14[%swap3A_1047, %swap3A_1048] {strides = array<i32>} : memref<80x128xf32, #tpu.memory_space<vmem>>, vector<16xf32>,
        tpu.vector_store %arg14[%swap3A_1047, %swap3A_1048], %mul3A_1046 {strides = array<i32>} : memref<80x128xf32, #tpu.memory_space<vmem>>, vector<16xf32>,
        %get3A_1050 = arith.index_cast %add3A_1022 : i32 to index
        %get3A_1051 = arith.constant 48 : index
        %get3A_1052 = tpu.vector_load %arg14[%get3A_1050, %get3A_1051] {strides = array<i32>} : memref<80x128xf32, #tpu.memory_space<vmem>>, vector<16xf32>,
        %mul3A_1053 = arith.mulf %get3A_1052, %add3A_1028 : vector<16xf32>
        %swap3A_1054 = arith.index_cast %add3A_1022 : i32 to index
        %swap3A_1055 = arith.constant 48 : index
        %swap3A_1056 = tpu.vector_load %arg14[%swap3A_1054, %swap3A_1055] {strides = array<i32>} : memref<80x128xf32, #tpu.memory_space<vmem>>, vector<16xf32>,
        tpu.vector_store %arg14[%swap3A_1054, %swap3A_1055], %mul3A_1053 {strides = array<i32>} : memref<80x128xf32, #tpu.memory_space<vmem>>, vector<16xf32>,
        %get3A_1057 = arith.index_cast %add3A_1022 : i32 to index
        %get3A_1058 = arith.constant 64 : index
        %get3A_1059 = tpu.vector_load %arg14[%get3A_1057, %get3A_1058] {strides = array<i32>} : memref<80x128xf32, #tpu.memory_space<vmem>>, vector<16xf32>,
        %mul3A_1060 = arith.mulf %get3A_1059, %add3A_1028 : vector<16xf32>
        %swap3A_1061 = arith.index_cast %add3A_1022 : i32 to index
        %swap3A_1062 = arith.constant 64 : index
        %swap3A_1063 = tpu.vector_load %arg14[%swap3A_1061, %swap3A_1062] {strides = array<i32>} : memref<80x128xf32, #tpu.memory_space<vmem>>, vector<16xf32>,
        tpu.vector_store %arg14[%swap3A_1061, %swap3A_1062], %mul3A_1060 {strides = array<i32>} : memref<80x128xf32, #tpu.memory_space<vmem>>, vector<16xf32>,
        %get3A_1064 = arith.index_cast %add3A_1022 : i32 to index
        %get3A_1065 = arith.constant 80 : index
        %get3A_1066 = tpu.vector_load %arg14[%get3A_1064, %get3A_1065] {strides = array<i32>} : memref<80x128xf32, #tpu.memory_space<vmem>>, vector<16xf32>,
        %mul3A_1067 = arith.mulf %get3A_1066, %add3A_1028 : vector<16xf32>
        %swap3A_1068 = arith.index_cast %add3A_1022 : i32 to index
        %swap3A_1069 = arith.constant 80 : index
        %swap3A_1070 = tpu.vector_load %arg14[%swap3A_1068, %swap3A_1069] {strides = array<i32>} : memref<80x128xf32, #tpu.memory_space<vmem>>, vector<16xf32>,
        tpu.vector_store %arg14[%swap3A_1068, %swap3A_1069], %mul3A_1067 {strides = array<i32>} : memref<80x128xf32, #tpu.memory_space<vmem>>, vector<16xf32>,
        %get3A_1071 = arith.index_cast %add3A_1022 : i32 to index
        %get3A_1072 = arith.constant 96 : index
        %get3A_1073 = tpu.vector_load %arg14[%get3A_1071, %get3A_1072] {strides = array<i32>} : memref<80x128xf32, #tpu.memory_space<vmem>>, vector<16xf32>,
        %mul3A_1074 = arith.mulf %get3A_1073, %add3A_1028 : vector<16xf32>
        %swap3A_1075 = arith.index_cast %add3A_1022 : i32 to index
        %swap3A_1076 = arith.constant 96 : index
        %swap3A_1077 = tpu.vector_load %arg14[%swap3A_1075, %swap3A_1076] {strides = array<i32>} : memref<80x128xf32, #tpu.memory_space<vmem>>, vector<16xf32>,
        tpu.vector_store %arg14[%swap3A_1075, %swap3A_1076], %mul3A_1074 {strides = array<i32>} : memref<80x128xf32, #tpu.memory_space<vmem>>, vector<16xf32>,
        %get3A_1078 = arith.index_cast %add3A_1022 : i32 to index
        %get3A_1079 = arith.constant 112 : index
        %get3A_1080 = tpu.vector_load %arg14[%get3A_1078, %get3A_1079] {strides = array<i32>} : memref<80x128xf32, #tpu.memory_space<vmem>>, vector<16xf32>,
        %mul3A_1081 = arith.mulf %get3A_1080, %add3A_1028 : vector<16xf32>
        %swap3A_1082 = arith.index_cast %add3A_1022 : i32 to index
        %swap3A_1083 = arith.constant 112 : index
        %swap3A_1084 = tpu.vector_load %arg14[%swap3A_1082, %swap3A_1083] {strides = array<i32>} : memref<80x128xf32, #tpu.memory_space<vmem>>, vector<16xf32>,
        tpu.vector_store %arg14[%swap3A_1082, %swap3A_1083], %mul3A_1081 {strides = array<i32>} : memref<80x128xf32, #tpu.memory_space<vmem>>, vector<16xf32>,
        %mul3A_1085 = arith.constant 16 : i32
        %mul3A_1086 = arith.muli %scan3A_357, %mul3A_1085 : i32
        %add3A_1087 = arith.constant 11 : i32
        %add3A_1088 = arith.addi %mul3A_1086, %add3A_1087 : i32
        %broadcast_in_dim3A_1089 = arith.constant 0.000000e+00 : f32
        %broadcast_in_dim3A_1090 = vector.broadcast %broadcast_in_dim3A_1089 : f32 to vector<16xf32>
        %slice3A_1091 = vector.extract_strided_slice %get3A_362 {offsets = [11], sizes = [1], strides = [1]} : vector<16xf32> to vector<1xf32>
        %squeeze3A_1092 = vector.extract %slice3A_1091[0] : f32 from vector<1xf32>
        %add3A_1093 = vector.broadcast %squeeze3A_1092 : f32 to vector<16xf32>
        %add3A_1094 = arith.addf %broadcast_in_dim3A_1090, %add3A_1093 : vector<16xf32>
        %get3A_1095 = arith.index_cast %add3A_1088 : i32 to index
        %get3A_1096 = arith.constant 0 : index
        %get3A_1097 = tpu.vector_load %arg14[%get3A_1095, %get3A_1096] {strides = array<i32>} : memref<80x128xf32, #tpu.memory_space<vmem>>, vector<16xf32>,
        %mul3A_1098 = arith.mulf %get3A_1097, %add3A_1094 : vector<16xf32>
        %swap3A_1099 = arith.index_cast %add3A_1088 : i32 to index
        %swap3A_1100 = arith.constant 0 : index
        %swap3A_1101 = tpu.vector_load %arg14[%swap3A_1099, %swap3A_1100] {strides = array<i32>} : memref<80x128xf32, #tpu.memory_space<vmem>>, vector<16xf32>,
        tpu.vector_store %arg14[%swap3A_1099, %swap3A_1100], %mul3A_1098 {strides = array<i32>} : memref<80x128xf32, #tpu.memory_space<vmem>>, vector<16xf32>,
        %get3A_1102 = arith.index_cast %add3A_1088 : i32 to index
        %get3A_1103 = arith.constant 16 : index
        %get3A_1104 = tpu.vector_load %arg14[%get3A_1102, %get3A_1103] {strides = array<i32>} : memref<80x128xf32, #tpu.memory_space<vmem>>, vector<16xf32>,
        %mul3A_1105 = arith.mulf %get3A_1104, %add3A_1094 : vector<16xf32>
        %swap3A_1106 = arith.index_cast %add3A_1088 : i32 to index
        %swap3A_1107 = arith.constant 16 : index
        %swap3A_1108 = tpu.vector_load %arg14[%swap3A_1106, %swap3A_1107] {strides = array<i32>} : memref<80x128xf32, #tpu.memory_space<vmem>>, vector<16xf32>,
        tpu.vector_store %arg14[%swap3A_1106, %swap3A_1107], %mul3A_1105 {strides = array<i32>} : memref<80x128xf32, #tpu.memory_space<vmem>>, vector<16xf32>,
        %get3A_1109 = arith.index_cast %add3A_1088 : i32 to index
        %get3A_1110 = arith.constant 32 : index
        %get3A_1111 = tpu.vector_load %arg14[%get3A_1109, %get3A_1110] {strides = array<i32>} : memref<80x128xf32, #tpu.memory_space<vmem>>, vector<16xf32>,
        %mul3A_1112 = arith.mulf %get3A_1111, %add3A_1094 : vector<16xf32>
        %swap3A_1113 = arith.index_cast %add3A_1088 : i32 to index
        %swap3A_1114 = arith.constant 32 : index
        %swap3A_1115 = tpu.vector_load %arg14[%swap3A_1113, %swap3A_1114] {strides = array<i32>} : memref<80x128xf32, #tpu.memory_space<vmem>>, vector<16xf32>,
        tpu.vector_store %arg14[%swap3A_1113, %swap3A_1114], %mul3A_1112 {strides = array<i32>} : memref<80x128xf32, #tpu.memory_space<vmem>>, vector<16xf32>,
        %get3A_1116 = arith.index_cast %add3A_1088 : i32 to index
        %get3A_1117 = arith.constant 48 : index
        %get3A_1118 = tpu.vector_load %arg14[%get3A_1116, %get3A_1117] {strides = array<i32>} : memref<80x128xf32, #tpu.memory_space<vmem>>, vector<16xf32>,
        %mul3A_1119 = arith.mulf %get3A_1118, %add3A_1094 : vector<16xf32>
        %swap3A_1120 = arith.index_cast %add3A_1088 : i32 to index
        %swap3A_1121 = arith.constant 48 : index
        %swap3A_1122 = tpu.vector_load %arg14[%swap3A_1120, %swap3A_1121] {strides = array<i32>} : memref<80x128xf32, #tpu.memory_space<vmem>>, vector<16xf32>,
        tpu.vector_store %arg14[%swap3A_1120, %swap3A_1121], %mul3A_1119 {strides = array<i32>} : memref<80x128xf32, #tpu.memory_space<vmem>>, vector<16xf32>,
        %get3A_1123 = arith.index_cast %add3A_1088 : i32 to index
        %get3A_1124 = arith.constant 64 : index
        %get3A_1125 = tpu.vector_load %arg14[%get3A_1123, %get3A_1124] {strides = array<i32>} : memref<80x128xf32, #tpu.memory_space<vmem>>, vector<16xf32>,
        %mul3A_1126 = arith.mulf %get3A_1125, %add3A_1094 : vector<16xf32>
        %swap3A_1127 = arith.index_cast %add3A_1088 : i32 to index
        %swap3A_1128 = arith.constant 64 : index
        %swap3A_1129 = tpu.vector_load %arg14[%swap3A_1127, %swap3A_1128] {strides = array<i32>} : memref<80x128xf32, #tpu.memory_space<vmem>>, vector<16xf32>,
        tpu.vector_store %arg14[%swap3A_1127, %swap3A_1128], %mul3A_1126 {strides = array<i32>} : memref<80x128xf32, #tpu.memory_space<vmem>>, vector<16xf32>,
        %get3A_1130 = arith.index_cast %add3A_1088 : i32 to index
        %get3A_1131 = arith.constant 80 : index
        %get3A_1132 = tpu.vector_load %arg14[%get3A_1130, %get3A_1131] {strides = array<i32>} : memref<80x128xf32, #tpu.memory_space<vmem>>, vector<16xf32>,
        %mul3A_1133 = arith.mulf %get3A_1132, %add3A_1094 : vector<16xf32>
        %swap3A_1134 = arith.index_cast %add3A_1088 : i32 to index
        %swap3A_1135 = arith.constant 80 : index
        %swap3A_1136 = tpu.vector_load %arg14[%swap3A_1134, %swap3A_1135] {strides = array<i32>} : memref<80x128xf32, #tpu.memory_space<vmem>>, vector<16xf32>,
        tpu.vector_store %arg14[%swap3A_1134, %swap3A_1135], %mul3A_1133 {strides = array<i32>} : memref<80x128xf32, #tpu.memory_space<vmem>>, vector<16xf32>,
        %get3A_1137 = arith.index_cast %add3A_1088 : i32 to index
        %get3A_1138 = arith.constant 96 : index
        %get3A_1139 = tpu.vector_load %arg14[%get3A_1137, %get3A_1138] {strides = array<i32>} : memref<80x128xf32, #tpu.memory_space<vmem>>, vector<16xf32>,
        %mul3A_1140 = arith.mulf %get3A_1139, %add3A_1094 : vector<16xf32>
        %swap3A_1141 = arith.index_cast %add3A_1088 : i32 to index
        %swap3A_1142 = arith.constant 96 : index
        %swap3A_1143 = tpu.vector_load %arg14[%swap3A_1141, %swap3A_1142] {strides = array<i32>} : memref<80x128xf32, #tpu.memory_space<vmem>>, vector<16xf32>,
        tpu.vector_store %arg14[%swap3A_1141, %swap3A_1142], %mul3A_1140 {strides = array<i32>} : memref<80x128xf32, #tpu.memory_space<vmem>>, vector<16xf32>,
        %get3A_1144 = arith.index_cast %add3A_1088 : i32 to index
        %get3A_1145 = arith.constant 112 : index
        %get3A_1146 = tpu.vector_load %arg14[%get3A_1144, %get3A_1145] {strides = array<i32>} : memref<80x128xf32, #tpu.memory_space<vmem>>, vector<16xf32>,
        %mul3A_1147 = arith.mulf %get3A_1146, %add3A_1094 : vector<16xf32>
        %swap3A_1148 = arith.index_cast %add3A_1088 : i32 to index
        %swap3A_1149 = arith.constant 112 : index
        %swap3A_1150 = tpu.vector_load %arg14[%swap3A_1148, %swap3A_1149] {strides = array<i32>} : memref<80x128xf32, #tpu.memory_space<vmem>>, vector<16xf32>,
        tpu.vector_store %arg14[%swap3A_1148, %swap3A_1149], %mul3A_1147 {strides = array<i32>} : memref<80x128xf32, #tpu.memory_space<vmem>>, vector<16xf32>,
        %mul3A_1151 = arith.constant 16 : i32
        %mul3A_1152 = arith.muli %scan3A_357, %mul3A_1151 : i32
        %add3A_1153 = arith.constant 12 : i32
        %add3A_1154 = arith.addi %mul3A_1152, %add3A_1153 : i32
        %broadcast_in_dim3A_1155 = arith.constant 0.000000e+00 : f32
        %broadcast_in_dim3A_1156 = vector.broadcast %broadcast_in_dim3A_1155 : f32 to vector<16xf32>
        %slice3A_1157 = vector.extract_strided_slice %get3A_362 {offsets = [12], sizes = [1], strides = [1]} : vector<16xf32> to vector<1xf32>
        %squeeze3A_1158 = vector.extract %slice3A_1157[0] : f32 from vector<1xf32>
        %add3A_1159 = vector.broadcast %squeeze3A_1158 : f32 to vector<16xf32>
        %add3A_1160 = arith.addf %broadcast_in_dim3A_1156, %add3A_1159 : vector<16xf32>
        %get3A_1161 = arith.index_cast %add3A_1154 : i32 to index
        %get3A_1162 = arith.constant 0 : index
        %get3A_1163 = tpu.vector_load %arg14[%get3A_1161, %get3A_1162] {strides = array<i32>} : memref<80x128xf32, #tpu.memory_space<vmem>>, vector<16xf32>,
        %mul3A_1164 = arith.mulf %get3A_1163, %add3A_1160 : vector<16xf32>
        %swap3A_1165 = arith.index_cast %add3A_1154 : i32 to index
        %swap3A_1166 = arith.constant 0 : index
        %swap3A_1167 = tpu.vector_load %arg14[%swap3A_1165, %swap3A_1166] {strides = array<i32>} : memref<80x128xf32, #tpu.memory_space<vmem>>, vector<16xf32>,
        tpu.vector_store %arg14[%swap3A_1165, %swap3A_1166], %mul3A_1164 {strides = array<i32>} : memref<80x128xf32, #tpu.memory_space<vmem>>, vector<16xf32>,
        %get3A_1168 = arith.index_cast %add3A_1154 : i32 to index
        %get3A_1169 = arith.constant 16 : index
        %get3A_1170 = tpu.vector_load %arg14[%get3A_1168, %get3A_1169] {strides = array<i32>} : memref<80x128xf32, #tpu.memory_space<vmem>>, vector<16xf32>,
        %mul3A_1171 = arith.mulf %get3A_1170, %add3A_1160 : vector<16xf32>
        %swap3A_1172 = arith.index_cast %add3A_1154 : i32 to index
        %swap3A_1173 = arith.constant 16 : index
        %swap3A_1174 = tpu.vector_load %arg14[%swap3A_1172, %swap3A_1173] {strides = array<i32>} : memref<80x128xf32, #tpu.memory_space<vmem>>, vector<16xf32>,
        tpu.vector_store %arg14[%swap3A_1172, %swap3A_1173], %mul3A_1171 {strides = array<i32>} : memref<80x128xf32, #tpu.memory_space<vmem>>, vector<16xf32>,
        %get3A_1175 = arith.index_cast %add3A_1154 : i32 to index
        %get3A_1176 = arith.constant 32 : index
        %get3A_1177 = tpu.vector_load %arg14[%get3A_1175, %get3A_1176] {strides = array<i32>} : memref<80x128xf32, #tpu.memory_space<vmem>>, vector<16xf32>,
        %mul3A_1178 = arith.mulf %get3A_1177, %add3A_1160 : vector<16xf32>
        %swap3A_1179 = arith.index_cast %add3A_1154 : i32 to index
        %swap3A_1180 = arith.constant 32 : index
        %swap3A_1181 = tpu.vector_load %arg14[%swap3A_1179, %swap3A_1180] {strides = array<i32>} : memref<80x128xf32, #tpu.memory_space<vmem>>, vector<16xf32>,
        tpu.vector_store %arg14[%swap3A_1179, %swap3A_1180], %mul3A_1178 {strides = array<i32>} : memref<80x128xf32, #tpu.memory_space<vmem>>, vector<16xf32>,
        %get3A_1182 = arith.index_cast %add3A_1154 : i32 to index
        %get3A_1183 = arith.constant 48 : index
        %get3A_1184 = tpu.vector_load %arg14[%get3A_1182, %get3A_1183] {strides = array<i32>} : memref<80x128xf32, #tpu.memory_space<vmem>>, vector<16xf32>,
        %mul3A_1185 = arith.mulf %get3A_1184, %add3A_1160 : vector<16xf32>
        %swap3A_1186 = arith.index_cast %add3A_1154 : i32 to index
        %swap3A_1187 = arith.constant 48 : index
        %swap3A_1188 = tpu.vector_load %arg14[%swap3A_1186, %swap3A_1187] {strides = array<i32>} : memref<80x128xf32, #tpu.memory_space<vmem>>, vector<16xf32>,
        tpu.vector_store %arg14[%swap3A_1186, %swap3A_1187], %mul3A_1185 {strides = array<i32>} : memref<80x128xf32, #tpu.memory_space<vmem>>, vector<16xf32>,
        %get3A_1189 = arith.index_cast %add3A_1154 : i32 to index
        %get3A_1190 = arith.constant 64 : index
        %get3A_1191 = tpu.vector_load %arg14[%get3A_1189, %get3A_1190] {strides = array<i32>} : memref<80x128xf32, #tpu.memory_space<vmem>>, vector<16xf32>,
        %mul3A_1192 = arith.mulf %get3A_1191, %add3A_1160 : vector<16xf32>
        %swap3A_1193 = arith.index_cast %add3A_1154 : i32 to index
        %swap3A_1194 = arith.constant 64 : index
        %swap3A_1195 = tpu.vector_load %arg14[%swap3A_1193, %swap3A_1194] {strides = array<i32>} : memref<80x128xf32, #tpu.memory_space<vmem>>, vector<16xf32>,
        tpu.vector_store %arg14[%swap3A_1193, %swap3A_1194], %mul3A_1192 {strides = array<i32>} : memref<80x128xf32, #tpu.memory_space<vmem>>, vector<16xf32>,
        %get3A_1196 = arith.index_cast %add3A_1154 : i32 to index
        %get3A_1197 = arith.constant 80 : index
        %get3A_1198 = tpu.vector_load %arg14[%get3A_1196, %get3A_1197] {strides = array<i32>} : memref<80x128xf32, #tpu.memory_space<vmem>>, vector<16xf32>,
        %mul3A_1199 = arith.mulf %get3A_1198, %add3A_1160 : vector<16xf32>
        %swap3A_1200 = arith.index_cast %add3A_1154 : i32 to index
        %swap3A_1201 = arith.constant 80 : index
        %swap3A_1202 = tpu.vector_load %arg14[%swap3A_1200, %swap3A_1201] {strides = array<i32>} : memref<80x128xf32, #tpu.memory_space<vmem>>, vector<16xf32>,
        tpu.vector_store %arg14[%swap3A_1200, %swap3A_1201], %mul3A_1199 {strides = array<i32>} : memref<80x128xf32, #tpu.memory_space<vmem>>, vector<16xf32>,
        %get3A_1203 = arith.index_cast %add3A_1154 : i32 to index
        %get3A_1204 = arith.constant 96 : index
        %get3A_1205 = tpu.vector_load %arg14[%get3A_1203, %get3A_1204] {strides = array<i32>} : memref<80x128xf32, #tpu.memory_space<vmem>>, vector<16xf32>,
        %mul3A_1206 = arith.mulf %get3A_1205, %add3A_1160 : vector<16xf32>
        %swap3A_1207 = arith.index_cast %add3A_1154 : i32 to index
        %swap3A_1208 = arith.constant 96 : index
        %swap3A_1209 = tpu.vector_load %arg14[%swap3A_1207, %swap3A_1208] {strides = array<i32>} : memref<80x128xf32, #tpu.memory_space<vmem>>, vector<16xf32>,
        tpu.vector_store %arg14[%swap3A_1207, %swap3A_1208], %mul3A_1206 {strides = array<i32>} : memref<80x128xf32, #tpu.memory_space<vmem>>, vector<16xf32>,
        %get3A_1210 = arith.index_cast %add3A_1154 : i32 to index
        %get3A_1211 = arith.constant 112 : index
        %get3A_1212 = tpu.vector_load %arg14[%get3A_1210, %get3A_1211] {strides = array<i32>} : memref<80x128xf32, #tpu.memory_space<vmem>>, vector<16xf32>,
        %mul3A_1213 = arith.mulf %get3A_1212, %add3A_1160 : vector<16xf32>
        %swap3A_1214 = arith.index_cast %add3A_1154 : i32 to index
        %swap3A_1215 = arith.constant 112 : index
        %swap3A_1216 = tpu.vector_load %arg14[%swap3A_1214, %swap3A_1215] {strides = array<i32>} : memref<80x128xf32, #tpu.memory_space<vmem>>, vector<16xf32>,
        tpu.vector_store %arg14[%swap3A_1214, %swap3A_1215], %mul3A_1213 {strides = array<i32>} : memref<80x128xf32, #tpu.memory_space<vmem>>, vector<16xf32>,
        %mul3A_1217 = arith.constant 16 : i32
        %mul3A_1218 = arith.muli %scan3A_357, %mul3A_1217 : i32
        %add3A_1219 = arith.constant 13 : i32
        %add3A_1220 = arith.addi %mul3A_1218, %add3A_1219 : i32
        %broadcast_in_dim3A_1221 = arith.constant 0.000000e+00 : f32
        %broadcast_in_dim3A_1222 = vector.broadcast %broadcast_in_dim3A_1221 : f32 to vector<16xf32>
        %slice3A_1223 = vector.extract_strided_slice %get3A_362 {offsets = [13], sizes = [1], strides = [1]} : vector<16xf32> to vector<1xf32>
        %squeeze3A_1224 = vector.extract %slice3A_1223[0] : f32 from vector<1xf32>
        %add3A_1225 = vector.broadcast %squeeze3A_1224 : f32 to vector<16xf32>
        %add3A_1226 = arith.addf %broadcast_in_dim3A_1222, %add3A_1225 : vector<16xf32>
        %get3A_1227 = arith.index_cast %add3A_1220 : i32 to index
        %get3A_1228 = arith.constant 0 : index
        %get3A_1229 = tpu.vector_load %arg14[%get3A_1227, %get3A_1228] {strides = array<i32>} : memref<80x128xf32, #tpu.memory_space<vmem>>, vector<16xf32>,
        %mul3A_1230 = arith.mulf %get3A_1229, %add3A_1226 : vector<16xf32>
        %swap3A_1231 = arith.index_cast %add3A_1220 : i32 to index
        %swap3A_1232 = arith.constant 0 : index
        %swap3A_1233 = tpu.vector_load %arg14[%swap3A_1231, %swap3A_1232] {strides = array<i32>} : memref<80x128xf32, #tpu.memory_space<vmem>>, vector<16xf32>,
        tpu.vector_store %arg14[%swap3A_1231, %swap3A_1232], %mul3A_1230 {strides = array<i32>} : memref<80x128xf32, #tpu.memory_space<vmem>>, vector<16xf32>,
        %get3A_1234 = arith.index_cast %add3A_1220 : i32 to index
        %get3A_1235 = arith.constant 16 : index
        %get3A_1236 = tpu.vector_load %arg14[%get3A_1234, %get3A_1235] {strides = array<i32>} : memref<80x128xf32, #tpu.memory_space<vmem>>, vector<16xf32>,
        %mul3A_1237 = arith.mulf %get3A_1236, %add3A_1226 : vector<16xf32>
        %swap3A_1238 = arith.index_cast %add3A_1220 : i32 to index
        %swap3A_1239 = arith.constant 16 : index
        %swap3A_1240 = tpu.vector_load %arg14[%swap3A_1238, %swap3A_1239] {strides = array<i32>} : memref<80x128xf32, #tpu.memory_space<vmem>>, vector<16xf32>,
        tpu.vector_store %arg14[%swap3A_1238, %swap3A_1239], %mul3A_1237 {strides = array<i32>} : memref<80x128xf32, #tpu.memory_space<vmem>>, vector<16xf32>,
        %get3A_1241 = arith.index_cast %add3A_1220 : i32 to index
        %get3A_1242 = arith.constant 32 : index
        %get3A_1243 = tpu.vector_load %arg14[%get3A_1241, %get3A_1242] {strides = array<i32>} : memref<80x128xf32, #tpu.memory_space<vmem>>, vector<16xf32>,
        %mul3A_1244 = arith.mulf %get3A_1243, %add3A_1226 : vector<16xf32>
        %swap3A_1245 = arith.index_cast %add3A_1220 : i32 to index
        %swap3A_1246 = arith.constant 32 : index
        %swap3A_1247 = tpu.vector_load %arg14[%swap3A_1245, %swap3A_1246] {strides = array<i32>} : memref<80x128xf32, #tpu.memory_space<vmem>>, vector<16xf32>,
        tpu.vector_store %arg14[%swap3A_1245, %swap3A_1246], %mul3A_1244 {strides = array<i32>} : memref<80x128xf32, #tpu.memory_space<vmem>>, vector<16xf32>,
        %get3A_1248 = arith.index_cast %add3A_1220 : i32 to index
        %get3A_1249 = arith.constant 48 : index
        %get3A_1250 = tpu.vector_load %arg14[%get3A_1248, %get3A_1249] {strides = array<i32>} : memref<80x128xf32, #tpu.memory_space<vmem>>, vector<16xf32>,
        %mul3A_1251 = arith.mulf %get3A_1250, %add3A_1226 : vector<16xf32>
        %swap3A_1252 = arith.index_cast %add3A_1220 : i32 to index
        %swap3A_1253 = arith.constant 48 : index
        %swap3A_1254 = tpu.vector_load %arg14[%swap3A_1252, %swap3A_1253] {strides = array<i32>} : memref<80x128xf32, #tpu.memory_space<vmem>>, vector<16xf32>,
        tpu.vector_store %arg14[%swap3A_1252, %swap3A_1253], %mul3A_1251 {strides = array<i32>} : memref<80x128xf32, #tpu.memory_space<vmem>>, vector<16xf32>,
        %get3A_1255 = arith.index_cast %add3A_1220 : i32 to index
        %get3A_1256 = arith.constant 64 : index
        %get3A_1257 = tpu.vector_load %arg14[%get3A_1255, %get3A_1256] {strides = array<i32>} : memref<80x128xf32, #tpu.memory_space<vmem>>, vector<16xf32>,
        %mul3A_1258 = arith.mulf %get3A_1257, %add3A_1226 : vector<16xf32>
        %swap3A_1259 = arith.index_cast %add3A_1220 : i32 to index
        %swap3A_1260 = arith.constant 64 : index
        %swap3A_1261 = tpu.vector_load %arg14[%swap3A_1259, %swap3A_1260] {strides = array<i32>} : memref<80x128xf32, #tpu.memory_space<vmem>>, vector<16xf32>,
        tpu.vector_store %arg14[%swap3A_1259, %swap3A_1260], %mul3A_1258 {strides = array<i32>} : memref<80x128xf32, #tpu.memory_space<vmem>>, vector<16xf32>,
        %get3A_1262 = arith.index_cast %add3A_1220 : i32 to index
        %get3A_1263 = arith.constant 80 : index
        %get3A_1264 = tpu.vector_load %arg14[%get3A_1262, %get3A_1263] {strides = array<i32>} : memref<80x128xf32, #tpu.memory_space<vmem>>, vector<16xf32>,
        %mul3A_1265 = arith.mulf %get3A_1264, %add3A_1226 : vector<16xf32>
        %swap3A_1266 = arith.index_cast %add3A_1220 : i32 to index
        %swap3A_1267 = arith.constant 80 : index
        %swap3A_1268 = tpu.vector_load %arg14[%swap3A_1266, %swap3A_1267] {strides = array<i32>} : memref<80x128xf32, #tpu.memory_space<vmem>>, vector<16xf32>,
        tpu.vector_store %arg14[%swap3A_1266, %swap3A_1267], %mul3A_1265 {strides = array<i32>} : memref<80x128xf32, #tpu.memory_space<vmem>>, vector<16xf32>,
        %get3A_1269 = arith.index_cast %add3A_1220 : i32 to index
        %get3A_1270 = arith.constant 96 : index
        %get3A_1271 = tpu.vector_load %arg14[%get3A_1269, %get3A_1270] {strides = array<i32>} : memref<80x128xf32, #tpu.memory_space<vmem>>, vector<16xf32>,
        %mul3A_1272 = arith.mulf %get3A_1271, %add3A_1226 : vector<16xf32>
        %swap3A_1273 = arith.index_cast %add3A_1220 : i32 to index
        %swap3A_1274 = arith.constant 96 : index
        %swap3A_1275 = tpu.vector_load %arg14[%swap3A_1273, %swap3A_1274] {strides = array<i32>} : memref<80x128xf32, #tpu.memory_space<vmem>>, vector<16xf32>,
        tpu.vector_store %arg14[%swap3A_1273, %swap3A_1274], %mul3A_1272 {strides = array<i32>} : memref<80x128xf32, #tpu.memory_space<vmem>>, vector<16xf32>,
        %get3A_1276 = arith.index_cast %add3A_1220 : i32 to index
        %get3A_1277 = arith.constant 112 : index
        %get3A_1278 = tpu.vector_load %arg14[%get3A_1276, %get3A_1277] {strides = array<i32>} : memref<80x128xf32, #tpu.memory_space<vmem>>, vector<16xf32>,
        %mul3A_1279 = arith.mulf %get3A_1278, %add3A_1226 : vector<16xf32>
        %swap3A_1280 = arith.index_cast %add3A_1220 : i32 to index
        %swap3A_1281 = arith.constant 112 : index
        %swap3A_1282 = tpu.vector_load %arg14[%swap3A_1280, %swap3A_1281] {strides = array<i32>} : memref<80x128xf32, #tpu.memory_space<vmem>>, vector<16xf32>,
        tpu.vector_store %arg14[%swap3A_1280, %swap3A_1281], %mul3A_1279 {strides = array<i32>} : memref<80x128xf32, #tpu.memory_space<vmem>>, vector<16xf32>,
        %mul3A_1283 = arith.constant 16 : i32
        %mul3A_1284 = arith.muli %scan3A_357, %mul3A_1283 : i32
        %add3A_1285 = arith.constant 14 : i32
        %add3A_1286 = arith.addi %mul3A_1284, %add3A_1285 : i32
        %broadcast_in_dim3A_1287 = arith.constant 0.000000e+00 : f32
        %broadcast_in_dim3A_1288 = vector.broadcast %broadcast_in_dim3A_1287 : f32 to vector<16xf32>
        %slice3A_1289 = vector.extract_strided_slice %get3A_362 {offsets = [14], sizes = [1], strides = [1]} : vector<16xf32> to vector<1xf32>
        %squeeze3A_1290 = vector.extract %slice3A_1289[0] : f32 from vector<1xf32>
        %add3A_1291 = vector.broadcast %squeeze3A_1290 : f32 to vector<16xf32>
        %add3A_1292 = arith.addf %broadcast_in_dim3A_1288, %add3A_1291 : vector<16xf32>
        %get3A_1293 = arith.index_cast %add3A_1286 : i32 to index
        %get3A_1294 = arith.constant 0 : index
        %get3A_1295 = tpu.vector_load %arg14[%get3A_1293, %get3A_1294] {strides = array<i32>} : memref<80x128xf32, #tpu.memory_space<vmem>>, vector<16xf32>,
        %mul3A_1296 = arith.mulf %get3A_1295, %add3A_1292 : vector<16xf32>
        %swap3A_1297 = arith.index_cast %add3A_1286 : i32 to index
        %swap3A_1298 = arith.constant 0 : index
        %swap3A_1299 = tpu.vector_load %arg14[%swap3A_1297, %swap3A_1298] {strides = array<i32>} : memref<80x128xf32, #tpu.memory_space<vmem>>, vector<16xf32>,
        tpu.vector_store %arg14[%swap3A_1297, %swap3A_1298], %mul3A_1296 {strides = array<i32>} : memref<80x128xf32, #tpu.memory_space<vmem>>, vector<16xf32>,
        %get3A_1300 = arith.index_cast %add3A_1286 : i32 to index
        %get3A_1301 = arith.constant 16 : index
        %get3A_1302 = tpu.vector_load %arg14[%get3A_1300, %get3A_1301] {strides = array<i32>} : memref<80x128xf32, #tpu.memory_space<vmem>>, vector<16xf32>,
        %mul3A_1303 = arith.mulf %get3A_1302, %add3A_1292 : vector<16xf32>
        %swap3A_1304 = arith.index_cast %add3A_1286 : i32 to index
        %swap3A_1305 = arith.constant 16 : index
        %swap3A_1306 = tpu.vector_load %arg14[%swap3A_1304, %swap3A_1305] {strides = array<i32>} : memref<80x128xf32, #tpu.memory_space<vmem>>, vector<16xf32>,
        tpu.vector_store %arg14[%swap3A_1304, %swap3A_1305], %mul3A_1303 {strides = array<i32>} : memref<80x128xf32, #tpu.memory_space<vmem>>, vector<16xf32>,
        %get3A_1307 = arith.index_cast %add3A_1286 : i32 to index
        %get3A_1308 = arith.constant 32 : index
        %get3A_1309 = tpu.vector_load %arg14[%get3A_1307, %get3A_1308] {strides = array<i32>} : memref<80x128xf32, #tpu.memory_space<vmem>>, vector<16xf32>,
        %mul3A_1310 = arith.mulf %get3A_1309, %add3A_1292 : vector<16xf32>
        %swap3A_1311 = arith.index_cast %add3A_1286 : i32 to index
        %swap3A_1312 = arith.constant 32 : index
        %swap3A_1313 = tpu.vector_load %arg14[%swap3A_1311, %swap3A_1312] {strides = array<i32>} : memref<80x128xf32, #tpu.memory_space<vmem>>, vector<16xf32>,
        tpu.vector_store %arg14[%swap3A_1311, %swap3A_1312], %mul3A_1310 {strides = array<i32>} : memref<80x128xf32, #tpu.memory_space<vmem>>, vector<16xf32>,
        %get3A_1314 = arith.index_cast %add3A_1286 : i32 to index
        %get3A_1315 = arith.constant 48 : index
        %get3A_1316 = tpu.vector_load %arg14[%get3A_1314, %get3A_1315] {strides = array<i32>} : memref<80x128xf32, #tpu.memory_space<vmem>>, vector<16xf32>,
        %mul3A_1317 = arith.mulf %get3A_1316, %add3A_1292 : vector<16xf32>
        %swap3A_1318 = arith.index_cast %add3A_1286 : i32 to index
        %swap3A_1319 = arith.constant 48 : index
        %swap3A_1320 = tpu.vector_load %arg14[%swap3A_1318, %swap3A_1319] {strides = array<i32>} : memref<80x128xf32, #tpu.memory_space<vmem>>, vector<16xf32>,
        tpu.vector_store %arg14[%swap3A_1318, %swap3A_1319], %mul3A_1317 {strides = array<i32>} : memref<80x128xf32, #tpu.memory_space<vmem>>, vector<16xf32>,
        %get3A_1321 = arith.index_cast %add3A_1286 : i32 to index
        %get3A_1322 = arith.constant 64 : index
        %get3A_1323 = tpu.vector_load %arg14[%get3A_1321, %get3A_1322] {strides = array<i32>} : memref<80x128xf32, #tpu.memory_space<vmem>>, vector<16xf32>,
        %mul3A_1324 = arith.mulf %get3A_1323, %add3A_1292 : vector<16xf32>
        %swap3A_1325 = arith.index_cast %add3A_1286 : i32 to index
        %swap3A_1326 = arith.constant 64 : index
        %swap3A_1327 = tpu.vector_load %arg14[%swap3A_1325, %swap3A_1326] {strides = array<i32>} : memref<80x128xf32, #tpu.memory_space<vmem>>, vector<16xf32>,
        tpu.vector_store %arg14[%swap3A_1325, %swap3A_1326], %mul3A_1324 {strides = array<i32>} : memref<80x128xf32, #tpu.memory_space<vmem>>, vector<16xf32>,
        %get3A_1328 = arith.index_cast %add3A_1286 : i32 to index
        %get3A_1329 = arith.constant 80 : index
        %get3A_1330 = tpu.vector_load %arg14[%get3A_1328, %get3A_1329] {strides = array<i32>} : memref<80x128xf32, #tpu.memory_space<vmem>>, vector<16xf32>,
        %mul3A_1331 = arith.mulf %get3A_1330, %add3A_1292 : vector<16xf32>
        %swap3A_1332 = arith.index_cast %add3A_1286 : i32 to index
        %swap3A_1333 = arith.constant 80 : index
        %swap3A_1334 = tpu.vector_load %arg14[%swap3A_1332, %swap3A_1333] {strides = array<i32>} : memref<80x128xf32, #tpu.memory_space<vmem>>, vector<16xf32>,
        tpu.vector_store %arg14[%swap3A_1332, %swap3A_1333], %mul3A_1331 {strides = array<i32>} : memref<80x128xf32, #tpu.memory_space<vmem>>, vector<16xf32>,
        %get3A_1335 = arith.index_cast %add3A_1286 : i32 to index
        %get3A_1336 = arith.constant 96 : index
        %get3A_1337 = tpu.vector_load %arg14[%get3A_1335, %get3A_1336] {strides = array<i32>} : memref<80x128xf32, #tpu.memory_space<vmem>>, vector<16xf32>,
        %mul3A_1338 = arith.mulf %get3A_1337, %add3A_1292 : vector<16xf32>
        %swap3A_1339 = arith.index_cast %add3A_1286 : i32 to index
        %swap3A_1340 = arith.constant 96 : index
        %swap3A_1341 = tpu.vector_load %arg14[%swap3A_1339, %swap3A_1340] {strides = array<i32>} : memref<80x128xf32, #tpu.memory_space<vmem>>, vector<16xf32>,
        tpu.vector_store %arg14[%swap3A_1339, %swap3A_1340], %mul3A_1338 {strides = array<i32>} : memref<80x128xf32, #tpu.memory_space<vmem>>, vector<16xf32>,
        %get3A_1342 = arith.index_cast %add3A_1286 : i32 to index
        %get3A_1343 = arith.constant 112 : index
        %get3A_1344 = tpu.vector_load %arg14[%get3A_1342, %get3A_1343] {strides = array<i32>} : memref<80x128xf32, #tpu.memory_space<vmem>>, vector<16xf32>,
        %mul3A_1345 = arith.mulf %get3A_1344, %add3A_1292 : vector<16xf32>
        %swap3A_1346 = arith.index_cast %add3A_1286 : i32 to index
        %swap3A_1347 = arith.constant 112 : index
        %swap3A_1348 = tpu.vector_load %arg14[%swap3A_1346, %swap3A_1347] {strides = array<i32>} : memref<80x128xf32, #tpu.memory_space<vmem>>, vector<16xf32>,
        tpu.vector_store %arg14[%swap3A_1346, %swap3A_1347], %mul3A_1345 {strides = array<i32>} : memref<80x128xf32, #tpu.memory_space<vmem>>, vector<16xf32>,
        %mul3A_1349 = arith.constant 16 : i32
        %mul3A_1350 = arith.muli %scan3A_357, %mul3A_1349 : i32
        %add3A_1351 = arith.constant 15 : i32
        %add3A_1352 = arith.addi %mul3A_1350, %add3A_1351 : i32
        %broadcast_in_dim3A_1353 = arith.constant 0.000000e+00 : f32
        %broadcast_in_dim3A_1354 = vector.broadcast %broadcast_in_dim3A_1353 : f32 to vector<16xf32>
        %slice3A_1355 = vector.extract_strided_slice %get3A_362 {offsets = [15], sizes = [1], strides = [1]} : vector<16xf32> to vector<1xf32>
        %squeeze3A_1356 = vector.extract %slice3A_1355[0] : f32 from vector<1xf32>
        %add3A_1357 = vector.broadcast %squeeze3A_1356 : f32 to vector<16xf32>
        %add3A_1358 = arith.addf %broadcast_in_dim3A_1354, %add3A_1357 : vector<16xf32>
        %get3A_1359 = arith.index_cast %add3A_1352 : i32 to index
        %get3A_1360 = arith.constant 0 : index
        %get3A_1361 = tpu.vector_load %arg14[%get3A_1359, %get3A_1360] {strides = array<i32>} : memref<80x128xf32, #tpu.memory_space<vmem>>, vector<16xf32>,
        %mul3A_1362 = arith.mulf %get3A_1361, %add3A_1358 : vector<16xf32>
        %swap3A_1363 = arith.index_cast %add3A_1352 : i32 to index
        %swap3A_1364 = arith.constant 0 : index
        %swap3A_1365 = tpu.vector_load %arg14[%swap3A_1363, %swap3A_1364] {strides = array<i32>} : memref<80x128xf32, #tpu.memory_space<vmem>>, vector<16xf32>,
        tpu.vector_store %arg14[%swap3A_1363, %swap3A_1364], %mul3A_1362 {strides = array<i32>} : memref<80x128xf32, #tpu.memory_space<vmem>>, vector<16xf32>,
        %get3A_1366 = arith.index_cast %add3A_1352 : i32 to index
        %get3A_1367 = arith.constant 16 : index
        %get3A_1368 = tpu.vector_load %arg14[%get3A_1366, %get3A_1367] {strides = array<i32>} : memref<80x128xf32, #tpu.memory_space<vmem>>, vector<16xf32>,
        %mul3A_1369 = arith.mulf %get3A_1368, %add3A_1358 : vector<16xf32>
        %swap3A_1370 = arith.index_cast %add3A_1352 : i32 to index
        %swap3A_1371 = arith.constant 16 : index
        %swap3A_1372 = tpu.vector_load %arg14[%swap3A_1370, %swap3A_1371] {strides = array<i32>} : memref<80x128xf32, #tpu.memory_space<vmem>>, vector<16xf32>,
        tpu.vector_store %arg14[%swap3A_1370, %swap3A_1371], %mul3A_1369 {strides = array<i32>} : memref<80x128xf32, #tpu.memory_space<vmem>>, vector<16xf32>,
        %get3A_1373 = arith.index_cast %add3A_1352 : i32 to index
        %get3A_1374 = arith.constant 32 : index
        %get3A_1375 = tpu.vector_load %arg14[%get3A_1373, %get3A_1374] {strides = array<i32>} : memref<80x128xf32, #tpu.memory_space<vmem>>, vector<16xf32>,
        %mul3A_1376 = arith.mulf %get3A_1375, %add3A_1358 : vector<16xf32>
        %swap3A_1377 = arith.index_cast %add3A_1352 : i32 to index
        %swap3A_1378 = arith.constant 32 : index
        %swap3A_1379 = tpu.vector_load %arg14[%swap3A_1377, %swap3A_1378] {strides = array<i32>} : memref<80x128xf32, #tpu.memory_space<vmem>>, vector<16xf32>,
        tpu.vector_store %arg14[%swap3A_1377, %swap3A_1378], %mul3A_1376 {strides = array<i32>} : memref<80x128xf32, #tpu.memory_space<vmem>>, vector<16xf32>,
        %get3A_1380 = arith.index_cast %add3A_1352 : i32 to index
        %get3A_1381 = arith.constant 48 : index
        %get3A_1382 = tpu.vector_load %arg14[%get3A_1380, %get3A_1381] {strides = array<i32>} : memref<80x128xf32, #tpu.memory_space<vmem>>, vector<16xf32>,
        %mul3A_1383 = arith.mulf %get3A_1382, %add3A_1358 : vector<16xf32>
        %swap3A_1384 = arith.index_cast %add3A_1352 : i32 to index
        %swap3A_1385 = arith.constant 48 : index
        %swap3A_1386 = tpu.vector_load %arg14[%swap3A_1384, %swap3A_1385] {strides = array<i32>} : memref<80x128xf32, #tpu.memory_space<vmem>>, vector<16xf32>,
        tpu.vector_store %arg14[%swap3A_1384, %swap3A_1385], %mul3A_1383 {strides = array<i32>} : memref<80x128xf32, #tpu.memory_space<vmem>>, vector<16xf32>,
        %get3A_1387 = arith.index_cast %add3A_1352 : i32 to index
        %get3A_1388 = arith.constant 64 : index
        %get3A_1389 = tpu.vector_load %arg14[%get3A_1387, %get3A_1388] {strides = array<i32>} : memref<80x128xf32, #tpu.memory_space<vmem>>, vector<16xf32>,
        %mul3A_1390 = arith.mulf %get3A_1389, %add3A_1358 : vector<16xf32>
        %swap3A_1391 = arith.index_cast %add3A_1352 : i32 to index
        %swap3A_1392 = arith.constant 64 : index
        %swap3A_1393 = tpu.vector_load %arg14[%swap3A_1391, %swap3A_1392] {strides = array<i32>} : memref<80x128xf32, #tpu.memory_space<vmem>>, vector<16xf32>,
        tpu.vector_store %arg14[%swap3A_1391, %swap3A_1392], %mul3A_1390 {strides = array<i32>} : memref<80x128xf32, #tpu.memory_space<vmem>>, vector<16xf32>,
        %get3A_1394 = arith.index_cast %add3A_1352 : i32 to index
        %get3A_1395 = arith.constant 80 : index
        %get3A_1396 = tpu.vector_load %arg14[%get3A_1394, %get3A_1395] {strides = array<i32>} : memref<80x128xf32, #tpu.memory_space<vmem>>, vector<16xf32>,
        %mul3A_1397 = arith.mulf %get3A_1396, %add3A_1358 : vector<16xf32>
        %swap3A_1398 = arith.index_cast %add3A_1352 : i32 to index
        %swap3A_1399 = arith.constant 80 : index
        %swap3A_1400 = tpu.vector_load %arg14[%swap3A_1398, %swap3A_1399] {strides = array<i32>} : memref<80x128xf32, #tpu.memory_space<vmem>>, vector<16xf32>,
        tpu.vector_store %arg14[%swap3A_1398, %swap3A_1399], %mul3A_1397 {strides = array<i32>} : memref<80x128xf32, #tpu.memory_space<vmem>>, vector<16xf32>,
        %get3A_1401 = arith.index_cast %add3A_1352 : i32 to index
        %get3A_1402 = arith.constant 96 : index
        %get3A_1403 = tpu.vector_load %arg14[%get3A_1401, %get3A_1402] {strides = array<i32>} : memref<80x128xf32, #tpu.memory_space<vmem>>, vector<16xf32>,
        %mul3A_1404 = arith.mulf %get3A_1403, %add3A_1358 : vector<16xf32>
        %swap3A_1405 = arith.index_cast %add3A_1352 : i32 to index
        %swap3A_1406 = arith.constant 96 : index
        %swap3A_1407 = tpu.vector_load %arg14[%swap3A_1405, %swap3A_1406] {strides = array<i32>} : memref<80x128xf32, #tpu.memory_space<vmem>>, vector<16xf32>,
        tpu.vector_store %arg14[%swap3A_1405, %swap3A_1406], %mul3A_1404 {strides = array<i32>} : memref<80x128xf32, #tpu.memory_space<vmem>>, vector<16xf32>,
        %get3A_1408 = arith.index_cast %add3A_1352 : i32 to index
        %get3A_1409 = arith.constant 112 : index
        %get3A_1410 = tpu.vector_load %arg14[%get3A_1408, %get3A_1409] {strides = array<i32>} : memref<80x128xf32, #tpu.memory_space<vmem>>, vector<16xf32>,
        %mul3A_1411 = arith.mulf %get3A_1410, %add3A_1358 : vector<16xf32>
        %swap3A_1412 = arith.index_cast %add3A_1352 : i32 to index
        %swap3A_1413 = arith.constant 112 : index
        %swap3A_1414 = tpu.vector_load %arg14[%swap3A_1412, %swap3A_1413] {strides = array<i32>} : memref<80x128xf32, #tpu.memory_space<vmem>>, vector<16xf32>,
        tpu.vector_store %arg14[%swap3A_1412, %swap3A_1413], %mul3A_1411 {strides = array<i32>} : memref<80x128xf32, #tpu.memory_space<vmem>>, vector<16xf32>,
      }
      %scan3A_342 = arith.constant 5 : i32
      %dma_start3A_343 = arith.constant 0 : i32
      %dma_start3A_344 = arith.constant 0 : i32
      %dma_start3A_345 = tpu.memref_slice %arg11[%dma_start3A_343, %dma_start3A_344] : memref<1x80xi32, #tpu.memory_space<vmem>> -> memref<1x80xi32, #tpu.memory_space<vmem>>
      %dma_start3A_346 = tpu.memref_squeeze %dma_start3A_345 : memref<1x80xi32, #tpu.memory_space<vmem>> -> memref<80xi32, #tpu.memory_space<vmem>>
      %dma_start3A_347 = arith.constant 0 : i32
      %dma_start3A_348 = arith.constant 0 : i32
      %dma_start3A_349 = tpu.memref_slice %arg17[%dma_start3A_347, %dma_start3A_348] : memref<10000x128xf32, #tpu.memory_space<vmem_shared>> -> memref<10000x128xf32, #tpu.memory_space<vmem_shared>>
      tpu.enqueue_indirect_dma source(%arg14 : memref<80x128xf32, #tpu.memory_space<vmem>>) target(%dma_start3A_349 : memref<10000x128xf32, #tpu.memory_space<vmem_shared>>) offsets(%dma_start3A_346 : memref<80xi32, #tpu.memory_space<vmem>>) semaphore(%arg22 : memref<!tpu.dma_semaphore, #tpu.memory_space<semaphore_mem>>) {add = true}
      %dma_start3A_350 = arith.constant 0 : i32
      %dma_start3A_351 = arith.constant 0 : i32
      %dma_start3A_352 = tpu.memref_slice %arg12[%dma_start3A_350, %dma_start3A_351] : memref<1x80xi32, #tpu.memory_space<vmem>> -> memref<1x80xi32, #tpu.memory_space<vmem>>
      %dma_start3A_353 = tpu.memref_squeeze %dma_start3A_352 : memref<1x80xi32, #tpu.memory_space<vmem>> -> memref<80xi32, #tpu.memory_space<vmem>>
      %dma_start3A_354 = arith.constant 0 : i32
      %dma_start3A_355 = arith.constant 0 : i32
      %dma_start3A_356 = tpu.memref_slice %arg18[%dma_start3A_354, %dma_start3A_355] : memref<1280x128xf32, #tpu.memory_space<vmem_shared>> -> memref<1280x128xf32, #tpu.memory_space<vmem_shared>>
      tpu.enqueue_indirect_dma source(%arg16 : memref<80x128xf32, #tpu.memory_space<vmem>>) target(%dma_start3A_356 : memref<1280x128xf32, #tpu.memory_space<vmem_shared>>) offsets(%dma_start3A_353 : memref<80xi32, #tpu.memory_space<vmem>>) semaphore(%arg23 : memref<!tpu.dma_semaphore, #tpu.memory_space<semaphore_mem>>) {add = true}
    }
    %scan3A_111 = arith.constant 125 : i32
    %dma_wait3A = arith.constant 0 : i32
    %dma_wait3A_112 = arith.constant 0 : i32
    %dma_wait3A_113 = tpu.memref_slice %arg11[%dma_wait3A, %dma_wait3A_112] : memref<1x80xi32, #tpu.memory_space<vmem>> -> memref<1x80xi32, #tpu.memory_space<vmem>>
    %dma_wait3A_114 = tpu.memref_squeeze %dma_wait3A_113 : memref<1x80xi32, #tpu.memory_space<vmem>> -> memref<80xi32, #tpu.memory_space<vmem>>
    %dma_wait3A_115 = arith.constant 0 : i32
    %dma_wait3A_116 = arith.constant 0 : i32
    %dma_wait3A_117 = tpu.memref_slice %arg17[%dma_wait3A_115, %dma_wait3A_116] : memref<10000x128xf32, #tpu.memory_space<vmem_shared>> -> memref<10000x128xf32, #tpu.memory_space<vmem_shared>>
    tpu.wait_indirect_dma semaphore(%arg22 : memref<!tpu.dma_semaphore, #tpu.memory_space<semaphore_mem>>) src(%arg14 : memref<80x128xf32, #tpu.memory_space<vmem>>) dst(%dma_wait3A_117 : memref<10000x128xf32, #tpu.memory_space<vmem_shared>>)
    %dma_wait3A_118 = arith.constant 0 : i32
    %dma_wait3A_119 = arith.constant 0 : i32
    %dma_wait3A_120 = tpu.memref_slice %arg12[%dma_wait3A_118, %dma_wait3A_119] : memref<1x80xi32, #tpu.memory_space<vmem>> -> memref<1x80xi32, #tpu.memory_space<vmem>>
    %dma_wait3A_121 = tpu.memref_squeeze %dma_wait3A_120 : memref<1x80xi32, #tpu.memory_space<vmem>> -> memref<80xi32, #tpu.memory_space<vmem>>
    %dma_wait3A_122 = arith.constant 0 : i32
    %dma_wait3A_123 = arith.constant 0 : i32
    %dma_wait3A_124 = tpu.memref_slice %arg18[%dma_wait3A_122, %dma_wait3A_123] : memref<1280x128xf32, #tpu.memory_space<vmem_shared>> -> memref<1280x128xf32, #tpu.memory_space<vmem_shared>>
    tpu.wait_indirect_dma semaphore(%arg23 : memref<!tpu.dma_semaphore, #tpu.memory_space<semaphore_mem>>) src(%arg16 : memref<80x128xf32, #tpu.memory_space<vmem>>) dst(%dma_wait3A_124 : memref<1280x128xf32, #tpu.memory_space<vmem_shared>>)
    %barrier3A_125 = arith.constant 0 : index
    tpu.barrier barrier_id(%barrier3A_125)
    %mul3A_126 = arith.constant 624 : i32
    %mul3A_127 = arith.muli %arg1, %mul3A_126 : i32
    %add3A_128 = arith.constant 0 : i32
    %add3A_129 = arith.addi %mul3A_127, %add3A_128 : i32
    %scan3A_130 = arith.constant 0 : i32
    %scan3A_131 = arith.constant 0 : i32
    %scan3A_132 = arith.constant 5 : i32
    %scan3A_133 = arith.addi %scan3A_131, %scan3A_132 : i32
    %scan3A_134 = arith.constant 1 : i32
    scf.for %scan3A_258 = %scan3A_131 to %scan3A_133 step %scan3A_134  : i32 {
      %mul3A_259 = arith.constant 16 : i32
      %mul3A_260 = arith.muli %scan3A_258, %mul3A_259 : i32
      %add3A_261 = arith.addi %add3A_129, %mul3A_260 : i32
      %add3A_262 = vector.broadcast %add3A_261 : i32 to vector<16xi32>
      %add3A_263 = arith.addi %add3A_262, %iota3A : vector<16xi32>
      %mul3A_264 = arith.constant 16 : i32
      %mul3A_265 = arith.muli %scan3A_258, %mul3A_264 : i32
      %swap3A = arith.constant 0 : i32
      %swap3A_266 = arith.index_cast %swap3A : i32 to index
      %swap3A_267 = arith.index_cast %mul3A_265 : i32 to index
      %swap3A_268 = tpu.vector_load %arg12[%swap3A_266, %swap3A_267] {strides = array<i32>} : memref<1x80xi32, #tpu.memory_space<vmem>>, vector<16xi32>,
      tpu.vector_store %arg12[%swap3A_266, %swap3A_267], %add3A_263 {strides = array<i32>} : memref<1x80xi32, #tpu.memory_space<vmem>>, vector<16xi32>,
    }
    %scan3A_135 = arith.constant 5 : i32
    %run_scoped3A_136 = arith.constant 0 : i32
    "tpu.region"() ({
      %run_scoped3A_258 = tpu.sem_alloc : memref<!tpu.dma_semaphore, #tpu.memory_space<semaphore_mem>>
      %dma_start3A = arith.constant 0 : i32
      %dma_start3A_259 = tpu.memref_slice %arg12[%run_scoped3A_136, %dma_start3A] : memref<1x80xi32, #tpu.memory_space<vmem>> -> memref<1x80xi32, #tpu.memory_space<vmem>>
      %dma_start3A_260 = tpu.memref_squeeze %dma_start3A_259 : memref<1x80xi32, #tpu.memory_space<vmem>> -> memref<80xi32, #tpu.memory_space<vmem>>
      %dma_start3A_261 = arith.constant 0 : i32
      %dma_start3A_262 = arith.constant 0 : i32
      %dma_start3A_263 = tpu.memref_slice %arg17[%dma_start3A_261, %dma_start3A_262] : memref<10000x128xf32, #tpu.memory_space<vmem_shared>> -> memref<10000x128xf32, #tpu.memory_space<vmem_shared>>
      tpu.enqueue_indirect_dma source(%dma_start3A_263 : memref<10000x128xf32, #tpu.memory_space<vmem_shared>>) target(%arg14 : memref<80x128xf32, #tpu.memory_space<vmem>>) offsets(%dma_start3A_260 : memref<80xi32, #tpu.memory_space<vmem>>) semaphore(%run_scoped3A_258 : memref<!tpu.dma_semaphore, #tpu.memory_space<semaphore_mem>>)
      %dma_wait3A_264 = arith.constant 0 : i32
      %dma_wait3A_265 = tpu.memref_slice %arg12[%run_scoped3A_136, %dma_wait3A_264] : memref<1x80xi32, #tpu.memory_space<vmem>> -> memref<1x80xi32, #tpu.memory_space<vmem>>
      %dma_wait3A_266 = tpu.memref_squeeze %dma_wait3A_265 : memref<1x80xi32, #tpu.memory_space<vmem>> -> memref<80xi32, #tpu.memory_space<vmem>>
      %dma_wait3A_267 = arith.constant 0 : i32
      %dma_wait3A_268 = arith.constant 0 : i32
      %dma_wait3A_269 = tpu.memref_slice %arg17[%dma_wait3A_267, %dma_wait3A_268] : memref<10000x128xf32, #tpu.memory_space<vmem_shared>> -> memref<10000x128xf32, #tpu.memory_space<vmem_shared>>
      tpu.wait_indirect_dma semaphore(%run_scoped3A_258 : memref<!tpu.dma_semaphore, #tpu.memory_space<semaphore_mem>>) src(%dma_wait3A_269 : memref<10000x128xf32, #tpu.memory_space<vmem_shared>>) dst(%arg14 : memref<80x128xf32, #tpu.memory_space<vmem>>)
      tpu.yield
    }) : () -> ()
    %mul3A_137 = arith.constant 624 : i32
    %mul3A_138 = arith.muli %arg1, %mul3A_137 : i32
    %add3A_139 = arith.constant 0 : i32
    %add3A_140 = arith.addi %mul3A_138, %add3A_139 : i32
    "tpu.region"() ({
      %run_scoped3A_258 = tpu.sem_alloc : memref<!tpu.dma_semaphore, #tpu.memory_space<semaphore_mem>>
      %dma_start3A = arith.constant 0 : i32
      %dma_start3A_259 = tpu.memref_slice %arg8[%arg0, %add3A_140, %dma_start3A] : memref<2x10000x128xf32, #tpu.memory_space<hbm>> -> memref<1x80x128xf32, #tpu.memory_space<hbm>>
      %dma_start3A_260 = tpu.memref_squeeze %dma_start3A_259 : memref<1x80x128xf32, #tpu.memory_space<hbm>> -> memref<80x128xf32, #tpu.memory_space<hbm>>
      %dma_start3A_261 = arith.constant 0 : i32
      %dma_start3A_262 = tpu.memref_slice %arg8[%arg0, %add3A_140, %dma_start3A_261] : memref<2x10000x128xf32, #tpu.memory_space<hbm>> -> memref<1x80x128xf32, #tpu.memory_space<hbm>>
      %dma_start3A_263 = tpu.memref_squeeze %dma_start3A_262 : memref<1x80x128xf32, #tpu.memory_space<hbm>> -> memref<80x128xf32, #tpu.memory_space<hbm>>
      tpu.enqueue_dma source(%arg14 : memref<80x128xf32, #tpu.memory_space<vmem>>) target(%dma_start3A_263 : memref<80x128xf32, #tpu.memory_space<hbm>>) target_semaphore(%run_scoped3A_258 : memref<!tpu.dma_semaphore, #tpu.memory_space<semaphore_mem>>)
      %dma_wait3A_264 = arith.constant 0 : i32
      %dma_wait3A_265 = tpu.memref_slice %arg8[%arg0, %add3A_140, %dma_wait3A_264] : memref<2x10000x128xf32, #tpu.memory_space<hbm>> -> memref<1x80x128xf32, #tpu.memory_space<hbm>>
      %dma_wait3A_266 = tpu.memref_squeeze %dma_wait3A_265 : memref<1x80x128xf32, #tpu.memory_space<hbm>> -> memref<80x128xf32, #tpu.memory_space<hbm>>
      %dma_wait3A_267 = arith.constant 0 : i32
      %dma_wait3A_268 = tpu.memref_slice %arg8[%arg0, %add3A_140, %dma_wait3A_267] : memref<2x10000x128xf32, #tpu.memory_space<hbm>> -> memref<1x80x128xf32, #tpu.memory_space<hbm>>
      %dma_wait3A_269 = tpu.memref_squeeze %dma_wait3A_268 : memref<1x80x128xf32, #tpu.memory_space<hbm>> -> memref<80x128xf32, #tpu.memory_space<hbm>>
      tpu.wait_dma2 semaphore(%run_scoped3A_258 : memref<!tpu.dma_semaphore, #tpu.memory_space<semaphore_mem>>) src(%arg14 : memref<80x128xf32, #tpu.memory_space<vmem>>) dst(%dma_wait3A_269 : memref<80x128xf32, #tpu.memory_space<hbm>>)
      tpu.yield
    }) : () -> ()
    %mul3A_141 = arith.constant 624 : i32
    %mul3A_142 = arith.muli %arg1, %mul3A_141 : i32
    %add3A_143 = arith.constant 80 : i32
    %add3A_144 = arith.addi %mul3A_142, %add3A_143 : i32
    %scan3A_145 = arith.constant 0 : i32
    %scan3A_146 = arith.constant 0 : i32
    %scan3A_147 = arith.constant 5 : i32
    %scan3A_148 = arith.addi %scan3A_146, %scan3A_147 : i32
    %scan3A_149 = arith.constant 1 : i32
    scf.for %scan3A_258 = %scan3A_146 to %scan3A_148 step %scan3A_149  : i32 {
      %mul3A_259 = arith.constant 16 : i32
      %mul3A_260 = arith.muli %scan3A_258, %mul3A_259 : i32
      %add3A_261 = arith.addi %add3A_144, %mul3A_260 : i32
      %add3A_262 = vector.broadcast %add3A_261 : i32 to vector<16xi32>
      %add3A_263 = arith.addi %add3A_262, %iota3A : vector<16xi32>
      %mul3A_264 = arith.constant 16 : i32
      %mul3A_265 = arith.muli %scan3A_258, %mul3A_264 : i32
      %swap3A = arith.constant 0 : i32
      %swap3A_266 = arith.index_cast %swap3A : i32 to index
      %swap3A_267 = arith.index_cast %mul3A_265 : i32 to index
      %swap3A_268 = tpu.vector_load %arg12[%swap3A_266, %swap3A_267] {strides = array<i32>} : memref<1x80xi32, #tpu.memory_space<vmem>>, vector<16xi32>,
      tpu.vector_store %arg12[%swap3A_266, %swap3A_267], %add3A_263 {strides = array<i32>} : memref<1x80xi32, #tpu.memory_space<vmem>>, vector<16xi32>,
    }
    %scan3A_150 = arith.constant 5 : i32
    %run_scoped3A_151 = arith.constant 0 : i32
    "tpu.region"() ({
      %run_scoped3A_258 = tpu.sem_alloc : memref<!tpu.dma_semaphore, #tpu.memory_space<semaphore_mem>>
      %dma_start3A = arith.constant 0 : i32
      %dma_start3A_259 = tpu.memref_slice %arg12[%run_scoped3A_151, %dma_start3A] : memref<1x80xi32, #tpu.memory_space<vmem>> -> memref<1x80xi32, #tpu.memory_space<vmem>>
      %dma_start3A_260 = tpu.memref_squeeze %dma_start3A_259 : memref<1x80xi32, #tpu.memory_space<vmem>> -> memref<80xi32, #tpu.memory_space<vmem>>
      %dma_start3A_261 = arith.constant 0 : i32
      %dma_start3A_262 = arith.constant 0 : i32
      %dma_start3A_263 = tpu.memref_slice %arg17[%dma_start3A_261, %dma_start3A_262] : memref<10000x128xf32, #tpu.memory_space<vmem_shared>> -> memref<10000x128xf32, #tpu.memory_space<vmem_shared>>
      tpu.enqueue_indirect_dma source(%dma_start3A_263 : memref<10000x128xf32, #tpu.memory_space<vmem_shared>>) target(%arg14 : memref<80x128xf32, #tpu.memory_space<vmem>>) offsets(%dma_start3A_260 : memref<80xi32, #tpu.memory_space<vmem>>) semaphore(%run_scoped3A_258 : memref<!tpu.dma_semaphore, #tpu.memory_space<semaphore_mem>>)
      %dma_wait3A_264 = arith.constant 0 : i32
      %dma_wait3A_265 = tpu.memref_slice %arg12[%run_scoped3A_151, %dma_wait3A_264] : memref<1x80xi32, #tpu.memory_space<vmem>> -> memref<1x80xi32, #tpu.memory_space<vmem>>
      %dma_wait3A_266 = tpu.memref_squeeze %dma_wait3A_265 : memref<1x80xi32, #tpu.memory_space<vmem>> -> memref<80xi32, #tpu.memory_space<vmem>>
      %dma_wait3A_267 = arith.constant 0 : i32
      %dma_wait3A_268 = arith.constant 0 : i32
      %dma_wait3A_269 = tpu.memref_slice %arg17[%dma_wait3A_267, %dma_wait3A_268] : memref<10000x128xf32, #tpu.memory_space<vmem_shared>> -> memref<10000x128xf32, #tpu.memory_space<vmem_shared>>
      tpu.wait_indirect_dma semaphore(%run_scoped3A_258 : memref<!tpu.dma_semaphore, #tpu.memory_space<semaphore_mem>>) src(%dma_wait3A_269 : memref<10000x128xf32, #tpu.memory_space<vmem_shared>>) dst(%arg14 : memref<80x128xf32, #tpu.memory_space<vmem>>)
      tpu.yield
    }) : () -> ()
    %mul3A_152 = arith.constant 624 : i32
    %mul3A_153 = arith.muli %arg1, %mul3A_152 : i32
    %add3A_154 = arith.constant 80 : i32
    %add3A_155 = arith.addi %mul3A_153, %add3A_154 : i32
    "tpu.region"() ({
      %run_scoped3A_258 = tpu.sem_alloc : memref<!tpu.dma_semaphore, #tpu.memory_space<semaphore_mem>>
      %dma_start3A = arith.constant 0 : i32
      %dma_start3A_259 = tpu.memref_slice %arg8[%arg0, %add3A_155, %dma_start3A] : memref<2x10000x128xf32, #tpu.memory_space<hbm>> -> memref<1x80x128xf32, #tpu.memory_space<hbm>>
      %dma_start3A_260 = tpu.memref_squeeze %dma_start3A_259 : memref<1x80x128xf32, #tpu.memory_space<hbm>> -> memref<80x128xf32, #tpu.memory_space<hbm>>
      %dma_start3A_261 = arith.constant 0 : i32
      %dma_start3A_262 = tpu.memref_slice %arg8[%arg0, %add3A_155, %dma_start3A_261] : memref<2x10000x128xf32, #tpu.memory_space<hbm>> -> memref<1x80x128xf32, #tpu.memory_space<hbm>>
      %dma_start3A_263 = tpu.memref_squeeze %dma_start3A_262 : memref<1x80x128xf32, #tpu.memory_space<hbm>> -> memref<80x128xf32, #tpu.memory_space<hbm>>
      tpu.enqueue_dma source(%arg14 : memref<80x128xf32, #tpu.memory_space<vmem>>) target(%dma_start3A_263 : memref<80x128xf32, #tpu.memory_space<hbm>>) target_semaphore(%run_scoped3A_258 : memref<!tpu.dma_semaphore, #tpu.memory_space<semaphore_mem>>)
      %dma_wait3A_264 = arith.constant 0 : i32
      %dma_wait3A_265 = tpu.memref_slice %arg8[%arg0, %add3A_155, %dma_wait3A_264] : memref<2x10000x128xf32, #tpu.memory_space<hbm>> -> memref<1x80x128xf32, #tpu.memory_space<hbm>>
      %dma_wait3A_266 = tpu.memref_squeeze %dma_wait3A_265 : memref<1x80x128xf32, #tpu.memory_space<hbm>> -> memref<80x128xf32, #tpu.memory_space<hbm>>
      %dma_wait3A_267 = arith.constant 0 : i32
      %dma_wait3A_268 = tpu.memref_slice %arg8[%arg0, %add3A_155, %dma_wait3A_267] : memref<2x10000x128xf32, #tpu.memory_space<hbm>> -> memref<1x80x128xf32, #tpu.memory_space<hbm>>
      %dma_wait3A_269 = tpu.memref_squeeze %dma_wait3A_268 : memref<1x80x128xf32, #tpu.memory_space<hbm>> -> memref<80x128xf32, #tpu.memory_space<hbm>>
      tpu.wait_dma2 semaphore(%run_scoped3A_258 : memref<!tpu.dma_semaphore, #tpu.memory_space<semaphore_mem>>) src(%arg14 : memref<80x128xf32, #tpu.memory_space<vmem>>) dst(%dma_wait3A_269 : memref<80x128xf32, #tpu.memory_space<hbm>>)
      tpu.yield
    }) : () -> ()
    %mul3A_156 = arith.constant 624 : i32
    %mul3A_157 = arith.muli %arg1, %mul3A_156 : i32
    %add3A_158 = arith.constant 160 : i32
    %add3A_159 = arith.addi %mul3A_157, %add3A_158 : i32
    %scan3A_160 = arith.constant 0 : i32
    %scan3A_161 = arith.constant 0 : i32
    %scan3A_162 = arith.constant 5 : i32
    %scan3A_163 = arith.addi %scan3A_161, %scan3A_162 : i32
    %scan3A_164 = arith.constant 1 : i32
    scf.for %scan3A_258 = %scan3A_161 to %scan3A_163 step %scan3A_164  : i32 {
      %mul3A_259 = arith.constant 16 : i32
      %mul3A_260 = arith.muli %scan3A_258, %mul3A_259 : i32
      %add3A_261 = arith.addi %add3A_159, %mul3A_260 : i32
      %add3A_262 = vector.broadcast %add3A_261 : i32 to vector<16xi32>
      %add3A_263 = arith.addi %add3A_262, %iota3A : vector<16xi32>
      %mul3A_264 = arith.constant 16 : i32
      %mul3A_265 = arith.muli %scan3A_258, %mul3A_264 : i32
      %swap3A = arith.constant 0 : i32
      %swap3A_266 = arith.index_cast %swap3A : i32 to index
      %swap3A_267 = arith.index_cast %mul3A_265 : i32 to index
      %swap3A_268 = tpu.vector_load %arg12[%swap3A_266, %swap3A_267] {strides = array<i32>} : memref<1x80xi32, #tpu.memory_space<vmem>>, vector<16xi32>,
      tpu.vector_store %arg12[%swap3A_266, %swap3A_267], %add3A_263 {strides = array<i32>} : memref<1x80xi32, #tpu.memory_space<vmem>>, vector<16xi32>,
    }
    %scan3A_165 = arith.constant 5 : i32
    %run_scoped3A_166 = arith.constant 0 : i32
    "tpu.region"() ({
      %run_scoped3A_258 = tpu.sem_alloc : memref<!tpu.dma_semaphore, #tpu.memory_space<semaphore_mem>>
      %dma_start3A = arith.constant 0 : i32
      %dma_start3A_259 = tpu.memref_slice %arg12[%run_scoped3A_166, %dma_start3A] : memref<1x80xi32, #tpu.memory_space<vmem>> -> memref<1x80xi32, #tpu.memory_space<vmem>>
      %dma_start3A_260 = tpu.memref_squeeze %dma_start3A_259 : memref<1x80xi32, #tpu.memory_space<vmem>> -> memref<80xi32, #tpu.memory_space<vmem>>
      %dma_start3A_261 = arith.constant 0 : i32
      %dma_start3A_262 = arith.constant 0 : i32
      %dma_start3A_263 = tpu.memref_slice %arg17[%dma_start3A_261, %dma_start3A_262] : memref<10000x128xf32, #tpu.memory_space<vmem_shared>> -> memref<10000x128xf32, #tpu.memory_space<vmem_shared>>
      tpu.enqueue_indirect_dma source(%dma_start3A_263 : memref<10000x128xf32, #tpu.memory_space<vmem_shared>>) target(%arg14 : memref<80x128xf32, #tpu.memory_space<vmem>>) offsets(%dma_start3A_260 : memref<80xi32, #tpu.memory_space<vmem>>) semaphore(%run_scoped3A_258 : memref<!tpu.dma_semaphore, #tpu.memory_space<semaphore_mem>>)
      %dma_wait3A_264 = arith.constant 0 : i32
      %dma_wait3A_265 = tpu.memref_slice %arg12[%run_scoped3A_166, %dma_wait3A_264] : memref<1x80xi32, #tpu.memory_space<vmem>> -> memref<1x80xi32, #tpu.memory_space<vmem>>
      %dma_wait3A_266 = tpu.memref_squeeze %dma_wait3A_265 : memref<1x80xi32, #tpu.memory_space<vmem>> -> memref<80xi32, #tpu.memory_space<vmem>>
      %dma_wait3A_267 = arith.constant 0 : i32
      %dma_wait3A_268 = arith.constant 0 : i32
      %dma_wait3A_269 = tpu.memref_slice %arg17[%dma_wait3A_267, %dma_wait3A_268] : memref<10000x128xf32, #tpu.memory_space<vmem_shared>> -> memref<10000x128xf32, #tpu.memory_space<vmem_shared>>
      tpu.wait_indirect_dma semaphore(%run_scoped3A_258 : memref<!tpu.dma_semaphore, #tpu.memory_space<semaphore_mem>>) src(%dma_wait3A_269 : memref<10000x128xf32, #tpu.memory_space<vmem_shared>>) dst(%arg14 : memref<80x128xf32, #tpu.memory_space<vmem>>)
      tpu.yield
    }) : () -> ()
    %mul3A_167 = arith.constant 624 : i32
    %mul3A_168 = arith.muli %arg1, %mul3A_167 : i32
    %add3A_169 = arith.constant 160 : i32
    %add3A_170 = arith.addi %mul3A_168, %add3A_169 : i32
    "tpu.region"() ({
      %run_scoped3A_258 = tpu.sem_alloc : memref<!tpu.dma_semaphore, #tpu.memory_space<semaphore_mem>>
      %dma_start3A = arith.constant 0 : i32
      %dma_start3A_259 = tpu.memref_slice %arg8[%arg0, %add3A_170, %dma_start3A] : memref<2x10000x128xf32, #tpu.memory_space<hbm>> -> memref<1x80x128xf32, #tpu.memory_space<hbm>>
      %dma_start3A_260 = tpu.memref_squeeze %dma_start3A_259 : memref<1x80x128xf32, #tpu.memory_space<hbm>> -> memref<80x128xf32, #tpu.memory_space<hbm>>
      %dma_start3A_261 = arith.constant 0 : i32
      %dma_start3A_262 = tpu.memref_slice %arg8[%arg0, %add3A_170, %dma_start3A_261] : memref<2x10000x128xf32, #tpu.memory_space<hbm>> -> memref<1x80x128xf32, #tpu.memory_space<hbm>>
      %dma_start3A_263 = tpu.memref_squeeze %dma_start3A_262 : memref<1x80x128xf32, #tpu.memory_space<hbm>> -> memref<80x128xf32, #tpu.memory_space<hbm>>
      tpu.enqueue_dma source(%arg14 : memref<80x128xf32, #tpu.memory_space<vmem>>) target(%dma_start3A_263 : memref<80x128xf32, #tpu.memory_space<hbm>>) target_semaphore(%run_scoped3A_258 : memref<!tpu.dma_semaphore, #tpu.memory_space<semaphore_mem>>)
      %dma_wait3A_264 = arith.constant 0 : i32
      %dma_wait3A_265 = tpu.memref_slice %arg8[%arg0, %add3A_170, %dma_wait3A_264] : memref<2x10000x128xf32, #tpu.memory_space<hbm>> -> memref<1x80x128xf32, #tpu.memory_space<hbm>>
      %dma_wait3A_266 = tpu.memref_squeeze %dma_wait3A_265 : memref<1x80x128xf32, #tpu.memory_space<hbm>> -> memref<80x128xf32, #tpu.memory_space<hbm>>
      %dma_wait3A_267 = arith.constant 0 : i32
      %dma_wait3A_268 = tpu.memref_slice %arg8[%arg0, %add3A_170, %dma_wait3A_267] : memref<2x10000x128xf32, #tpu.memory_space<hbm>> -> memref<1x80x128xf32, #tpu.memory_space<hbm>>
      %dma_wait3A_269 = tpu.memref_squeeze %dma_wait3A_268 : memref<1x80x128xf32, #tpu.memory_space<hbm>> -> memref<80x128xf32, #tpu.memory_space<hbm>>
      tpu.wait_dma2 semaphore(%run_scoped3A_258 : memref<!tpu.dma_semaphore, #tpu.memory_space<semaphore_mem>>) src(%arg14 : memref<80x128xf32, #tpu.memory_space<vmem>>) dst(%dma_wait3A_269 : memref<80x128xf32, #tpu.memory_space<hbm>>)
      tpu.yield
    }) : () -> ()
    %mul3A_171 = arith.constant 624 : i32
    %mul3A_172 = arith.muli %arg1, %mul3A_171 : i32
    %add3A_173 = arith.constant 240 : i32
    %add3A_174 = arith.addi %mul3A_172, %add3A_173 : i32
    %scan3A_175 = arith.constant 0 : i32
    %scan3A_176 = arith.constant 0 : i32
    %scan3A_177 = arith.constant 5 : i32
    %scan3A_178 = arith.addi %scan3A_176, %scan3A_177 : i32
    %scan3A_179 = arith.constant 1 : i32
    scf.for %scan3A_258 = %scan3A_176 to %scan3A_178 step %scan3A_179  : i32 {
      %mul3A_259 = arith.constant 16 : i32
      %mul3A_260 = arith.muli %scan3A_258, %mul3A_259 : i32
      %add3A_261 = arith.addi %add3A_174, %mul3A_260 : i32
      %add3A_262 = vector.broadcast %add3A_261 : i32 to vector<16xi32>
      %add3A_263 = arith.addi %add3A_262, %iota3A : vector<16xi32>
      %mul3A_264 = arith.constant 16 : i32
      %mul3A_265 = arith.muli %scan3A_258, %mul3A_264 : i32
      %swap3A = arith.constant 0 : i32
      %swap3A_266 = arith.index_cast %swap3A : i32 to index
      %swap3A_267 = arith.index_cast %mul3A_265 : i32 to index
      %swap3A_268 = tpu.vector_load %arg12[%swap3A_266, %swap3A_267] {strides = array<i32>} : memref<1x80xi32, #tpu.memory_space<vmem>>, vector<16xi32>,
      tpu.vector_store %arg12[%swap3A_266, %swap3A_267], %add3A_263 {strides = array<i32>} : memref<1x80xi32, #tpu.memory_space<vmem>>, vector<16xi32>,
    }
    %scan3A_180 = arith.constant 5 : i32
    %run_scoped3A_181 = arith.constant 0 : i32
    "tpu.region"() ({
      %run_scoped3A_258 = tpu.sem_alloc : memref<!tpu.dma_semaphore, #tpu.memory_space<semaphore_mem>>
      %dma_start3A = arith.constant 0 : i32
      %dma_start3A_259 = tpu.memref_slice %arg12[%run_scoped3A_181, %dma_start3A] : memref<1x80xi32, #tpu.memory_space<vmem>> -> memref<1x80xi32, #tpu.memory_space<vmem>>
      %dma_start3A_260 = tpu.memref_squeeze %dma_start3A_259 : memref<1x80xi32, #tpu.memory_space<vmem>> -> memref<80xi32, #tpu.memory_space<vmem>>
      %dma_start3A_261 = arith.constant 0 : i32
      %dma_start3A_262 = arith.constant 0 : i32
      %dma_start3A_263 = tpu.memref_slice %arg17[%dma_start3A_261, %dma_start3A_262] : memref<10000x128xf32, #tpu.memory_space<vmem_shared>> -> memref<10000x128xf32, #tpu.memory_space<vmem_shared>>
      tpu.enqueue_indirect_dma source(%dma_start3A_263 : memref<10000x128xf32, #tpu.memory_space<vmem_shared>>) target(%arg14 : memref<80x128xf32, #tpu.memory_space<vmem>>) offsets(%dma_start3A_260 : memref<80xi32, #tpu.memory_space<vmem>>) semaphore(%run_scoped3A_258 : memref<!tpu.dma_semaphore, #tpu.memory_space<semaphore_mem>>)
      %dma_wait3A_264 = arith.constant 0 : i32
      %dma_wait3A_265 = tpu.memref_slice %arg12[%run_scoped3A_181, %dma_wait3A_264] : memref<1x80xi32, #tpu.memory_space<vmem>> -> memref<1x80xi32, #tpu.memory_space<vmem>>
      %dma_wait3A_266 = tpu.memref_squeeze %dma_wait3A_265 : memref<1x80xi32, #tpu.memory_space<vmem>> -> memref<80xi32, #tpu.memory_space<vmem>>
      %dma_wait3A_267 = arith.constant 0 : i32
      %dma_wait3A_268 = arith.constant 0 : i32
      %dma_wait3A_269 = tpu.memref_slice %arg17[%dma_wait3A_267, %dma_wait3A_268] : memref<10000x128xf32, #tpu.memory_space<vmem_shared>> -> memref<10000x128xf32, #tpu.memory_space<vmem_shared>>
      tpu.wait_indirect_dma semaphore(%run_scoped3A_258 : memref<!tpu.dma_semaphore, #tpu.memory_space<semaphore_mem>>) src(%dma_wait3A_269 : memref<10000x128xf32, #tpu.memory_space<vmem_shared>>) dst(%arg14 : memref<80x128xf32, #tpu.memory_space<vmem>>)
      tpu.yield
    }) : () -> ()
    %mul3A_182 = arith.constant 624 : i32
    %mul3A_183 = arith.muli %arg1, %mul3A_182 : i32
    %add3A_184 = arith.constant 240 : i32
    %add3A_185 = arith.addi %mul3A_183, %add3A_184 : i32
    "tpu.region"() ({
      %run_scoped3A_258 = tpu.sem_alloc : memref<!tpu.dma_semaphore, #tpu.memory_space<semaphore_mem>>
      %dma_start3A = arith.constant 0 : i32
      %dma_start3A_259 = tpu.memref_slice %arg8[%arg0, %add3A_185, %dma_start3A] : memref<2x10000x128xf32, #tpu.memory_space<hbm>> -> memref<1x80x128xf32, #tpu.memory_space<hbm>>
      %dma_start3A_260 = tpu.memref_squeeze %dma_start3A_259 : memref<1x80x128xf32, #tpu.memory_space<hbm>> -> memref<80x128xf32, #tpu.memory_space<hbm>>
      %dma_start3A_261 = arith.constant 0 : i32
      %dma_start3A_262 = tpu.memref_slice %arg8[%arg0, %add3A_185, %dma_start3A_261] : memref<2x10000x128xf32, #tpu.memory_space<hbm>> -> memref<1x80x128xf32, #tpu.memory_space<hbm>>
      %dma_start3A_263 = tpu.memref_squeeze %dma_start3A_262 : memref<1x80x128xf32, #tpu.memory_space<hbm>> -> memref<80x128xf32, #tpu.memory_space<hbm>>
      tpu.enqueue_dma source(%arg14 : memref<80x128xf32, #tpu.memory_space<vmem>>) target(%dma_start3A_263 : memref<80x128xf32, #tpu.memory_space<hbm>>) target_semaphore(%run_scoped3A_258 : memref<!tpu.dma_semaphore, #tpu.memory_space<semaphore_mem>>)
      %dma_wait3A_264 = arith.constant 0 : i32
      %dma_wait3A_265 = tpu.memref_slice %arg8[%arg0, %add3A_185, %dma_wait3A_264] : memref<2x10000x128xf32, #tpu.memory_space<hbm>> -> memref<1x80x128xf32, #tpu.memory_space<hbm>>
      %dma_wait3A_266 = tpu.memref_squeeze %dma_wait3A_265 : memref<1x80x128xf32, #tpu.memory_space<hbm>> -> memref<80x128xf32, #tpu.memory_space<hbm>>
      %dma_wait3A_267 = arith.constant 0 : i32
      %dma_wait3A_268 = tpu.memref_slice %arg8[%arg0, %add3A_185, %dma_wait3A_267] : memref<2x10000x128xf32, #tpu.memory_space<hbm>> -> memref<1x80x128xf32, #tpu.memory_space<hbm>>
      %dma_wait3A_269 = tpu.memref_squeeze %dma_wait3A_268 : memref<1x80x128xf32, #tpu.memory_space<hbm>> -> memref<80x128xf32, #tpu.memory_space<hbm>>
      tpu.wait_dma2 semaphore(%run_scoped3A_258 : memref<!tpu.dma_semaphore, #tpu.memory_space<semaphore_mem>>) src(%arg14 : memref<80x128xf32, #tpu.memory_space<vmem>>) dst(%dma_wait3A_269 : memref<80x128xf32, #tpu.memory_space<hbm>>)
      tpu.yield
    }) : () -> ()
    %mul3A_186 = arith.constant 624 : i32
    %mul3A_187 = arith.muli %arg1, %mul3A_186 : i32
    %add3A_188 = arith.constant 320 : i32
    %add3A_189 = arith.addi %mul3A_187, %add3A_188 : i32
    %scan3A_190 = arith.constant 0 : i32
    %scan3A_191 = arith.constant 0 : i32
    %scan3A_192 = arith.constant 5 : i32
    %scan3A_193 = arith.addi %scan3A_191, %scan3A_192 : i32
    %scan3A_194 = arith.constant 1 : i32
    scf.for %scan3A_258 = %scan3A_191 to %scan3A_193 step %scan3A_194  : i32 {
      %mul3A_259 = arith.constant 16 : i32
      %mul3A_260 = arith.muli %scan3A_258, %mul3A_259 : i32
      %add3A_261 = arith.addi %add3A_189, %mul3A_260 : i32
      %add3A_262 = vector.broadcast %add3A_261 : i32 to vector<16xi32>
      %add3A_263 = arith.addi %add3A_262, %iota3A : vector<16xi32>
      %mul3A_264 = arith.constant 16 : i32
      %mul3A_265 = arith.muli %scan3A_258, %mul3A_264 : i32
      %swap3A = arith.constant 0 : i32
      %swap3A_266 = arith.index_cast %swap3A : i32 to index
      %swap3A_267 = arith.index_cast %mul3A_265 : i32 to index
      %swap3A_268 = tpu.vector_load %arg12[%swap3A_266, %swap3A_267] {strides = array<i32>} : memref<1x80xi32, #tpu.memory_space<vmem>>, vector<16xi32>,
      tpu.vector_store %arg12[%swap3A_266, %swap3A_267], %add3A_263 {strides = array<i32>} : memref<1x80xi32, #tpu.memory_space<vmem>>, vector<16xi32>,
    }
    %scan3A_195 = arith.constant 5 : i32
    %run_scoped3A_196 = arith.constant 0 : i32
    "tpu.region"() ({
      %run_scoped3A_258 = tpu.sem_alloc : memref<!tpu.dma_semaphore, #tpu.memory_space<semaphore_mem>>
      %dma_start3A = arith.constant 0 : i32
      %dma_start3A_259 = tpu.memref_slice %arg12[%run_scoped3A_196, %dma_start3A] : memref<1x80xi32, #tpu.memory_space<vmem>> -> memref<1x80xi32, #tpu.memory_space<vmem>>
      %dma_start3A_260 = tpu.memref_squeeze %dma_start3A_259 : memref<1x80xi32, #tpu.memory_space<vmem>> -> memref<80xi32, #tpu.memory_space<vmem>>
      %dma_start3A_261 = arith.constant 0 : i32
      %dma_start3A_262 = arith.constant 0 : i32
      %dma_start3A_263 = tpu.memref_slice %arg17[%dma_start3A_261, %dma_start3A_262] : memref<10000x128xf32, #tpu.memory_space<vmem_shared>> -> memref<10000x128xf32, #tpu.memory_space<vmem_shared>>
      tpu.enqueue_indirect_dma source(%dma_start3A_263 : memref<10000x128xf32, #tpu.memory_space<vmem_shared>>) target(%arg14 : memref<80x128xf32, #tpu.memory_space<vmem>>) offsets(%dma_start3A_260 : memref<80xi32, #tpu.memory_space<vmem>>) semaphore(%run_scoped3A_258 : memref<!tpu.dma_semaphore, #tpu.memory_space<semaphore_mem>>)
      %dma_wait3A_264 = arith.constant 0 : i32
      %dma_wait3A_265 = tpu.memref_slice %arg12[%run_scoped3A_196, %dma_wait3A_264] : memref<1x80xi32, #tpu.memory_space<vmem>> -> memref<1x80xi32, #tpu.memory_space<vmem>>
      %dma_wait3A_266 = tpu.memref_squeeze %dma_wait3A_265 : memref<1x80xi32, #tpu.memory_space<vmem>> -> memref<80xi32, #tpu.memory_space<vmem>>
      %dma_wait3A_267 = arith.constant 0 : i32
      %dma_wait3A_268 = arith.constant 0 : i32
      %dma_wait3A_269 = tpu.memref_slice %arg17[%dma_wait3A_267, %dma_wait3A_268] : memref<10000x128xf32, #tpu.memory_space<vmem_shared>> -> memref<10000x128xf32, #tpu.memory_space<vmem_shared>>
      tpu.wait_indirect_dma semaphore(%run_scoped3A_258 : memref<!tpu.dma_semaphore, #tpu.memory_space<semaphore_mem>>) src(%dma_wait3A_269 : memref<10000x128xf32, #tpu.memory_space<vmem_shared>>) dst(%arg14 : memref<80x128xf32, #tpu.memory_space<vmem>>)
      tpu.yield
    }) : () -> ()
    %mul3A_197 = arith.constant 624 : i32
    %mul3A_198 = arith.muli %arg1, %mul3A_197 : i32
    %add3A_199 = arith.constant 320 : i32
    %add3A_200 = arith.addi %mul3A_198, %add3A_199 : i32
    "tpu.region"() ({
      %run_scoped3A_258 = tpu.sem_alloc : memref<!tpu.dma_semaphore, #tpu.memory_space<semaphore_mem>>
      %dma_start3A = arith.constant 0 : i32
      %dma_start3A_259 = tpu.memref_slice %arg8[%arg0, %add3A_200, %dma_start3A] : memref<2x10000x128xf32, #tpu.memory_space<hbm>> -> memref<1x80x128xf32, #tpu.memory_space<hbm>>
      %dma_start3A_260 = tpu.memref_squeeze %dma_start3A_259 : memref<1x80x128xf32, #tpu.memory_space<hbm>> -> memref<80x128xf32, #tpu.memory_space<hbm>>
      %dma_start3A_261 = arith.constant 0 : i32
      %dma_start3A_262 = tpu.memref_slice %arg8[%arg0, %add3A_200, %dma_start3A_261] : memref<2x10000x128xf32, #tpu.memory_space<hbm>> -> memref<1x80x128xf32, #tpu.memory_space<hbm>>
      %dma_start3A_263 = tpu.memref_squeeze %dma_start3A_262 : memref<1x80x128xf32, #tpu.memory_space<hbm>> -> memref<80x128xf32, #tpu.memory_space<hbm>>
      tpu.enqueue_dma source(%arg14 : memref<80x128xf32, #tpu.memory_space<vmem>>) target(%dma_start3A_263 : memref<80x128xf32, #tpu.memory_space<hbm>>) target_semaphore(%run_scoped3A_258 : memref<!tpu.dma_semaphore, #tpu.memory_space<semaphore_mem>>)
      %dma_wait3A_264 = arith.constant 0 : i32
      %dma_wait3A_265 = tpu.memref_slice %arg8[%arg0, %add3A_200, %dma_wait3A_264] : memref<2x10000x128xf32, #tpu.memory_space<hbm>> -> memref<1x80x128xf32, #tpu.memory_space<hbm>>
      %dma_wait3A_266 = tpu.memref_squeeze %dma_wait3A_265 : memref<1x80x128xf32, #tpu.memory_space<hbm>> -> memref<80x128xf32, #tpu.memory_space<hbm>>
      %dma_wait3A_267 = arith.constant 0 : i32
      %dma_wait3A_268 = tpu.memref_slice %arg8[%arg0, %add3A_200, %dma_wait3A_267] : memref<2x10000x128xf32, #tpu.memory_space<hbm>> -> memref<1x80x128xf32, #tpu.memory_space<hbm>>
      %dma_wait3A_269 = tpu.memref_squeeze %dma_wait3A_268 : memref<1x80x128xf32, #tpu.memory_space<hbm>> -> memref<80x128xf32, #tpu.memory_space<hbm>>
      tpu.wait_dma2 semaphore(%run_scoped3A_258 : memref<!tpu.dma_semaphore, #tpu.memory_space<semaphore_mem>>) src(%arg14 : memref<80x128xf32, #tpu.memory_space<vmem>>) dst(%dma_wait3A_269 : memref<80x128xf32, #tpu.memory_space<hbm>>)
      tpu.yield
    }) : () -> ()
    %mul3A_201 = arith.constant 624 : i32
    %mul3A_202 = arith.muli %arg1, %mul3A_201 : i32
    %add3A_203 = arith.constant 400 : i32
    %add3A_204 = arith.addi %mul3A_202, %add3A_203 : i32
    %scan3A_205 = arith.constant 0 : i32
    %scan3A_206 = arith.constant 0 : i32
    %scan3A_207 = arith.constant 5 : i32
    %scan3A_208 = arith.addi %scan3A_206, %scan3A_207 : i32
    %scan3A_209 = arith.constant 1 : i32
    scf.for %scan3A_258 = %scan3A_206 to %scan3A_208 step %scan3A_209  : i32 {
      %mul3A_259 = arith.constant 16 : i32
      %mul3A_260 = arith.muli %scan3A_258, %mul3A_259 : i32
      %add3A_261 = arith.addi %add3A_204, %mul3A_260 : i32
      %add3A_262 = vector.broadcast %add3A_261 : i32 to vector<16xi32>
      %add3A_263 = arith.addi %add3A_262, %iota3A : vector<16xi32>
      %mul3A_264 = arith.constant 16 : i32
      %mul3A_265 = arith.muli %scan3A_258, %mul3A_264 : i32
      %swap3A = arith.constant 0 : i32
      %swap3A_266 = arith.index_cast %swap3A : i32 to index
      %swap3A_267 = arith.index_cast %mul3A_265 : i32 to index
      %swap3A_268 = tpu.vector_load %arg12[%swap3A_266, %swap3A_267] {strides = array<i32>} : memref<1x80xi32, #tpu.memory_space<vmem>>, vector<16xi32>,
      tpu.vector_store %arg12[%swap3A_266, %swap3A_267], %add3A_263 {strides = array<i32>} : memref<1x80xi32, #tpu.memory_space<vmem>>, vector<16xi32>,
    }
    %scan3A_210 = arith.constant 5 : i32
    %run_scoped3A_211 = arith.constant 0 : i32
    "tpu.region"() ({
      %run_scoped3A_258 = tpu.sem_alloc : memref<!tpu.dma_semaphore, #tpu.memory_space<semaphore_mem>>
      %dma_start3A = arith.constant 0 : i32
      %dma_start3A_259 = tpu.memref_slice %arg12[%run_scoped3A_211, %dma_start3A] : memref<1x80xi32, #tpu.memory_space<vmem>> -> memref<1x80xi32, #tpu.memory_space<vmem>>
      %dma_start3A_260 = tpu.memref_squeeze %dma_start3A_259 : memref<1x80xi32, #tpu.memory_space<vmem>> -> memref<80xi32, #tpu.memory_space<vmem>>
      %dma_start3A_261 = arith.constant 0 : i32
      %dma_start3A_262 = arith.constant 0 : i32
      %dma_start3A_263 = tpu.memref_slice %arg17[%dma_start3A_261, %dma_start3A_262] : memref<10000x128xf32, #tpu.memory_space<vmem_shared>> -> memref<10000x128xf32, #tpu.memory_space<vmem_shared>>
      tpu.enqueue_indirect_dma source(%dma_start3A_263 : memref<10000x128xf32, #tpu.memory_space<vmem_shared>>) target(%arg14 : memref<80x128xf32, #tpu.memory_space<vmem>>) offsets(%dma_start3A_260 : memref<80xi32, #tpu.memory_space<vmem>>) semaphore(%run_scoped3A_258 : memref<!tpu.dma_semaphore, #tpu.memory_space<semaphore_mem>>)
      %dma_wait3A_264 = arith.constant 0 : i32
      %dma_wait3A_265 = tpu.memref_slice %arg12[%run_scoped3A_211, %dma_wait3A_264] : memref<1x80xi32, #tpu.memory_space<vmem>> -> memref<1x80xi32, #tpu.memory_space<vmem>>
      %dma_wait3A_266 = tpu.memref_squeeze %dma_wait3A_265 : memref<1x80xi32, #tpu.memory_space<vmem>> -> memref<80xi32, #tpu.memory_space<vmem>>
      %dma_wait3A_267 = arith.constant 0 : i32
      %dma_wait3A_268 = arith.constant 0 : i32
      %dma_wait3A_269 = tpu.memref_slice %arg17[%dma_wait3A_267, %dma_wait3A_268] : memref<10000x128xf32, #tpu.memory_space<vmem_shared>> -> memref<10000x128xf32, #tpu.memory_space<vmem_shared>>
      tpu.wait_indirect_dma semaphore(%run_scoped3A_258 : memref<!tpu.dma_semaphore, #tpu.memory_space<semaphore_mem>>) src(%dma_wait3A_269 : memref<10000x128xf32, #tpu.memory_space<vmem_shared>>) dst(%arg14 : memref<80x128xf32, #tpu.memory_space<vmem>>)
      tpu.yield
    }) : () -> ()
    %mul3A_212 = arith.constant 624 : i32
    %mul3A_213 = arith.muli %arg1, %mul3A_212 : i32
    %add3A_214 = arith.constant 400 : i32
    %add3A_215 = arith.addi %mul3A_213, %add3A_214 : i32
    "tpu.region"() ({
      %run_scoped3A_258 = tpu.sem_alloc : memref<!tpu.dma_semaphore, #tpu.memory_space<semaphore_mem>>
      %dma_start3A = arith.constant 0 : i32
      %dma_start3A_259 = tpu.memref_slice %arg8[%arg0, %add3A_215, %dma_start3A] : memref<2x10000x128xf32, #tpu.memory_space<hbm>> -> memref<1x80x128xf32, #tpu.memory_space<hbm>>
      %dma_start3A_260 = tpu.memref_squeeze %dma_start3A_259 : memref<1x80x128xf32, #tpu.memory_space<hbm>> -> memref<80x128xf32, #tpu.memory_space<hbm>>
      %dma_start3A_261 = arith.constant 0 : i32
      %dma_start3A_262 = tpu.memref_slice %arg8[%arg0, %add3A_215, %dma_start3A_261] : memref<2x10000x128xf32, #tpu.memory_space<hbm>> -> memref<1x80x128xf32, #tpu.memory_space<hbm>>
      %dma_start3A_263 = tpu.memref_squeeze %dma_start3A_262 : memref<1x80x128xf32, #tpu.memory_space<hbm>> -> memref<80x128xf32, #tpu.memory_space<hbm>>
      tpu.enqueue_dma source(%arg14 : memref<80x128xf32, #tpu.memory_space<vmem>>) target(%dma_start3A_263 : memref<80x128xf32, #tpu.memory_space<hbm>>) target_semaphore(%run_scoped3A_258 : memref<!tpu.dma_semaphore, #tpu.memory_space<semaphore_mem>>)
      %dma_wait3A_264 = arith.constant 0 : i32
      %dma_wait3A_265 = tpu.memref_slice %arg8[%arg0, %add3A_215, %dma_wait3A_264] : memref<2x10000x128xf32, #tpu.memory_space<hbm>> -> memref<1x80x128xf32, #tpu.memory_space<hbm>>
      %dma_wait3A_266 = tpu.memref_squeeze %dma_wait3A_265 : memref<1x80x128xf32, #tpu.memory_space<hbm>> -> memref<80x128xf32, #tpu.memory_space<hbm>>
      %dma_wait3A_267 = arith.constant 0 : i32
      %dma_wait3A_268 = tpu.memref_slice %arg8[%arg0, %add3A_215, %dma_wait3A_267] : memref<2x10000x128xf32, #tpu.memory_space<hbm>> -> memref<1x80x128xf32, #tpu.memory_space<hbm>>
      %dma_wait3A_269 = tpu.memref_squeeze %dma_wait3A_268 : memref<1x80x128xf32, #tpu.memory_space<hbm>> -> memref<80x128xf32, #tpu.memory_space<hbm>>
      tpu.wait_dma2 semaphore(%run_scoped3A_258 : memref<!tpu.dma_semaphore, #tpu.memory_space<semaphore_mem>>) src(%arg14 : memref<80x128xf32, #tpu.memory_space<vmem>>) dst(%dma_wait3A_269 : memref<80x128xf32, #tpu.memory_space<hbm>>)
      tpu.yield
    }) : () -> ()
    %mul3A_216 = arith.constant 624 : i32
    %mul3A_217 = arith.muli %arg1, %mul3A_216 : i32
    %add3A_218 = arith.constant 480 : i32
    %add3A_219 = arith.addi %mul3A_217, %add3A_218 : i32
    %scan3A_220 = arith.constant 0 : i32
    %scan3A_221 = arith.constant 0 : i32
    %scan3A_222 = arith.constant 5 : i32
    %scan3A_223 = arith.addi %scan3A_221, %scan3A_222 : i32
    %scan3A_224 = arith.constant 1 : i32
    scf.for %scan3A_258 = %scan3A_221 to %scan3A_223 step %scan3A_224  : i32 {
      %mul3A_259 = arith.constant 16 : i32
      %mul3A_260 = arith.muli %scan3A_258, %mul3A_259 : i32
      %add3A_261 = arith.addi %add3A_219, %mul3A_260 : i32
      %add3A_262 = vector.broadcast %add3A_261 : i32 to vector<16xi32>
      %add3A_263 = arith.addi %add3A_262, %iota3A : vector<16xi32>
      %mul3A_264 = arith.constant 16 : i32
      %mul3A_265 = arith.muli %scan3A_258, %mul3A_264 : i32
      %swap3A = arith.constant 0 : i32
      %swap3A_266 = arith.index_cast %swap3A : i32 to index
      %swap3A_267 = arith.index_cast %mul3A_265 : i32 to index
      %swap3A_268 = tpu.vector_load %arg12[%swap3A_266, %swap3A_267] {strides = array<i32>} : memref<1x80xi32, #tpu.memory_space<vmem>>, vector<16xi32>,
      tpu.vector_store %arg12[%swap3A_266, %swap3A_267], %add3A_263 {strides = array<i32>} : memref<1x80xi32, #tpu.memory_space<vmem>>, vector<16xi32>,
    }
    %scan3A_225 = arith.constant 5 : i32
    %run_scoped3A_226 = arith.constant 0 : i32
    "tpu.region"() ({
      %run_scoped3A_258 = tpu.sem_alloc : memref<!tpu.dma_semaphore, #tpu.memory_space<semaphore_mem>>
      %dma_start3A = arith.constant 0 : i32
      %dma_start3A_259 = tpu.memref_slice %arg12[%run_scoped3A_226, %dma_start3A] : memref<1x80xi32, #tpu.memory_space<vmem>> -> memref<1x80xi32, #tpu.memory_space<vmem>>
      %dma_start3A_260 = tpu.memref_squeeze %dma_start3A_259 : memref<1x80xi32, #tpu.memory_space<vmem>> -> memref<80xi32, #tpu.memory_space<vmem>>
      %dma_start3A_261 = arith.constant 0 : i32
      %dma_start3A_262 = arith.constant 0 : i32
      %dma_start3A_263 = tpu.memref_slice %arg17[%dma_start3A_261, %dma_start3A_262] : memref<10000x128xf32, #tpu.memory_space<vmem_shared>> -> memref<10000x128xf32, #tpu.memory_space<vmem_shared>>
      tpu.enqueue_indirect_dma source(%dma_start3A_263 : memref<10000x128xf32, #tpu.memory_space<vmem_shared>>) target(%arg14 : memref<80x128xf32, #tpu.memory_space<vmem>>) offsets(%dma_start3A_260 : memref<80xi32, #tpu.memory_space<vmem>>) semaphore(%run_scoped3A_258 : memref<!tpu.dma_semaphore, #tpu.memory_space<semaphore_mem>>)
      %dma_wait3A_264 = arith.constant 0 : i32
      %dma_wait3A_265 = tpu.memref_slice %arg12[%run_scoped3A_226, %dma_wait3A_264] : memref<1x80xi32, #tpu.memory_space<vmem>> -> memref<1x80xi32, #tpu.memory_space<vmem>>
      %dma_wait3A_266 = tpu.memref_squeeze %dma_wait3A_265 : memref<1x80xi32, #tpu.memory_space<vmem>> -> memref<80xi32, #tpu.memory_space<vmem>>
      %dma_wait3A_267 = arith.constant 0 : i32
      %dma_wait3A_268 = arith.constant 0 : i32
      %dma_wait3A_269 = tpu.memref_slice %arg17[%dma_wait3A_267, %dma_wait3A_268] : memref<10000x128xf32, #tpu.memory_space<vmem_shared>> -> memref<10000x128xf32, #tpu.memory_space<vmem_shared>>
      tpu.wait_indirect_dma semaphore(%run_scoped3A_258 : memref<!tpu.dma_semaphore, #tpu.memory_space<semaphore_mem>>) src(%dma_wait3A_269 : memref<10000x128xf32, #tpu.memory_space<vmem_shared>>) dst(%arg14 : memref<80x128xf32, #tpu.memory_space<vmem>>)
      tpu.yield
    }) : () -> ()
    %mul3A_227 = arith.constant 624 : i32
    %mul3A_228 = arith.muli %arg1, %mul3A_227 : i32
    %add3A_229 = arith.constant 480 : i32
    %add3A_230 = arith.addi %mul3A_228, %add3A_229 : i32
    "tpu.region"() ({
      %run_scoped3A_258 = tpu.sem_alloc : memref<!tpu.dma_semaphore, #tpu.memory_space<semaphore_mem>>
      %dma_start3A = arith.constant 0 : i32
      %dma_start3A_259 = tpu.memref_slice %arg8[%arg0, %add3A_230, %dma_start3A] : memref<2x10000x128xf32, #tpu.memory_space<hbm>> -> memref<1x80x128xf32, #tpu.memory_space<hbm>>
      %dma_start3A_260 = tpu.memref_squeeze %dma_start3A_259 : memref<1x80x128xf32, #tpu.memory_space<hbm>> -> memref<80x128xf32, #tpu.memory_space<hbm>>
      %dma_start3A_261 = arith.constant 0 : i32
      %dma_start3A_262 = tpu.memref_slice %arg8[%arg0, %add3A_230, %dma_start3A_261] : memref<2x10000x128xf32, #tpu.memory_space<hbm>> -> memref<1x80x128xf32, #tpu.memory_space<hbm>>
      %dma_start3A_263 = tpu.memref_squeeze %dma_start3A_262 : memref<1x80x128xf32, #tpu.memory_space<hbm>> -> memref<80x128xf32, #tpu.memory_space<hbm>>
      tpu.enqueue_dma source(%arg14 : memref<80x128xf32, #tpu.memory_space<vmem>>) target(%dma_start3A_263 : memref<80x128xf32, #tpu.memory_space<hbm>>) target_semaphore(%run_scoped3A_258 : memref<!tpu.dma_semaphore, #tpu.memory_space<semaphore_mem>>)
      %dma_wait3A_264 = arith.constant 0 : i32
      %dma_wait3A_265 = tpu.memref_slice %arg8[%arg0, %add3A_230, %dma_wait3A_264] : memref<2x10000x128xf32, #tpu.memory_space<hbm>> -> memref<1x80x128xf32, #tpu.memory_space<hbm>>
      %dma_wait3A_266 = tpu.memref_squeeze %dma_wait3A_265 : memref<1x80x128xf32, #tpu.memory_space<hbm>> -> memref<80x128xf32, #tpu.memory_space<hbm>>
      %dma_wait3A_267 = arith.constant 0 : i32
      %dma_wait3A_268 = tpu.memref_slice %arg8[%arg0, %add3A_230, %dma_wait3A_267] : memref<2x10000x128xf32, #tpu.memory_space<hbm>> -> memref<1x80x128xf32, #tpu.memory_space<hbm>>
      %dma_wait3A_269 = tpu.memref_squeeze %dma_wait3A_268 : memref<1x80x128xf32, #tpu.memory_space<hbm>> -> memref<80x128xf32, #tpu.memory_space<hbm>>
      tpu.wait_dma2 semaphore(%run_scoped3A_258 : memref<!tpu.dma_semaphore, #tpu.memory_space<semaphore_mem>>) src(%arg14 : memref<80x128xf32, #tpu.memory_space<vmem>>) dst(%dma_wait3A_269 : memref<80x128xf32, #tpu.memory_space<hbm>>)
      tpu.yield
    }) : () -> ()
    %mul3A_231 = arith.constant 624 : i32
    %mul3A_232 = arith.muli %arg1, %mul3A_231 : i32
    %add3A_233 = arith.constant 544 : i32
    %add3A_234 = arith.addi %mul3A_232, %add3A_233 : i32
    %scan3A_235 = arith.constant 0 : i32
    %scan3A_236 = arith.constant 0 : i32
    %scan3A_237 = arith.constant 5 : i32
    %scan3A_238 = arith.addi %scan3A_236, %scan3A_237 : i32
    %scan3A_239 = arith.constant 1 : i32
    scf.for %scan3A_258 = %scan3A_236 to %scan3A_238 step %scan3A_239  : i32 {
      %mul3A_259 = arith.constant 16 : i32
      %mul3A_260 = arith.muli %scan3A_258, %mul3A_259 : i32
      %add3A_261 = arith.addi %add3A_234, %mul3A_260 : i32
      %add3A_262 = vector.broadcast %add3A_261 : i32 to vector<16xi32>
      %add3A_263 = arith.addi %add3A_262, %iota3A : vector<16xi32>
      %mul3A_264 = arith.constant 16 : i32
      %mul3A_265 = arith.muli %scan3A_258, %mul3A_264 : i32
      %swap3A = arith.constant 0 : i32
      %swap3A_266 = arith.index_cast %swap3A : i32 to index
      %swap3A_267 = arith.index_cast %mul3A_265 : i32 to index
      %swap3A_268 = tpu.vector_load %arg12[%swap3A_266, %swap3A_267] {strides = array<i32>} : memref<1x80xi32, #tpu.memory_space<vmem>>, vector<16xi32>,
      tpu.vector_store %arg12[%swap3A_266, %swap3A_267], %add3A_263 {strides = array<i32>} : memref<1x80xi32, #tpu.memory_space<vmem>>, vector<16xi32>,
    }
    %scan3A_240 = arith.constant 5 : i32
    %run_scoped3A_241 = arith.constant 0 : i32
    "tpu.region"() ({
      %run_scoped3A_258 = tpu.sem_alloc : memref<!tpu.dma_semaphore, #tpu.memory_space<semaphore_mem>>
      %dma_start3A = arith.constant 0 : i32
      %dma_start3A_259 = tpu.memref_slice %arg12[%run_scoped3A_241, %dma_start3A] : memref<1x80xi32, #tpu.memory_space<vmem>> -> memref<1x80xi32, #tpu.memory_space<vmem>>
      %dma_start3A_260 = tpu.memref_squeeze %dma_start3A_259 : memref<1x80xi32, #tpu.memory_space<vmem>> -> memref<80xi32, #tpu.memory_space<vmem>>
      %dma_start3A_261 = arith.constant 0 : i32
      %dma_start3A_262 = arith.constant 0 : i32
      %dma_start3A_263 = tpu.memref_slice %arg17[%dma_start3A_261, %dma_start3A_262] : memref<10000x128xf32, #tpu.memory_space<vmem_shared>> -> memref<10000x128xf32, #tpu.memory_space<vmem_shared>>
      tpu.enqueue_indirect_dma source(%dma_start3A_263 : memref<10000x128xf32, #tpu.memory_space<vmem_shared>>) target(%arg14 : memref<80x128xf32, #tpu.memory_space<vmem>>) offsets(%dma_start3A_260 : memref<80xi32, #tpu.memory_space<vmem>>) semaphore(%run_scoped3A_258 : memref<!tpu.dma_semaphore, #tpu.memory_space<semaphore_mem>>)
      %dma_wait3A_264 = arith.constant 0 : i32
      %dma_wait3A_265 = tpu.memref_slice %arg12[%run_scoped3A_241, %dma_wait3A_264] : memref<1x80xi32, #tpu.memory_space<vmem>> -> memref<1x80xi32, #tpu.memory_space<vmem>>
      %dma_wait3A_266 = tpu.memref_squeeze %dma_wait3A_265 : memref<1x80xi32, #tpu.memory_space<vmem>> -> memref<80xi32, #tpu.memory_space<vmem>>
      %dma_wait3A_267 = arith.constant 0 : i32
      %dma_wait3A_268 = arith.constant 0 : i32
      %dma_wait3A_269 = tpu.memref_slice %arg17[%dma_wait3A_267, %dma_wait3A_268] : memref<10000x128xf32, #tpu.memory_space<vmem_shared>> -> memref<10000x128xf32, #tpu.memory_space<vmem_shared>>
      tpu.wait_indirect_dma semaphore(%run_scoped3A_258 : memref<!tpu.dma_semaphore, #tpu.memory_space<semaphore_mem>>) src(%dma_wait3A_269 : memref<10000x128xf32, #tpu.memory_space<vmem_shared>>) dst(%arg14 : memref<80x128xf32, #tpu.memory_space<vmem>>)
      tpu.yield
    }) : () -> ()
    %mul3A_242 = arith.constant 624 : i32
    %mul3A_243 = arith.muli %arg1, %mul3A_242 : i32
    %add3A_244 = arith.constant 544 : i32
    %add3A_245 = arith.addi %mul3A_243, %add3A_244 : i32
    "tpu.region"() ({
      %run_scoped3A_258 = tpu.sem_alloc : memref<!tpu.dma_semaphore, #tpu.memory_space<semaphore_mem>>
      %dma_start3A = arith.constant 0 : i32
      %dma_start3A_259 = tpu.memref_slice %arg8[%arg0, %add3A_245, %dma_start3A] : memref<2x10000x128xf32, #tpu.memory_space<hbm>> -> memref<1x80x128xf32, #tpu.memory_space<hbm>>
      %dma_start3A_260 = tpu.memref_squeeze %dma_start3A_259 : memref<1x80x128xf32, #tpu.memory_space<hbm>> -> memref<80x128xf32, #tpu.memory_space<hbm>>
      %dma_start3A_261 = arith.constant 0 : i32
      %dma_start3A_262 = tpu.memref_slice %arg8[%arg0, %add3A_245, %dma_start3A_261] : memref<2x10000x128xf32, #tpu.memory_space<hbm>> -> memref<1x80x128xf32, #tpu.memory_space<hbm>>
      %dma_start3A_263 = tpu.memref_squeeze %dma_start3A_262 : memref<1x80x128xf32, #tpu.memory_space<hbm>> -> memref<80x128xf32, #tpu.memory_space<hbm>>
      tpu.enqueue_dma source(%arg14 : memref<80x128xf32, #tpu.memory_space<vmem>>) target(%dma_start3A_263 : memref<80x128xf32, #tpu.memory_space<hbm>>) target_semaphore(%run_scoped3A_258 : memref<!tpu.dma_semaphore, #tpu.memory_space<semaphore_mem>>)
      %dma_wait3A_264 = arith.constant 0 : i32
      %dma_wait3A_265 = tpu.memref_slice %arg8[%arg0, %add3A_245, %dma_wait3A_264] : memref<2x10000x128xf32, #tpu.memory_space<hbm>> -> memref<1x80x128xf32, #tpu.memory_space<hbm>>
      %dma_wait3A_266 = tpu.memref_squeeze %dma_wait3A_265 : memref<1x80x128xf32, #tpu.memory_space<hbm>> -> memref<80x128xf32, #tpu.memory_space<hbm>>
      %dma_wait3A_267 = arith.constant 0 : i32
      %dma_wait3A_268 = tpu.memref_slice %arg8[%arg0, %add3A_245, %dma_wait3A_267] : memref<2x10000x128xf32, #tpu.memory_space<hbm>> -> memref<1x80x128xf32, #tpu.memory_space<hbm>>
      %dma_wait3A_269 = tpu.memref_squeeze %dma_wait3A_268 : memref<1x80x128xf32, #tpu.memory_space<hbm>> -> memref<80x128xf32, #tpu.memory_space<hbm>>
      tpu.wait_dma2 semaphore(%run_scoped3A_258 : memref<!tpu.dma_semaphore, #tpu.memory_space<semaphore_mem>>) src(%arg14 : memref<80x128xf32, #tpu.memory_space<vmem>>) dst(%dma_wait3A_269 : memref<80x128xf32, #tpu.memory_space<hbm>>)
      tpu.yield
    }) : () -> ()
    %scan3A_246 = arith.constant 0 : i32
    %scan3A_247 = arith.constant 0 : i32
    %scan3A_248 = arith.constant 5 : i32
    %scan3A_249 = arith.addi %scan3A_247, %scan3A_248 : i32
    %scan3A_250 = arith.constant 1 : i32
    scf.for %scan3A_258 = %scan3A_247 to %scan3A_249 step %scan3A_250  : i32 {
      %mul3A_259 = arith.constant 16 : i32
      %mul3A_260 = arith.muli %scan3A_258, %mul3A_259 : i32
      %add3A_261 = arith.addi %mul3A_96, %mul3A_260 : i32
      %add3A_262 = vector.broadcast %add3A_261 : i32 to vector<16xi32>
      %add3A_263 = arith.addi %add3A_262, %iota3A : vector<16xi32>
      %mul3A_264 = arith.constant 16 : i32
      %mul3A_265 = arith.muli %scan3A_258, %mul3A_264 : i32
      %swap3A = arith.constant 0 : i32
      %swap3A_266 = arith.index_cast %swap3A : i32 to index
      %swap3A_267 = arith.index_cast %mul3A_265 : i32 to index
      %swap3A_268 = tpu.vector_load %arg12[%swap3A_266, %swap3A_267] {strides = array<i32>} : memref<1x80xi32, #tpu.memory_space<vmem>>, vector<16xi32>,
      tpu.vector_store %arg12[%swap3A_266, %swap3A_267], %add3A_263 {strides = array<i32>} : memref<1x80xi32, #tpu.memory_space<vmem>>, vector<16xi32>,
    }
    %scan3A_251 = arith.constant 5 : i32
    %run_scoped3A_252 = arith.constant 0 : i32
    "tpu.region"() ({
      %run_scoped3A_258 = tpu.sem_alloc : memref<!tpu.dma_semaphore, #tpu.memory_space<semaphore_mem>>
      %dma_start3A = arith.constant 0 : i32
      %dma_start3A_259 = tpu.memref_slice %arg12[%run_scoped3A_252, %dma_start3A] : memref<1x80xi32, #tpu.memory_space<vmem>> -> memref<1x80xi32, #tpu.memory_space<vmem>>
      %dma_start3A_260 = tpu.memref_squeeze %dma_start3A_259 : memref<1x80xi32, #tpu.memory_space<vmem>> -> memref<80xi32, #tpu.memory_space<vmem>>
      %dma_start3A_261 = arith.constant 0 : i32
      %dma_start3A_262 = arith.constant 0 : i32
      %dma_start3A_263 = tpu.memref_slice %arg18[%dma_start3A_261, %dma_start3A_262] : memref<1280x128xf32, #tpu.memory_space<vmem_shared>> -> memref<1280x128xf32, #tpu.memory_space<vmem_shared>>
      tpu.enqueue_indirect_dma source(%dma_start3A_263 : memref<1280x128xf32, #tpu.memory_space<vmem_shared>>) target(%arg16 : memref<80x128xf32, #tpu.memory_space<vmem>>) offsets(%dma_start3A_260 : memref<80xi32, #tpu.memory_space<vmem>>) semaphore(%run_scoped3A_258 : memref<!tpu.dma_semaphore, #tpu.memory_space<semaphore_mem>>)
      %dma_wait3A_264 = arith.constant 0 : i32
      %dma_wait3A_265 = tpu.memref_slice %arg12[%run_scoped3A_252, %dma_wait3A_264] : memref<1x80xi32, #tpu.memory_space<vmem>> -> memref<1x80xi32, #tpu.memory_space<vmem>>
      %dma_wait3A_266 = tpu.memref_squeeze %dma_wait3A_265 : memref<1x80xi32, #tpu.memory_space<vmem>> -> memref<80xi32, #tpu.memory_space<vmem>>
      %dma_wait3A_267 = arith.constant 0 : i32
      %dma_wait3A_268 = arith.constant 0 : i32
      %dma_wait3A_269 = tpu.memref_slice %arg18[%dma_wait3A_267, %dma_wait3A_268] : memref<1280x128xf32, #tpu.memory_space<vmem_shared>> -> memref<1280x128xf32, #tpu.memory_space<vmem_shared>>
      tpu.wait_indirect_dma semaphore(%run_scoped3A_258 : memref<!tpu.dma_semaphore, #tpu.memory_space<semaphore_mem>>) src(%dma_wait3A_269 : memref<1280x128xf32, #tpu.memory_space<vmem_shared>>) dst(%arg16 : memref<80x128xf32, #tpu.memory_space<vmem>>)
      tpu.yield
    }) : () -> ()
    "tpu.region"() ({
      %run_scoped3A_258 = tpu.sem_alloc : memref<!tpu.dma_semaphore, #tpu.memory_space<semaphore_mem>>
      %dma_start3A = arith.constant 0 : i32
      %dma_start3A_259 = tpu.memref_slice %arg9[%arg0, %mul3A_96, %dma_start3A] : memref<2x1280x128xf32, #tpu.memory_space<hbm>> -> memref<1x80x128xf32, #tpu.memory_space<hbm>>
      %dma_start3A_260 = tpu.memref_squeeze %dma_start3A_259 : memref<1x80x128xf32, #tpu.memory_space<hbm>> -> memref<80x128xf32, #tpu.memory_space<hbm>>
      %dma_start3A_261 = arith.constant 0 : i32
      %dma_start3A_262 = tpu.memref_slice %arg9[%arg0, %mul3A_96, %dma_start3A_261] : memref<2x1280x128xf32, #tpu.memory_space<hbm>> -> memref<1x80x128xf32, #tpu.memory_space<hbm>>
      %dma_start3A_263 = tpu.memref_squeeze %dma_start3A_262 : memref<1x80x128xf32, #tpu.memory_space<hbm>> -> memref<80x128xf32, #tpu.memory_space<hbm>>
      tpu.enqueue_dma source(%arg16 : memref<80x128xf32, #tpu.memory_space<vmem>>) target(%dma_start3A_263 : memref<80x128xf32, #tpu.memory_space<hbm>>) target_semaphore(%run_scoped3A_258 : memref<!tpu.dma_semaphore, #tpu.memory_space<semaphore_mem>>)
      %dma_wait3A_264 = arith.constant 0 : i32
      %dma_wait3A_265 = tpu.memref_slice %arg9[%arg0, %mul3A_96, %dma_wait3A_264] : memref<2x1280x128xf32, #tpu.memory_space<hbm>> -> memref<1x80x128xf32, #tpu.memory_space<hbm>>
      %dma_wait3A_266 = tpu.memref_squeeze %dma_wait3A_265 : memref<1x80x128xf32, #tpu.memory_space<hbm>> -> memref<80x128xf32, #tpu.memory_space<hbm>>
      %dma_wait3A_267 = arith.constant 0 : i32
      %dma_wait3A_268 = tpu.memref_slice %arg9[%arg0, %mul3A_96, %dma_wait3A_267] : memref<2x1280x128xf32, #tpu.memory_space<hbm>> -> memref<1x80x128xf32, #tpu.memory_space<hbm>>
      %dma_wait3A_269 = tpu.memref_squeeze %dma_wait3A_268 : memref<1x80x128xf32, #tpu.memory_space<hbm>> -> memref<80x128xf32, #tpu.memory_space<hbm>>
      tpu.wait_dma2 semaphore(%run_scoped3A_258 : memref<!tpu.dma_semaphore, #tpu.memory_space<semaphore_mem>>) src(%arg16 : memref<80x128xf32, #tpu.memory_space<vmem>>) dst(%dma_wait3A_269 : memref<80x128xf32, #tpu.memory_space<hbm>>)
      tpu.yield
    }) : () -> ()
    %eq3A_253 = arith.constant 15 : i32
    %eq3A_254 = arith.cmpi eq, %arg1, %eq3A_253 : i32
    %convert_element_type3A_255 = arith.extui %eq3A_254 : i1 to i32
    %cond3A_256 = arith.constant 0 : i32
    %cond3A_257 = arith.cmpi ne, %convert_element_type3A_255, %cond3A_256 : i32
    scf.if %cond3A_257 {
      %scan3A_258 = arith.constant 0 : i32
      %scan3A_259 = arith.constant 0 : i32
      %scan3A_260 = arith.constant 5 : i32
      %scan3A_261 = arith.addi %scan3A_259, %scan3A_260 : i32
      %scan3A_262 = arith.constant 1 : i32
      scf.for %scan3A_265 = %scan3A_259 to %scan3A_261 step %scan3A_262  : i32 {
        %mul3A_266 = arith.constant 16 : i32
        %mul3A_267 = arith.muli %scan3A_265, %mul3A_266 : i32
        %add3A_268 = arith.constant 9920 : i32
        %add3A_269 = arith.addi %add3A_268, %mul3A_267 : i32
        %add3A_270 = vector.broadcast %add3A_269 : i32 to vector<16xi32>
        %add3A_271 = arith.addi %add3A_270, %iota3A : vector<16xi32>
        %mul3A_272 = arith.constant 16 : i32
        %mul3A_273 = arith.muli %scan3A_265, %mul3A_272 : i32
        %swap3A = arith.constant 0 : i32
        %swap3A_274 = arith.index_cast %swap3A : i32 to index
        %swap3A_275 = arith.index_cast %mul3A_273 : i32 to index
        %swap3A_276 = tpu.vector_load %arg12[%swap3A_274, %swap3A_275] {strides = array<i32>} : memref<1x80xi32, #tpu.memory_space<vmem>>, vector<16xi32>,
        tpu.vector_store %arg12[%swap3A_274, %swap3A_275], %add3A_271 {strides = array<i32>} : memref<1x80xi32, #tpu.memory_space<vmem>>, vector<16xi32>,
      }
      %scan3A_263 = arith.constant 5 : i32
      %run_scoped3A_264 = arith.constant 0 : i32
      "tpu.region"() ({
        %run_scoped3A_265 = tpu.sem_alloc : memref<!tpu.dma_semaphore, #tpu.memory_space<semaphore_mem>>
        %dma_start3A = arith.constant 0 : i32
        %dma_start3A_266 = tpu.memref_slice %arg12[%run_scoped3A_264, %dma_start3A] : memref<1x80xi32, #tpu.memory_space<vmem>> -> memref<1x80xi32, #tpu.memory_space<vmem>>
        %dma_start3A_267 = tpu.memref_squeeze %dma_start3A_266 : memref<1x80xi32, #tpu.memory_space<vmem>> -> memref<80xi32, #tpu.memory_space<vmem>>
        %dma_start3A_268 = arith.constant 0 : i32
        %dma_start3A_269 = arith.constant 0 : i32
        %dma_start3A_270 = tpu.memref_slice %arg17[%dma_start3A_268, %dma_start3A_269] : memref<10000x128xf32, #tpu.memory_space<vmem_shared>> -> memref<10000x128xf32, #tpu.memory_space<vmem_shared>>
        tpu.enqueue_indirect_dma source(%dma_start3A_270 : memref<10000x128xf32, #tpu.memory_space<vmem_shared>>) target(%arg14 : memref<80x128xf32, #tpu.memory_space<vmem>>) offsets(%dma_start3A_267 : memref<80xi32, #tpu.memory_space<vmem>>) semaphore(%run_scoped3A_265 : memref<!tpu.dma_semaphore, #tpu.memory_space<semaphore_mem>>)
        %dma_wait3A_271 = arith.constant 0 : i32
        %dma_wait3A_272 = tpu.memref_slice %arg12[%run_scoped3A_264, %dma_wait3A_271] : memref<1x80xi32, #tpu.memory_space<vmem>> -> memref<1x80xi32, #tpu.memory_space<vmem>>
        %dma_wait3A_273 = tpu.memref_squeeze %dma_wait3A_272 : memref<1x80xi32, #tpu.memory_space<vmem>> -> memref<80xi32, #tpu.memory_space<vmem>>
        %dma_wait3A_274 = arith.constant 0 : i32
        %dma_wait3A_275 = arith.constant 0 : i32
        %dma_wait3A_276 = tpu.memref_slice %arg17[%dma_wait3A_274, %dma_wait3A_275] : memref<10000x128xf32, #tpu.memory_space<vmem_shared>> -> memref<10000x128xf32, #tpu.memory_space<vmem_shared>>
        tpu.wait_indirect_dma semaphore(%run_scoped3A_265 : memref<!tpu.dma_semaphore, #tpu.memory_space<semaphore_mem>>) src(%dma_wait3A_276 : memref<10000x128xf32, #tpu.memory_space<vmem_shared>>) dst(%arg14 : memref<80x128xf32, #tpu.memory_space<vmem>>)
        tpu.yield
      }) : () -> ()
      "tpu.region"() ({
        %run_scoped3A_265 = tpu.sem_alloc : memref<!tpu.dma_semaphore, #tpu.memory_space<semaphore_mem>>
        %dma_start3A = arith.constant 9920 : i32
        %dma_start3A_266 = arith.constant 0 : i32
        %dma_start3A_267 = tpu.memref_slice %arg8[%arg0, %dma_start3A, %dma_start3A_266] : memref<2x10000x128xf32, #tpu.memory_space<hbm>> -> memref<1x80x128xf32, #tpu.memory_space<hbm>>
        %dma_start3A_268 = tpu.memref_squeeze %dma_start3A_267 : memref<1x80x128xf32, #tpu.memory_space<hbm>> -> memref<80x128xf32, #tpu.memory_space<hbm>>
        %dma_start3A_269 = arith.constant 9920 : i32
        %dma_start3A_270 = arith.constant 0 : i32
        %dma_start3A_271 = tpu.memref_slice %arg8[%arg0, %dma_start3A_269, %dma_start3A_270] : memref<2x10000x128xf32, #tpu.memory_space<hbm>> -> memref<1x80x128xf32, #tpu.memory_space<hbm>>
        %dma_start3A_272 = tpu.memref_squeeze %dma_start3A_271 : memref<1x80x128xf32, #tpu.memory_space<hbm>> -> memref<80x128xf32, #tpu.memory_space<hbm>>
        tpu.enqueue_dma source(%arg14 : memref<80x128xf32, #tpu.memory_space<vmem>>) target(%dma_start3A_272 : memref<80x128xf32, #tpu.memory_space<hbm>>) target_semaphore(%run_scoped3A_265 : memref<!tpu.dma_semaphore, #tpu.memory_space<semaphore_mem>>)
        %dma_wait3A_273 = arith.constant 9920 : i32
        %dma_wait3A_274 = arith.constant 0 : i32
        %dma_wait3A_275 = tpu.memref_slice %arg8[%arg0, %dma_wait3A_273, %dma_wait3A_274] : memref<2x10000x128xf32, #tpu.memory_space<hbm>> -> memref<1x80x128xf32, #tpu.memory_space<hbm>>
        %dma_wait3A_276 = tpu.memref_squeeze %dma_wait3A_275 : memref<1x80x128xf32, #tpu.memory_space<hbm>> -> memref<80x128xf32, #tpu.memory_space<hbm>>
        %dma_wait3A_277 = arith.constant 9920 : i32
        %dma_wait3A_278 = arith.constant 0 : i32
        %dma_wait3A_279 = tpu.memref_slice %arg8[%arg0, %dma_wait3A_277, %dma_wait3A_278] : memref<2x10000x128xf32, #tpu.memory_space<hbm>> -> memref<1x80x128xf32, #tpu.memory_space<hbm>>
        %dma_wait3A_280 = tpu.memref_squeeze %dma_wait3A_279 : memref<1x80x128xf32, #tpu.memory_space<hbm>> -> memref<80x128xf32, #tpu.memory_space<hbm>>
        tpu.wait_dma2 semaphore(%run_scoped3A_265 : memref<!tpu.dma_semaphore, #tpu.memory_space<semaphore_mem>>) src(%arg14 : memref<80x128xf32, #tpu.memory_space<vmem>>) dst(%dma_wait3A_280 : memref<80x128xf32, #tpu.memory_space<hbm>>)
        tpu.yield
      }) : () -> ()
    } else {
    }
    return
  }
}

module attributes {stable_mosaic.version = 14 : i64} {
  func.func @_qkv_body(%arg0: i32, %arg1: memref<1000x128xf32, #tpu.memory_space<vmem>>, %arg2: memref<128x128xf32, #tpu.memory_space<vmem>>, %arg3: memref<128x128xf32, #tpu.memory_space<vmem>>, %arg4: memref<128x128xf32, #tpu.memory_space<vmem>>, %arg5: memref<1000x128xf32, #tpu.memory_space<vmem>>, %arg6: memref<1000x128xf32, #tpu.memory_space<vmem>>, %arg7: memref<1000x128xf32, #tpu.memory_space<vmem>>) attributes {dimension_semantics = [#tpu.dimension_semantics<arbitrary>], iteration_bounds = array<i64: 10>, scalar_prefetch = 0 : i64, scratch_operands = 0 : i64, tpu.core_type = #tpu.core_type<tc>, window_params = [{transform_indices = @transform_0, window_bounds = array<i64: 1000, 128>}, {pipeline_mode = #tpu.pipeline_mode<synchronous>, transform_indices = @transform_1, window_bounds = array<i64: 128, 128>}, {pipeline_mode = #tpu.pipeline_mode<synchronous>, transform_indices = @transform_2, window_bounds = array<i64: 128, 128>}, {pipeline_mode = #tpu.pipeline_mode<synchronous>, transform_indices = @transform_3, window_bounds = array<i64: 128, 128>}, {transform_indices = @transform_4, window_bounds = array<i64: 1000, 128>}, {transform_indices = @transform_5, window_bounds = array<i64: 1000, 128>}, {transform_indices = @transform_6, window_bounds = array<i64: 1000, 128>}]} {
    %get3A = arith.constant 0 : index
    %get3A_0 = arith.constant 0 : index
    %get3A_1 = vector.load %arg1[%get3A, %get3A_0] : memref<1000x128xf32, #tpu.memory_space<vmem>>, vector<1000x128xf32>
    %get3A_2 = arith.constant 0 : index
    %get3A_3 = arith.constant 0 : index
    %get3A_4 = vector.load %arg2[%get3A_2, %get3A_3] : memref<128x128xf32, #tpu.memory_space<vmem>>, vector<128x128xf32>
    %dot_general3A = arith.constant dense<0.000000e+00> : vector<1000x128xf32>
    %dot_general3A_5 = tpu.matmul %get3A_1, %get3A_4, %dot_general3A {dimension_numbers = #tpu.dot_dimension_numbers<[1], [0], [0], [1], [0, 0, 1, 1], [], []>, transpose_lhs_hint = false} : vector<1000x128xf32>, vector<128x128xf32>, vector<1000x128xf32> -> vector<1000x128xf32>
    %swap3A = arith.constant 0 : index
    %swap3A_6 = arith.constant 0 : index
    %swap3A_7 = vector.load %arg5[%swap3A, %swap3A_6] : memref<1000x128xf32, #tpu.memory_space<vmem>>, vector<1000x128xf32>
    tpu.vector_store %arg5[%swap3A, %swap3A_6], %dot_general3A_5 {strides = array<i32>} : memref<1000x128xf32, #tpu.memory_space<vmem>>, vector<1000x128xf32>,
    %get3A_8 = arith.constant 0 : index
    %get3A_9 = arith.constant 0 : index
    %get3A_10 = vector.load %arg3[%get3A_8, %get3A_9] : memref<128x128xf32, #tpu.memory_space<vmem>>, vector<128x128xf32>
    %dot_general3A_11 = arith.constant dense<0.000000e+00> : vector<1000x128xf32>
    %dot_general3A_12 = tpu.matmul %get3A_1, %get3A_10, %dot_general3A_11 {dimension_numbers = #tpu.dot_dimension_numbers<[1], [0], [0], [1], [0, 0, 1, 1], [], []>, transpose_lhs_hint = false} : vector<1000x128xf32>, vector<128x128xf32>, vector<1000x128xf32> -> vector<1000x128xf32>
    %swap3A_13 = arith.constant 0 : index
    %swap3A_14 = arith.constant 0 : index
    %swap3A_15 = vector.load %arg6[%swap3A_13, %swap3A_14] : memref<1000x128xf32, #tpu.memory_space<vmem>>, vector<1000x128xf32>
    tpu.vector_store %arg6[%swap3A_13, %swap3A_14], %dot_general3A_12 {strides = array<i32>} : memref<1000x128xf32, #tpu.memory_space<vmem>>, vector<1000x128xf32>,
    %get3A_16 = arith.constant 0 : index
    %get3A_17 = arith.constant 0 : index
    %get3A_18 = vector.load %arg4[%get3A_16, %get3A_17] : memref<128x128xf32, #tpu.memory_space<vmem>>, vector<128x128xf32>
    %dot_general3A_19 = arith.constant dense<0.000000e+00> : vector<1000x128xf32>
    %dot_general3A_20 = tpu.matmul %get3A_1, %get3A_18, %dot_general3A_19 {dimension_numbers = #tpu.dot_dimension_numbers<[1], [0], [0], [1], [0, 0, 1, 1], [], []>, transpose_lhs_hint = false} : vector<1000x128xf32>, vector<128x128xf32>, vector<1000x128xf32> -> vector<1000x128xf32>
    %swap3A_21 = arith.constant 0 : index
    %swap3A_22 = arith.constant 0 : index
    %swap3A_23 = vector.load %arg7[%swap3A_21, %swap3A_22] : memref<1000x128xf32, #tpu.memory_space<vmem>>, vector<1000x128xf32>
    tpu.vector_store %arg7[%swap3A_21, %swap3A_22], %dot_general3A_20 {strides = array<i32>} : memref<1000x128xf32, #tpu.memory_space<vmem>>, vector<1000x128xf32>,
    return
  }
  func.func @transform_0(%arg0: i32) -> (i32, i32) {
    %c0_i32 = arith.constant 0 : i32
    %c0_i32_0 = arith.constant 0 : i32
    return %arg0, %c0_i32 : i32, i32
  }
  func.func @transform_1(%arg0: i32) -> (i32, i32) {
    %c0_i32 = arith.constant 0 : i32
    %c0_i32_0 = arith.constant 0 : i32
    %c0_i32_1 = arith.constant 0 : i32
    return %c0_i32, %c0_i32_0 : i32, i32
  }
  func.func @transform_2(%arg0: i32) -> (i32, i32) {
    %c0_i32 = arith.constant 0 : i32
    %c0_i32_0 = arith.constant 0 : i32
    %c0_i32_1 = arith.constant 0 : i32
    return %c0_i32, %c0_i32_0 : i32, i32
  }
  func.func @transform_3(%arg0: i32) -> (i32, i32) {
    %c0_i32 = arith.constant 0 : i32
    %c0_i32_0 = arith.constant 0 : i32
    %c0_i32_1 = arith.constant 0 : i32
    return %c0_i32, %c0_i32_0 : i32, i32
  }
  func.func @transform_4(%arg0: i32) -> (i32, i32) {
    %c0_i32 = arith.constant 0 : i32
    %c0_i32_0 = arith.constant 0 : i32
    return %arg0, %c0_i32 : i32, i32
  }
  func.func @transform_5(%arg0: i32) -> (i32, i32) {
    %c0_i32 = arith.constant 0 : i32
    %c0_i32_0 = arith.constant 0 : i32
    return %arg0, %c0_i32 : i32, i32
  }
  func.func @transform_6(%arg0: i32) -> (i32, i32) {
    %c0_i32 = arith.constant 0 : i32
    %c0_i32_0 = arith.constant 0 : i32
    return %arg0, %c0_i32 : i32, i32
  }
}

module attributes {stable_mosaic.version = 14 : i64} {
  func.func @_tail_body(%arg0: i32, %arg1: memref<2x1000x128xf32, #tpu.memory_space<vmem>>, %arg2: memref<2x1000x16xf32, #tpu.memory_space<vmem>>, %arg3: memref<1000x128xf32, #tpu.memory_space<vmem>>, %arg4: memref<128x128xf32, #tpu.memory_space<vmem>>, %arg5: memref<1x128xf32, #tpu.memory_space<vmem>>, %arg6: memref<1x128xf32, #tpu.memory_space<vmem>>, %arg7: memref<1x128xf32, #tpu.memory_space<vmem>>, %arg8: memref<128x256xf32, #tpu.memory_space<vmem>>, %arg9: memref<1x256xf32, #tpu.memory_space<vmem>>, %arg10: memref<256x128xf32, #tpu.memory_space<vmem>>, %arg11: memref<1x128xf32, #tpu.memory_space<vmem>>, %arg12: memref<1x128xf32, #tpu.memory_space<vmem>>, %arg13: memref<1x128xf32, #tpu.memory_space<vmem>>, %arg14: memref<1x128xf32, #tpu.memory_space<vmem>>, %arg15: memref<1x128xf32, #tpu.memory_space<vmem>>, %arg16: memref<1000x128xf32, #tpu.memory_space<vmem>>) attributes {dimension_semantics = [#tpu.dimension_semantics<arbitrary>], iteration_bounds = array<i64: 10>, scalar_prefetch = 0 : i64, scratch_operands = 0 : i64, tpu.core_type = #tpu.core_type<tc>, window_params = [{transform_indices = @transform_0, window_bounds = array<i64: 2, 1000, 128>}, {transform_indices = @transform_1, window_bounds = array<i64: 2, 1000, 16>}, {transform_indices = @transform_2, window_bounds = array<i64: 1000, 128>}, {pipeline_mode = #tpu.pipeline_mode<synchronous>, transform_indices = @transform_3, window_bounds = array<i64: 128, 128>}, {pipeline_mode = #tpu.pipeline_mode<synchronous>, transform_indices = @transform_4, window_bounds = array<i64: 1, 128>}, {pipeline_mode = #tpu.pipeline_mode<synchronous>, transform_indices = @transform_5, window_bounds = array<i64: 1, 128>}, {pipeline_mode = #tpu.pipeline_mode<synchronous>, transform_indices = @transform_6, window_bounds = array<i64: 1, 128>}, {pipeline_mode = #tpu.pipeline_mode<synchronous>, transform_indices = @transform_7, window_bounds = array<i64: 128, 256>}, {pipeline_mode = #tpu.pipeline_mode<synchronous>, transform_indices = @transform_8, window_bounds = array<i64: 1, 256>}, {pipeline_mode = #tpu.pipeline_mode<synchronous>, transform_indices = @transform_9, window_bounds = array<i64: 256, 128>}, {pipeline_mode = #tpu.pipeline_mode<synchronous>, transform_indices = @transform_10, window_bounds = array<i64: 1, 128>}, {pipeline_mode = #tpu.pipeline_mode<synchronous>, transform_indices = @transform_11, window_bounds = array<i64: 1, 128>}, {pipeline_mode = #tpu.pipeline_mode<synchronous>, transform_indices = @transform_12, window_bounds = array<i64: 1, 128>}, {pipeline_mode = #tpu.pipeline_mode<synchronous>, transform_indices = @transform_13, window_bounds = array<i64: 1, 128>}, {pipeline_mode = #tpu.pipeline_mode<synchronous>, transform_indices = @transform_14, window_bounds = array<i64: 1, 128>}, {transform_indices = @transform_15, window_bounds = array<i64: 1000, 128>}]} {
    %get3A = arith.constant 0 : index
    %get3A_0 = arith.constant 0 : index
    %get3A_1 = arith.constant 0 : index
    %get3A_2 = vector.load %arg1[%get3A, %get3A_0, %get3A_1] : memref<2x1000x128xf32, #tpu.memory_space<vmem>>, vector<1x1000x128xf32>
    %get3A_3 = vector.shape_cast %get3A_2 : vector<1x1000x128xf32> to vector<1000x128xf32>
    %get3A_4 = arith.constant 1 : index
    %get3A_5 = arith.constant 0 : index
    %get3A_6 = arith.constant 0 : index
    %get3A_7 = vector.load %arg1[%get3A_4, %get3A_5, %get3A_6] : memref<2x1000x128xf32, #tpu.memory_space<vmem>>, vector<1x1000x128xf32>
    %get3A_8 = vector.shape_cast %get3A_7 : vector<1x1000x128xf32> to vector<1000x128xf32>
    %add3A = arith.addf %get3A_3, %get3A_8 : vector<1000x128xf32>
    %get3A_9 = arith.constant 0 : index
    %get3A_10 = arith.constant 0 : index
    %get3A_11 = arith.constant 0 : index
    %get3A_12 = vector.load %arg2[%get3A_9, %get3A_10, %get3A_11] : memref<2x1000x16xf32, #tpu.memory_space<vmem>>, vector<1x1000x1xf32>
    %get3A_13 = vector.shape_cast %get3A_12 : vector<1x1000x1xf32> to vector<1000x1xf32>
    %get3A_14 = arith.constant 1 : index
    %get3A_15 = arith.constant 0 : index
    %get3A_16 = arith.constant 0 : index
    %get3A_17 = vector.load %arg2[%get3A_14, %get3A_15, %get3A_16] : memref<2x1000x16xf32, #tpu.memory_space<vmem>>, vector<1x1000x1xf32>
    %get3A_18 = vector.shape_cast %get3A_17 : vector<1x1000x1xf32> to vector<1000x1xf32>
    %add3A_19 = arith.addf %get3A_13, %get3A_18 : vector<1000x1xf32>
    %add3A_20 = arith.constant 9.99999971E-10 : f32
    %add3A_21 = vector.broadcast %add3A_20 : f32 to vector<1000x1xf32>
    %add3A_22 = arith.addf %add3A_19, %add3A_21 : vector<1000x1xf32>
    %div3A = vector.broadcast %add3A_22 : vector<1000x1xf32> to vector<1000x128xf32>
    %div3A_23 = arith.divf %add3A, %div3A : vector<1000x128xf32>
    %get3A_24 = arith.constant 0 : index
    %get3A_25 = arith.constant 0 : index
    %get3A_26 = vector.load %arg4[%get3A_24, %get3A_25] : memref<128x128xf32, #tpu.memory_space<vmem>>, vector<128x128xf32>
    %dot_general3A = arith.constant dense<0.000000e+00> : vector<1000x128xf32>
    %dot_general3A_27 = tpu.matmul %div3A_23, %get3A_26, %dot_general3A {dimension_numbers = #tpu.dot_dimension_numbers<[1], [0], [0], [1], [0, 0, 1, 1], [], []>, transpose_lhs_hint = false} : vector<1000x128xf32>, vector<128x128xf32>, vector<1000x128xf32> -> vector<1000x128xf32>
    %get3A_28 = arith.constant 0 : index
    %get3A_29 = arith.constant 0 : index
    %get3A_30 = vector.load %arg5[%get3A_28, %get3A_29] : memref<1x128xf32, #tpu.memory_space<vmem>>, vector<1x128xf32>
    %add3A_31 = vector.broadcast %get3A_30 : vector<1x128xf32> to vector<1000x128xf32>
    %add3A_32 = arith.addf %dot_general3A_27, %add3A_31 : vector<1000x128xf32>
    %get3A_33 = arith.constant 0 : index
    %get3A_34 = arith.constant 0 : index
    %get3A_35 = vector.load %arg6[%get3A_33, %get3A_34] : memref<1x128xf32, #tpu.memory_space<vmem>>, vector<1x128xf32>
    %get3A_36 = arith.constant 0 : index
    %get3A_37 = arith.constant 0 : index
    %get3A_38 = vector.load %arg7[%get3A_36, %get3A_37] : memref<1x128xf32, #tpu.memory_space<vmem>>, vector<1x128xf32>
    %reduce_sum3A = arith.constant dense<0.000000e+00> : vector<1000xf32>
    %reduce_sum3A_39 = vector.multi_reduction <add>, %add3A_32, %reduce_sum3A [1] : vector<1000x128xf32> to vector<1000xf32>
    %broadcast_in_dim3A = vector.shape_cast %reduce_sum3A_39 : vector<1000xf32> to vector<1000x1xf32>
    %div3A_40 = arith.constant 1.280000e+02 : f32
    %div3A_41 = vector.broadcast %div3A_40 : f32 to vector<1000x1xf32>
    %div3A_42 = arith.divf %broadcast_in_dim3A, %div3A_41 : vector<1000x1xf32>
    %sub3A = vector.broadcast %div3A_42 : vector<1000x1xf32> to vector<1000x128xf32>
    %sub3A_43 = arith.subf %add3A_32, %sub3A : vector<1000x128xf32>
    %integer_pow3A = arith.mulf %sub3A_43, %sub3A_43 : vector<1000x128xf32>
    %reduce_sum3A_44 = arith.constant dense<0.000000e+00> : vector<1000xf32>
    %reduce_sum3A_45 = vector.multi_reduction <add>, %integer_pow3A, %reduce_sum3A_44 [1] : vector<1000x128xf32> to vector<1000xf32>
    %broadcast_in_dim3A_46 = vector.shape_cast %reduce_sum3A_45 : vector<1000xf32> to vector<1000x1xf32>
    %div3A_47 = arith.constant 1.280000e+02 : f32
    %div3A_48 = vector.broadcast %div3A_47 : f32 to vector<1000x1xf32>
    %div3A_49 = arith.divf %broadcast_in_dim3A_46, %div3A_48 : vector<1000x1xf32>
    %sub3A_50 = vector.broadcast %div3A_42 : vector<1000x1xf32> to vector<1000x128xf32>
    %sub3A_51 = arith.subf %add3A_32, %sub3A_50 : vector<1000x128xf32>
    %mul3A = vector.broadcast %get3A_35 : vector<1x128xf32> to vector<1000x128xf32>
    %mul3A_52 = arith.mulf %mul3A, %sub3A_51 : vector<1000x128xf32>
    %add3A_53 = arith.constant 9.99999974E-6 : f32
    %add3A_54 = vector.broadcast %add3A_53 : f32 to vector<1000x1xf32>
    %add3A_55 = arith.addf %div3A_49, %add3A_54 : vector<1000x1xf32>
    %sqrt3A = math.sqrt %add3A_55 : vector<1000x1xf32>
    %div3A_56 = vector.broadcast %sqrt3A : vector<1000x1xf32> to vector<1000x128xf32>
    %div3A_57 = arith.divf %mul3A_52, %div3A_56 : vector<1000x128xf32>
    %add3A_58 = vector.broadcast %get3A_38 : vector<1x128xf32> to vector<1000x128xf32>
    %add3A_59 = arith.addf %div3A_57, %add3A_58 : vector<1000x128xf32>
    %get3A_60 = arith.constant 0 : index
    %get3A_61 = arith.constant 0 : index
    %get3A_62 = vector.load %arg3[%get3A_60, %get3A_61] : memref<1000x128xf32, #tpu.memory_space<vmem>>, vector<1000x128xf32>
    %add3A_63 = arith.addf %add3A_59, %get3A_62 : vector<1000x128xf32>
    %get3A_64 = arith.constant 0 : index
    %get3A_65 = arith.constant 0 : index
    %get3A_66 = vector.load %arg12[%get3A_64, %get3A_65] : memref<1x128xf32, #tpu.memory_space<vmem>>, vector<1x128xf32>
    %get3A_67 = arith.constant 0 : index
    %get3A_68 = arith.constant 0 : index
    %get3A_69 = vector.load %arg13[%get3A_67, %get3A_68] : memref<1x128xf32, #tpu.memory_space<vmem>>, vector<1x128xf32>
    %reduce_sum3A_70 = arith.constant dense<0.000000e+00> : vector<1000xf32>
    %reduce_sum3A_71 = vector.multi_reduction <add>, %add3A_63, %reduce_sum3A_70 [1] : vector<1000x128xf32> to vector<1000xf32>
    %broadcast_in_dim3A_72 = vector.shape_cast %reduce_sum3A_71 : vector<1000xf32> to vector<1000x1xf32>
    %div3A_73 = arith.constant 1.280000e+02 : f32
    %div3A_74 = vector.broadcast %div3A_73 : f32 to vector<1000x1xf32>
    %div3A_75 = arith.divf %broadcast_in_dim3A_72, %div3A_74 : vector<1000x1xf32>
    %sub3A_76 = vector.broadcast %div3A_75 : vector<1000x1xf32> to vector<1000x128xf32>
    %sub3A_77 = arith.subf %add3A_63, %sub3A_76 : vector<1000x128xf32>
    %integer_pow3A_78 = arith.mulf %sub3A_77, %sub3A_77 : vector<1000x128xf32>
    %reduce_sum3A_79 = arith.constant dense<0.000000e+00> : vector<1000xf32>
    %reduce_sum3A_80 = vector.multi_reduction <add>, %integer_pow3A_78, %reduce_sum3A_79 [1] : vector<1000x128xf32> to vector<1000xf32>
    %broadcast_in_dim3A_81 = vector.shape_cast %reduce_sum3A_80 : vector<1000xf32> to vector<1000x1xf32>
    %div3A_82 = arith.constant 1.280000e+02 : f32
    %div3A_83 = vector.broadcast %div3A_82 : f32 to vector<1000x1xf32>
    %div3A_84 = arith.divf %broadcast_in_dim3A_81, %div3A_83 : vector<1000x1xf32>
    %sub3A_85 = vector.broadcast %div3A_75 : vector<1000x1xf32> to vector<1000x128xf32>
    %sub3A_86 = arith.subf %add3A_63, %sub3A_85 : vector<1000x128xf32>
    %mul3A_87 = vector.broadcast %get3A_66 : vector<1x128xf32> to vector<1000x128xf32>
    %mul3A_88 = arith.mulf %mul3A_87, %sub3A_86 : vector<1000x128xf32>
    %add3A_89 = arith.constant 9.99999974E-6 : f32
    %add3A_90 = vector.broadcast %add3A_89 : f32 to vector<1000x1xf32>
    %add3A_91 = arith.addf %div3A_84, %add3A_90 : vector<1000x1xf32>
    %sqrt3A_92 = math.sqrt %add3A_91 : vector<1000x1xf32>
    %div3A_93 = vector.broadcast %sqrt3A_92 : vector<1000x1xf32> to vector<1000x128xf32>
    %div3A_94 = arith.divf %mul3A_88, %div3A_93 : vector<1000x128xf32>
    %add3A_95 = vector.broadcast %get3A_69 : vector<1x128xf32> to vector<1000x128xf32>
    %add3A_96 = arith.addf %div3A_94, %add3A_95 : vector<1000x128xf32>
    %get3A_97 = arith.constant 0 : index
    %get3A_98 = arith.constant 0 : index
    %get3A_99 = vector.load %arg8[%get3A_97, %get3A_98] : memref<128x256xf32, #tpu.memory_space<vmem>>, vector<128x256xf32>
    %dot_general3A_100 = arith.constant dense<0.000000e+00> : vector<1000x256xf32>
    %dot_general3A_101 = tpu.matmul %add3A_96, %get3A_99, %dot_general3A_100 {dimension_numbers = #tpu.dot_dimension_numbers<[1], [0], [0], [1], [0, 0, 1, 1], [], []>, transpose_lhs_hint = false} : vector<1000x128xf32>, vector<128x256xf32>, vector<1000x256xf32> -> vector<1000x256xf32>
    %get3A_102 = arith.constant 0 : index
    %get3A_103 = arith.constant 0 : index
    %get3A_104 = vector.load %arg9[%get3A_102, %get3A_103] : memref<1x256xf32, #tpu.memory_space<vmem>>, vector<1x256xf32>
    %add3A_105 = vector.broadcast %get3A_104 : vector<1x256xf32> to vector<1000x256xf32>
    %add3A_106 = arith.addf %dot_general3A_101, %add3A_105 : vector<1000x256xf32>
    %mul3A_107 = arith.constant 2.000000e-01 : f32
    %mul3A_108 = vector.broadcast %mul3A_107 : f32 to vector<1000x256xf32>
    %mul3A_109 = arith.mulf %mul3A_108, %add3A_106 : vector<1000x256xf32>
    %max3A = arith.maximumf %add3A_106, %mul3A_109 : vector<1000x256xf32>
    %get3A_110 = arith.constant 0 : index
    %get3A_111 = arith.constant 0 : index
    %get3A_112 = vector.load %arg10[%get3A_110, %get3A_111] : memref<256x128xf32, #tpu.memory_space<vmem>>, vector<256x128xf32>
    %dot_general3A_113 = arith.constant dense<0.000000e+00> : vector<1000x128xf32>
    %dot_general3A_114 = tpu.matmul %max3A, %get3A_112, %dot_general3A_113 {dimension_numbers = #tpu.dot_dimension_numbers<[1], [0], [0], [1], [0, 0, 1, 1], [], []>, transpose_lhs_hint = false} : vector<1000x256xf32>, vector<256x128xf32>, vector<1000x128xf32> -> vector<1000x128xf32>
    %get3A_115 = arith.constant 0 : index
    %get3A_116 = arith.constant 0 : index
    %get3A_117 = vector.load %arg11[%get3A_115, %get3A_116] : memref<1x128xf32, #tpu.memory_space<vmem>>, vector<1x128xf32>
    %add3A_118 = vector.broadcast %get3A_117 : vector<1x128xf32> to vector<1000x128xf32>
    %add3A_119 = arith.addf %dot_general3A_114, %add3A_118 : vector<1000x128xf32>
    %add3A_120 = arith.addf %add3A_119, %add3A_96 : vector<1000x128xf32>
    %get3A_121 = arith.constant 0 : index
    %get3A_122 = arith.constant 0 : index
    %get3A_123 = vector.load %arg14[%get3A_121, %get3A_122] : memref<1x128xf32, #tpu.memory_space<vmem>>, vector<1x128xf32>
    %get3A_124 = arith.constant 0 : index
    %get3A_125 = arith.constant 0 : index
    %get3A_126 = vector.load %arg15[%get3A_124, %get3A_125] : memref<1x128xf32, #tpu.memory_space<vmem>>, vector<1x128xf32>
    %reduce_sum3A_127 = arith.constant dense<0.000000e+00> : vector<1000xf32>
    %reduce_sum3A_128 = vector.multi_reduction <add>, %add3A_120, %reduce_sum3A_127 [1] : vector<1000x128xf32> to vector<1000xf32>
    %broadcast_in_dim3A_129 = vector.shape_cast %reduce_sum3A_128 : vector<1000xf32> to vector<1000x1xf32>
    %div3A_130 = arith.constant 1.280000e+02 : f32
    %div3A_131 = vector.broadcast %div3A_130 : f32 to vector<1000x1xf32>
    %div3A_132 = arith.divf %broadcast_in_dim3A_129, %div3A_131 : vector<1000x1xf32>
    %sub3A_133 = vector.broadcast %div3A_132 : vector<1000x1xf32> to vector<1000x128xf32>
    %sub3A_134 = arith.subf %add3A_120, %sub3A_133 : vector<1000x128xf32>
    %integer_pow3A_135 = arith.mulf %sub3A_134, %sub3A_134 : vector<1000x128xf32>
    %reduce_sum3A_136 = arith.constant dense<0.000000e+00> : vector<1000xf32>
    %reduce_sum3A_137 = vector.multi_reduction <add>, %integer_pow3A_135, %reduce_sum3A_136 [1] : vector<1000x128xf32> to vector<1000xf32>
    %broadcast_in_dim3A_138 = vector.shape_cast %reduce_sum3A_137 : vector<1000xf32> to vector<1000x1xf32>
    %div3A_139 = arith.constant 1.280000e+02 : f32
    %div3A_140 = vector.broadcast %div3A_139 : f32 to vector<1000x1xf32>
    %div3A_141 = arith.divf %broadcast_in_dim3A_138, %div3A_140 : vector<1000x1xf32>
    %sub3A_142 = vector.broadcast %div3A_132 : vector<1000x1xf32> to vector<1000x128xf32>
    %sub3A_143 = arith.subf %add3A_120, %sub3A_142 : vector<1000x128xf32>
    %mul3A_144 = vector.broadcast %get3A_123 : vector<1x128xf32> to vector<1000x128xf32>
    %mul3A_145 = arith.mulf %mul3A_144, %sub3A_143 : vector<1000x128xf32>
    %add3A_146 = arith.constant 9.99999974E-6 : f32
    %add3A_147 = vector.broadcast %add3A_146 : f32 to vector<1000x1xf32>
    %add3A_148 = arith.addf %div3A_141, %add3A_147 : vector<1000x1xf32>
    %sqrt3A_149 = math.sqrt %add3A_148 : vector<1000x1xf32>
    %div3A_150 = vector.broadcast %sqrt3A_149 : vector<1000x1xf32> to vector<1000x128xf32>
    %div3A_151 = arith.divf %mul3A_145, %div3A_150 : vector<1000x128xf32>
    %add3A_152 = vector.broadcast %get3A_126 : vector<1x128xf32> to vector<1000x128xf32>
    %add3A_153 = arith.addf %div3A_151, %add3A_152 : vector<1000x128xf32>
    %swap3A = arith.constant 0 : index
    %swap3A_154 = arith.constant 0 : index
    %swap3A_155 = vector.load %arg16[%swap3A, %swap3A_154] : memref<1000x128xf32, #tpu.memory_space<vmem>>, vector<1000x128xf32>
    tpu.vector_store %arg16[%swap3A, %swap3A_154], %add3A_153 {strides = array<i32>} : memref<1000x128xf32, #tpu.memory_space<vmem>>, vector<1000x128xf32>,
    return
  }
  func.func @transform_0(%arg0: i32) -> (i32, i32, i32) {
    %c0_i32 = arith.constant 0 : i32
    %c0_i32_0 = arith.constant 0 : i32
    %c0_i32_1 = arith.constant 0 : i32
    return %c0_i32, %arg0, %c0_i32_0 : i32, i32, i32
  }
  func.func @transform_1(%arg0: i32) -> (i32, i32, i32) {
    %c0_i32 = arith.constant 0 : i32
    %c0_i32_0 = arith.constant 0 : i32
    %c0_i32_1 = arith.constant 0 : i32
    return %c0_i32, %arg0, %c0_i32_0 : i32, i32, i32
  }
  func.func @transform_2(%arg0: i32) -> (i32, i32) {
    %c0_i32 = arith.constant 0 : i32
    %c0_i32_0 = arith.constant 0 : i32
    return %arg0, %c0_i32 : i32, i32
  }
  func.func @transform_3(%arg0: i32) -> (i32, i32) {
    %c0_i32 = arith.constant 0 : i32
    %c0_i32_0 = arith.constant 0 : i32
    %c0_i32_1 = arith.constant 0 : i32
    return %c0_i32, %c0_i32_0 : i32, i32
  }
  func.func @transform_4(%arg0: i32) -> (i32, i32) {
    %c0_i32 = arith.constant 0 : i32
    %c0_i32_0 = arith.constant 0 : i32
    %c0_i32_1 = arith.constant 0 : i32
    return %c0_i32, %c0_i32_0 : i32, i32
  }
  func.func @transform_5(%arg0: i32) -> (i32, i32) {
    %c0_i32 = arith.constant 0 : i32
    %c0_i32_0 = arith.constant 0 : i32
    %c0_i32_1 = arith.constant 0 : i32
    return %c0_i32, %c0_i32_0 : i32, i32
  }
  func.func @transform_6(%arg0: i32) -> (i32, i32) {
    %c0_i32 = arith.constant 0 : i32
    %c0_i32_0 = arith.constant 0 : i32
    %c0_i32_1 = arith.constant 0 : i32
    return %c0_i32, %c0_i32_0 : i32, i32
  }
  func.func @transform_7(%arg0: i32) -> (i32, i32) {
    %c0_i32 = arith.constant 0 : i32
    %c0_i32_0 = arith.constant 0 : i32
    %c0_i32_1 = arith.constant 0 : i32
    return %c0_i32, %c0_i32_0 : i32, i32
  }
  func.func @transform_8(%arg0: i32) -> (i32, i32) {
    %c0_i32 = arith.constant 0 : i32
    %c0_i32_0 = arith.constant 0 : i32
    %c0_i32_1 = arith.constant 0 : i32
    return %c0_i32, %c0_i32_0 : i32, i32
  }
  func.func @transform_9(%arg0: i32) -> (i32, i32) {
    %c0_i32 = arith.constant 0 : i32
    %c0_i32_0 = arith.constant 0 : i32
    %c0_i32_1 = arith.constant 0 : i32
    return %c0_i32, %c0_i32_0 : i32, i32
  }
  func.func @transform_10(%arg0: i32) -> (i32, i32) {
    %c0_i32 = arith.constant 0 : i32
    %c0_i32_0 = arith.constant 0 : i32
    %c0_i32_1 = arith.constant 0 : i32
    return %c0_i32, %c0_i32_0 : i32, i32
  }
  func.func @transform_11(%arg0: i32) -> (i32, i32) {
    %c0_i32 = arith.constant 0 : i32
    %c0_i32_0 = arith.constant 0 : i32
    %c0_i32_1 = arith.constant 0 : i32
    return %c0_i32, %c0_i32_0 : i32, i32
  }
  func.func @transform_12(%arg0: i32) -> (i32, i32) {
    %c0_i32 = arith.constant 0 : i32
    %c0_i32_0 = arith.constant 0 : i32
    %c0_i32_1 = arith.constant 0 : i32
    return %c0_i32, %c0_i32_0 : i32, i32
  }
  func.func @transform_13(%arg0: i32) -> (i32, i32) {
    %c0_i32 = arith.constant 0 : i32
    %c0_i32_0 = arith.constant 0 : i32
    %c0_i32_1 = arith.constant 0 : i32
    return %c0_i32, %c0_i32_0 : i32, i32
  }
  func.func @transform_14(%arg0: i32) -> (i32, i32) {
    %c0_i32 = arith.constant 0 : i32
    %c0_i32_0 = arith.constant 0 : i32
    %c0_i32_1 = arith.constant 0 : i32
    return %c0_i32, %c0_i32_0 : i32, i32
  }
  func.func @transform_15(%arg0: i32) -> (i32, i32) {
    %c0_i32 = arith.constant 0 : i32
    %c0_i32_0 = arith.constant 0 : i32
    return %arg0, %c0_i32 : i32, i32
  }
}

</mosaic_0001>

<sc_bundles>
// kernel: kernel.5.cloned.1.call-start
scs
__scs_entry_jumppad:
0x0: {  	(pc) =	sbr.rel $0x88, $3  }
0x1: {  	(tag) =	ssettag $0x0;
	lr =	simm.s32 $0x1  }
0x2: {  	[smem:$0x3F8F] =	sst lr;
	_ =	strace $0xD0000000  }
0x3: {  	_ = 	snop  }
0x4: {  	_ = 	snop  }
0x5: {  	_ = 	snop  }
0x6: {  	_ = 	snop  }
0x7: {  	_ = 	snop  }
__scs_overlays_trampoline_lowered:
0x8: {  	[smem:$0x3F9E] =	sst s0  }
0x9: {  	[smem:$0x3F9F] =	sst s1  }
0xa: {  	[smem:$0x3FA0] =	sst s2  }
0xb: {  	[smem:$0x3FA1] =	sst s3  }
0xc: {  	[smem:$0x3FA2] =	sst s4  }
0xd: {  	[smem:$0x3FA3] =	sst s5  }
0xe: {  	[smem:$0x3FA4] =	sst s6  }
0xf: {  	[smem:$0x3FA5] =	sst s7  }
0x10: {  	[smem:$0x3FA6] =	sst s8  }
0x11: {  	[smem:$0x3FA7] =	sst s9;
	s0 =	simm.s32 @!p0 $0x0  }
0x12: {  	s1 =	sld [smem:$0x3F8D];
	s0 =	simm.s32 @p0 $0x1  }
0x13: {  	[smem:$0x3FA8] =	sst s0;
	s0 =	simm.s32 @!p1 $0x0  }
0x14: {  	s2 =	sld [smem:$0x3F8C];
	s0 =	simm.s32 @p1 $0x1  }
0x15: {  	[smem:$0x3FA9] =	sst s0;
	s0 =	simm.s32 @!p2 $0x0  }
0x16: {  	s3 =	sld [smem:$0x3FDB];
	s0 =	simm.s32 @p2 $0x1  }
0x17: {  	s4 =	simm.s32 $0x1BF5;
	[smem:$0x3FAB] =	sst s0  }
0x18: {  	s0 =	sld [smem:$0x3F8E];
	_ =	swait.ge [sflag:s4], $0x0  }
0x19: {  	s7 =	sld [smem:$0x3F8F]  }
0x1a: {  	s8 =	sadd.s32 $0xFFFFE003, lr  }
0x1b: {  	s9 =	sadd.s32 $0xFFFFFEF7, lr;
	s5 =	simm.s32 $0xFFFFFFFF;
	p2 =	slt.u32 s8, $0xFFFFF086  }
0x1c: {  	p1 =	slt.u32 s9, $0xF7A;
	s5 =	simm.s32 @!p2 $0x0  }
0x1d: {  	s5 =	simm.s32 @p1 $0x1;
	p0 =	seq.s32 s7, s2  }
0x1e: {  	s7 =	smul.u32 @!p0 $0xF7A, s2;
	p2 =	seq.s32 @!p0 s5, $0x0  }
0x1f: {  	s9 =	smul.u32 $0xF7A, s1;
	s8 =	simm.s32 @!p0 $0x1BF5;
	p2 =	por !p2, p0  }
0x20: {  	[sflag:s8] =	ssyncset.s32 @!p0 $0xFFFFF086;
	s6 =	sadd.s32 @!p0 s3, s7;
	s7 =	simm.s32 @!p0 $0x108  }
0x21: {  	s3 =	sadd.s32 s3, s9;
	s6 =	sadd.s32 @!p0 $0x88, s6;
	s7 =	simm.s32 @p2 $0x1082  }
0x22: {  	[simem:s7], [sflag:s8] =	dma.local @!p0 [hbm:s6], $0xF7A  }
0x23: {  	s9 =	sor.u32 $0xD0000000, s2;
	s6 =	simm.s32 $0x108;
	_ =	swait.ge @!p0 [sflag:s8], $0x0  }
0x24: {  	s3 =	sadd.s32 $0x88, s3;
	s6 =	simm.s32 @!p1 $0x1082;
	[sflag:s4] =	ssyncset.s32 $0xFFFFF086  }
0x25: {  	[simem:s6], [sflag:s4] =	dma.local [hbm:s3], $0xF7A  }
0x26: {  	[smem:$0x3F8F] =	sst s1;
	(tag) =	ssettag s2;
	_ =	strace s9  }
0x27: {  	s1 =	sld [smem:$0x3F9F]  }
0x28: {  	s2 =	sld [smem:$0x3FA0]  }
0x29: {  	s4 =	sld [smem:$0x3FA2]  }
0x2a: {  	p0 =	seq.s32 s5, $0x0;
	s5 =	sld [smem:$0x3FA3]  }
0x2b: {  	s6 =	sld [smem:$0x3FA4]  }
0x2c: {  	s7 =	sld [smem:$0x3FA5]  }
0x2d: {  	s3 =	simm.s32 $0x108;
	s8 =	sld [smem:$0x3FA6]  }
0x2e: {  	s3 =	simm.s32 @!p0 $0x1082;
	s9 =	sld [smem:$0x3FA7]  }
0x2f: {  	lr =	sadd.s32 s0, s3;
	s0 =	sld [smem:$0x3F9E]  }
0x30: {  	s3 =	sld [smem:$0x3FA1]  }
0x31: {  	[smem:$0x3FAA] =	sst s10  }
0x32: {  	s10 =	sld [smem:$0x3FA8];
	_ =	sdelay $0x3  }
0x33: {  	p0 =	seq.s32 s10, $0x1;
	s10 =	sld [smem:$0x3FAA];
	_ =	sdelay $0x3  }
0x34: {  	[smem:$0x3FAA] =	sst s10  }
0x35: {  	s10 =	sld [smem:$0x3FA9];
	_ =	sdelay $0x3  }
0x36: {  	p1 =	seq.s32 s10, $0x1;
	s10 =	sld [smem:$0x3FAA];
	_ =	sdelay $0x3  }
0x37: {  	[smem:$0x3FAA] =	sst s10  }
0x38: {  	s10 =	sld [smem:$0x3FAB]  }
0x39: {  	_ = 	snop;
	(pc) =	sbr.ind lr, $3  }
0x3a: {  	_ = 	snop  }
0x3b: {  	_ = 	snop  }
0x3c: {  	p2 =	seq.s32 s10, $0x1;
	s10 =	sld [smem:$0x3FAA]  }
0x3d: {  	_ =	shalt  }
0x3e: {  	_ =	shalt  }
0x3f: {  	_ =	shalt  }
0x40: {  	_ =	shalt  }
0x41: {  	_ =	shalt  }
0x42: {  	_ =	shalt  }
0x43: {  	_ =	shalt  }
0x44: {  	_ =	shalt  }
0x45: {  	_ =	shalt  }
0x46: {  	_ =	shalt  }
0x47: {  	_ =	shalt  }
0x48: {  	_ =	shalt  }
0x49: {  	_ =	shalt  }
0x4a: {  	_ =	shalt  }
0x4b: {  	_ =	shalt  }
0x4c: {  	_ =	shalt  }
0x4d: {  	_ =	shalt  }
0x4e: {  	_ =	shalt  }
0x4f: {  	_ =	shalt  }
0x50: {  	_ =	shalt  }
0x51: {  	_ =	shalt  }
0x52: {  	_ =	shalt  }
0x53: {  	_ =	shalt  }
0x54: {  	_ =	shalt  }
0x55: {  	_ =	shalt  }
0x56: {  	_ =	shalt  }
0x57: {  	_ =	shalt  }
0x58: {  	_ =	shalt  }
0x59: {  	_ =	shalt  }
0x5a: {  	_ =	shalt  }
0x5b: {  	_ =	shalt  }
0x5c: {  	_ =	shalt  }
0x5d: {  	_ =	shalt  }
0x5e: {  	_ =	shalt  }
0x5f: {  	_ =	shalt  }
0x60: {  	_ =	shalt  }
0x61: {  	_ =	shalt  }
0x62: {  	_ =	shalt  }
0x63: {  	_ =	shalt  }
0x64: {  	_ =	shalt  }
0x65: {  	_ =	shalt  }
0x66: {  	_ =	shalt  }
0x67: {  	_ =	shalt  }
0x68: {  	_ =	shalt  }
0x69: {  	_ =	shalt  }
0x6a: {  	_ =	shalt  }
0x6b: {  	_ =	shalt  }
0x6c: {  	_ =	shalt  }
0x6d: {  	_ =	shalt  }
0x6e: {  	_ =	shalt  }
0x6f: {  	_ =	shalt  }
0x70: {  	_ =	shalt  }
0x71: {  	_ =	shalt  }
0x72: {  	_ =	shalt  }
0x73: {  	_ =	shalt  }
0x74: {  	_ =	shalt  }
0x75: {  	_ =	shalt  }
0x76: {  	_ =	shalt  }
0x77: {  	_ =	shalt  }
0x78: {  	_ =	shalt  }
0x79: {  	_ =	shalt  }
0x7a: {  	_ =	shalt  }
0x7b: {  	_ =	shalt  }
0x7c: {  	_ =	shalt  }
0x7d: {  	_ =	shalt  }
0x7e: {  	_ =	shalt  }
0x7f: {  	_ =	shalt  }
0x80: {  	_ =	shalt  }
0x81: {  	_ =	shalt  }
0x82: {  	_ =	shalt  }
0x83: {  	_ =	shalt  }
0x84: {  	_ =	shalt  }
0x85: {  	_ =	shalt  }
0x86: {  	_ =	shalt  }
0x87: {  	_ =	shalt  }
.Lfunc_end0:
.L_simem_size_0:
called_computation_lowered:
.L_overlay_start_0:
0x88: {  	s2 =	sld [smem:$0x3FD9]  }
0x89: {  	s3 =	sld [smem:$0x3FFE];
	_ =	sdelay $0x1  }
0x8a: {  	s1 =	srdreg.scid  }
0x8b: {  	s0 =	sand.u32 $0x1, s1  }
0x8c: {  	s17 =	sshll.u32 s0, $0xA;
	s2 =	sadd.s32 s3, s2  }
0x8d: {  	s2 =	sadd.s32 s2, s17  }
0x8e: {  	[smem:$0x3FB6] =	sst s2  }
0x8f: {  	_ = 	snop  }
0x90: {  	s2 =	sld [smem:$0x3FC7]  }
0x91: {  	s18 =	sld [smem:$0x3FD0];
	(tm) =	ssettm $0x1  }
0x92: {  	s4 =	sld [smem:$0x3FFB];
	_ =	sdelay $0x3  }
0x93: {  	_ =	strace s4  }
0x94: {  	s4 =	sld [smem:$0x3FFC];
	_ =	sdelay $0x3  }
0x95: {  	_ =	strace s4  }
0x96: {  	s4 =	sld [smem:$0x3FFD];
	_ =	sdelay $0x3  }
0x97: {  	_ =	strace s4  }
0x98: {  	_ =	strace $0x8FFFFFFF  }
0x99: {  	s19 =	sld [smem:$0x3FDB];
	_ =	sdelay $0x1  }
0x9a: {  	s5 =	simm.s32 $_scs_section_size  }
0x9b: {  	s6 =	simm.s32 $_size__tile_overlayer_lowered;
	s7 =	simm.s32 $_tile_overlayer_lowered  }
0x9c: {  	s22 =	simm.s32 $0x1BFF;
	s21 =	sshll.u32 s7, $0x1;
	s4 =	sadd.s32 s5, s19  }
0x9d: {  	s8 =	simm.s32 $0x0;
	s20 =	sshll.u32 s6, $0x1;
	s6 =	sadd.s32 s21, s4  }
0x9e: {  	[timem:s8], [sflag:s22] =	dma.local [hbm:s6], s20  }
0x9f: {  	_ =	swait.ge [sflag:s22], s20  }
0xa0: {  	s5 =	ssub.s32 $0x0, s20;
	[sflag:s22] =	ssyncset.done $0x0  }
0xa1: {  	[sflag:s22] =	ssyncadd.s32 s5;
	_ =	sdelay $0x1  }
0xa2: {  	s23 =	simm.s32 $0x1B8B  }
0xa3: {  	_ =	swait.ge [sflag:s23], $0x1  }
0xa4: {  	[sflag:s23] =	ssyncset.done $0x0  }
0xa5: {  	s25 =	simm.s32 $0x1B8E;
	s24 =	sld [smem:$0x3FFE];
	[sflag:s23] =	ssyncadd.s32 $0xFFFFFFFF  }
0xa6: {  	s26 =	simm.s32 $execute0_lowered;
	[smem:$0x3FD2] =	sst s25  }
0xa7: {  	s6 =	sshll.u32 s26, $0x1;
	_ =	strace $0x80000046;
	[dreg:$0x1] =	wrdreg $0xFFFFFFFF  }
0xa8: {  	s28 =	simm.s32 $_size_execute0_lowered;
	s4 =	sadd.s32 s4, s6;
	[dreg:$0x0] =	wrdreg $0x0  }
0xa9: {  	s6 =	sshll.u32 s28, $0x1;
	[dreg:$0x2] =	wrdreg s4  }
0xaa: {  	[dreg:$0x3] =	wrdreg s6  }
0xab: {  	[dreg:$0x4] =	wrdreg $0xC0  }
0xac: {  	_ =	task [dreg:s8], $0x5FFFF  }
0xad: {  	[dreg:$0x1] =	wrdreg $0xFFFFFFFF  }
0xae: {  	[dreg:$0x0] =	wrdreg $0x60  }
0xaf: {  	[dreg:$0x2] =	wrdreg s18  }
0xb0: {  	[dreg:$0x3] =	wrdreg s24  }
0xb1: {  	[dreg:$0x4] =	wrdreg s2  }
0xb2: {  	[dreg:$0x5] =	wrdreg $0x7A000  }
0xb3: {  	[dreg:$0x6] =	wrdreg $0x1B2800  }
0xb4: {  	[dreg:$0x7] =	wrdreg $0x9  }
0xb5: {  	_ =	task.clear_ibuf [dreg:s8], $0x8FFFF;
	_ =	strace $0x90000046  }
0xb6: {  	s29 =	simm.s32 $0x9;
	_ =	strace $0x80000048  }
0xb7: {  	_ =	swait.ge [sflag:s29], $0x1  }
0xb8: {  	[sflag:s29] =	ssyncadd.s32 $0xFFFFFFFF  }
0xb9: {  	_ =	strace $0x90000048  }
0xba: {  	_ =	sfence  }
0xbb: {  	s30 =	sld [smem:$0x0];
	_ =	sdelay $0x2  }
0xbc: {  	s31 =	sshll.u32 s1, $0xD;
	s1 =	sshrl.u32 s1, $0x2  }
0xbd: {  	s3 =	sand.u32 $0x4000, s31;
	s1 =	sadd.s32 s1, s30  }
0xbe: {  	s0 =	sor.u32 s3, s0;
	s1 =	sshll.u32 s1, $0x11  }
0xbf: {  	s0 =	sor.u32 s1, s0  }
0xc0: {  	s0 =	sadd.s32 $0x8F2B, s0  }
0xc1: {  	[sflag:s0] =	ssyncadd.remote.s32 $0x1  }
0xc2: {  	_ =	sfence.sel $0xFFFF  }
0xc3: {  	[dreg:$0x0] =	wrdreg $0xFFFFFFFF;
	(pc) =	sbr.abs _section_cstart, $3  }
0xc4: {  	[dreg:$0x1] =	wrdreg $0xFFFFFFFF  }
0xc5: {  	_ =	task.clear_ibuf [dreg:s8], $0x2FFFF;
	_ =	strace $0x9FFFFFFF  }
0xc6: {  	(tm) =	ssettm $0x7FFFFFFF  }
0xc7: {  	_ =	shalt  }
tec
execute0_lowered:
.L_overlay_start_1:
0x0: {  	(tag) =	ssettag $0x1  }
0x1: {  	s1 =	rddreg [dreg:$0x0]  }
0x2: {  	s0 =	srdreg.scid;
	s9 =	rddreg [dreg:$0x1]  }
0x3: {  	s23 =	stileid.u32;
	s2 =	rddreg [dreg:$0x2]  }
0x4: {  	s3 =	simm.s32 $0x0;
	s28 =	simm.s32 $0x80;
	s29 =	simm.s32 $0x2A00  }
0x5: {  	s30 =	simm.s32 $0x1;
	s31 =	simm.s32 $0x3;
	s4 =	smul.u32 $0x2800, s23  }
0x6: {  	s14 =	sand.u32 $0x1, s0;
	[smem:$0x7FF] =	sst s3;
	s11 =	smul.u32 $0x13800, s23  }
0x7: {  	s15 =	sadd.s32 $0x6F200, s9;
	p0 =	sne.s32 s23, $0xF;
	s0 =	smul.u32 $0x28000, s14  }
0x8: {  	s5 =	ssub.s32 $0x2, s14;
	s17 =	smul.u32 $0x138800, s14;
	s14 =	sshll.u32 s14, $0x4  }
0x9: {  	s24 =	sshrl.u32 s5, $0x1;
	s4 =	sadd.s32 s4, s0;
	s0 =	smul.u32 $0x270, s23  }
0xa: {  	s20 =	ssub.s32 s5, s24;
	s11 =	sadd.s32 s11, s17;
	s16 =	sshrl.u32 s4, $0x3  }
0xb: {  	s11 =	sshrl.u32 s11, $0x3;
	s12 =	sadd.s32 $0x50, s0;
	s10 =	sadd.s32 $0xA0, s0  }
0xc: {  	s8 =	sadd.s32 $0xF0, s0;
	s7 =	sadd.s32 $0x140, s0;
	s6 =	sadd.s32 $0x190, s0  }
0xd: {  	s5 =	sadd.s32 $0x1E0, s0;
	s4 =	sadd.s32 $0x220, s0;
	s11 =	sadd.s32 s15, s11  }
0xe: {  	s13 =	sshll.u32 s12, $0x7;
	s18 =	sshll.u32 s10, $0x7;
	[dreg:$0x6] =	wrdreg s11  }
0xf: {  	v45 =	vlaneseq.u32;
	s19 =	sshll.u32 s8, $0x7;
	s22 =	sshll.u32 s7, $0x7;
	s24 =	sshll.u32 s6, $0x7  }
0x10: {  	v50 =	vor.u32 s12, v45;
	v0 =	vor.u32 s8, v45;
	v19 =	vor.u32 s7, v45;
	s7 =	sadd.s32 $0x1C0, s0;
	s8 =	sadd.s32 $0x1D0, s0;
	s12 =	sadd.s32 $0x1F0, s0  }
0x11: {  	v55 =	vor.u32 s10, v45;
	v24 =	vor.u32 s6, v45;
	s10 =	simm.s32 $0x2;
	s6 =	simm.s32 $0x0;
	s13 =	sadd.s32 s17, s13  }
0x12: {  	s26 =	sadd.s32 s17, s18;
	s21 =	sadd.s32 s17, s19;
	s25 =	sshrl.u32 s13, $0x3  }
0x13: {  	s18 =	sshrl.u32 s26, $0x3;
	s13 =	sadd.s32 s17, s22;
	s26 =	sadd.s32 s17, s24  }
0x14: {  	s11 =	sadd.s32 s15, s25;
	s25 =	sshrl.u32 s13, $0x3;
	s13 =	sshrl.u32 s26, $0x3  }
0x15: {  	[dreg:$0x7] =	wrdreg s11;
	s11 =	sadd.s32 s15, s18;
	s18 =	sshll.u32 s5, $0x7  }
0x16: {  	v30 =	vor.u32 s5, v45;
	s5 =	simm.s32 $0x5;
	[dreg:$0x8] =	wrdreg s11;
	s11 =	sshrl.u32 s21, $0x3  }
0x17: {  	s19 =	sadd.s32 s17, s18;
	s21 =	sshll.u32 s4, $0x7;
	s11 =	sadd.s32 s15, s11  }
0x18: {  	v34 =	vor.u32 s4, v45;
	s4 =	simm.s32 $0x4;
	s22 =	sshrl.u32 s19, $0x3;
	[dreg:$0x9] =	wrdreg s11  }
0x19: {  	s11 =	sadd.s32 s15, s25;
	s18 =	sadd.s32 s15, s22;
	s22 =	sadd.s32 s16, s9  }
0x1a: {  	s16 =	sadd.s32 $0x3E000, s9;
	s25 =	sor.u32 s23, s14;
	[dreg:$0xa] =	wrdreg s11  }
0x1b: {  	s11 =	sadd.s32 s15, s13;
	s13 =	sadd.s32 s17, s21;
	[dreg:$0xc] =	wrdreg s18  }
0x1c: {  	s17 =	sshrl.u32 s17, $0x3;
	s19 =	smul.u32 $0x2710, s25;
	[dreg:$0xb] =	wrdreg s11  }
0x1d: {  	s26 =	sadd.s32 $0x65200, s22;
	s22 =	sadd.s32 $0x10, s0;
	s11 =	rddreg [dreg:$0x3]  }
0x1e: {  	s25 =	sadd.s32 $0x30, s0;
	s24 =	sshrl.u32 s13, $0x3;
	s13 =	rddreg [dreg:$0x4]  }
0x1f: {  	s21 =	sadd.s32 s15, s17;
	s17 =	sadd.s32 $0xD000, s9;
	v46 =	vor.u32 s22, v45;
	s22 =	sadd.s32 $0x60, s0  }
0x20: {  	v48 =	vor.u32 s25, v45;
	s25 =	sadd.s32 $0x80, s0;
	s18 =	sadd.s32 s15, s24;
	s15 =	sadd.s32 $0x16E00, s9  }
0x21: {  	s14 =	sadd.s32 $0x26C00, s21;
	s21 =	smax.u32 s20, $0x1;
	s24 =	sadd.s32 $0x20, s0  }
0x22: {  	v51 =	vor.u32 s22, v45;
	s20 =	sadd.s32 $0xB0, s0;
	v53 =	vor.u32 s25, v45;
	s22 =	sadd.s32 $0xD0, s0;
	s25 =	sadd.s32 $0x100, s0  }
0x23: {  	v44 =	vimm.f32 $0.0e+00;
	v27 =	vor.u32 s0, v45;
	[dreg:$0xd] =	wrdreg s18;
	s18 =	sadd.s32 $0x3200, s9;
	s9 =	smul.u32 $0x50, s23  }
0x24: {  	v47 =	vor.u32 s24, v45;
	s24 =	sadd.s32 $0x70, s0;
	v56 =	vor.u32 s20, v45;
	v58 =	vor.u32 s22, v45;
	s20 =	sadd.s32 $0x120, s0;
	s22 =	sadd.s32 $0x150, s0  }
0x25: {  	v28 =	vor.u32 s7, v45;
	v29 =	vor.u32 s8, v45;
	v63 =	vor.u32 s25, v45;
	s25 =	sadd.s32 $0x170, s0;
	_ =	strace $0x80000047;
	[dreg:$0xe] =	wrdreg s26  }
0x26: {  	v31 =	vor.u32 s12, v45;
	s23 =	simm.s32 $0x50;
	[dreg:$0xf] =	wrdreg s14;
	s26 =	sadd.s32 $0x40, s0;
	v52 =	vor.u32 s24, v45;
	v17 =	vor.u32 s20, v45  }
0x27: {  	s14 =	sadd.s32 $0x90, s0;
	s24 =	sadd.s32 $0xE0, s0;
	s20 =	sadd.s32 $0x1A0, s0;
	v20 =	vor.u32 s22, v45;
	v22 =	vor.u32 s25, v45;
	v49 =	vor.u32 s26, v45  }
0x28: {  	[dreg:$0x10] =	wrdreg s21;
	s22 =	sadd.s32 $0x200, s0;
	s25 =	sadd.s32 $0x230, s0;
	v54 =	vor.u32 s14, v45;
	v59 =	vor.u32 s24, v45;
	v25 =	vor.u32 s20, v45  }
0x29: {  	s26 =	sadd.s32 $0xC0, s0;
	s14 =	sadd.s32 $0x110, s0;
	s24 =	sadd.s32 $0x160, s0;
	v32 =	vor.u32 s22, v45;
	v35 =	vor.u32 s25, v45;
	v39 =	vor.u32 s9, v45  }
0x2a: {  	s20 =	sadd.s32 $0x250, s0;
	s7 =	sadd.s32 $0x10, s9;
	s8 =	sadd.s32 $0x20, s9;
	v57 =	vor.u32 s26, v45;
	v16 =	vor.u32 s14, v45;
	v21 =	vor.u32 s24, v45  }
0x2b: {  	s12 =	sadd.s32 $0x30, s9;
	s22 =	sadd.s32 $0x40, s9;
	s26 =	sadd.s32 $0x130, s0;
	v37 =	vor.u32 s20, v45;
	v40 =	vor.u32 s7, v45;
	v41 =	vor.u32 s8, v45  }
0x2c: {  	s14 =	sadd.s32 $0x180, s0;
	s24 =	sadd.s32 $0x210, s0;
	v42 =	vor.u32 s12, v45;
	v43 =	vor.u32 s22, v45;
	v18 =	vor.u32 s26, v45;
	s26 =	sadd.s32 $0x1B0, s0  }
0x2d: {  	[tilespmem:$0x1FFE0] =	vst v0;
	s25 =	simm.s32 $0x200;
	v23 =	vor.u32 s14, v45;
	v33 =	vor.u32 s24, v45;
	v26 =	vor.u32 s26, v45;
	s26 =	sadd.s32 $0x240, s0;
	s0 =	sadd.s32 $0x260, s0  }
0x2e: {  	[tilespmem:$0x1FFF0] =	vst v63;
	s24 =	simm.s32 $0x100;
	v36 =	vor.u32 s26, v45;
	s26 =	simm.s32 $0x6;
	v38 =	vor.u32 s0, v45;
	s0 =	simm.s32 $0x5200;
	v45 =	vmul.u32 $0x80, v45  }
.LBB2_1:
0x2f: {  	s7 =	simm.s32 $0x0;
	s8 =	simm.s32 $0x200  }
.LBB2_2:
0x30: {  	p1 =	sne.s32 s8, $0x9E00;
	[tilespmem:s7+$0x270] =	vst v44  }
0x31: {  	[tilespmem:s7+$0x200] =	vst v44  }
0x32: {  	[tilespmem:s7+$0x210] =	vst v44  }
.Ltmp0:
0x33: {  	[tilespmem:s7+$0x220] =	vst v44;
	(pc) =	sbr.rel @p1 .LBB2_2-.Ltmp0, $4  }
0x34: {  	[tilespmem:s7+$0x230] =	vst v44  }
0x35: {  	[tilespmem:s7+$0x240] =	vst v44  }
0x36: {  	[tilespmem:s7+$0x250] =	vst v44  }
0x37: {  	[tilespmem:s7+$0x260] =	vst v44;
	s7 =	sshra.s32 s8, $0x2;
	s8 =	sadd.s32 $0x200, s8  }
0x38: {  	[tilespmem:s7+$0x270] =	vst v44  }
0x39: {  	[tilespmem:s7+$0x200] =	vst v44  }
0x3a: {  	[tilespmem:s7+$0x210] =	vst v44  }
0x3b: {  	[tilespmem:s7+$0x220] =	vst v44  }
0x3c: {  	[tilespmem:s7+$0x230] =	vst v44  }
0x3d: {  	[tilespmem:s7+$0x240] =	vst v44  }
0x3e: {  	[tilespmem:s7+$0x250] =	vst v44  }
0x3f: {  	[tilespmem:s7+$0x260] =	vst v44  }
0x40: {  	[tilespmem:$0x100] =	vst v27  }
0x41: {  	[tilespmem:$0x110] =	vst v46  }
0x42: {  	[tilespmem:$0x120] =	vst v47  }
0x43: {  	[tilespmem:$0x130] =	vst v48  }
0x44: {  	[tilespmem:$0x140] =	vst v49  }
0x45: {  	[spmem:s11] =	stream.indirect.scatter [tilespmem:s25], [sflag:$0x6], $0x80, s24, s23, $0xb8;
	[tilespmem:$0x1DA80] =	vst v63  }
0x46: {  	_ =	swait.ge [sflag:s26], $0x2800  }
0x47: {  	[sflag:s26] =	ssyncset.done $0x0  }
0x48: {  	[sflag:s26] =	ssyncadd.s32 $0xFFFFD800  }
0x49: {  	[tilespmem:$0x100] =	vst v50  }
0x4a: {  	[tilespmem:$0x110] =	vst v51  }
0x4b: {  	[tilespmem:$0x120] =	vst v52  }
0x4c: {  	[tilespmem:$0x130] =	vst v53  }
0x4d: {  	[tilespmem:$0x140] =	vst v54  }
0x4e: {  	[spmem:s11] =	stream.indirect.scatter [tilespmem:s25], [sflag:$0x6], $0x80, s24, s23, $0xb8;
	[tilespmem:$0x1DA80] =	vst v63  }
0x4f: {  	_ =	swait.ge [sflag:s26], $0x2800  }
0x50: {  	[sflag:s26] =	ssyncset.done $0x0  }
0x51: {  	[sflag:s26] =	ssyncadd.s32 $0xFFFFD800  }
0x52: {  	[tilespmem:$0x100] =	vst v55  }
0x53: {  	[tilespmem:$0x110] =	vst v56  }
0x54: {  	[tilespmem:$0x120] =	vst v57  }
0x55: {  	[tilespmem:$0x130] =	vst v58  }
0x56: {  	[tilespmem:$0x140] =	vst v59  }
0x57: {  	[spmem:s11] =	stream.indirect.scatter [tilespmem:s25], [sflag:$0x6], $0x80, s24, s23, $0xb8;
	[tilespmem:$0x1DA80] =	vst v63  }
0x58: {  	_ =	swait.ge [sflag:s26], $0x2800  }
0x59: {  	v0 =	vld [tilespmem:$0x1FFE0];
	_ =	sdelay $0x2  }
0x5a: {  	[sflag:s26] =	ssyncset.done $0x0  }
0x5b: {  	[sflag:s26] =	ssyncadd.s32 $0xFFFFD800  }
0x5c: {  	[tilespmem:$0x100] =	vst v0;
	v0 =	vld [tilespmem:$0x1FFF0];
	_ =	sdelay $0x1  }
0x5d: {  	[tilespmem:$0x120] =	vst v16  }
0x5e: {  	[tilespmem:$0x130] =	vst v17  }
0x5f: {  	[tilespmem:$0x140] =	vst v18  }
0x60: {  	[tilespmem:$0x110] =	vst v0  }
0x61: {  	[spmem:s11] =	stream.indirect.scatter [tilespmem:s25], [sflag:$0x6], $0x80, s24, s23, $0xb8;
	[tilespmem:$0x1DA80] =	vst v63  }
0x62: {  	_ =	swait.ge [sflag:s26], $0x2800  }
0x63: {  	[sflag:s26] =	ssyncset.done $0x0  }
0x64: {  	[sflag:s26] =	ssyncadd.s32 $0xFFFFD800  }
0x65: {  	[tilespmem:$0x100] =	vst v19  }
0x66: {  	[tilespmem:$0x110] =	vst v20  }
0x67: {  	[tilespmem:$0x120] =	vst v21  }
0x68: {  	[tilespmem:$0x130] =	vst v22  }
0x69: {  	[tilespmem:$0x140] =	vst v23  }
0x6a: {  	[spmem:s11] =	stream.indirect.scatter [tilespmem:s25], [sflag:$0x6], $0x80, s24, s23, $0xb8;
	[tilespmem:$0x1DA80] =	vst v63  }
0x6b: {  	_ =	swait.ge [sflag:s26], $0x2800  }
0x6c: {  	[sflag:s26] =	ssyncset.done $0x0  }
0x6d: {  	[sflag:s26] =	ssyncadd.s32 $0xFFFFD800  }
0x6e: {  	[tilespmem:$0x100] =	vst v24  }
0x6f: {  	[tilespmem:$0x110] =	vst v25  }
0x70: {  	[tilespmem:$0x120] =	vst v26  }
0x71: {  	[tilespmem:$0x130] =	vst v28  }
0x72: {  	[tilespmem:$0x140] =	vst v29  }
0x73: {  	[spmem:s11] =	stream.indirect.scatter [tilespmem:s25], [sflag:$0x6], $0x80, s24, s23, $0xb8;
	[tilespmem:$0x1DA80] =	vst v63  }
0x74: {  	_ =	swait.ge [sflag:s26], $0x2800  }
0x75: {  	[sflag:s26] =	ssyncset.done $0x0  }
0x76: {  	[sflag:s26] =	ssyncadd.s32 $0xFFFFD800  }
0x77: {  	[tilespmem:$0x100] =	vst v30  }
0x78: {  	[tilespmem:$0x110] =	vst v31  }
0x79: {  	[tilespmem:$0x120] =	vst v32  }
0x7a: {  	[tilespmem:$0x130] =	vst v33  }
0x7b: {  	[tilespmem:$0x140] =	vst v34  }
0x7c: {  	[spmem:s11] =	stream.indirect.scatter [tilespmem:s25], [sflag:$0x6], $0x80, s24, s23, $0xb8;
	[tilespmem:$0x1DA80] =	vst v63  }
0x7d: {  	_ =	swait.ge [sflag:s26], $0x2800  }
0x7e: {  	[sflag:s26] =	ssyncset.done $0x0  }
0x7f: {  	[sflag:s26] =	ssyncadd.s32 $0xFFFFD800  }
0x80: {  	[tilespmem:$0x100] =	vst v34  }
0x81: {  	[tilespmem:$0x110] =	vst v35  }
0x82: {  	[tilespmem:$0x120] =	vst v36  }
0x83: {  	[tilespmem:$0x130] =	vst v37  }
0x84: {  	[tilespmem:$0x140] =	vst v38  }
0x85: {  	[spmem:s11] =	stream.indirect.scatter [tilespmem:s25], [sflag:$0x6], $0x80, s24, s23, $0xb8;
	[tilespmem:$0x1DA80] =	vst v63  }
0x86: {  	_ =	swait.ge [sflag:s26], $0x2800  }
0x87: {  	[sflag:s26] =	ssyncset.done $0x0  }
0x88: {  	[sflag:s26] =	ssyncadd.s32 $0xFFFFD800  }
0x89: {  	[tilespmem:$0x100] =	vst v39  }
0x8a: {  	[tilespmem:$0x110] =	vst v40  }
0x8b: {  	[tilespmem:$0x120] =	vst v41  }
0x8c: {  	[tilespmem:$0x130] =	vst v42  }
0x8d: {  	[tilespmem:$0x140] =	vst v43  }
0x8e: {  	[spmem:s13] =	stream.indirect.scatter [tilespmem:s25], [sflag:$0x6], $0x80, s24, s23, $0xb8;
	[tilespmem:$0x1DA80] =	vst v63  }
0x8f: {  	_ =	swait.ge [sflag:s26], $0x2800  }
0x90: {  	v2 =	vmov v46;
	v46 =	vlaneseq.u32 @!p0;
	[sflag:s26] =	ssyncset.done $0x0  }
0x91: {  	v3 =	vmov v47;
	v47 =	vor.u32 @!p0 $0x26C0, v46;
	[sflag:s26] =	ssyncadd.s32 $0xFFFFD800  }
0x92: {  	[tilespmem:$0x100] =	vst @!p0 v47;
	v47 =	vor.u32 @!p0 $0x26D0, v46  }
0x93: {  	[tilespmem:$0x110] =	vst @!p0 v47;
	v47 =	vor.u32 @!p0 $0x26E0, v46  }
0x94: {  	[tilespmem:$0x120] =	vst @!p0 v47;
	v47 =	vor.u32 @!p0 $0x26F0, v46  }
0x95: {  	v46 =	vor.u32 @!p0 $0x2700, v46;
	[tilespmem:$0x130] =	vst @!p0 v47  }
0x96: {  	s7 =	simm.s32 @!p0 $0x50;
	s8 =	simm.s32 @!p0 $0x100;
	s9 =	simm.s32 @!p0 $0x200;
	[tilespmem:$0x140] =	vst @!p0 v46  }
0x97: {  	[spmem:s11] =	stream.indirect.scatter @!p0 [tilespmem:s9], [sflag:$0x6], $0x80, s8, s7, $0xb8;
	[tilespmem:$0x1DA80] =	vst v63  }
0x98: {  	s7 =	simm.s32 @!p0 $0x6  }
0x99: {  	_ =	swait.ge @!p0 [sflag:s7], $0x2800  }
0x9a: {  	v4 =	vmov v48;
	v5 =	vmov v49;
	[sflag:s7] =	ssyncset.done @!p0 $0x0  }
0x9b: {  	v6 =	vmovc v50;
	v7 =	vmovc v51;
	v8 =	vmov v52;
	v9 =	vmov v53;
	v10 =	vmov v54;
	[sflag:s7] =	ssyncadd.s32 @!p0 $0xFFFFD800  }
0x9c: {  	v11 =	vmovc v55;
	v12 =	vmovc v56;
	v13 =	vmov v57;
	v14 =	vmov v58;
	v15 =	vmov v59;
	s8 =	simm.s32 $0x0;
	s7 =	simm.s32 $0x0;
	[bflag:$0x0] =	sbarrier.arrive $0xFFFF  }
.LBB2_4:
0x9d: {  	s9 =	smul.u32 $0x50, s8;
	_ =	sdelay $0x1  }
0x9e: {  	s9 =	sadd.s32 s19, s9  }
0x9f: {  	s12 =	sshrl.u32 s9, $0x3  }
0xa0: {  	s14 =	sadd.s32 s17, s12  }
0xa1: {  	[tilespmem:s3], [sflag:$0x1] =	stream.linear.gather [hbm4b:s14+s3], $0x50, $0x38;
	[tilespmem:$0x1DA80] =	vst v63  }
0xa2: {  	s9 =	sshll.u32 s9, $0x4;
	s12 =	sadd.s32 s18, s12  }
0xa3: {  	[tilespmem:s28], [sflag:$0x2] =	stream.linear.gather [hbm4b:s12+s3], $0x50, $0x38;
	[tilespmem:$0x1DA80] =	vst v63  }
0xa4: {  	p1 =	seq.s32 s8, $0x0;
	s9 =	sadd.s32 s2, s9  }
0xa5: {  	[tilespmem:s29], [sflag:$0x3] =	stream.linear.gather [hbm4b:s9+s3], $0x2800, $0x38;
	[tilespmem:$0x1DA80] =	vst v63  }
0xa6: {  	s9 =	simm.s32 @!p1 $0x4  }
0xa7: {  	_ =	swait.ge @!p1 [sflag:s9], $0x2800  }
0xa8: {  	[sflag:s9] =	ssyncset.done @!p1 $0x0  }
0xa9: {  	[sflag:s9] =	ssyncadd.s32 @!p1 $0xFFFFD800;
	s9 =	simm.s32 @!p1 $0x5  }
0xaa: {  	_ =	swait.ge @!p1 [sflag:s9], $0x2800  }
0xab: {  	[sflag:s9] =	ssyncset.done @!p1 $0x0  }
0xac: {  	[sflag:s9] =	ssyncadd.s32 @!p1 $0xFFFFD800  }
0xad: {  	_ =	swait.ge [sflag:s30], $0x50  }
0xae: {  	[sflag:s30] =	ssyncset.done $0x0  }
0xaf: {  	[sflag:s30] =	ssyncadd.s32 $0xFFFFFFB0  }
0xb0: {  	[tilespmem:s25], [sflag:$0x1] =	stream.indirect.gather [hbm4b:s15+s23], $0x80, s7, s23, $0xb8;
	[tilespmem:$0x1DA80] =	vst v63  }
0xb1: {  	_ =	swait.ge [sflag:s31], $0x2800  }
0xb2: {  	[sflag:s31] =	ssyncset.done $0x0  }
0xb3: {  	[sflag:s31] =	ssyncadd.s32 $0xFFFFD800  }
0xb4: {  	_ =	swait.ge [sflag:s30], $0x2800  }
0xb5: {  	[sflag:s30] =	ssyncset.done $0x0  }
0xb6: {  	s9 =	simm.s32 $0x0;
	[sflag:s30] =	ssyncadd.s32 $0xFFFFD800  }
0xb7: {  	v53 =	vld [tilespmem:s9+$0x200]  }
0xb8: {  	v57 =	vld [tilespmem:s9+$0x210]  }
0xb9: {  	v51 =	vld [tilespmem:s9+$0x220]  }
0xba: {  	v50 =	vld [tilespmem:s9+$0x230]  }
0xbb: {  	v49 =	vld [tilespmem:s9+$0x240]  }
0xbc: {  	v48 =	vld [tilespmem:s9+$0x250]  }
0xbd: {  	v47 =	vld [tilespmem:s9+$0x260]  }
0xbe: {  	v46 =	vld [tilespmem:s9+$0x270]  }
0xbf: {  	v58 =	vld [tilespmem:s9+$0x2A00]  }
0xc0: {  	v59 =	vld [tilespmem:s9+$0x2A10]  }
0xc1: {  	v56 =	vld [tilespmem:s9+$0x2A20]  }
0xc2: {  	v55 =	vld [tilespmem:s9+$0x2A30]  }
0xc3: {  	v54 =	vld [tilespmem:s9+$0x2A40]  }
0xc4: {  	v52 =	vld [tilespmem:s9+$0x2A50];
	v58 =	vadd.f32 v53, v58  }
0xc5: {  	s12 =	simm.s32 $0x200;
	v57 =	vadd.f32 v57, v59;
	v53 =	vld [tilespmem:s9+$0x2A60]  }
.LBB2_5:
0xc6: {  	s14 =	sshra.s32 s12, $0x2;
	p1 =	sne.s32 s12, $0x9E00;
	[tilespmem:s9+$0x2A00] =	vst v58;
	v51 =	vadd.f32 v51, v56;
	v56 =	vld [tilespmem:s9+$0x2A70]  }
0xc7: {  	v58 =	vld [tilespmem:s14+$0x200];
	[tilespmem:s9+$0x2A10] =	vst v57;
	v50 =	vadd.f32 v50, v55  }
0xc8: {  	v57 =	vld [tilespmem:s14+$0x210];
	[tilespmem:s9+$0x2A20] =	vst v51;
	v49 =	vadd.f32 v49, v54  }
0xc9: {  	v51 =	vld [tilespmem:s14+$0x220];
	[tilespmem:s9+$0x2A30] =	vst v50;
	v48 =	vadd.f32 v48, v52  }
0xca: {  	v50 =	vld [tilespmem:s14+$0x230];
	[tilespmem:s9+$0x2A40] =	vst v49;
	v47 =	vadd.f32 v47, v53  }
0xcb: {  	v49 =	vld [tilespmem:s14+$0x240];
	[tilespmem:s9+$0x2A50] =	vst v48;
	v46 =	vadd.f32 v46, v56  }
0xcc: {  	v48 =	vld [tilespmem:s14+$0x250];
	[tilespmem:s9+$0x2A60] =	vst v47  }
0xcd: {  	v47 =	vld [tilespmem:s14+$0x260];
	[tilespmem:s9+$0x2A70] =	vst v46;
	s9 =	smov.u32 s14  }
0xce: {  	v46 =	vld [tilespmem:s9+$0x270]  }
0xcf: {  	v52 =	vld [tilespmem:s9+$0x2A00]  }
0xd0: {  	v53 =	vld [tilespmem:s9+$0x2A10]  }
.Ltmp1:
0xd1: {  	v56 =	vld [tilespmem:s9+$0x2A20];
	(pc) =	sbr.rel @p1 .LBB2_5-.Ltmp1, $4  }
0xd2: {  	v55 =	vld [tilespmem:s9+$0x2A30]  }
0xd3: {  	v54 =	vld [tilespmem:s9+$0x2A40]  }
0xd4: {  	v58 =	vadd.f32 v58, v52;
	v52 =	vld [tilespmem:s9+$0x2A50]  }
0xd5: {  	s12 =	sadd.s32 $0x200, s12;
	v57 =	vadd.f32 v57, v53;
	v53 =	vld [tilespmem:s9+$0x2A60]  }
0xd6: {  	[tilespmem:s9+$0x2A00] =	vst v58;
	v51 =	vadd.f32 v51, v56;
	v63 =	vld [tilespmem:s9+$0x2A70]  }
0xd7: {  	[tilespmem:s9+$0x2A10] =	vst v57;
	v50 =	vadd.f32 v50, v55  }
0xd8: {  	[tilespmem:s9+$0x2A20] =	vst v51;
	v49 =	vadd.f32 v49, v54  }
0xd9: {  	[tilespmem:s9+$0x2A30] =	vst v50;
	v48 =	vadd.f32 v48, v52  }
0xda: {  	[tilespmem:s9+$0x2A40] =	vst v49;
	v47 =	vadd.f32 v47, v53  }
0xdb: {  	[tilespmem:s9+$0x2A50] =	vst v48;
	v46 =	vadd.f32 v46, v63  }
0xdc: {  	[tilespmem:s9+$0x2A60] =	vst v47  }
0xdd: {  	[tilespmem:s9+$0x2A70] =	vst v46  }
0xde: {  	_ =	swait.ge [sflag:s10], $0x50  }
0xdf: {  	[sflag:s10] =	ssyncset.done $0x0  }
0xe0: {  	[sflag:s10] =	ssyncadd.s32 $0xFFFFFFB0  }
0xe1: {  	[tilespmem:s25], [sflag:$0x6] =	stream.indirect.gather [hbm4b:s1+s23], $0x80, s28, s23, $0xb8;
	[tilespmem:$0x1DA80] =	vst v63  }
0xe2: {  	_ =	swait.ge [sflag:s26], $0x2800  }
0xe3: {  	[sflag:s26] =	ssyncset.done $0x0  }
0xe4: {  	s12 =	simm.s32 $0x0;
	s9 =	simm.s32 $0x0;
	[sflag:s26] =	ssyncadd.s32 $0xFFFFD800  }
.LBB2_7:
0xe5: {  	s14 =	sshll.u32 s12, $0x4;
	v46 =	vmov s9  }
0xe6: {  	s20 =	simm.s32 $0x1;
	v47 =	vmov s14;
	v46 =	vand.u32 $0x70, v46  }
0xe7: {  	v48 =	vmov s20;
	v47 =	vshll.u32 v47, $0x7;
	v49 =	vbroadcast v46, $0x0  }
0xe8: {  	s22 =	simm.s32 $0x2;
	v62 =	vand.u32 $0x71, v48;
	v46 =	vor.u32 v45, v47  }
0xe9: {  	v63 =	vmov s22;
	v47 =	vbroadcast v62, $0x0;
	v49 =	vor.u32 v46, v49  }
0xea: {  	s21 =	simm.s32 $0x3;
	v48 =	vand.u32 $0x72, v63  }
0xeb: {  	v50 =	vmov s21;
	v48 =	vbroadcast v48, $0x0;
	v47 =	vor.u32 v46, v47  }
0xec: {  	s22 =	simm.s32 $0x4;
	v50 =	vand.u32 $0x73, v50  }
0xed: {  	v51 =	vmov s22;
	v50 =	vbroadcast v50, $0x0;
	v48 =	vor.u32 v46, v48  }
0xee: {  	s21 =	simm.s32 $0x5;
	v51 =	vand.u32 $0x74, v51;
	v52 =	vld.idx.msk [tilespmem:v49+s25+$0x0], $0xffff  }
0xef: {  	v53 =	vmov s21;
	v51 =	vbroadcast v51, $0x0;
	v50 =	vor.u32 v46, v50;
	v49 =	vld.idx.msk [tilespmem:v49+s29+$0x0], $0xffff  }
0xf0: {  	s22 =	simm.s32 $0x6;
	v53 =	vand.u32 $0x75, v53;
	v55 =	vld.idx.msk [tilespmem:v47+s25+$0x0], $0xffff  }
0xf1: {  	s21 =	simm.s32 $0x7;
	v54 =	vmov s22;
	v53 =	vbroadcast v53, $0x0;
	v51 =	vor.u32 v46, v51;
	v47 =	vld.idx.msk [tilespmem:v47+s29+$0x0], $0xffff  }
0xf2: {  	v59 =	vimm.f32 $0.0e+00;
	v56 =	vmov s21;
	v54 =	vand.u32 $0x76, v54;
	v57 =	vld.idx.msk [tilespmem:v48+s25+$0x0], $0xffff  }
0xf3: {  	s22 =	simm.s32 $0x8;
	s21 =	simm.s32 $0x9;
	v56 =	vand.u32 $0x77, v56;
	v54 =	vbroadcast v54, $0x0;
	v53 =	vor.u32 v46, v53;
	v48 =	vld.idx.msk [tilespmem:v48+s29+$0x0], $0xffff  }
0xf4: {  	v58 =	vmov s22;
	v61 =	vmov s21;
	v56 =	vbroadcast v56, $0x0;
	v60 =	vld.idx.msk [tilespmem:v50+s25+$0x0], $0xffff  }
0xf5: {  	s22 =	simm.s32 $0xA;
	v58 =	vand.u32 $0x78, v58;
	v50 =	vld.idx.msk [tilespmem:v50+s29+$0x0], $0xffff;
	v49 =	vmul.f32 v49, v52;
	v52 =	vor.u32 v46, v54  }
0xf6: {  	v61 =	vand.u32 $0x79, v61;
	v62 =	vmov s22;
	v58 =	vbroadcast v58, $0x0;
	v54 =	vld.idx.msk [tilespmem:v51+s25+$0x0], $0xffff  }
0xf7: {  	v51 =	vld.idx.msk [tilespmem:v51+s29+$0x0], $0xffff;
	v47 =	vmul.f32 v47, v55;
	v55 =	vor.u32 v46, v56;
	v49 =	vadd.f32 v49, v59  }
0xf8: {  	s21 =	simm.s32 $0xB;
	v56 =	vld.idx.msk [tilespmem:v53+s25+$0x0], $0xffff;
	v48 =	vmul.f32 v48, v57;
	v59 =	vbroadcast v61, $0x0;
	v61 =	vand.u32 $0x7A, v62  }
0xf9: {  	s22 =	simm.s32 $0xC;
	v62 =	vmov s21;
	v47 =	vadd.f32 v47, v49;
	v49 =	vld.idx.msk [tilespmem:v53+s29+$0x0], $0xffff;
	v53 =	vor.u32 v46, v58  }
0xfa: {  	v58 =	vbroadcast v61, $0x0;
	v61 =	vand.u32 $0x7B, v62;
	v62 =	vmov s22;
	v57 =	vld.idx.msk [tilespmem:v52+s25+$0x0], $0xffff  }
0xfb: {  	s21 =	simm.s32 $0xD;
	v47 =	vadd.f32 v48, v47;
	v48 =	vmul.f32 v50, v60;
	v50 =	vld.idx.msk [tilespmem:v52+s29+$0x0], $0xffff;
	v52 =	vor.u32 v46, v59  }
0xfc: {  	v59 =	vld.idx.msk [tilespmem:v55+s25+$0x0], $0xffff;
	v60 =	vbroadcast v61, $0x0;
	v61 =	vand.u32 $0x7C, v62;
	v62 =	vmov s21  }
0xfd: {  	s22 =	simm.s32 $0xE;
	v47 =	vadd.f32 v48, v47;
	v48 =	vmul.f32 v51, v54;
	v54 =	vld.idx.msk [tilespmem:v55+s29+$0x0], $0xffff;
	v55 =	vor.u32 v46, v58  }
0xfe: {  	v61 =	vbroadcast v61, $0x0;
	v51 =	vand.u32 $0x7D, v62;
	v62 =	vmov s22;
	v58 =	vld.idx.msk [tilespmem:v53+s25+$0x0], $0xffff  }
0xff: {  	s21 =	simm.s32 $0xF;
	v60 =	vor.u32 v46, v60;
	v49 =	vmul.f32 v49, v56;
	v56 =	vld.idx.msk [tilespmem:v53+s29+$0x0], $0xffff;
	v48 =	vadd.f32 v48, v47  }
0x100: {  	v63 =	vmov s21;
	v53 =	vbroadcast v51, $0x0;
	v62 =	vand.u32 $0x7E, v62;
	v47 =	vld.idx.msk [tilespmem:v52+s25+$0x0], $0xffff  }
0x101: {  	s20 =	simm.s32 $0x10;
	v50 =	vmul.f32 v50, v57;
	v51 =	vld.idx.msk [tilespmem:v52+s29+$0x0], $0xffff;
	v52 =	vor.u32 v46, v61;
	v49 =	vadd.f32 v49, v48  }
0x102: {  	v0 =	vbroadcast v62, $0x0;
	v57 =	vmov s20;
	v61 =	vand.u32 $0x7F, v63;
	v48 =	vld.idx.msk [tilespmem:v55+s25+$0x0], $0xffff  }
0x103: {  	s21 =	simm.s32 $0x11;
	v53 =	vor.u32 v46, v53;
	v54 =	vmul.f32 v54, v59;
	v55 =	vld.idx.msk [tilespmem:v55+s29+$0x0], $0xffff;
	v50 =	vadd.f32 v50, v49  }
0x104: {  	v63 =	vmov s21;
	v59 =	vand.u32 $0x70, v57;
	v57 =	vbroadcast v61, $0x0;
	v49 =	vld.idx.msk [tilespmem:v60+s25+$0x0], $0xffff  }
0x105: {  	s22 =	simm.s32 $0x12;
	v62 =	vmul.f32 v56, v58;
	v56 =	vld.idx.msk [tilespmem:v60+s29+$0x0], $0xffff;
	v61 =	vadd.f32 v54, v50;
	v54 =	vor.u32 v46, v0  }
0x106: {  	s21 =	simm.s32 $0x20;
	v58 =	vbroadcast v59, $0x0;
	v60 =	vand.u32 $0x71, v63;
	v59 =	vmov s22;
	v50 =	vld.idx.msk [tilespmem:v52+s25+$0x0], $0xffff  }
.LBB2_8:
0x107: {  	p1 =	slt.u32 s21, $0x70;
	s22 =	sadd.s32 $0x3, s20;
	v0 =	vadd.f32 v62, v61;
	v47 =	vmul.f32 v51, v47;
	v51 =	vld.idx.msk [tilespmem:v52+s29+$0x0], $0xffff;
	v52 =	vor.u32 v46, v57  }
0x108: {  	v57 =	vbroadcast v60, $0x0;
	v59 =	vand.u32 $0x72, v59;
	v60 =	vmov s22;
	v61 =	vld.idx.msk [tilespmem:v53+s25+$0x0], $0xffff  }
0x109: {  	v58 =	vor.u32 v46, v58;
	s22 =	sadd.s32 $0x4, s20;
	v0 =	vadd.f32 v47, v0;
	v47 =	vmul.f32 v55, v48;
	v48 =	vld.idx.msk [tilespmem:v53+s29+$0x0], $0xffff  }
0x10a: {  	v53 =	vbroadcast v59, $0x0;
	v55 =	vand.u32 $0x73, v60;
	v59 =	vmov s22;
	v60 =	vld.idx.msk [tilespmem:v54+s25+$0x0], $0xffff  }
0x10b: {  	v57 =	vor.u32 v46, v57;
	s22 =	sadd.s32 $0x5, s20;
	v0 =	vadd.f32 v47, v0;
	v47 =	vmul.f32 v56, v49;
	v49 =	vld.idx.msk [tilespmem:v54+s29+$0x0], $0xffff  }
0x10c: {  	v54 =	vbroadcast v55, $0x0;
	v55 =	vand.u32 $0x74, v59;
	v56 =	vmov s22;
	v59 =	vld.idx.msk [tilespmem:v52+s25+$0x0], $0xffff  }
0x10d: {  	v53 =	vor.u32 v46, v53;
	s22 =	sadd.s32 $0x6, s20;
	v0 =	vadd.f32 v47, v0;
	v47 =	vmul.f32 v51, v50;
	v50 =	vld.idx.msk [tilespmem:v52+s29+$0x0], $0xffff  }
0x10e: {  	v52 =	vbroadcast v55, $0x0;
	v55 =	vand.u32 $0x75, v56;
	v56 =	vmov s22;
	v51 =	vld.idx.msk [tilespmem:v58+s25+$0x0], $0xffff  }
0x10f: {  	v54 =	vor.u32 v46, v54;
	s22 =	sadd.s32 $0x7, s20;
	v58 =	vld.idx.msk [tilespmem:v58+s29+$0x0], $0xffff;
	v0 =	vadd.f32 v47, v0;
	v47 =	vmul.f32 v48, v61  }
0x110: {  	v55 =	vbroadcast v55, $0x0;
	v56 =	vand.u32 $0x76, v56;
	v61 =	vmov s22;
	v48 =	vld.idx.msk [tilespmem:v57+s25+$0x0], $0xffff  }
0x111: {  	v52 =	vor.u32 v46, v52;
	s22 =	sadd.s32 $0x8, s20;
	v57 =	vld.idx.msk [tilespmem:v57+s29+$0x0], $0xffff;
	v0 =	vadd.f32 v47, v0;
	v47 =	vmul.f32 v49, v60  }
0x112: {  	v56 =	vbroadcast v56, $0x0;
	v60 =	vand.u32 $0x77, v61;
	v61 =	vmov s22;
	v49 =	vld.idx.msk [tilespmem:v53+s25+$0x0], $0xffff  }
0x113: {  	v55 =	vor.u32 v46, v55;
	s22 =	sadd.s32 $0x9, s20;
	v53 =	vld.idx.msk [tilespmem:v53+s29+$0x0], $0xffff;
	v0 =	vadd.f32 v47, v0;
	v47 =	vmul.f32 v50, v59  }
0x114: {  	v59 =	vbroadcast v60, $0x0;
	v60 =	vand.u32 $0x78, v61;
	v61 =	vmov s22;
	v50 =	vld.idx.msk [tilespmem:v54+s25+$0x0], $0xffff  }
0x115: {  	v56 =	vor.u32 v46, v56;
	s22 =	sadd.s32 $0xA, s20;
	v51 =	vmul.f32 v58, v51;
	v54 =	vld.idx.msk [tilespmem:v54+s29+$0x0], $0xffff;
	v0 =	vadd.f32 v47, v0  }
0x116: {  	v58 =	vbroadcast v60, $0x0;
	v60 =	vand.u32 $0x79, v61;
	v61 =	vmov s22;
	v47 =	vld.idx.msk [tilespmem:v52+s25+$0x0], $0xffff  }
0x117: {  	s22 =	sadd.s32 $0xB, s20;
	v48 =	vmul.f32 v57, v48;
	v0 =	vadd.f32 v51, v0;
	v51 =	vld.idx.msk [tilespmem:v52+s29+$0x0], $0xffff;
	v52 =	vor.u32 v46, v59  }
0x118: {  	v59 =	vbroadcast v60, $0x0;
	v60 =	vand.u32 $0x7A, v61;
	v61 =	vmov s22;
	v57 =	vld.idx.msk [tilespmem:v55+s25+$0x0], $0xffff  }
0x119: {  	s22 =	sadd.s32 $0xC, s20;
	v0 =	vadd.f32 v48, v0;
	v48 =	vmul.f32 v53, v49;
	v49 =	vld.idx.msk [tilespmem:v55+s29+$0x0], $0xffff;
	v53 =	vor.u32 v46, v58  }
0x11a: {  	v58 =	vbroadcast v60, $0x0;
	v60 =	vand.u32 $0x7B, v61;
	v61 =	vmov s22;
	v55 =	vld.idx.msk [tilespmem:v56+s25+$0x0], $0xffff  }
0x11b: {  	s22 =	sadd.s32 $0xD, s20;
	v0 =	vadd.f32 v48, v0;
	v48 =	vmul.f32 v54, v50;
	v50 =	vld.idx.msk [tilespmem:v56+s29+$0x0], $0xffff;
	v54 =	vor.u32 v46, v59  }
0x11c: {  	v59 =	vbroadcast v60, $0x0;
	v60 =	vand.u32 $0x7C, v61;
	v61 =	vmov s22;
	v56 =	vld.idx.msk [tilespmem:v52+s25+$0x0], $0xffff  }
0x11d: {  	v58 =	vor.u32 v46, v58;
	s22 =	sadd.s32 $0xE, s20;
	v47 =	vmul.f32 v51, v47;
	v0 =	vadd.f32 v48, v0;
	v62 =	vld.idx.msk [tilespmem:v52+s29+$0x0], $0xffff  }
0x11e: {  	v51 =	vand.u32 $0x7D, v61;
	v48 =	vbroadcast v60, $0x0;
	v52 =	vmov s22;
	v63 =	vld.idx.msk [tilespmem:v53+s25+$0x0], $0xffff  }
0x11f: {  	v59 =	vor.u32 v46, v59;
	s22 =	sadd.s32 $0xF, s20;
	s20 =	smov.u32 s21;
	v49 =	vmul.f32 v49, v57;
	v0 =	vadd.f32 v47, v0;
	v60 =	vld.idx.msk [tilespmem:v53+s29+$0x0], $0xffff  }
0x120: {  	v57 =	vand.u32 $0x7E, v52;
	v61 =	vmov s22;
	v53 =	vbroadcast v51, $0x0;
	v47 =	vld.idx.msk [tilespmem:v54+s25+$0x0], $0xffff  }
0x121: {  	v52 =	vor.u32 v46, v48;
	v0 =	vadd.f32 v49, v0;
	v49 =	vmul.f32 v50, v55;
	v51 =	vld.idx.msk [tilespmem:v54+s29+$0x0], $0xffff  }
.Ltmp2:
0x122: {  	v50 =	vmov s21;
	v54 =	vbroadcast v57, $0x0;
	v57 =	vand.u32 $0x7F, v61;
	v48 =	vld.idx.msk [tilespmem:v58+s25+$0x0], $0xffff;
	(pc) =	sbr.rel @p1 .LBB2_8-.Ltmp2, $4  }
0x123: {  	s22 =	sadd.s32 $0x1, s21;
	v53 =	vor.u32 v46, v53;
	v56 =	vmul.f32 v62, v56;
	v0 =	vadd.f32 v49, v0;
	v55 =	vld.idx.msk [tilespmem:v58+s29+$0x0], $0xffff  }
0x124: {  	v1 =	vmov s22;
	v50 =	vand.u32 $0x70, v50;
	v57 =	vbroadcast v57, $0x0;
	v49 =	vld.idx.msk [tilespmem:v59+s25+$0x0], $0xffff  }
0x125: {  	s22 =	sadd.s32 $0x2, s21;
	v54 =	vor.u32 v46, v54;
	v62 =	vmul.f32 v60, v63;
	v61 =	vadd.f32 v56, v0;
	v56 =	vld.idx.msk [tilespmem:v59+s29+$0x0], $0xffff  }
0x126: {  	s21 =	sadd.s32 $0x10, s21;
	v58 =	vbroadcast v50, $0x0;
	v60 =	vand.u32 $0x71, v1;
	v59 =	vmov s22;
	v50 =	vld.idx.msk [tilespmem:v52+s25+$0x0], $0xffff  }
0x127: {  	_ =	sdelay $0x2  }
0x128: {  	v0 =	vadd.f32 v62, v61;
	v1 =	vmul.f32 v51, v47  }
0x129: {  	v47 =	vld.idx.msk [tilespmem:v52+s29+$0x0], $0xffff;
	v51 =	vor.u32 v46, v57  }
0x12a: {  	v52 =	vld.idx.msk [tilespmem:v53+s25+$0x0], $0xffff;
	v0 =	vadd.f32 v1, v0;
	v1 =	vmul.f32 v55, v48  }
0x12b: {  	v63 =	vbroadcast v60, $0x0;
	v53 =	vld.idx.msk [tilespmem:v53+s29+$0x0], $0xffff;
	v55 =	vor.u32 v46, v58  }
0x12c: {  	s21 =	sadd.s32 $0x3, s20;
	v60 =	vand.u32 $0x72, v59;
	v58 =	vld.idx.msk [tilespmem:v54+s25+$0x0], $0xffff;
	v0 =	vadd.f32 v1, v0;
	v1 =	vmul.f32 v56, v49  }
0x12d: {  	v61 =	vmov s21;
	v62 =	vbroadcast v60, $0x0;
	v48 =	vor.u32 v46, v63;
	v63 =	vld.idx.msk [tilespmem:v54+s29+$0x0], $0xffff  }
0x12e: {  	s22 =	sadd.s32 $0x4, s20;
	v49 =	vand.u32 $0x73, v61;
	v57 =	vld.idx.msk [tilespmem:v51+s25+$0x0], $0xffff;
	v0 =	vadd.f32 v1, v0;
	v1 =	vmul.f32 v47, v50  }
0x12f: {  	v60 =	vmov s22;
	v49 =	vbroadcast v49, $0x0;
	v51 =	vld.idx.msk [tilespmem:v51+s29+$0x0], $0xffff;
	v50 =	vor.u32 v46, v62  }
0x130: {  	s22 =	sadd.s32 $0x5, s20;
	v47 =	vand.u32 $0x74, v60;
	v56 =	vld.idx.msk [tilespmem:v55+s25+$0x0], $0xffff;
	v0 =	vadd.f32 v1, v0;
	v1 =	vmul.f32 v53, v52  }
0x131: {  	v61 =	vmov s22;
	v47 =	vbroadcast v47, $0x0;
	v49 =	vor.u32 v46, v49;
	v53 =	vld.idx.msk [tilespmem:v55+s29+$0x0], $0xffff  }
0x132: {  	s22 =	sadd.s32 $0x6, s20;
	v52 =	vand.u32 $0x75, v61;
	v55 =	vld.idx.msk [tilespmem:v48+s25+$0x0], $0xffff;
	v0 =	vadd.f32 v1, v0;
	v1 =	vmul.f32 v63, v58  }
0x133: {  	v62 =	vmov s22;
	v48 =	vld.idx.msk [tilespmem:v48+s29+$0x0], $0xffff;
	v52 =	vbroadcast v52, $0x0;
	v47 =	vor.u32 v46, v47  }
0x134: {  	s22 =	sadd.s32 $0x7, s20;
	v54 =	vand.u32 $0x76, v62;
	v63 =	vld.idx.msk [tilespmem:v50+s25+$0x0], $0xffff;
	v0 =	vadd.f32 v1, v0;
	v1 =	vmul.f32 v51, v57  }
0x135: {  	v60 =	vmov s22;
	v54 =	vbroadcast v54, $0x0;
	v50 =	vld.idx.msk [tilespmem:v50+s29+$0x0], $0xffff;
	v52 =	vor.u32 v46, v52  }
0x136: {  	s22 =	sadd.s32 $0x8, s20;
	v51 =	vand.u32 $0x77, v60;
	v61 =	vld.idx.msk [tilespmem:v49+s25+$0x0], $0xffff;
	v53 =	vmul.f32 v53, v56;
	v0 =	vadd.f32 v1, v0  }
0x137: {  	v54 =	vor.u32 v46, v54;
	v49 =	vld.idx.msk [tilespmem:v49+s29+$0x0], $0xffff;
	v51 =	vbroadcast v51, $0x0;
	v1 =	vmov s22  }
0x138: {  	v48 =	vmul.f32 v48, v55;
	s22 =	sadd.s32 $0x9, s20;
	v56 =	vld.idx.msk [tilespmem:v47+s25+$0x0], $0xffff;
	v1 =	vand.u32 $0x78, v1;
	v0 =	vadd.f32 v53, v0  }
0x139: {  	v47 =	vld.idx.msk [tilespmem:v47+s29+$0x0], $0xffff;
	v62 =	vmov s22;
	v51 =	vor.u32 v46, v51;
	v1 =	vbroadcast v1, $0x0  }
0x13a: {  	s22 =	sadd.s32 $0xA, s20;
	v53 =	vand.u32 $0x79, v62;
	v55 =	vld.idx.msk [tilespmem:v52+s25+$0x0], $0xffff;
	v63 =	vmul.f32 v50, v63;
	v0 =	vadd.f32 v48, v0  }
0x13b: {  	v60 =	vmov s22;
	v52 =	vld.idx.msk [tilespmem:v52+s29+$0x0], $0xffff;
	v53 =	vbroadcast v53, $0x0;
	v1 =	vor.u32 v46, v1  }
0x13c: {  	v58 =	vld.idx.msk [tilespmem:v54+s25+$0x0], $0xffff;
	s22 =	sadd.s32 $0xB, s20;
	v50 =	vand.u32 $0x7A, v60;
	v61 =	vmul.f32 v49, v61;
	v0 =	vadd.f32 v63, v0  }
0x13d: {  	v54 =	vld.idx.msk [tilespmem:v54+s29+$0x0], $0xffff;
	v62 =	vmov s22;
	v50 =	vbroadcast v50, $0x0;
	v53 =	vor.u32 v46, v53  }
0x13e: {  	s22 =	sadd.s32 $0xC, s20;
	v49 =	vand.u32 $0x7B, v62;
	v47 =	vmul.f32 v47, v56;
	v63 =	vld.idx.msk [tilespmem:v51+s25+$0x0], $0xffff;
	v0 =	vadd.f32 v61, v0  }
0x13f: {  	v56 =	vmov s22;
	v49 =	vbroadcast v49, $0x0;
	v51 =	vld.idx.msk [tilespmem:v51+s29+$0x0], $0xffff;
	v50 =	vor.u32 v46, v50  }
0x140: {  	s22 =	sadd.s32 $0xD, s20;
	v48 =	vand.u32 $0x7C, v56;
	v59 =	vmul.f32 v52, v55;
	v56 =	vld.idx.msk [tilespmem:v1+s25+$0x0], $0xffff;
	v0 =	vadd.f32 v47, v0  }
0x141: {  	v60 =	vmov s22;
	v48 =	vbroadcast v48, $0x0;
	v49 =	vor.u32 v46, v49;
	v1 =	vld.idx.msk [tilespmem:v1+s29+$0x0], $0xffff  }
0x142: {  	s22 =	sadd.s32 $0xE, s20;
	v52 =	vand.u32 $0x7D, v60;
	v61 =	vmul.f32 v54, v58;
	v55 =	vld.idx.msk [tilespmem:v53+s25+$0x0], $0xffff;
	v0 =	vadd.f32 v59, v0  }
0x143: {  	v62 =	vmov s22;
	v52 =	vbroadcast v52, $0x0;
	v48 =	vor.u32 v46, v48;
	v53 =	vld.idx.msk [tilespmem:v53+s29+$0x0], $0xffff  }
0x144: {  	s21 =	sadd.s32 $0xF, s20;
	v54 =	vand.u32 $0x7E, v62;
	v58 =	vld.idx.msk [tilespmem:v50+s25+$0x0], $0xffff;
	v63 =	vmul.f32 v51, v63;
	v0 =	vadd.f32 v61, v0  }
0x145: {  	v57 =	vmov s21;
	v54 =	vbroadcast v54, $0x0;
	v52 =	vor.u32 v46, v52;
	v50 =	vld.idx.msk [tilespmem:v50+s29+$0x0], $0xffff  }
0x146: {  	v51 =	vand.u32 $0x7F, v57;
	v57 =	vld.idx.msk [tilespmem:v49+s25+$0x0], $0xffff;
	v1 =	vmul.f32 v1, v56;
	v0 =	vadd.f32 v63, v0  }
0x147: {  	v60 =	vor.u32 v46, v54;
	v59 =	vbroadcast v51, $0x0;
	v49 =	vld.idx.msk [tilespmem:v49+s29+$0x0], $0xffff  }
0x148: {  	v61 =	vld.idx.msk [tilespmem:v48+s25+$0x0], $0xffff;
	v0 =	vadd.f32 v1, v0;
	v1 =	vmul.f32 v53, v55  }
0x149: {  	v48 =	vld.idx.msk [tilespmem:v48+s29+$0x0], $0xffff;
	v62 =	vor.u32 v46, v59  }
0x14a: {  	v56 =	vld.idx.msk [tilespmem:v52+s29+$0x0], $0xffff;
	v0 =	vadd.f32 v1, v0;
	v1 =	vmul.f32 v50, v58  }
0x14b: {  	v63 =	vld.idx.msk [tilespmem:v52+s25+$0x0], $0xffff  }
0x14c: {  	v59 =	vld.idx.msk [tilespmem:v60+s29+$0x0], $0xffff;
	v0 =	vadd.f32 v1, v0;
	v1 =	vmul.f32 v49, v57  }
0x14d: {  	v58 =	vld.idx.msk [tilespmem:v60+s25+$0x0], $0xffff  }
0x14e: {  	v46 =	vld.idx.msk [tilespmem:v62+s29+$0x0], $0xffff;
	v0 =	vadd.f32 v1, v0;
	v1 =	vmul.f32 v48, v61  }
0x14f: {  	v60 =	vld.idx.msk [tilespmem:v62+s25+$0x0], $0xffff  }
0x150: {  	v0 =	vadd.f32 v1, v0;
	v1 =	vmul.f32 v56, v63;
	_ =	sdelay $0x1  }
0x151: {  	v0 =	vadd.f32 v1, v0;
	v1 =	vmul.f32 v59, v58;
	_ =	sdelay $0x1  }
0x152: {  	v0 =	vadd.f32 v1, v0;
	v1 =	vmul.f32 v46, v60;
	_ =	sdelay $0x1  }
0x153: {  	v0 =	vadd.f32 v1, v0;
	_ =	sdelay $0x1  }
0x154: {  	v0 =	vmul.f32 $8.838834610e-02, v0;
	_ =	sdelay $0x1  }
0x155: {  	v61 =	vld [tilespmem:s14+$0x80];
	v1 =	vmul.f32 $2.000000030e-01, v0;
	_ =	sdelay $0x1  }
0x156: {  	v0 =	vmax.f32 v0, v1  }
0x157: {  	v0 =	vmul.f32 $1.442695020e+00, v0;
	_ =	sdelay $0x1  }
0x158: {  	v62 =	vshll.u32 v61, $0x4;
	(erf) = vpow2.f32 v0  }
0x159: {  	(v2sf) =	vpush v62, $0x0;
	_ =	sdelay $0x6  }
0x15a: {  	v1 =	vshrl.u32 v61, $0x3  }
0x15b: {  	s22 =	sshll.u32 s12, $0xD;
	[tilespmem:s14+$0x100] =	vst v1;
	v0 =	vpop (erf)  }
0x15c: {  	(v2sf) =	vpush v62, $0x1;
	[tilespmem:s14+$0x180] =	vst v0;
	s14 =	sshra.s32 s22, $0x2  }
0x15d: {  	[tilespmem:s14+$0x5200] =	vst v44  }
0x15e: {  	[tilespmem:s14+$0x5210] =	vst v44  }
0x15f: {  	[tilespmem:s14+$0x5220] =	vst v44  }
0x160: {  	[tilespmem:s14+$0x5230] =	vst v44  }
0x161: {  	v63 =	vadd.f32 $0.0e+00, v0;
	[tilespmem:s14+$0x5240] =	vst v44  }
0x162: {  	s21 =	spop (v2sf);
	[tilespmem:s14+$0x5250] =	vst v44  }
0x163: {  	s20 =	sand.u32 $0x70, s21;
	s22 =	sadd.s32 $0x5200, s14;
	[tilespmem:s14+$0x5260] =	vst v44;
	v0 =	vbroadcast v63, $0x0  }
0x164: {  	[tilespmem:s14+$0x5270] =	vst v44;
	s20 =	sor.u32 s20, s22  }
0x165: {  	(v2sf) =	vpush v62, $0x2;
	[tilespmem:s20+$0x0] =	vst v0  }
0x166: {  	[tilespmem:s14+$0x5280] =	vst v44  }
0x167: {  	[tilespmem:s14+$0x5290] =	vst v44  }
0x168: {  	[tilespmem:s14+$0x52A0] =	vst v44  }
0x169: {  	[tilespmem:s14+$0x52B0] =	vst v44  }
0x16a: {  	[tilespmem:s14+$0x52C0] =	vst v44  }
0x16b: {  	s21 =	spop (v2sf);
	[tilespmem:s14+$0x52D0] =	vst v44  }
0x16c: {  	s22 =	sadd.s32 $0x5280, s14;
	s20 =	sand.u32 $0x70, s21;
	v0 =	vbroadcast v63, $0x1;
	[tilespmem:s14+$0x52E0] =	vst v44  }
0x16d: {  	[tilespmem:s14+$0x52F0] =	vst v44;
	s20 =	sor.u32 s20, s22  }
0x16e: {  	(v2sf) =	vpush v62, $0x3;
	[tilespmem:s20+$0x0] =	vst v0  }
0x16f: {  	[tilespmem:s14+$0x5300] =	vst v44  }
0x170: {  	[tilespmem:s14+$0x5310] =	vst v44  }
0x171: {  	[tilespmem:s14+$0x5320] =	vst v44  }
0x172: {  	[tilespmem:s14+$0x5330] =	vst v44  }
0x173: {  	[tilespmem:s14+$0x5340] =	vst v44  }
0x174: {  	[tilespmem:s14+$0x5350] =	vst v44;
	s21 =	spop (v2sf)  }
0x175: {  	s22 =	sadd.s32 $0x5300, s14;
	v0 =	vbroadcast v63, $0x2;
	[tilespmem:s14+$0x5360] =	vst v44;
	s20 =	sand.u32 $0x70, s21  }
0x176: {  	[tilespmem:s14+$0x5370] =	vst v44;
	s20 =	sor.u32 s20, s22  }
0x177: {  	(v2sf) =	vpush v62, $0x4;
	[tilespmem:s20+$0x0] =	vst v0  }
0x178: {  	[tilespmem:s14+$0x5380] =	vst v44  }
0x179: {  	[tilespmem:s14+$0x5390] =	vst v44  }
0x17a: {  	[tilespmem:s14+$0x53A0] =	vst v44  }
0x17b: {  	[tilespmem:s14+$0x53B0] =	vst v44  }
0x17c: {  	[tilespmem:s14+$0x53C0] =	vst v44  }
0x17d: {  	s21 =	spop (v2sf);
	[tilespmem:s14+$0x53D0] =	vst v44  }
0x17e: {  	s22 =	sadd.s32 $0x5380, s14;
	s20 =	sand.u32 $0x70, s21;
	v0 =	vbroadcast v63, $0x3;
	[tilespmem:s14+$0x53E0] =	vst v44  }
0x17f: {  	[tilespmem:s14+$0x53F0] =	vst v44;
	s20 =	sor.u32 s20, s22  }
0x180: {  	(v2sf) =	vpush v62, $0x5;
	[tilespmem:s20+$0x0] =	vst v0  }
0x181: {  	[tilespmem:s14+$0x5400] =	vst v44  }
0x182: {  	[tilespmem:s14+$0x5410] =	vst v44  }
0x183: {  	[tilespmem:s14+$0x5420] =	vst v44  }
0x184: {  	[tilespmem:s14+$0x5430] =	vst v44  }
0x185: {  	[tilespmem:s14+$0x5440] =	vst v44  }
0x186: {  	[tilespmem:s14+$0x5450] =	vst v44;
	s21 =	spop (v2sf)  }
0x187: {  	s22 =	sadd.s32 $0x5400, s14;
	v0 =	vbroadcast v63, $0x4;
	[tilespmem:s14+$0x5460] =	vst v44;
	s20 =	sand.u32 $0x70, s21  }
0x188: {  	[tilespmem:s14+$0x5470] =	vst v44;
	s20 =	sor.u32 s20, s22  }
0x189: {  	(v2sf) =	vpush v62, $0x6;
	[tilespmem:s20+$0x0] =	vst v0  }
0x18a: {  	[tilespmem:s14+$0x5480] =	vst v44  }
0x18b: {  	[tilespmem:s14+$0x5490] =	vst v44  }
0x18c: {  	[tilespmem:s14+$0x54A0] =	vst v44  }
0x18d: {  	[tilespmem:s14+$0x54B0] =	vst v44  }
0x18e: {  	[tilespmem:s14+$0x54C0] =	vst v44  }
0x18f: {  	s21 =	spop (v2sf);
	[tilespmem:s14+$0x54D0] =	vst v44  }
0x190: {  	s22 =	sadd.s32 $0x5480, s14;
	s20 =	sand.u32 $0x70, s21;
	v0 =	vbroadcast v63, $0x5;
	[tilespmem:s14+$0x54E0] =	vst v44  }
0x191: {  	[tilespmem:s14+$0x54F0] =	vst v44;
	s20 =	sor.u32 s20, s22  }
0x192: {  	(v2sf) =	vpush v62, $0x7;
	[tilespmem:s20+$0x0] =	vst v0  }
0x193: {  	[tilespmem:s14+$0x5500] =	vst v44  }
0x194: {  	[tilespmem:s14+$0x5510] =	vst v44  }
0x195: {  	[tilespmem:s14+$0x5520] =	vst v44  }
0x196: {  	[tilespmem:s14+$0x5530] =	vst v44  }
0x197: {  	[tilespmem:s14+$0x5540] =	vst v44  }
0x198: {  	[tilespmem:s14+$0x5550] =	vst v44;
	s21 =	spop (v2sf)  }
0x199: {  	s22 =	sadd.s32 $0x5500, s14;
	v0 =	vbroadcast v63, $0x6;
	[tilespmem:s14+$0x5560] =	vst v44;
	s20 =	sand.u32 $0x70, s21  }
0x19a: {  	[tilespmem:s14+$0x5570] =	vst v44;
	s20 =	sor.u32 s20, s22  }
0x19b: {  	(v2sf) =	vpush v62, $0x8;
	[tilespmem:s20+$0x0] =	vst v0  }
0x19c: {  	[tilespmem:s14+$0x5580] =	vst v44  }
0x19d: {  	[tilespmem:s14+$0x5590] =	vst v44  }
0x19e: {  	[tilespmem:s14+$0x55A0] =	vst v44  }
0x19f: {  	[tilespmem:s14+$0x55B0] =	vst v44  }
0x1a0: {  	[tilespmem:s14+$0x55C0] =	vst v44  }
0x1a1: {  	s21 =	spop (v2sf);
	[tilespmem:s14+$0x55D0] =	vst v44  }
0x1a2: {  	s22 =	sadd.s32 $0x5580, s14;
	s20 =	sand.u32 $0x70, s21;
	v0 =	vbroadcast v63, $0x7;
	[tilespmem:s14+$0x55E0] =	vst v44  }
0x1a3: {  	[tilespmem:s14+$0x55F0] =	vst v44;
	s20 =	sor.u32 s20, s22  }
0x1a4: {  	(v2sf) =	vpush v62, $0x9;
	[tilespmem:s20+$0x0] =	vst v0  }
0x1a5: {  	[tilespmem:s14+$0x5600] =	vst v44  }
0x1a6: {  	[tilespmem:s14+$0x5610] =	vst v44  }
0x1a7: {  	[tilespmem:s14+$0x5620] =	vst v44  }
0x1a8: {  	[tilespmem:s14+$0x5630] =	vst v44  }
0x1a9: {  	[tilespmem:s14+$0x5640] =	vst v44  }
0x1aa: {  	[tilespmem:s14+$0x5650] =	vst v44;
	s21 =	spop (v2sf)  }
0x1ab: {  	s22 =	sadd.s32 $0x5600, s14;
	v0 =	vbroadcast v63, $0x8;
	[tilespmem:s14+$0x5660] =	vst v44;
	s20 =	sand.u32 $0x70, s21  }
0x1ac: {  	[tilespmem:s14+$0x5670] =	vst v44;
	s20 =	sor.u32 s20, s22  }
0x1ad: {  	(v2sf) =	vpush v62, $0xA;
	[tilespmem:s20+$0x0] =	vst v0  }
0x1ae: {  	[tilespmem:s14+$0x5680] =	vst v44  }
0x1af: {  	[tilespmem:s14+$0x5690] =	vst v44  }
0x1b0: {  	[tilespmem:s14+$0x56A0] =	vst v44  }
0x1b1: {  	[tilespmem:s14+$0x56B0] =	vst v44  }
0x1b2: {  	[tilespmem:s14+$0x56C0] =	vst v44  }
0x1b3: {  	s21 =	spop (v2sf);
	[tilespmem:s14+$0x56D0] =	vst v44  }
0x1b4: {  	s22 =	sadd.s32 $0x5680, s14;
	s20 =	sand.u32 $0x70, s21;
	v0 =	vbroadcast v63, $0x9;
	[tilespmem:s14+$0x56E0] =	vst v44  }
0x1b5: {  	[tilespmem:s14+$0x56F0] =	vst v44;
	s20 =	sor.u32 s20, s22  }
0x1b6: {  	(v2sf) =	vpush v62, $0xB;
	[tilespmem:s20+$0x0] =	vst v0  }
0x1b7: {  	[tilespmem:s14+$0x5700] =	vst v44  }
0x1b8: {  	[tilespmem:s14+$0x5710] =	vst v44  }
0x1b9: {  	[tilespmem:s14+$0x5720] =	vst v44  }
0x1ba: {  	[tilespmem:s14+$0x5730] =	vst v44  }
0x1bb: {  	[tilespmem:s14+$0x5740] =	vst v44  }
0x1bc: {  	[tilespmem:s14+$0x5750] =	vst v44;
	s21 =	spop (v2sf)  }
0x1bd: {  	s22 =	sadd.s32 $0x5700, s14;
	v0 =	vbroadcast v63, $0xA;
	[tilespmem:s14+$0x5760] =	vst v44;
	s20 =	sand.u32 $0x70, s21  }
0x1be: {  	[tilespmem:s14+$0x5770] =	vst v44;
	s20 =	sor.u32 s20, s22  }
0x1bf: {  	(v2sf) =	vpush v62, $0xC;
	[tilespmem:s20+$0x0] =	vst v0  }
0x1c0: {  	[tilespmem:s14+$0x5780] =	vst v44  }
0x1c1: {  	[tilespmem:s14+$0x5790] =	vst v44  }
0x1c2: {  	[tilespmem:s14+$0x57A0] =	vst v44  }
0x1c3: {  	[tilespmem:s14+$0x57B0] =	vst v44  }
0x1c4: {  	[tilespmem:s14+$0x57C0] =	vst v44  }
0x1c5: {  	s21 =	spop (v2sf);
	[tilespmem:s14+$0x57D0] =	vst v44  }
0x1c6: {  	s22 =	sadd.s32 $0x5780, s14;
	s20 =	sand.u32 $0x70, s21;
	v0 =	vbroadcast v63, $0xB;
	[tilespmem:s14+$0x57E0] =	vst v44  }
0x1c7: {  	[tilespmem:s14+$0x57F0] =	vst v44;
	s20 =	sor.u32 s20, s22  }
0x1c8: {  	(v2sf) =	vpush v62, $0xD;
	[tilespmem:s20+$0x0] =	vst v0  }
0x1c9: {  	[tilespmem:s14+$0x5800] =	vst v44  }
0x1ca: {  	[tilespmem:s14+$0x5810] =	vst v44  }
0x1cb: {  	[tilespmem:s14+$0x5820] =	vst v44  }
0x1cc: {  	[tilespmem:s14+$0x5830] =	vst v44  }
0x1cd: {  	[tilespmem:s14+$0x5840] =	vst v44  }
0x1ce: {  	[tilespmem:s14+$0x5850] =	vst v44;
	s21 =	spop (v2sf)  }
0x1cf: {  	s22 =	sadd.s32 $0x5800, s14;
	v0 =	vbroadcast v63, $0xC;
	[tilespmem:s14+$0x5860] =	vst v44;
	s20 =	sand.u32 $0x70, s21  }
0x1d0: {  	[tilespmem:s14+$0x5870] =	vst v44;
	s20 =	sor.u32 s20, s22  }
0x1d1: {  	(v2sf) =	vpush v62, $0xE;
	[tilespmem:s20+$0x0] =	vst v0  }
0x1d2: {  	[tilespmem:s14+$0x5880] =	vst v44  }
0x1d3: {  	[tilespmem:s14+$0x5890] =	vst v44  }
0x1d4: {  	[tilespmem:s14+$0x58A0] =	vst v44  }
0x1d5: {  	[tilespmem:s14+$0x58B0] =	vst v44  }
0x1d6: {  	[tilespmem:s14+$0x58C0] =	vst v44  }
0x1d7: {  	s21 =	spop (v2sf);
	[tilespmem:s14+$0x58D0] =	vst v44  }
0x1d8: {  	s22 =	sadd.s32 $0x5880, s14;
	s20 =	sand.u32 $0x70, s21;
	v0 =	vbroadcast v63, $0xD;
	[tilespmem:s14+$0x58E0] =	vst v44  }
0x1d9: {  	[tilespmem:s14+$0x58F0] =	vst v44;
	s20 =	sor.u32 s20, s22  }
0x1da: {  	(v2sf) =	vpush v62, $0xF;
	[tilespmem:s20+$0x0] =	vst v0  }
0x1db: {  	[tilespmem:s14+$0x5900] =	vst v44  }
0x1dc: {  	[tilespmem:s14+$0x5910] =	vst v44  }
0x1dd: {  	[tilespmem:s14+$0x5920] =	vst v44  }
0x1de: {  	[tilespmem:s14+$0x5930] =	vst v44  }
0x1df: {  	[tilespmem:s14+$0x5940] =	vst v44  }
0x1e0: {  	[tilespmem:s14+$0x5950] =	vst v44;
	s21 =	spop (v2sf)  }
0x1e1: {  	s22 =	sadd.s32 $0x5900, s14;
	v0 =	vbroadcast v63, $0xE;
	[tilespmem:s14+$0x5960] =	vst v44;
	s20 =	sand.u32 $0x70, s21  }
0x1e2: {  	[tilespmem:s14+$0x5970] =	vst v44;
	s20 =	sor.u32 s20, s22  }
0x1e3: {  	[tilespmem:s20+$0x0] =	vst v0  }
0x1e4: {  	[tilespmem:s14+$0x5980] =	vst v44  }
0x1e5: {  	[tilespmem:s14+$0x5990] =	vst v44  }
0x1e6: {  	s12 =	sadd.s32 $0x1, s12;
	[tilespmem:s14+$0x59A0] =	vst v44  }
0x1e7: {  	p1 =	sne.s32 s12, $0x5;
	[tilespmem:s14+$0x59B0] =	vst v44  }
.Ltmp3:
0x1e8: {  	[tilespmem:s14+$0x59C0] =	vst v44;
	(pc) =	sbr.rel @p1 .LBB2_7-.Ltmp3, $4  }
0x1e9: {  	s21 =	spop (v2sf);
	[tilespmem:s14+$0x59D0] =	vst v44  }
0x1ea: {  	s22 =	sadd.s32 $0x5980, s14;
	s20 =	sand.u32 $0x70, s21;
	v0 =	vbroadcast v63, $0xF;
	[tilespmem:s14+$0x59E0] =	vst v44  }
0x1eb: {  	[tilespmem:s14+$0x59F0] =	vst v44;
	s22 =	sor.u32 s20, s22  }
0x1ec: {  	[tilespmem:s22+$0x0] =	vst v0  }
0x1ed: {  	s9 =	simm.s32 $0x0  }
0x1ee: {  	[tilespmem:s25], [sflag:$0x6] =	stream.indirect.gather [hbm4b:s16+s23], $0x80, s9, s23, $0xb8;
	[tilespmem:$0x1DA80] =	vst v63  }
0x1ef: {  	_ =	swait.ge [sflag:s26], $0x2800  }
0x1f0: {  	[sflag:s26] =	ssyncset.done $0x0  }
0x1f1: {  	[sflag:s26] =	ssyncadd.s32 $0xFFFFD800  }
.LBB2_11:
0x1f2: {  	s12 =	sshll.u32 s9, $0x4  }
0x1f3: {  	s12 =	sand.u32 $0x3FFFFFF0, s12  }
0x1f4: {  	v0 =	vld [tilespmem:s12+$0x180];
	_ =	sdelay $0x1  }
0x1f5: {  	s22 =	sshll.u32 s9, $0xB  }
0x1f6: {  	s12 =	sand.u32 $0x3FFFF800, s22  }
0x1f7: {  	v1 =	vld [tilespmem:s12+$0x200]  }
0x1f8: {  	v46 =	vadd.f32 $0.0e+00, v0;
	v0 =	vld [tilespmem:s12+$0x210]  }
0x1f9: {  	v47 =	vld [tilespmem:s12+$0x220]  }
0x1fa: {  	v49 =	vld [tilespmem:s12+$0x230];
	v48 =	vbroadcast v46, $0x0  }
0x1fb: {  	v50 =	vld [tilespmem:s12+$0x240]  }
0x1fc: {  	v51 =	vld [tilespmem:s12+$0x250];
	v1 =	vmul.f32 v48, v1  }
0x1fd: {  	v52 =	vld [tilespmem:s12+$0x260];
	v0 =	vmul.f32 v0, v48  }
0x1fe: {  	v56 =	vld [tilespmem:s12+$0x270];
	[tilespmem:s12+$0x200] =	vst v1;
	v1 =	vmul.f32 v47, v48  }
0x1ff: {  	v57 =	vld [tilespmem:s12+$0x280];
	[tilespmem:s12+$0x210] =	vst v0;
	v0 =	vmul.f32 v49, v48  }
0x200: {  	v58 =	vld [tilespmem:s12+$0x290];
	[tilespmem:s12+$0x220] =	vst v1;
	v1 =	vmul.f32 v50, v48  }
0x201: {  	v59 =	vld [tilespmem:s12+$0x2A0];
	[tilespmem:s12+$0x230] =	vst v0;
	v0 =	vmul.f32 v51, v48  }
0x202: {  	v53 =	vld [tilespmem:s12+$0x2B0];
	[tilespmem:s12+$0x240] =	vst v1;
	v1 =	vmul.f32 v52, v48;
	v52 =	vbroadcast v46, $0x1  }
0x203: {  	v60 =	vld [tilespmem:s12+$0x2C0];
	[tilespmem:s12+$0x250] =	vst v0;
	v0 =	vmul.f32 v56, v48  }
0x204: {  	v61 =	vld [tilespmem:s12+$0x2D0];
	[tilespmem:s12+$0x260] =	vst v1;
	v1 =	vmul.f32 v57, v52  }
0x205: {  	v62 =	vld [tilespmem:s12+$0x2E0];
	[tilespmem:s12+$0x270] =	vst v0;
	v0 =	vmul.f32 v58, v52  }
0x206: {  	v63 =	vld [tilespmem:s12+$0x2F0];
	[tilespmem:s12+$0x280] =	vst v1;
	v1 =	vmul.f32 v59, v52  }
0x207: {  	v56 =	vld [tilespmem:s12+$0x300];
	[tilespmem:s12+$0x290] =	vst v0;
	v0 =	vmul.f32 v53, v52  }
0x208: {  	v57 =	vld [tilespmem:s12+$0x310];
	[tilespmem:s12+$0x2A0] =	vst v1;
	v1 =	vmul.f32 v60, v52  }
0x209: {  	v58 =	vld [tilespmem:s12+$0x320];
	[tilespmem:s12+$0x2B0] =	vst v0;
	v0 =	vmul.f32 v61, v52  }
0x20a: {  	v49 =	vbroadcast v46, $0x2;
	v59 =	vld [tilespmem:s12+$0x330];
	[tilespmem:s12+$0x2C0] =	vst v1;
	v1 =	vmul.f32 v62, v52  }
0x20b: {  	v60 =	vld [tilespmem:s12+$0x340];
	[tilespmem:s12+$0x2D0] =	vst v0;
	v0 =	vmul.f32 v63, v52  }
0x20c: {  	v61 =	vld [tilespmem:s12+$0x350];
	[tilespmem:s12+$0x2E0] =	vst v1;
	v1 =	vmul.f32 v56, v49  }
0x20d: {  	v62 =	vld [tilespmem:s12+$0x360];
	[tilespmem:s12+$0x2F0] =	vst v0;
	v0 =	vmul.f32 v57, v49  }
0x20e: {  	v63 =	vld [tilespmem:s12+$0x370];
	[tilespmem:s12+$0x300] =	vst v1;
	v1 =	vmul.f32 v58, v49  }
0x20f: {  	v56 =	vld [tilespmem:s12+$0x380];
	[tilespmem:s12+$0x310] =	vst v0;
	v0 =	vmul.f32 v59, v49  }
0x210: {  	v57 =	vld [tilespmem:s12+$0x390];
	[tilespmem:s12+$0x320] =	vst v1;
	v1 =	vmul.f32 v60, v49  }
0x211: {  	v58 =	vld [tilespmem:s12+$0x3A0];
	[tilespmem:s12+$0x330] =	vst v0;
	v0 =	vmul.f32 v61, v49  }
0x212: {  	v47 =	vbroadcast v46, $0x3;
	v59 =	vld [tilespmem:s12+$0x3B0];
	[tilespmem:s12+$0x340] =	vst v1;
	v1 =	vmul.f32 v62, v49  }
0x213: {  	v60 =	vld [tilespmem:s12+$0x3C0];
	[tilespmem:s12+$0x350] =	vst v0;
	v0 =	vmul.f32 v63, v49  }
0x214: {  	v61 =	vld [tilespmem:s12+$0x3D0];
	[tilespmem:s12+$0x360] =	vst v1;
	v1 =	vmul.f32 v56, v47  }
0x215: {  	v62 =	vld [tilespmem:s12+$0x3E0];
	[tilespmem:s12+$0x370] =	vst v0;
	v0 =	vmul.f32 v57, v47  }
0x216: {  	v63 =	vld [tilespmem:s12+$0x3F0];
	[tilespmem:s12+$0x380] =	vst v1;
	v1 =	vmul.f32 v58, v47  }
0x217: {  	v56 =	vld [tilespmem:s12+$0x400];
	[tilespmem:s12+$0x390] =	vst v0;
	v0 =	vmul.f32 v59, v47  }
0x218: {  	v57 =	vld [tilespmem:s12+$0x410];
	[tilespmem:s12+$0x3A0] =	vst v1;
	v1 =	vmul.f32 v60, v47  }
0x219: {  	v58 =	vld [tilespmem:s12+$0x420];
	[tilespmem:s12+$0x3B0] =	vst v0;
	v0 =	vmul.f32 v61, v47  }
0x21a: {  	v50 =	vbroadcast v46, $0x4;
	v59 =	vld [tilespmem:s12+$0x430];
	[tilespmem:s12+$0x3C0] =	vst v1;
	v1 =	vmul.f32 v62, v47  }
0x21b: {  	v60 =	vld [tilespmem:s12+$0x440];
	[tilespmem:s12+$0x3D0] =	vst v0;
	v0 =	vmul.f32 v63, v47  }
0x21c: {  	v61 =	vld [tilespmem:s12+$0x450];
	[tilespmem:s12+$0x3E0] =	vst v1;
	v1 =	vmul.f32 v56, v50  }
0x21d: {  	v62 =	vld [tilespmem:s12+$0x460];
	[tilespmem:s12+$0x3F0] =	vst v0;
	v0 =	vmul.f32 v57, v50  }
0x21e: {  	v63 =	vld [tilespmem:s12+$0x470];
	[tilespmem:s12+$0x400] =	vst v1;
	v1 =	vmul.f32 v58, v50  }
0x21f: {  	v56 =	vld [tilespmem:s12+$0x480];
	[tilespmem:s12+$0x410] =	vst v0;
	v0 =	vmul.f32 v59, v50  }
0x220: {  	v57 =	vld [tilespmem:s12+$0x490];
	[tilespmem:s12+$0x420] =	vst v1;
	v1 =	vmul.f32 v60, v50  }
0x221: {  	v58 =	vld [tilespmem:s12+$0x4A0];
	[tilespmem:s12+$0x430] =	vst v0;
	v0 =	vmul.f32 v61, v50  }
0x222: {  	v48 =	vbroadcast v46, $0x5;
	v59 =	vld [tilespmem:s12+$0x4B0];
	[tilespmem:s12+$0x440] =	vst v1;
	v1 =	vmul.f32 v62, v50  }
0x223: {  	v60 =	vld [tilespmem:s12+$0x4C0];
	[tilespmem:s12+$0x450] =	vst v0;
	v0 =	vmul.f32 v63, v50  }
0x224: {  	v61 =	vld [tilespmem:s12+$0x4D0];
	[tilespmem:s12+$0x460] =	vst v1;
	v1 =	vmul.f32 v56, v48  }
0x225: {  	v62 =	vld [tilespmem:s12+$0x4E0];
	[tilespmem:s12+$0x470] =	vst v0;
	v0 =	vmul.f32 v57, v48  }
0x226: {  	v63 =	vld [tilespmem:s12+$0x4F0];
	[tilespmem:s12+$0x480] =	vst v1;
	v1 =	vmul.f32 v58, v48  }
0x227: {  	v56 =	vld [tilespmem:s12+$0x500];
	[tilespmem:s12+$0x490] =	vst v0;
	v0 =	vmul.f32 v59, v48  }
0x228: {  	v57 =	vld [tilespmem:s12+$0x510];
	[tilespmem:s12+$0x4A0] =	vst v1;
	v1 =	vmul.f32 v60, v48  }
0x229: {  	v58 =	vld [tilespmem:s12+$0x520];
	[tilespmem:s12+$0x4B0] =	vst v0;
	v0 =	vmul.f32 v61, v48  }
0x22a: {  	v47 =	vbroadcast v46, $0x6;
	v59 =	vld [tilespmem:s12+$0x530];
	[tilespmem:s12+$0x4C0] =	vst v1;
	v1 =	vmul.f32 v62, v48  }
0x22b: {  	v60 =	vld [tilespmem:s12+$0x540];
	[tilespmem:s12+$0x4D0] =	vst v0;
	v0 =	vmul.f32 v63, v48  }
0x22c: {  	v61 =	vld [tilespmem:s12+$0x550];
	[tilespmem:s12+$0x4E0] =	vst v1;
	v1 =	vmul.f32 v56, v47  }
0x22d: {  	v62 =	vld [tilespmem:s12+$0x560];
	[tilespmem:s12+$0x4F0] =	vst v0;
	v0 =	vmul.f32 v57, v47  }
0x22e: {  	v63 =	vld [tilespmem:s12+$0x570];
	[tilespmem:s12+$0x500] =	vst v1;
	v1 =	vmul.f32 v58, v47  }
0x22f: {  	v56 =	vld [tilespmem:s12+$0x580];
	[tilespmem:s12+$0x510] =	vst v0;
	v0 =	vmul.f32 v59, v47  }
0x230: {  	v57 =	vld [tilespmem:s12+$0x590];
	[tilespmem:s12+$0x520] =	vst v1;
	v1 =	vmul.f32 v60, v47  }
0x231: {  	v58 =	vld [tilespmem:s12+$0x5A0];
	[tilespmem:s12+$0x530] =	vst v0;
	v0 =	vmul.f32 v61, v47  }
0x232: {  	v49 =	vbroadcast v46, $0x7;
	v59 =	vld [tilespmem:s12+$0x5B0];
	[tilespmem:s12+$0x540] =	vst v1;
	v1 =	vmul.f32 v62, v47  }
0x233: {  	v60 =	vld [tilespmem:s12+$0x5C0];
	[tilespmem:s12+$0x550] =	vst v0;
	v0 =	vmul.f32 v63, v47  }
0x234: {  	v61 =	vld [tilespmem:s12+$0x5D0];
	[tilespmem:s12+$0x560] =	vst v1;
	v1 =	vmul.f32 v56, v49  }
0x235: {  	v62 =	vld [tilespmem:s12+$0x5E0];
	[tilespmem:s12+$0x570] =	vst v0;
	v0 =	vmul.f32 v57, v49  }
0x236: {  	v63 =	vld [tilespmem:s12+$0x5F0];
	[tilespmem:s12+$0x580] =	vst v1;
	v1 =	vmul.f32 v58, v49  }
0x237: {  	v56 =	vld [tilespmem:s12+$0x600];
	[tilespmem:s12+$0x590] =	vst v0;
	v0 =	vmul.f32 v59, v49  }
0x238: {  	v57 =	vld [tilespmem:s12+$0x610];
	[tilespmem:s12+$0x5A0] =	vst v1;
	v1 =	vmul.f32 v60, v49  }
0x239: {  	v58 =	vld [tilespmem:s12+$0x620];
	[tilespmem:s12+$0x5B0] =	vst v0;
	v0 =	vmul.f32 v61, v49  }
0x23a: {  	v48 =	vbroadcast v46, $0x8;
	v59 =	vld [tilespmem:s12+$0x630];
	[tilespmem:s12+$0x5C0] =	vst v1;
	v1 =	vmul.f32 v62, v49  }
0x23b: {  	v60 =	vld [tilespmem:s12+$0x640];
	[tilespmem:s12+$0x5D0] =	vst v0;
	v0 =	vmul.f32 v63, v49  }
0x23c: {  	v61 =	vld [tilespmem:s12+$0x650];
	[tilespmem:s12+$0x5E0] =	vst v1;
	v1 =	vmul.f32 v56, v48  }
0x23d: {  	v62 =	vld [tilespmem:s12+$0x660];
	[tilespmem:s12+$0x5F0] =	vst v0;
	v0 =	vmul.f32 v57, v48  }
0x23e: {  	v63 =	vld [tilespmem:s12+$0x670];
	[tilespmem:s12+$0x600] =	vst v1;
	v1 =	vmul.f32 v58, v48  }
0x23f: {  	v56 =	vld [tilespmem:s12+$0x680];
	[tilespmem:s12+$0x610] =	vst v0;
	v0 =	vmul.f32 v59, v48  }
0x240: {  	v57 =	vld [tilespmem:s12+$0x690];
	[tilespmem:s12+$0x620] =	vst v1;
	v1 =	vmul.f32 v60, v48  }
0x241: {  	v58 =	vld [tilespmem:s12+$0x6A0];
	[tilespmem:s12+$0x630] =	vst v0;
	v0 =	vmul.f32 v61, v48  }
0x242: {  	v47 =	vbroadcast v46, $0x9;
	v59 =	vld [tilespmem:s12+$0x6B0];
	[tilespmem:s12+$0x640] =	vst v1;
	v1 =	vmul.f32 v62, v48  }
0x243: {  	v60 =	vld [tilespmem:s12+$0x6C0];
	[tilespmem:s12+$0x650] =	vst v0;
	v0 =	vmul.f32 v63, v48  }
0x244: {  	v61 =	vld [tilespmem:s12+$0x6D0];
	[tilespmem:s12+$0x660] =	vst v1;
	v1 =	vmul.f32 v56, v47  }
0x245: {  	v62 =	vld [tilespmem:s12+$0x6E0];
	[tilespmem:s12+$0x670] =	vst v0;
	v0 =	vmul.f32 v57, v47  }
0x246: {  	v63 =	vld [tilespmem:s12+$0x6F0];
	[tilespmem:s12+$0x680] =	vst v1;
	v1 =	vmul.f32 v58, v47  }
0x247: {  	v56 =	vld [tilespmem:s12+$0x700];
	[tilespmem:s12+$0x690] =	vst v0;
	v0 =	vmul.f32 v59, v47  }
0x248: {  	v57 =	vld [tilespmem:s12+$0x710];
	[tilespmem:s12+$0x6A0] =	vst v1;
	v1 =	vmul.f32 v60, v47  }
0x249: {  	v58 =	vld [tilespmem:s12+$0x720];
	[tilespmem:s12+$0x6B0] =	vst v0;
	v0 =	vmul.f32 v61, v47  }
0x24a: {  	v49 =	vbroadcast v46, $0xA;
	v59 =	vld [tilespmem:s12+$0x730];
	[tilespmem:s12+$0x6C0] =	vst v1;
	v1 =	vmul.f32 v62, v47  }
0x24b: {  	v60 =	vld [tilespmem:s12+$0x740];
	[tilespmem:s12+$0x6D0] =	vst v0;
	v0 =	vmul.f32 v63, v47  }
0x24c: {  	v61 =	vld [tilespmem:s12+$0x750];
	[tilespmem:s12+$0x6E0] =	vst v1;
	v1 =	vmul.f32 v56, v49  }
0x24d: {  	v62 =	vld [tilespmem:s12+$0x760];
	[tilespmem:s12+$0x6F0] =	vst v0;
	v0 =	vmul.f32 v57, v49  }
0x24e: {  	v63 =	vld [tilespmem:s12+$0x770];
	[tilespmem:s12+$0x700] =	vst v1;
	v1 =	vmul.f32 v58, v49  }
0x24f: {  	v56 =	vld [tilespmem:s12+$0x780];
	[tilespmem:s12+$0x710] =	vst v0;
	v0 =	vmul.f32 v59, v49  }
0x250: {  	v57 =	vld [tilespmem:s12+$0x790];
	[tilespmem:s12+$0x720] =	vst v1;
	v1 =	vmul.f32 v60, v49  }
0x251: {  	v58 =	vld [tilespmem:s12+$0x7A0];
	[tilespmem:s12+$0x730] =	vst v0;
	v0 =	vmul.f32 v61, v49  }
0x252: {  	v48 =	vbroadcast v46, $0xB;
	v59 =	vld [tilespmem:s12+$0x7B0];
	[tilespmem:s12+$0x740] =	vst v1;
	v1 =	vmul.f32 v62, v49  }
0x253: {  	v60 =	vld [tilespmem:s12+$0x7C0];
	[tilespmem:s12+$0x750] =	vst v0;
	v0 =	vmul.f32 v63, v49  }
0x254: {  	v61 =	vld [tilespmem:s12+$0x7D0];
	[tilespmem:s12+$0x760] =	vst v1;
	v1 =	vmul.f32 v56, v48  }
0x255: {  	v62 =	vld [tilespmem:s12+$0x7E0];
	[tilespmem:s12+$0x770] =	vst v0;
	v0 =	vmul.f32 v57, v48  }
0x256: {  	v63 =	vld [tilespmem:s12+$0x7F0];
	[tilespmem:s12+$0x780] =	vst v1;
	v1 =	vmul.f32 v58, v48  }
0x257: {  	v56 =	vld [tilespmem:s12+$0x800];
	[tilespmem:s12+$0x790] =	vst v0;
	v0 =	vmul.f32 v59, v48  }
0x258: {  	v57 =	vld [tilespmem:s12+$0x810];
	[tilespmem:s12+$0x7A0] =	vst v1;
	v1 =	vmul.f32 v60, v48  }
0x259: {  	v58 =	vld [tilespmem:s12+$0x820];
	[tilespmem:s12+$0x7B0] =	vst v0;
	v0 =	vmul.f32 v61, v48  }
0x25a: {  	v47 =	vbroadcast v46, $0xC;
	v59 =	vld [tilespmem:s12+$0x830];
	[tilespmem:s12+$0x7C0] =	vst v1;
	v1 =	vmul.f32 v62, v48  }
0x25b: {  	v60 =	vld [tilespmem:s12+$0x840];
	[tilespmem:s12+$0x7D0] =	vst v0;
	v0 =	vmul.f32 v63, v48  }
0x25c: {  	v61 =	vld [tilespmem:s12+$0x850];
	[tilespmem:s12+$0x7E0] =	vst v1;
	v1 =	vmul.f32 v56, v47  }
0x25d: {  	v62 =	vld [tilespmem:s12+$0x860];
	[tilespmem:s12+$0x7F0] =	vst v0;
	v0 =	vmul.f32 v57, v47  }
0x25e: {  	v63 =	vld [tilespmem:s12+$0x870];
	[tilespmem:s12+$0x800] =	vst v1;
	v1 =	vmul.f32 v58, v47  }
0x25f: {  	v56 =	vld [tilespmem:s12+$0x880];
	[tilespmem:s12+$0x810] =	vst v0;
	v0 =	vmul.f32 v59, v47  }
0x260: {  	v57 =	vld [tilespmem:s12+$0x890];
	[tilespmem:s12+$0x820] =	vst v1;
	v1 =	vmul.f32 v60, v47  }
0x261: {  	v58 =	vld [tilespmem:s12+$0x8A0];
	[tilespmem:s12+$0x830] =	vst v0;
	v0 =	vmul.f32 v61, v47  }
0x262: {  	v49 =	vbroadcast v46, $0xD;
	v59 =	vld [tilespmem:s12+$0x8B0];
	[tilespmem:s12+$0x840] =	vst v1;
	v1 =	vmul.f32 v62, v47  }
0x263: {  	v60 =	vld [tilespmem:s12+$0x8C0];
	[tilespmem:s12+$0x850] =	vst v0;
	v0 =	vmul.f32 v63, v47  }
0x264: {  	v61 =	vld [tilespmem:s12+$0x8D0];
	[tilespmem:s12+$0x860] =	vst v1;
	v1 =	vmul.f32 v56, v49  }
0x265: {  	v62 =	vld [tilespmem:s12+$0x8E0];
	[tilespmem:s12+$0x870] =	vst v0;
	v0 =	vmul.f32 v57, v49  }
0x266: {  	v63 =	vld [tilespmem:s12+$0x8F0];
	[tilespmem:s12+$0x880] =	vst v1;
	v1 =	vmul.f32 v58, v49  }
0x267: {  	v56 =	vld [tilespmem:s12+$0x900];
	[tilespmem:s12+$0x890] =	vst v0;
	v0 =	vmul.f32 v59, v49  }
0x268: {  	v57 =	vld [tilespmem:s12+$0x910];
	[tilespmem:s12+$0x8A0] =	vst v1;
	v1 =	vmul.f32 v60, v49  }
0x269: {  	v58 =	vld [tilespmem:s12+$0x920];
	[tilespmem:s12+$0x8B0] =	vst v0;
	v0 =	vmul.f32 v61, v49  }
0x26a: {  	v48 =	vbroadcast v46, $0xE;
	v59 =	vld [tilespmem:s12+$0x930];
	[tilespmem:s12+$0x8C0] =	vst v1;
	v1 =	vmul.f32 v62, v49  }
0x26b: {  	v60 =	vld [tilespmem:s12+$0x940];
	[tilespmem:s12+$0x8D0] =	vst v0;
	v0 =	vmul.f32 v63, v49  }
0x26c: {  	v61 =	vld [tilespmem:s12+$0x950];
	[tilespmem:s12+$0x8E0] =	vst v1;
	v1 =	vmul.f32 v56, v48  }
0x26d: {  	v62 =	vld [tilespmem:s12+$0x960];
	[tilespmem:s12+$0x8F0] =	vst v0;
	v0 =	vmul.f32 v57, v48  }
0x26e: {  	v63 =	vld [tilespmem:s12+$0x970];
	[tilespmem:s12+$0x900] =	vst v1;
	v1 =	vmul.f32 v58, v48  }
0x26f: {  	v56 =	vld [tilespmem:s12+$0x980];
	[tilespmem:s12+$0x910] =	vst v0;
	v0 =	vmul.f32 v59, v48  }
0x270: {  	v57 =	vld [tilespmem:s12+$0x990];
	[tilespmem:s12+$0x920] =	vst v1;
	v1 =	vmul.f32 v60, v48  }
0x271: {  	v58 =	vld [tilespmem:s12+$0x9A0];
	[tilespmem:s12+$0x930] =	vst v0;
	v0 =	vmul.f32 v61, v48  }
0x272: {  	v46 =	vbroadcast v46, $0xF;
	v59 =	vld [tilespmem:s12+$0x9B0];
	[tilespmem:s12+$0x940] =	vst v1;
	v1 =	vmul.f32 v62, v48  }
0x273: {  	v60 =	vld [tilespmem:s12+$0x9C0];
	[tilespmem:s12+$0x950] =	vst v0;
	v0 =	vmul.f32 v63, v48  }
0x274: {  	v61 =	vld [tilespmem:s12+$0x9D0];
	[tilespmem:s12+$0x960] =	vst v1;
	v1 =	vmul.f32 v56, v46  }
0x275: {  	v62 =	vld [tilespmem:s12+$0x9E0];
	[tilespmem:s12+$0x970] =	vst v0;
	v0 =	vmul.f32 v57, v46  }
0x276: {  	v63 =	vld [tilespmem:s12+$0x9F0];
	[tilespmem:s12+$0x980] =	vst v1;
	v1 =	vmul.f32 v58, v46  }
0x277: {  	[tilespmem:s12+$0x990] =	vst v0;
	v0 =	vmul.f32 v59, v46  }
0x278: {  	p1 =	sne.s32 s9, $0x4;
	[tilespmem:s12+$0x9A0] =	vst v1;
	v1 =	vmul.f32 v60, v46  }
.Ltmp4:
0x279: {  	[tilespmem:s12+$0x9B0] =	vst v0;
	v0 =	vmul.f32 v61, v46;
	(pc) =	sbr.rel @p1 .LBB2_11-.Ltmp4, $4  }
0x27a: {  	[tilespmem:s12+$0x9C0] =	vst v1;
	v1 =	vmul.f32 v62, v46  }
0x27b: {  	[tilespmem:s12+$0x9D0] =	vst v0;
	v0 =	vmul.f32 v63, v46  }
0x27c: {  	[tilespmem:s12+$0x9E0] =	vst v1  }
0x27d: {  	s9 =	sadd.s32 $0x1, s9;
	[tilespmem:s12+$0x9F0] =	vst v0  }
0x27e: {  	s8 =	sadd.s32 $0x1, s8  }
0x27f: {  	p1 =	sne.s32 s8, $0x7D  }
.Ltmp5:
0x280: {  	_ = 	snop;
	(pc) =	sbr.rel @p1 .LBB2_4-.Ltmp5, $4  }
0x281: {  	_ = 	snop  }
0x282: {  	[spmem:s11] =	stream.indirect.scatter.add.f32 [tilespmem:s25], [sflag:$0x4], $0x80, s28, s23, $0xb8;
	[tilespmem:$0x1DA80] =	vst v63  }
0x283: {  	_ = 	snop  }
0x284: {  	[spmem:s13] =	stream.indirect.scatter.add.f32 [tilespmem:s0], [sflag:$0x5], $0x80, s24, s23, $0xb8;
	[tilespmem:$0x1DA80] =	vst v63  }
0x285: {  	_ =	swait.ge [sflag:s4], $0x2800  }
0x286: {  	[sflag:s4] =	ssyncset.done $0x0  }
0x287: {  	[sflag:s4] =	ssyncadd.s32 $0xFFFFD800  }
0x288: {  	_ =	swait.ge [sflag:s5], $0x2800  }
0x289: {  	[sflag:s5] =	ssyncset.done $0x0  }
0x28a: {  	[sflag:s5] =	ssyncadd.s32 $0xFFFFD800  }
0x28b: {  	[bflag:$0x0] =	sbarrier.arrive $0xFFFF  }
0x28c: {  	[tilespmem:$0x100] =	vst v27  }
0x28d: {  	[tilespmem:$0x110] =	vst v2  }
0x28e: {  	[tilespmem:$0x120] =	vst v3  }
0x28f: {  	[tilespmem:$0x130] =	vst v4  }
0x290: {  	[tilespmem:$0x140] =	vst v5  }
0x291: {  	[tilespmem:s25], [sflag:$0x6] =	stream.indirect.gather [spmem:s11], $0x80, s24, s23, $0xb8;
	[tilespmem:$0x1DA80] =	vst v63  }
0x292: {  	_ =	swait.ge [sflag:s26], $0x2800  }
0x293: {  	[sflag:s26] =	ssyncset.done $0x0  }
0x294: {  	s7 =	rddreg [dreg:$0x6];
	[sflag:s26] =	ssyncadd.s32 $0xFFFFD800  }
0x295: {  	[hbm4b:s7+s3] =	stream.linear.scatter [tilespmem:s25], [sflag:$0x6], $0x2800, $0x38;
	[tilespmem:$0x1DA80] =	vst v63  }
0x296: {  	_ =	swait.ge [sflag:s26], $0x2800  }
0x297: {  	[sflag:s26] =	ssyncset.done $0x0  }
0x298: {  	[sflag:s26] =	ssyncadd.s32 $0xFFFFD800  }
0x299: {  	[tilespmem:$0x100] =	vst v6  }
0x29a: {  	[tilespmem:$0x110] =	vst v7  }
0x29b: {  	[tilespmem:$0x120] =	vst v8  }
0x29c: {  	[tilespmem:$0x130] =	vst v9  }
0x29d: {  	[tilespmem:$0x140] =	vst v10  }
0x29e: {  	[tilespmem:s25], [sflag:$0x6] =	stream.indirect.gather [spmem:s11], $0x80, s24, s23, $0xb8;
	[tilespmem:$0x1DA80] =	vst v63  }
0x29f: {  	_ =	swait.ge [sflag:s26], $0x2800  }
0x2a0: {  	[sflag:s26] =	ssyncset.done $0x0  }
0x2a1: {  	s21 =	rddreg [dreg:$0x7];
	[sflag:s26] =	ssyncadd.s32 $0xFFFFD800  }
0x2a2: {  	[hbm4b:s21+s3] =	stream.linear.scatter [tilespmem:s25], [sflag:$0x6], $0x2800, $0x38;
	[tilespmem:$0x1DA80] =	vst v63  }
0x2a3: {  	_ =	swait.ge [sflag:s26], $0x2800  }
0x2a4: {  	[sflag:s26] =	ssyncset.done $0x0  }
0x2a5: {  	[sflag:s26] =	ssyncadd.s32 $0xFFFFD800  }
0x2a6: {  	[tilespmem:$0x100] =	vst v11  }
0x2a7: {  	[tilespmem:$0x110] =	vst v12  }
0x2a8: {  	[tilespmem:$0x120] =	vst v13  }
0x2a9: {  	[tilespmem:$0x130] =	vst v14  }
0x2aa: {  	[tilespmem:$0x140] =	vst v15  }
0x2ab: {  	[tilespmem:s25], [sflag:$0x6] =	stream.indirect.gather [spmem:s11], $0x80, s24, s23, $0xb8;
	[tilespmem:$0x1DA80] =	vst v63  }
0x2ac: {  	_ =	swait.ge [sflag:s26], $0x2800  }
0x2ad: {  	[sflag:s26] =	ssyncset.done $0x0  }
0x2ae: {  	s22 =	rddreg [dreg:$0x8];
	[sflag:s26] =	ssyncadd.s32 $0xFFFFD800  }
0x2af: {  	[hbm4b:s22+s3] =	stream.linear.scatter [tilespmem:s25], [sflag:$0x6], $0x2800, $0x38;
	[tilespmem:$0x1DA80] =	vst v63  }
0x2b0: {  	_ =	swait.ge [sflag:s26], $0x2800  }
0x2b1: {  	[sflag:s26] =	ssyncset.done $0x0;
	v0 =	vld [tilespmem:$0x1FFE0]  }
0x2b2: {  	v63 =	vld [tilespmem:$0x1FFF0];
	[sflag:s26] =	ssyncadd.s32 $0xFFFFD800  }
0x2b3: {  	[tilespmem:$0x120] =	vst v16  }
0x2b4: {  	[tilespmem:$0x130] =	vst v17  }
0x2b5: {  	[tilespmem:$0x140] =	vst v18  }
0x2b6: {  	[tilespmem:$0x100] =	vst v0  }
0x2b7: {  	[tilespmem:$0x110] =	vst v63  }
0x2b8: {  	[tilespmem:s25], [sflag:$0x6] =	stream.indirect.gather [spmem:s11], $0x80, s24, s23, $0xb8;
	[tilespmem:$0x1DA80] =	vst v63  }
0x2b9: {  	_ =	swait.ge [sflag:s26], $0x2800  }
0x2ba: {  	[sflag:s26] =	ssyncset.done $0x0  }
0x2bb: {  	s8 =	rddreg [dreg:$0x9];
	[sflag:s26] =	ssyncadd.s32 $0xFFFFD800  }
0x2bc: {  	[hbm4b:s8+s3] =	stream.linear.scatter [tilespmem:s25], [sflag:$0x6], $0x2800, $0x38;
	[tilespmem:$0x1DA80] =	vst v63  }
0x2bd: {  	_ =	swait.ge [sflag:s26], $0x2800  }
0x2be: {  	[sflag:s26] =	ssyncset.done $0x0  }
0x2bf: {  	[sflag:s26] =	ssyncadd.s32 $0xFFFFD800  }
0x2c0: {  	[tilespmem:$0x100] =	vst v19  }
0x2c1: {  	[tilespmem:$0x110] =	vst v20  }
0x2c2: {  	[tilespmem:$0x120] =	vst v21  }
0x2c3: {  	[tilespmem:$0x130] =	vst v22  }
0x2c4: {  	[tilespmem:$0x140] =	vst v23  }
0x2c5: {  	[tilespmem:s25], [sflag:$0x6] =	stream.indirect.gather [spmem:s11], $0x80, s24, s23, $0xb8;
	[tilespmem:$0x1DA80] =	vst v63  }
0x2c6: {  	_ =	swait.ge [sflag:s26], $0x2800  }
0x2c7: {  	[sflag:s26] =	ssyncset.done $0x0  }
0x2c8: {  	s9 =	rddreg [dreg:$0xa];
	[sflag:s26] =	ssyncadd.s32 $0xFFFFD800  }
0x2c9: {  	[hbm4b:s9+s3] =	stream.linear.scatter [tilespmem:s25], [sflag:$0x6], $0x2800, $0x38;
	[tilespmem:$0x1DA80] =	vst v63  }
0x2ca: {  	_ =	swait.ge [sflag:s26], $0x2800  }
0x2cb: {  	[sflag:s26] =	ssyncset.done $0x0  }
0x2cc: {  	[sflag:s26] =	ssyncadd.s32 $0xFFFFD800  }
0x2cd: {  	[tilespmem:$0x100] =	vst v24  }
0x2ce: {  	[tilespmem:$0x110] =	vst v25  }
0x2cf: {  	[tilespmem:$0x120] =	vst v26  }
0x2d0: {  	[tilespmem:$0x130] =	vst v28  }
0x2d1: {  	[tilespmem:$0x140] =	vst v29  }
0x2d2: {  	[tilespmem:s25], [sflag:$0x6] =	stream.indirect.gather [spmem:s11], $0x80, s24, s23, $0xb8;
	[tilespmem:$0x1DA80] =	vst v63  }
0x2d3: {  	_ =	swait.ge [sflag:s26], $0x2800  }
0x2d4: {  	[sflag:s26] =	ssyncset.done $0x0  }
0x2d5: {  	s12 =	rddreg [dreg:$0xb];
	[sflag:s26] =	ssyncadd.s32 $0xFFFFD800  }
0x2d6: {  	[hbm4b:s12+s3] =	stream.linear.scatter [tilespmem:s25], [sflag:$0x6], $0x2800, $0x38;
	[tilespmem:$0x1DA80] =	vst v63  }
0x2d7: {  	_ =	swait.ge [sflag:s26], $0x2800  }
0x2d8: {  	[sflag:s26] =	ssyncset.done $0x0  }
0x2d9: {  	[sflag:s26] =	ssyncadd.s32 $0xFFFFD800  }
0x2da: {  	[tilespmem:$0x100] =	vst v30  }
0x2db: {  	[tilespmem:$0x110] =	vst v31  }
0x2dc: {  	[tilespmem:$0x120] =	vst v32  }
0x2dd: {  	[tilespmem:$0x130] =	vst v33  }
0x2de: {  	[tilespmem:$0x140] =	vst v34  }
0x2df: {  	[tilespmem:s25], [sflag:$0x6] =	stream.indirect.gather [spmem:s11], $0x80, s24, s23, $0xb8;
	[tilespmem:$0x1DA80] =	vst v63  }
0x2e0: {  	_ =	swait.ge [sflag:s26], $0x2800  }
0x2e1: {  	[sflag:s26] =	ssyncset.done $0x0  }
0x2e2: {  	s14 =	rddreg [dreg:$0xc];
	[sflag:s26] =	ssyncadd.s32 $0xFFFFD800  }
0x2e3: {  	[hbm4b:s14+s3] =	stream.linear.scatter [tilespmem:s25], [sflag:$0x6], $0x2800, $0x38;
	[tilespmem:$0x1DA80] =	vst v63  }
0x2e4: {  	_ =	swait.ge [sflag:s26], $0x2800  }
0x2e5: {  	[sflag:s26] =	ssyncset.done $0x0  }
0x2e6: {  	[sflag:s26] =	ssyncadd.s32 $0xFFFFD800  }
0x2e7: {  	[tilespmem:$0x100] =	vst v34  }
0x2e8: {  	[tilespmem:$0x110] =	vst v35  }
0x2e9: {  	[tilespmem:$0x120] =	vst v36  }
0x2ea: {  	[tilespmem:$0x130] =	vst v37  }
0x2eb: {  	[tilespmem:$0x140] =	vst v38  }
0x2ec: {  	[tilespmem:s25], [sflag:$0x6] =	stream.indirect.gather [spmem:s11], $0x80, s24, s23, $0xb8;
	[tilespmem:$0x1DA80] =	vst v63  }
0x2ed: {  	_ =	swait.ge [sflag:s26], $0x2800  }
0x2ee: {  	[sflag:s26] =	ssyncset.done $0x0  }
0x2ef: {  	s20 =	rddreg [dreg:$0xd];
	[sflag:s26] =	ssyncadd.s32 $0xFFFFD800  }
0x2f0: {  	[hbm4b:s20+s3] =	stream.linear.scatter [tilespmem:s25], [sflag:$0x6], $0x2800, $0x38;
	[tilespmem:$0x1DA80] =	vst v63  }
0x2f1: {  	_ =	swait.ge [sflag:s26], $0x2800  }
0x2f2: {  	[sflag:s26] =	ssyncset.done $0x0  }
0x2f3: {  	[sflag:s26] =	ssyncadd.s32 $0xFFFFD800  }
0x2f4: {  	[tilespmem:$0x100] =	vst v39  }
0x2f5: {  	[tilespmem:$0x110] =	vst v40  }
0x2f6: {  	[tilespmem:$0x120] =	vst v41  }
0x2f7: {  	[tilespmem:$0x130] =	vst v42  }
0x2f8: {  	[tilespmem:$0x140] =	vst v43  }
0x2f9: {  	[tilespmem:s0], [sflag:$0x6] =	stream.indirect.gather [spmem:s13], $0x80, s24, s23, $0xb8;
	[tilespmem:$0x1DA80] =	vst v63  }
0x2fa: {  	_ =	swait.ge [sflag:s26], $0x2800  }
0x2fb: {  	[sflag:s26] =	ssyncset.done $0x0  }
0x2fc: {  	s21 =	rddreg [dreg:$0xe];
	[sflag:s26] =	ssyncadd.s32 $0xFFFFD800  }
0x2fd: {  	[hbm4b:s21+s3] =	stream.linear.scatter [tilespmem:s0], [sflag:$0x6], $0x2800, $0x38;
	[tilespmem:$0x1DA80] =	vst v63  }
0x2fe: {  	_ =	swait.ge [sflag:s26], $0x2800  }
0x2ff: {  	v0 =	vlaneseq.u32 @!p0;
	[sflag:s26] =	ssyncset.done $0x0  }
0x300: {  	v1 =	vor.u32 @!p0 $0x26C0, v0;
	[sflag:s26] =	ssyncadd.s32 $0xFFFFD800  }
0x301: {  	[tilespmem:$0x100] =	vst @!p0 v1;
	v1 =	vor.u32 @!p0 $0x26D0, v0  }
0x302: {  	[tilespmem:$0x110] =	vst @!p0 v1;
	v1 =	vor.u32 @!p0 $0x26E0, v0  }
0x303: {  	[tilespmem:$0x120] =	vst @!p0 v1;
	v1 =	vor.u32 @!p0 $0x26F0, v0  }
0x304: {  	v0 =	vor.u32 @!p0 $0x2700, v0;
	[tilespmem:$0x130] =	vst @!p0 v1  }
0x305: {  	s7 =	simm.s32 @!p0 $0x50;
	s8 =	simm.s32 @!p0 $0x100;
	s9 =	simm.s32 @!p0 $0x200;
	[tilespmem:$0x140] =	vst @!p0 v0  }
0x306: {  	[tilespmem:s9], [sflag:$0x6] =	stream.indirect.gather @!p0 [spmem:s11], $0x80, s8, s7, $0xb8;
	[tilespmem:$0x1DA80] =	vst v63  }
0x307: {  	s7 =	simm.s32 @!p0 $0x6  }
0x308: {  	_ =	swait.ge @!p0 [sflag:s7], $0x2800  }
0x309: {  	[sflag:s7] =	ssyncset.done @!p0 $0x0  }
0x30a: {  	s8 =	simm.s32 @!p0 $0x0;
	s12 =	rddreg [dreg:$0xf];
	[sflag:s7] =	ssyncadd.s32 @!p0 $0xFFFFD800  }
0x30b: {  	[hbm4b:s12+s8] =	stream.linear.scatter @!p0 [tilespmem:s9], [sflag:$0x6], $0x2800, $0x38;
	[tilespmem:$0x1DA80] =	vst v63  }
0x30c: {  	_ =	swait.ge @!p0 [sflag:s7], $0x2800  }
0x30d: {  	s6 =	sadd.s32 $0x1, s6;
	s22 =	rddreg [dreg:$0x10]  }
0x30e: {  	p1 =	sne.s32 s6, s22  }
.Ltmp6:
0x30f: {  	_ = 	snop;
	(pc) =	sbr.rel @p1 .LBB2_1-.Ltmp6, $4  }
0x310: {  	_ = 	snop  }
0x311: {  	v46 =	vmovc v2;
	v47 =	vmov v3;
	v48 =	vmov v4;
	v49 =	vmov v5  }
0x312: {  	v50 =	vmovc v6;
	v51 =	vmovc v7;
	v52 =	vmov v8;
	v53 =	vmov v9;
	v54 =	vmov v10;
	[sflag:s7] =	ssyncset.done @!p0 $0x0  }
0x313: {  	v55 =	vmovc v11;
	v56 =	vmovc v12;
	v57 =	vmov v13;
	v58 =	vmov v14;
	v59 =	vmov v15;
	[sflag:s7] =	ssyncadd.s32 @!p0 $0xFFFFD800  }
0x314: {  	_ =	sfence.sel $0x180000  }
0x315: {  	[bflag:$0x0] =	sbarrier.arrive $0xFFFF  }
0x316: {  	_ =	strace $0x90000047  }
0x317: {  	s0 =	stileid.u32;
	[bflag:$0x2] =	sbarrier.arrive $0xFFFF  }
0x318: {  	p0 =	sne.s32 s0, $0x0;
	s0 =	rddreg [dreg:$0x5]  }
0x319: {  	s0 =	sadd.s32 @!p0 $0x100000, s0  }
0x31a: {  	[sflag:s0] =	ssyncadd.tile.s32 @!p0 $0x1;
	_ =	shalt  }
.Lfunc_end2:
_tile_overlayer_lowered:
.L_overlay_start_2:
0x31b: {  	(tag) =	ssettag $0x2  }
0x31c: {  	s0 =	rddreg [dreg:$0x0];
	s2 =	stileid.u32  }
0x31d: {  	s1 =	rddreg [dreg:$0x1];
	p0 =	sne.s32 s2, $0x0  }
0x31e: {  	s3 =	rddreg [dreg:$0x2];
	[bflag:$0x3] =	sbarrier.arrive $0xFFFF;
	s2 =	simm.s32 @!p0 $0x1C06  }
0x31f: {  	[timem:s3], [sflag:s2] =	dma.local @!p0 [hbm:s0], s1  }
0x320: {  	s0 =	simm.s32 @!p0 $0x6  }
0x321: {  	_ =	swait.ge @!p0 [sflag:s0], s1  }
0x322: {  	s1 =	ssub.s32 @!p0 $0x0, s1;
	[sflag:s0] =	ssyncset.done @!p0 $0x0  }
0x323: {  	[sflag:s0] =	ssyncadd.s32 @!p0 s1  }
0x324: {  	[bflag:$0x3] =	sbarrier.arrive $0xFFFF  }
0x325: {  	_ =	shalt  }

</sc_bundles>
